<compile_context>
chip_gen: v7x
topology: tpu7x:2x2x1
jax: 0.10.2.dev20260603
libtpu: 0.0.44.dev20260713+nightly
codegen_flags: <defaults>
</compile_context>

<pallas_src>
import jax
import jax.numpy as jnp
from jax import lax
from jax.experimental import pallas as pl
from jax.experimental.pallas import tpu as pltpu
from jax.experimental.pallas import tpu_sc as plsc

N_EVENTS = 16384
TOTAL = N_EVENTS * 48

NC, NS, L = 2, 16, 16
NW = NC * NS
EV_PER_W = N_EVENTS // NW
W_WORDS = EV_PER_W * 48
CHUNK = 4096
PLANE = N_EVENTS * 8

SEGS = [(0, 6), (6, 9), (9, 12), (12, 15)]


HALF = CHUNK // 2


def _sc_body(x_hbm, out_hbm, in_v, out_v, sem_a, sem_b, sem_o):
    wid = lax.axis_index("s") * NC + lax.axis_index("c")
    wbase = wid * CHUNK

    def in_copies(h, sem):
        return [pltpu.async_copy(
            x_hbm.at[pl.ds(p * PLANE + wbase + h * HALF, HALF)],
            in_v.at[pl.ds(p * CHUNK + h * HALF, HALF)], sem)
            for p in range(6)]

    def out_copies(h):
        return [pltpu.async_copy(
            out_v.at[pl.ds(p * CHUNK + h * HALF, HALF)],
            out_hbm.at[pl.ds(p * PLANE + wbase + h * HALF, HALF)], sem_o)
            for p in range(6)]

    cp_a = in_copies(0, sem_a)
    cp_b = in_copies(1, sem_b)

    i16 = lax.iota(jnp.int32, L)
    one = jnp.ones((L,), jnp.int32)
    zf = jnp.zeros((L,), jnp.float32)
    zi = jnp.zeros((L,), jnp.int32)
    lut = ((i16 >> 3) << 12) + ((i16 & 7) << 7)

    def block(m):
        mbase = (m >> 3) * 1024 + (m & 7) * 16

        def off(i, c):
            return mbase + (c * 2 + (i >> 3)) * CHUNK + (i & 7) * 128

        v = [[in_v[pl.ds(off(i, c), L)] for c in range(3)] for i in range(16)]
        msk = [v[i][0] > 0.0 for i in range(15)]
        mi = [jnp.where(msk[i], one, zi) for i in range(15)]

        rank = [None] * 15
        for s, e in SEGS:
            acc = zi
            for i in range(s, e):
                rank[i] = acc
                acc = acc + mi[i]

        mvec = mbase + i16
        for s, e in SEGS:
            for i in range(s, e):
                dst = rank[i] + jnp.where(msk[i], s, e + s - 1 - i)
                g = jnp.take(lut, dst) + mvec
                for c in range(3):
                    val = jnp.where(msk[i], v[i][c], zf)
                    plsc.store_scatter(out_v, [g + c * (2 * CHUNK)], val)
        for c in range(3):
            out_v[pl.ds(off(15, c), L)] = v[15][c]

    def run_half(lo, hi):
        def body(it, car):
            block(it * 2)
            block(it * 2 + 1)
            return car
        lax.fori_loop(lo // 2, hi // 2, body, jnp.int32(0))

    for cp in cp_a:
        cp.wait()
    run_half(0, 16)
    out0 = out_copies(0)
    for cp in cp_b:
        cp.wait()
    run_half(16, 32)
    out1 = out_copies(1)
    for cp in out0 + out1:
        cp.wait()


@jax.jit
def _reorder(xf):
    mesh = plsc.VectorSubcoreMesh(core_axis_name="c", subcore_axis_name="s",
                                  num_cores=NC, num_subcores=NS)
    return pl.kernel(
        _sc_body,
        out_type=jax.ShapeDtypeStruct((TOTAL,), jnp.float32),
        mesh=mesh,
        scratch_types=[
            pltpu.VMEM((W_WORDS,), jnp.float32),
            pltpu.VMEM((W_WORDS,), jnp.float32),
            pltpu.SemaphoreType.DMA,
            pltpu.SemaphoreType.DMA,
            pltpu.SemaphoreType.DMA,
        ],
        compiler_params=pltpu.CompilerParams(needs_layout_passes=False),
    )(xf)


def kernel(inputs):
    xf = (inputs.transpose(2, 1, 0).reshape(3, 2, 8, 128, 128)
          .transpose(0, 1, 3, 2, 4).reshape(TOTAL))
    of = _reorder(xf)
    return (of.reshape(3, 2, 128, 8, 128).transpose(0, 1, 3, 2, 4)
            .reshape(3, 16, N_EVENTS).transpose(2, 1, 0))

# --- scband reference (transcript-rebuilt; emitter-appended) ---
"""Pipeline reference for scband-reorder-objects-layer-10806137717520 (READ-ONLY COPY).

The authoritative reference and input builder live on the scoring server;
editing this copy changes nothing except your own understanding.
"""

import jax, jax.numpy as jnp
import numpy as np


def setup_inputs(seed: int = 0) -> dict:
    key = jax.random.key(seed)
    x = jax.random.normal(key, (16384, 16, 3), dtype=jnp.float32)
    return {"inputs": x}


def _pad_collection(col):
    # col: (expected_size, 3). Compact rows with col[:,0] > 0 to the front
    # (stable order), zero out the remaining rows. Since expected_size equals
    # the slice length, truncation in the original TF code is a no-op.
    mask = col[:, 0] > 0
    # stable argsort: False (non-zero rows) sort before True (zero rows)
    order = jnp.argsort(jnp.logical_not(mask).astype(jnp.int32))
    gathered = jnp.take(col, order, axis=0)
    k = jnp.sum(mask.astype(jnp.int32))
    keep = (jnp.arange(col.shape[0]) < k).astype(col.dtype)
    return gathered * keep[:, None]


def _process_event(event):
    # event: (16, 3)
    jets = _pad_collection(event[0:6])
    electrons = _pad_collection(event[6:9])
    muons = _pad_collection(event[9:12])
    photons = _pad_collection(event[12:15])
    met = event[15:16]
    return jnp.concatenate([jets, electrons, muons, photons, met], axis=0)


def reference(inputs):
    return jax.vmap(_process_event)(inputs)

if __name__ == "__main__":
    import jax
    _d = setup_inputs()
    print(jax.jit(kernel)(*tuple(_d.values())))

</pallas_src>

<mosaic_0001>
#map = affine_map<(d0, d1) -> (0)>
module attributes {stable_mosaic.version = 14 : i64} {
  func.func @_sc_body(%arg0: i32, %arg1: i32, %arg2: memref<786432xf32, #tpu.memory_space<hbm>>, %arg3: memref<786432xf32, #tpu.memory_space<hbm>>, %arg4: memref<24576xf32, #tpu.memory_space<vmem>>, %arg5: memref<24576xf32, #tpu.memory_space<vmem>>, %arg6: memref<!tpu.dma_semaphore, #tpu.memory_space<semaphore_mem>>, %arg7: memref<!tpu.dma_semaphore, #tpu.memory_space<semaphore_mem>>, %arg8: memref<!tpu.dma_semaphore, #tpu.memory_space<semaphore_mem>>) attributes {dimension_semantics = [#tpu.dimension_semantics<core_parallel>, #tpu.dimension_semantics<subcore_parallel>], iteration_bounds = array<i64: 2, 16>, scalar_prefetch = 0 : i64, scratch_operands = 5 : i64, tpu.core_type = #tpu.core_type<sc_vector_subcore>, window_params = [{transform_indices = #map}, {transform_indices = #map}]} {
    %mul3A = arith.constant 2 : i32
    %mul3A_0 = arith.muli %arg1, %mul3A : i32
    %add3A = arith.addi %mul3A_0, %arg0 : i32
    %mul3A_1 = arith.constant 4096 : i32
    %mul3A_2 = arith.muli %add3A, %mul3A_1 : i32
    %add3A_3 = arith.constant 0 : i32
    %add3A_4 = arith.addi %add3A_3, %mul3A_2 : i32
    %add3A_5 = arith.constant 0 : i32
    %add3A_6 = arith.addi %add3A_4, %add3A_5 : i32
    %dma_start3A = arith.constant 0 : i32
    %dma_start3A_7 = tpu.memref_slice %arg4[%dma_start3A] : memref<24576xf32, #tpu.memory_space<vmem>> -> memref<2048xf32, #tpu.memory_space<vmem>>
    %dma_start3A_8 = tpu.memref_slice %arg2[%add3A_6] : memref<786432xf32, #tpu.memory_space<hbm>> -> memref<2048xf32, #tpu.memory_space<hbm>>
    %dma_start3A_9 = arith.constant 0 : i32
    %dma_start3A_10 = tpu.memref_slice %arg4[%dma_start3A_9] : memref<24576xf32, #tpu.memory_space<vmem>> -> memref<2048xf32, #tpu.memory_space<vmem>>
    %dma_start3A_11 = tpu.memref_slice %arg2[%add3A_6] : memref<786432xf32, #tpu.memory_space<hbm>> -> memref<2048xf32, #tpu.memory_space<hbm>>
    tpu.enqueue_dma source(%dma_start3A_11 : memref<2048xf32, #tpu.memory_space<hbm>>) target(%dma_start3A_10 : memref<2048xf32, #tpu.memory_space<vmem>>) target_semaphore(%arg6 : memref<!tpu.dma_semaphore, #tpu.memory_space<semaphore_mem>>)
    %add3A_12 = arith.constant 131072 : i32
    %add3A_13 = arith.addi %add3A_12, %mul3A_2 : i32
    %add3A_14 = arith.constant 0 : i32
    %add3A_15 = arith.addi %add3A_13, %add3A_14 : i32
    %dma_start3A_16 = arith.constant 4096 : i32
    %dma_start3A_17 = tpu.memref_slice %arg4[%dma_start3A_16] : memref<24576xf32, #tpu.memory_space<vmem>> -> memref<2048xf32, #tpu.memory_space<vmem>>
    %dma_start3A_18 = tpu.memref_slice %arg2[%add3A_15] : memref<786432xf32, #tpu.memory_space<hbm>> -> memref<2048xf32, #tpu.memory_space<hbm>>
    %dma_start3A_19 = arith.constant 4096 : i32
    %dma_start3A_20 = tpu.memref_slice %arg4[%dma_start3A_19] : memref<24576xf32, #tpu.memory_space<vmem>> -> memref<2048xf32, #tpu.memory_space<vmem>>
    %dma_start3A_21 = tpu.memref_slice %arg2[%add3A_15] : memref<786432xf32, #tpu.memory_space<hbm>> -> memref<2048xf32, #tpu.memory_space<hbm>>
    tpu.enqueue_dma source(%dma_start3A_21 : memref<2048xf32, #tpu.memory_space<hbm>>) target(%dma_start3A_20 : memref<2048xf32, #tpu.memory_space<vmem>>) target_semaphore(%arg6 : memref<!tpu.dma_semaphore, #tpu.memory_space<semaphore_mem>>)
    %add3A_22 = arith.constant 262144 : i32
    %add3A_23 = arith.addi %add3A_22, %mul3A_2 : i32
    %add3A_24 = arith.constant 0 : i32
    %add3A_25 = arith.addi %add3A_23, %add3A_24 : i32
    %dma_start3A_26 = arith.constant 8192 : i32
    %dma_start3A_27 = tpu.memref_slice %arg4[%dma_start3A_26] : memref<24576xf32, #tpu.memory_space<vmem>> -> memref<2048xf32, #tpu.memory_space<vmem>>
    %dma_start3A_28 = tpu.memref_slice %arg2[%add3A_25] : memref<786432xf32, #tpu.memory_space<hbm>> -> memref<2048xf32, #tpu.memory_space<hbm>>
    %dma_start3A_29 = arith.constant 8192 : i32
    %dma_start3A_30 = tpu.memref_slice %arg4[%dma_start3A_29] : memref<24576xf32, #tpu.memory_space<vmem>> -> memref<2048xf32, #tpu.memory_space<vmem>>
    %dma_start3A_31 = tpu.memref_slice %arg2[%add3A_25] : memref<786432xf32, #tpu.memory_space<hbm>> -> memref<2048xf32, #tpu.memory_space<hbm>>
    tpu.enqueue_dma source(%dma_start3A_31 : memref<2048xf32, #tpu.memory_space<hbm>>) target(%dma_start3A_30 : memref<2048xf32, #tpu.memory_space<vmem>>) target_semaphore(%arg6 : memref<!tpu.dma_semaphore, #tpu.memory_space<semaphore_mem>>)
    %add3A_32 = arith.constant 393216 : i32
    %add3A_33 = arith.addi %add3A_32, %mul3A_2 : i32
    %add3A_34 = arith.constant 0 : i32
    %add3A_35 = arith.addi %add3A_33, %add3A_34 : i32
    %dma_start3A_36 = arith.constant 12288 : i32
    %dma_start3A_37 = tpu.memref_slice %arg4[%dma_start3A_36] : memref<24576xf32, #tpu.memory_space<vmem>> -> memref<2048xf32, #tpu.memory_space<vmem>>
    %dma_start3A_38 = tpu.memref_slice %arg2[%add3A_35] : memref<786432xf32, #tpu.memory_space<hbm>> -> memref<2048xf32, #tpu.memory_space<hbm>>
    %dma_start3A_39 = arith.constant 12288 : i32
    %dma_start3A_40 = tpu.memref_slice %arg4[%dma_start3A_39] : memref<24576xf32, #tpu.memory_space<vmem>> -> memref<2048xf32, #tpu.memory_space<vmem>>
    %dma_start3A_41 = tpu.memref_slice %arg2[%add3A_35] : memref<786432xf32, #tpu.memory_space<hbm>> -> memref<2048xf32, #tpu.memory_space<hbm>>
    tpu.enqueue_dma source(%dma_start3A_41 : memref<2048xf32, #tpu.memory_space<hbm>>) target(%dma_start3A_40 : memref<2048xf32, #tpu.memory_space<vmem>>) target_semaphore(%arg6 : memref<!tpu.dma_semaphore, #tpu.memory_space<semaphore_mem>>)
    %add3A_42 = arith.constant 524288 : i32
    %add3A_43 = arith.addi %add3A_42, %mul3A_2 : i32
    %add3A_44 = arith.constant 0 : i32
    %add3A_45 = arith.addi %add3A_43, %add3A_44 : i32
    %dma_start3A_46 = arith.constant 16384 : i32
    %dma_start3A_47 = tpu.memref_slice %arg4[%dma_start3A_46] : memref<24576xf32, #tpu.memory_space<vmem>> -> memref<2048xf32, #tpu.memory_space<vmem>>
    %dma_start3A_48 = tpu.memref_slice %arg2[%add3A_45] : memref<786432xf32, #tpu.memory_space<hbm>> -> memref<2048xf32, #tpu.memory_space<hbm>>
    %dma_start3A_49 = arith.constant 16384 : i32
    %dma_start3A_50 = tpu.memref_slice %arg4[%dma_start3A_49] : memref<24576xf32, #tpu.memory_space<vmem>> -> memref<2048xf32, #tpu.memory_space<vmem>>
    %dma_start3A_51 = tpu.memref_slice %arg2[%add3A_45] : memref<786432xf32, #tpu.memory_space<hbm>> -> memref<2048xf32, #tpu.memory_space<hbm>>
    tpu.enqueue_dma source(%dma_start3A_51 : memref<2048xf32, #tpu.memory_space<hbm>>) target(%dma_start3A_50 : memref<2048xf32, #tpu.memory_space<vmem>>) target_semaphore(%arg6 : memref<!tpu.dma_semaphore, #tpu.memory_space<semaphore_mem>>)
    %add3A_52 = arith.constant 655360 : i32
    %add3A_53 = arith.addi %add3A_52, %mul3A_2 : i32
    %add3A_54 = arith.constant 0 : i32
    %add3A_55 = arith.addi %add3A_53, %add3A_54 : i32
    %dma_start3A_56 = arith.constant 20480 : i32
    %dma_start3A_57 = tpu.memref_slice %arg4[%dma_start3A_56] : memref<24576xf32, #tpu.memory_space<vmem>> -> memref<2048xf32, #tpu.memory_space<vmem>>
    %dma_start3A_58 = tpu.memref_slice %arg2[%add3A_55] : memref<786432xf32, #tpu.memory_space<hbm>> -> memref<2048xf32, #tpu.memory_space<hbm>>
    %dma_start3A_59 = arith.constant 20480 : i32
    %dma_start3A_60 = tpu.memref_slice %arg4[%dma_start3A_59] : memref<24576xf32, #tpu.memory_space<vmem>> -> memref<2048xf32, #tpu.memory_space<vmem>>
    %dma_start3A_61 = tpu.memref_slice %arg2[%add3A_55] : memref<786432xf32, #tpu.memory_space<hbm>> -> memref<2048xf32, #tpu.memory_space<hbm>>
    tpu.enqueue_dma source(%dma_start3A_61 : memref<2048xf32, #tpu.memory_space<hbm>>) target(%dma_start3A_60 : memref<2048xf32, #tpu.memory_space<vmem>>) target_semaphore(%arg6 : memref<!tpu.dma_semaphore, #tpu.memory_space<semaphore_mem>>)
    %add3A_62 = arith.constant 0 : i32
    %add3A_63 = arith.addi %add3A_62, %mul3A_2 : i32
    %add3A_64 = arith.constant 2048 : i32
    %add3A_65 = arith.addi %add3A_63, %add3A_64 : i32
    %dma_start3A_66 = arith.constant 2048 : i32
    %dma_start3A_67 = tpu.memref_slice %arg4[%dma_start3A_66] : memref<24576xf32, #tpu.memory_space<vmem>> -> memref<2048xf32, #tpu.memory_space<vmem>>
    %dma_start3A_68 = tpu.memref_slice %arg2[%add3A_65] : memref<786432xf32, #tpu.memory_space<hbm>> -> memref<2048xf32, #tpu.memory_space<hbm>>
    %dma_start3A_69 = arith.constant 2048 : i32
    %dma_start3A_70 = tpu.memref_slice %arg4[%dma_start3A_69] : memref<24576xf32, #tpu.memory_space<vmem>> -> memref<2048xf32, #tpu.memory_space<vmem>>
    %dma_start3A_71 = tpu.memref_slice %arg2[%add3A_65] : memref<786432xf32, #tpu.memory_space<hbm>> -> memref<2048xf32, #tpu.memory_space<hbm>>
    tpu.enqueue_dma source(%dma_start3A_71 : memref<2048xf32, #tpu.memory_space<hbm>>) target(%dma_start3A_70 : memref<2048xf32, #tpu.memory_space<vmem>>) target_semaphore(%arg7 : memref<!tpu.dma_semaphore, #tpu.memory_space<semaphore_mem>>)
    %add3A_72 = arith.constant 131072 : i32
    %add3A_73 = arith.addi %add3A_72, %mul3A_2 : i32
    %add3A_74 = arith.constant 2048 : i32
    %add3A_75 = arith.addi %add3A_73, %add3A_74 : i32
    %dma_start3A_76 = arith.constant 6144 : i32
    %dma_start3A_77 = tpu.memref_slice %arg4[%dma_start3A_76] : memref<24576xf32, #tpu.memory_space<vmem>> -> memref<2048xf32, #tpu.memory_space<vmem>>
    %dma_start3A_78 = tpu.memref_slice %arg2[%add3A_75] : memref<786432xf32, #tpu.memory_space<hbm>> -> memref<2048xf32, #tpu.memory_space<hbm>>
    %dma_start3A_79 = arith.constant 6144 : i32
    %dma_start3A_80 = tpu.memref_slice %arg4[%dma_start3A_79] : memref<24576xf32, #tpu.memory_space<vmem>> -> memref<2048xf32, #tpu.memory_space<vmem>>
    %dma_start3A_81 = tpu.memref_slice %arg2[%add3A_75] : memref<786432xf32, #tpu.memory_space<hbm>> -> memref<2048xf32, #tpu.memory_space<hbm>>
    tpu.enqueue_dma source(%dma_start3A_81 : memref<2048xf32, #tpu.memory_space<hbm>>) target(%dma_start3A_80 : memref<2048xf32, #tpu.memory_space<vmem>>) target_semaphore(%arg7 : memref<!tpu.dma_semaphore, #tpu.memory_space<semaphore_mem>>)
    %add3A_82 = arith.constant 262144 : i32
    %add3A_83 = arith.addi %add3A_82, %mul3A_2 : i32
    %add3A_84 = arith.constant 2048 : i32
    %add3A_85 = arith.addi %add3A_83, %add3A_84 : i32
    %dma_start3A_86 = arith.constant 10240 : i32
    %dma_start3A_87 = tpu.memref_slice %arg4[%dma_start3A_86] : memref<24576xf32, #tpu.memory_space<vmem>> -> memref<2048xf32, #tpu.memory_space<vmem>>
    %dma_start3A_88 = tpu.memref_slice %arg2[%add3A_85] : memref<786432xf32, #tpu.memory_space<hbm>> -> memref<2048xf32, #tpu.memory_space<hbm>>
    %dma_start3A_89 = arith.constant 10240 : i32
    %dma_start3A_90 = tpu.memref_slice %arg4[%dma_start3A_89] : memref<24576xf32, #tpu.memory_space<vmem>> -> memref<2048xf32, #tpu.memory_space<vmem>>
    %dma_start3A_91 = tpu.memref_slice %arg2[%add3A_85] : memref<786432xf32, #tpu.memory_space<hbm>> -> memref<2048xf32, #tpu.memory_space<hbm>>
    tpu.enqueue_dma source(%dma_start3A_91 : memref<2048xf32, #tpu.memory_space<hbm>>) target(%dma_start3A_90 : memref<2048xf32, #tpu.memory_space<vmem>>) target_semaphore(%arg7 : memref<!tpu.dma_semaphore, #tpu.memory_space<semaphore_mem>>)
    %add3A_92 = arith.constant 393216 : i32
    %add3A_93 = arith.addi %add3A_92, %mul3A_2 : i32
    %add3A_94 = arith.constant 2048 : i32
    %add3A_95 = arith.addi %add3A_93, %add3A_94 : i32
    %dma_start3A_96 = arith.constant 14336 : i32
    %dma_start3A_97 = tpu.memref_slice %arg4[%dma_start3A_96] : memref<24576xf32, #tpu.memory_space<vmem>> -> memref<2048xf32, #tpu.memory_space<vmem>>
    %dma_start3A_98 = tpu.memref_slice %arg2[%add3A_95] : memref<786432xf32, #tpu.memory_space<hbm>> -> memref<2048xf32, #tpu.memory_space<hbm>>
    %dma_start3A_99 = arith.constant 14336 : i32
    %dma_start3A_100 = tpu.memref_slice %arg4[%dma_start3A_99] : memref<24576xf32, #tpu.memory_space<vmem>> -> memref<2048xf32, #tpu.memory_space<vmem>>
    %dma_start3A_101 = tpu.memref_slice %arg2[%add3A_95] : memref<786432xf32, #tpu.memory_space<hbm>> -> memref<2048xf32, #tpu.memory_space<hbm>>
    tpu.enqueue_dma source(%dma_start3A_101 : memref<2048xf32, #tpu.memory_space<hbm>>) target(%dma_start3A_100 : memref<2048xf32, #tpu.memory_space<vmem>>) target_semaphore(%arg7 : memref<!tpu.dma_semaphore, #tpu.memory_space<semaphore_mem>>)
    %add3A_102 = arith.constant 524288 : i32
    %add3A_103 = arith.addi %add3A_102, %mul3A_2 : i32
    %add3A_104 = arith.constant 2048 : i32
    %add3A_105 = arith.addi %add3A_103, %add3A_104 : i32
    %dma_start3A_106 = arith.constant 18432 : i32
    %dma_start3A_107 = tpu.memref_slice %arg4[%dma_start3A_106] : memref<24576xf32, #tpu.memory_space<vmem>> -> memref<2048xf32, #tpu.memory_space<vmem>>
    %dma_start3A_108 = tpu.memref_slice %arg2[%add3A_105] : memref<786432xf32, #tpu.memory_space<hbm>> -> memref<2048xf32, #tpu.memory_space<hbm>>
    %dma_start3A_109 = arith.constant 18432 : i32
    %dma_start3A_110 = tpu.memref_slice %arg4[%dma_start3A_109] : memref<24576xf32, #tpu.memory_space<vmem>> -> memref<2048xf32, #tpu.memory_space<vmem>>
    %dma_start3A_111 = tpu.memref_slice %arg2[%add3A_105] : memref<786432xf32, #tpu.memory_space<hbm>> -> memref<2048xf32, #tpu.memory_space<hbm>>
    tpu.enqueue_dma source(%dma_start3A_111 : memref<2048xf32, #tpu.memory_space<hbm>>) target(%dma_start3A_110 : memref<2048xf32, #tpu.memory_space<vmem>>) target_semaphore(%arg7 : memref<!tpu.dma_semaphore, #tpu.memory_space<semaphore_mem>>)
    %add3A_112 = arith.constant 655360 : i32
    %add3A_113 = arith.addi %add3A_112, %mul3A_2 : i32
    %add3A_114 = arith.constant 2048 : i32
    %add3A_115 = arith.addi %add3A_113, %add3A_114 : i32
    %dma_start3A_116 = arith.constant 22528 : i32
    %dma_start3A_117 = tpu.memref_slice %arg4[%dma_start3A_116] : memref<24576xf32, #tpu.memory_space<vmem>> -> memref<2048xf32, #tpu.memory_space<vmem>>
    %dma_start3A_118 = tpu.memref_slice %arg2[%add3A_115] : memref<786432xf32, #tpu.memory_space<hbm>> -> memref<2048xf32, #tpu.memory_space<hbm>>
    %dma_start3A_119 = arith.constant 22528 : i32
    %dma_start3A_120 = tpu.memref_slice %arg4[%dma_start3A_119] : memref<24576xf32, #tpu.memory_space<vmem>> -> memref<2048xf32, #tpu.memory_space<vmem>>
    %dma_start3A_121 = tpu.memref_slice %arg2[%add3A_115] : memref<786432xf32, #tpu.memory_space<hbm>> -> memref<2048xf32, #tpu.memory_space<hbm>>
    tpu.enqueue_dma source(%dma_start3A_121 : memref<2048xf32, #tpu.memory_space<hbm>>) target(%dma_start3A_120 : memref<2048xf32, #tpu.memory_space<vmem>>) target_semaphore(%arg7 : memref<!tpu.dma_semaphore, #tpu.memory_space<semaphore_mem>>)
    %iota3A = tpu.iota {dimensions = array<i32: 0>} : vector<16xi32>
    %broadcast_in_dim3A = arith.constant 1 : i32
    %broadcast_in_dim3A_122 = vector.broadcast %broadcast_in_dim3A : i32 to vector<16xi32>
    %broadcast_in_dim3A_123 = arith.constant 0.000000e+00 : f32
    %broadcast_in_dim3A_124 = vector.broadcast %broadcast_in_dim3A_123 : f32 to vector<16xf32>
    %broadcast_in_dim3A_125 = arith.constant 0 : i32
    %broadcast_in_dim3A_126 = vector.broadcast %broadcast_in_dim3A_125 : i32 to vector<16xi32>
    %shift_right_arithmetic3A = arith.constant 3 : i32
    %shift_right_arithmetic3A_127 = vector.broadcast %shift_right_arithmetic3A : i32 to vector<16xi32>
    %shift_right_arithmetic3A_128 = arith.shrsi %iota3A, %shift_right_arithmetic3A_127 : vector<16xi32>
    %shift_left3A = arith.constant 12 : i32
    %shift_left3A_129 = vector.broadcast %shift_left3A : i32 to vector<16xi32>
    %shift_left3A_130 = arith.shli %shift_right_arithmetic3A_128, %shift_left3A_129 : vector<16xi32>
    %and3A = arith.constant 7 : i32
    %and3A_131 = vector.broadcast %and3A : i32 to vector<16xi32>
    %and3A_132 = arith.andi %iota3A, %and3A_131 : vector<16xi32>
    %shift_left3A_133 = arith.constant 7 : i32
    %shift_left3A_134 = vector.broadcast %shift_left3A_133 : i32 to vector<16xi32>
    %shift_left3A_135 = arith.shli %and3A_132, %shift_left3A_134 : vector<16xi32>
    %add3A_136 = arith.addi %shift_left3A_130, %shift_left3A_135 : vector<16xi32>
    %dma_wait3A = arith.constant 0 : i32
    %dma_wait3A_137 = tpu.memref_slice %arg4[%dma_wait3A] : memref<24576xf32, #tpu.memory_space<vmem>> -> memref<2048xf32, #tpu.memory_space<vmem>>
    %dma_wait3A_138 = tpu.memref_slice %arg2[%add3A_6] : memref<786432xf32, #tpu.memory_space<hbm>> -> memref<2048xf32, #tpu.memory_space<hbm>>
    %dma_wait3A_139 = arith.constant 0 : i32
    %dma_wait3A_140 = tpu.memref_slice %arg4[%dma_wait3A_139] : memref<24576xf32, #tpu.memory_space<vmem>> -> memref<2048xf32, #tpu.memory_space<vmem>>
    %dma_wait3A_141 = tpu.memref_slice %arg2[%add3A_6] : memref<786432xf32, #tpu.memory_space<hbm>> -> memref<2048xf32, #tpu.memory_space<hbm>>
    tpu.wait_dma2 semaphore(%arg6 : memref<!tpu.dma_semaphore, #tpu.memory_space<semaphore_mem>>) src(%dma_wait3A_141 : memref<2048xf32, #tpu.memory_space<hbm>>) dst(%dma_wait3A_140 : memref<2048xf32, #tpu.memory_space<vmem>>)
    %dma_wait3A_142 = arith.constant 4096 : i32
    %dma_wait3A_143 = tpu.memref_slice %arg4[%dma_wait3A_142] : memref<24576xf32, #tpu.memory_space<vmem>> -> memref<2048xf32, #tpu.memory_space<vmem>>
    %dma_wait3A_144 = tpu.memref_slice %arg2[%add3A_15] : memref<786432xf32, #tpu.memory_space<hbm>> -> memref<2048xf32, #tpu.memory_space<hbm>>
    %dma_wait3A_145 = arith.constant 4096 : i32
    %dma_wait3A_146 = tpu.memref_slice %arg4[%dma_wait3A_145] : memref<24576xf32, #tpu.memory_space<vmem>> -> memref<2048xf32, #tpu.memory_space<vmem>>
    %dma_wait3A_147 = tpu.memref_slice %arg2[%add3A_15] : memref<786432xf32, #tpu.memory_space<hbm>> -> memref<2048xf32, #tpu.memory_space<hbm>>
    tpu.wait_dma2 semaphore(%arg6 : memref<!tpu.dma_semaphore, #tpu.memory_space<semaphore_mem>>) src(%dma_wait3A_147 : memref<2048xf32, #tpu.memory_space<hbm>>) dst(%dma_wait3A_146 : memref<2048xf32, #tpu.memory_space<vmem>>)
    %dma_wait3A_148 = arith.constant 8192 : i32
    %dma_wait3A_149 = tpu.memref_slice %arg4[%dma_wait3A_148] : memref<24576xf32, #tpu.memory_space<vmem>> -> memref<2048xf32, #tpu.memory_space<vmem>>
    %dma_wait3A_150 = tpu.memref_slice %arg2[%add3A_25] : memref<786432xf32, #tpu.memory_space<hbm>> -> memref<2048xf32, #tpu.memory_space<hbm>>
    %dma_wait3A_151 = arith.constant 8192 : i32
    %dma_wait3A_152 = tpu.memref_slice %arg4[%dma_wait3A_151] : memref<24576xf32, #tpu.memory_space<vmem>> -> memref<2048xf32, #tpu.memory_space<vmem>>
    %dma_wait3A_153 = tpu.memref_slice %arg2[%add3A_25] : memref<786432xf32, #tpu.memory_space<hbm>> -> memref<2048xf32, #tpu.memory_space<hbm>>
    tpu.wait_dma2 semaphore(%arg6 : memref<!tpu.dma_semaphore, #tpu.memory_space<semaphore_mem>>) src(%dma_wait3A_153 : memref<2048xf32, #tpu.memory_space<hbm>>) dst(%dma_wait3A_152 : memref<2048xf32, #tpu.memory_space<vmem>>)
    %dma_wait3A_154 = arith.constant 12288 : i32
    %dma_wait3A_155 = tpu.memref_slice %arg4[%dma_wait3A_154] : memref<24576xf32, #tpu.memory_space<vmem>> -> memref<2048xf32, #tpu.memory_space<vmem>>
    %dma_wait3A_156 = tpu.memref_slice %arg2[%add3A_35] : memref<786432xf32, #tpu.memory_space<hbm>> -> memref<2048xf32, #tpu.memory_space<hbm>>
    %dma_wait3A_157 = arith.constant 12288 : i32
    %dma_wait3A_158 = tpu.memref_slice %arg4[%dma_wait3A_157] : memref<24576xf32, #tpu.memory_space<vmem>> -> memref<2048xf32, #tpu.memory_space<vmem>>
    %dma_wait3A_159 = tpu.memref_slice %arg2[%add3A_35] : memref<786432xf32, #tpu.memory_space<hbm>> -> memref<2048xf32, #tpu.memory_space<hbm>>
    tpu.wait_dma2 semaphore(%arg6 : memref<!tpu.dma_semaphore, #tpu.memory_space<semaphore_mem>>) src(%dma_wait3A_159 : memref<2048xf32, #tpu.memory_space<hbm>>) dst(%dma_wait3A_158 : memref<2048xf32, #tpu.memory_space<vmem>>)
    %dma_wait3A_160 = arith.constant 16384 : i32
    %dma_wait3A_161 = tpu.memref_slice %arg4[%dma_wait3A_160] : memref<24576xf32, #tpu.memory_space<vmem>> -> memref<2048xf32, #tpu.memory_space<vmem>>
    %dma_wait3A_162 = tpu.memref_slice %arg2[%add3A_45] : memref<786432xf32, #tpu.memory_space<hbm>> -> memref<2048xf32, #tpu.memory_space<hbm>>
    %dma_wait3A_163 = arith.constant 16384 : i32
    %dma_wait3A_164 = tpu.memref_slice %arg4[%dma_wait3A_163] : memref<24576xf32, #tpu.memory_space<vmem>> -> memref<2048xf32, #tpu.memory_space<vmem>>
    %dma_wait3A_165 = tpu.memref_slice %arg2[%add3A_45] : memref<786432xf32, #tpu.memory_space<hbm>> -> memref<2048xf32, #tpu.memory_space<hbm>>
    tpu.wait_dma2 semaphore(%arg6 : memref<!tpu.dma_semaphore, #tpu.memory_space<semaphore_mem>>) src(%dma_wait3A_165 : memref<2048xf32, #tpu.memory_space<hbm>>) dst(%dma_wait3A_164 : memref<2048xf32, #tpu.memory_space<vmem>>)
    %dma_wait3A_166 = arith.constant 20480 : i32
    %dma_wait3A_167 = tpu.memref_slice %arg4[%dma_wait3A_166] : memref<24576xf32, #tpu.memory_space<vmem>> -> memref<2048xf32, #tpu.memory_space<vmem>>
    %dma_wait3A_168 = tpu.memref_slice %arg2[%add3A_55] : memref<786432xf32, #tpu.memory_space<hbm>> -> memref<2048xf32, #tpu.memory_space<hbm>>
    %dma_wait3A_169 = arith.constant 20480 : i32
    %dma_wait3A_170 = tpu.memref_slice %arg4[%dma_wait3A_169] : memref<24576xf32, #tpu.memory_space<vmem>> -> memref<2048xf32, #tpu.memory_space<vmem>>
    %dma_wait3A_171 = tpu.memref_slice %arg2[%add3A_55] : memref<786432xf32, #tpu.memory_space<hbm>> -> memref<2048xf32, #tpu.memory_space<hbm>>
    tpu.wait_dma2 semaphore(%arg6 : memref<!tpu.dma_semaphore, #tpu.memory_space<semaphore_mem>>) src(%dma_wait3A_171 : memref<2048xf32, #tpu.memory_space<hbm>>) dst(%dma_wait3A_170 : memref<2048xf32, #tpu.memory_space<vmem>>)
    %scan3A = arith.constant 0 : i32
    %scan3A_172 = arith.constant 0 : i32
    %scan3A_173 = arith.constant 8 : i32
    %scan3A_174 = arith.addi %scan3A_172, %scan3A_173 : i32
    %scan3A_175 = arith.constant 1 : i32
    scf.for %scan3A_411 = %scan3A_172 to %scan3A_174 step %scan3A_175  : i32 {
      %mul3A_412 = arith.constant 2 : i32
      %mul3A_413 = arith.muli %scan3A_411, %mul3A_412 : i32
      %shift_right_arithmetic3A_414 = arith.constant 3 : i32
      %shift_right_arithmetic3A_415 = arith.shrsi %mul3A_413, %shift_right_arithmetic3A_414 : i32
      %mul3A_416 = arith.constant 1024 : i32
      %mul3A_417 = arith.muli %shift_right_arithmetic3A_415, %mul3A_416 : i32
      %and3A_418 = arith.constant 7 : i32
      %and3A_419 = arith.andi %mul3A_413, %and3A_418 : i32
      %mul3A_420 = arith.constant 16 : i32
      %mul3A_421 = arith.muli %and3A_419, %mul3A_420 : i32
      %add3A_422 = arith.addi %mul3A_417, %mul3A_421 : i32
      %add3A_423 = arith.constant 0 : i32
      %add3A_424 = arith.addi %add3A_422, %add3A_423 : i32
      %add3A_425 = arith.constant 0 : i32
      %add3A_426 = arith.addi %add3A_424, %add3A_425 : i32
      %get3A = arith.index_cast %add3A_426 : i32 to index
      %get3A_427 = tpu.vector_load %arg4[%get3A] {strides = array<i32>} : memref<24576xf32, #tpu.memory_space<vmem>>, vector<16xf32>,
      %add3A_428 = arith.constant 8192 : i32
      %add3A_429 = arith.addi %add3A_422, %add3A_428 : i32
      %add3A_430 = arith.constant 0 : i32
      %add3A_431 = arith.addi %add3A_429, %add3A_430 : i32
      %get3A_432 = arith.index_cast %add3A_431 : i32 to index
      %get3A_433 = tpu.vector_load %arg4[%get3A_432] {strides = array<i32>} : memref<24576xf32, #tpu.memory_space<vmem>>, vector<16xf32>,
      %add3A_434 = arith.constant 16384 : i32
      %add3A_435 = arith.addi %add3A_422, %add3A_434 : i32
      %add3A_436 = arith.constant 0 : i32
      %add3A_437 = arith.addi %add3A_435, %add3A_436 : i32
      %get3A_438 = arith.index_cast %add3A_437 : i32 to index
      %get3A_439 = tpu.vector_load %arg4[%get3A_438] {strides = array<i32>} : memref<24576xf32, #tpu.memory_space<vmem>>, vector<16xf32>,
      %add3A_440 = arith.constant 0 : i32
      %add3A_441 = arith.addi %add3A_422, %add3A_440 : i32
      %add3A_442 = arith.constant 128 : i32
      %add3A_443 = arith.addi %add3A_441, %add3A_442 : i32
      %get3A_444 = arith.index_cast %add3A_443 : i32 to index
      %get3A_445 = tpu.vector_load %arg4[%get3A_444] {strides = array<i32>} : memref<24576xf32, #tpu.memory_space<vmem>>, vector<16xf32>,
      %add3A_446 = arith.constant 8192 : i32
      %add3A_447 = arith.addi %add3A_422, %add3A_446 : i32
      %add3A_448 = arith.constant 128 : i32
      %add3A_449 = arith.addi %add3A_447, %add3A_448 : i32
      %get3A_450 = arith.index_cast %add3A_449 : i32 to index
      %get3A_451 = tpu.vector_load %arg4[%get3A_450] {strides = array<i32>} : memref<24576xf32, #tpu.memory_space<vmem>>, vector<16xf32>,
      %add3A_452 = arith.constant 16384 : i32
      %add3A_453 = arith.addi %add3A_422, %add3A_452 : i32
      %add3A_454 = arith.constant 128 : i32
      %add3A_455 = arith.addi %add3A_453, %add3A_454 : i32
      %get3A_456 = arith.index_cast %add3A_455 : i32 to index
      %get3A_457 = tpu.vector_load %arg4[%get3A_456] {strides = array<i32>} : memref<24576xf32, #tpu.memory_space<vmem>>, vector<16xf32>,
      %add3A_458 = arith.constant 0 : i32
      %add3A_459 = arith.addi %add3A_422, %add3A_458 : i32
      %add3A_460 = arith.constant 256 : i32
      %add3A_461 = arith.addi %add3A_459, %add3A_460 : i32
      %get3A_462 = arith.index_cast %add3A_461 : i32 to index
      %get3A_463 = tpu.vector_load %arg4[%get3A_462] {strides = array<i32>} : memref<24576xf32, #tpu.memory_space<vmem>>, vector<16xf32>,
      %add3A_464 = arith.constant 8192 : i32
      %add3A_465 = arith.addi %add3A_422, %add3A_464 : i32
      %add3A_466 = arith.constant 256 : i32
      %add3A_467 = arith.addi %add3A_465, %add3A_466 : i32
      %get3A_468 = arith.index_cast %add3A_467 : i32 to index
      %get3A_469 = tpu.vector_load %arg4[%get3A_468] {strides = array<i32>} : memref<24576xf32, #tpu.memory_space<vmem>>, vector<16xf32>,
      %add3A_470 = arith.constant 16384 : i32
      %add3A_471 = arith.addi %add3A_422, %add3A_470 : i32
      %add3A_472 = arith.constant 256 : i32
      %add3A_473 = arith.addi %add3A_471, %add3A_472 : i32
      %get3A_474 = arith.index_cast %add3A_473 : i32 to index
      %get3A_475 = tpu.vector_load %arg4[%get3A_474] {strides = array<i32>} : memref<24576xf32, #tpu.memory_space<vmem>>, vector<16xf32>,
      %add3A_476 = arith.constant 0 : i32
      %add3A_477 = arith.addi %add3A_422, %add3A_476 : i32
      %add3A_478 = arith.constant 384 : i32
      %add3A_479 = arith.addi %add3A_477, %add3A_478 : i32
      %get3A_480 = arith.index_cast %add3A_479 : i32 to index
      %get3A_481 = tpu.vector_load %arg4[%get3A_480] {strides = array<i32>} : memref<24576xf32, #tpu.memory_space<vmem>>, vector<16xf32>,
      %add3A_482 = arith.constant 8192 : i32
      %add3A_483 = arith.addi %add3A_422, %add3A_482 : i32
      %add3A_484 = arith.constant 384 : i32
      %add3A_485 = arith.addi %add3A_483, %add3A_484 : i32
      %get3A_486 = arith.index_cast %add3A_485 : i32 to index
      %get3A_487 = tpu.vector_load %arg4[%get3A_486] {strides = array<i32>} : memref<24576xf32, #tpu.memory_space<vmem>>, vector<16xf32>,
      %add3A_488 = arith.constant 16384 : i32
      %add3A_489 = arith.addi %add3A_422, %add3A_488 : i32
      %add3A_490 = arith.constant 384 : i32
      %add3A_491 = arith.addi %add3A_489, %add3A_490 : i32
      %get3A_492 = arith.index_cast %add3A_491 : i32 to index
      %get3A_493 = tpu.vector_load %arg4[%get3A_492] {strides = array<i32>} : memref<24576xf32, #tpu.memory_space<vmem>>, vector<16xf32>,
      %add3A_494 = arith.constant 0 : i32
      %add3A_495 = arith.addi %add3A_422, %add3A_494 : i32
      %add3A_496 = arith.constant 512 : i32
      %add3A_497 = arith.addi %add3A_495, %add3A_496 : i32
      %get3A_498 = arith.index_cast %add3A_497 : i32 to index
      %get3A_499 = tpu.vector_load %arg4[%get3A_498] {strides = array<i32>} : memref<24576xf32, #tpu.memory_space<vmem>>, vector<16xf32>,
      %add3A_500 = arith.constant 8192 : i32
      %add3A_501 = arith.addi %add3A_422, %add3A_500 : i32
      %add3A_502 = arith.constant 512 : i32
      %add3A_503 = arith.addi %add3A_501, %add3A_502 : i32
      %get3A_504 = arith.index_cast %add3A_503 : i32 to index
      %get3A_505 = tpu.vector_load %arg4[%get3A_504] {strides = array<i32>} : memref<24576xf32, #tpu.memory_space<vmem>>, vector<16xf32>,
      %add3A_506 = arith.constant 16384 : i32
      %add3A_507 = arith.addi %add3A_422, %add3A_506 : i32
      %add3A_508 = arith.constant 512 : i32
      %add3A_509 = arith.addi %add3A_507, %add3A_508 : i32
      %get3A_510 = arith.index_cast %add3A_509 : i32 to index
      %get3A_511 = tpu.vector_load %arg4[%get3A_510] {strides = array<i32>} : memref<24576xf32, #tpu.memory_space<vmem>>, vector<16xf32>,
      %add3A_512 = arith.constant 0 : i32
      %add3A_513 = arith.addi %add3A_422, %add3A_512 : i32
      %add3A_514 = arith.constant 640 : i32
      %add3A_515 = arith.addi %add3A_513, %add3A_514 : i32
      %get3A_516 = arith.index_cast %add3A_515 : i32 to index
      %get3A_517 = tpu.vector_load %arg4[%get3A_516] {strides = array<i32>} : memref<24576xf32, #tpu.memory_space<vmem>>, vector<16xf32>,
      %add3A_518 = arith.constant 8192 : i32
      %add3A_519 = arith.addi %add3A_422, %add3A_518 : i32
      %add3A_520 = arith.constant 640 : i32
      %add3A_521 = arith.addi %add3A_519, %add3A_520 : i32
      %get3A_522 = arith.index_cast %add3A_521 : i32 to index
      %get3A_523 = tpu.vector_load %arg4[%get3A_522] {strides = array<i32>} : memref<24576xf32, #tpu.memory_space<vmem>>, vector<16xf32>,
      %add3A_524 = arith.constant 16384 : i32
      %add3A_525 = arith.addi %add3A_422, %add3A_524 : i32
      %add3A_526 = arith.constant 640 : i32
      %add3A_527 = arith.addi %add3A_525, %add3A_526 : i32
      %get3A_528 = arith.index_cast %add3A_527 : i32 to index
      %get3A_529 = tpu.vector_load %arg4[%get3A_528] {strides = array<i32>} : memref<24576xf32, #tpu.memory_space<vmem>>, vector<16xf32>,
      %add3A_530 = arith.constant 0 : i32
      %add3A_531 = arith.addi %add3A_422, %add3A_530 : i32
      %add3A_532 = arith.constant 768 : i32
      %add3A_533 = arith.addi %add3A_531, %add3A_532 : i32
      %get3A_534 = arith.index_cast %add3A_533 : i32 to index
      %get3A_535 = tpu.vector_load %arg4[%get3A_534] {strides = array<i32>} : memref<24576xf32, #tpu.memory_space<vmem>>, vector<16xf32>,
      %add3A_536 = arith.constant 8192 : i32
      %add3A_537 = arith.addi %add3A_422, %add3A_536 : i32
      %add3A_538 = arith.constant 768 : i32
      %add3A_539 = arith.addi %add3A_537, %add3A_538 : i32
      %get3A_540 = arith.index_cast %add3A_539 : i32 to index
      %get3A_541 = tpu.vector_load %arg4[%get3A_540] {strides = array<i32>} : memref<24576xf32, #tpu.memory_space<vmem>>, vector<16xf32>,
      %add3A_542 = arith.constant 16384 : i32
      %add3A_543 = arith.addi %add3A_422, %add3A_542 : i32
      %add3A_544 = arith.constant 768 : i32
      %add3A_545 = arith.addi %add3A_543, %add3A_544 : i32
      %get3A_546 = arith.index_cast %add3A_545 : i32 to index
      %get3A_547 = tpu.vector_load %arg4[%get3A_546] {strides = array<i32>} : memref<24576xf32, #tpu.memory_space<vmem>>, vector<16xf32>,
      %add3A_548 = arith.constant 0 : i32
      %add3A_549 = arith.addi %add3A_422, %add3A_548 : i32
      %add3A_550 = arith.constant 896 : i32
      %add3A_551 = arith.addi %add3A_549, %add3A_550 : i32
      %get3A_552 = arith.index_cast %add3A_551 : i32 to index
      %get3A_553 = tpu.vector_load %arg4[%get3A_552] {strides = array<i32>} : memref<24576xf32, #tpu.memory_space<vmem>>, vector<16xf32>,
      %add3A_554 = arith.constant 8192 : i32
      %add3A_555 = arith.addi %add3A_422, %add3A_554 : i32
      %add3A_556 = arith.constant 896 : i32
      %add3A_557 = arith.addi %add3A_555, %add3A_556 : i32
      %get3A_558 = arith.index_cast %add3A_557 : i32 to index
      %get3A_559 = tpu.vector_load %arg4[%get3A_558] {strides = array<i32>} : memref<24576xf32, #tpu.memory_space<vmem>>, vector<16xf32>,
      %add3A_560 = arith.constant 16384 : i32
      %add3A_561 = arith.addi %add3A_422, %add3A_560 : i32
      %add3A_562 = arith.constant 896 : i32
      %add3A_563 = arith.addi %add3A_561, %add3A_562 : i32
      %get3A_564 = arith.index_cast %add3A_563 : i32 to index
      %get3A_565 = tpu.vector_load %arg4[%get3A_564] {strides = array<i32>} : memref<24576xf32, #tpu.memory_space<vmem>>, vector<16xf32>,
      %add3A_566 = arith.constant 4096 : i32
      %add3A_567 = arith.addi %add3A_422, %add3A_566 : i32
      %add3A_568 = arith.constant 0 : i32
      %add3A_569 = arith.addi %add3A_567, %add3A_568 : i32
      %get3A_570 = arith.index_cast %add3A_569 : i32 to index
      %get3A_571 = tpu.vector_load %arg4[%get3A_570] {strides = array<i32>} : memref<24576xf32, #tpu.memory_space<vmem>>, vector<16xf32>,
      %add3A_572 = arith.constant 12288 : i32
      %add3A_573 = arith.addi %add3A_422, %add3A_572 : i32
      %add3A_574 = arith.constant 0 : i32
      %add3A_575 = arith.addi %add3A_573, %add3A_574 : i32
      %get3A_576 = arith.index_cast %add3A_575 : i32 to index
      %get3A_577 = tpu.vector_load %arg4[%get3A_576] {strides = array<i32>} : memref<24576xf32, #tpu.memory_space<vmem>>, vector<16xf32>,
      %add3A_578 = arith.constant 20480 : i32
      %add3A_579 = arith.addi %add3A_422, %add3A_578 : i32
      %add3A_580 = arith.constant 0 : i32
      %add3A_581 = arith.addi %add3A_579, %add3A_580 : i32
      %get3A_582 = arith.index_cast %add3A_581 : i32 to index
      %get3A_583 = tpu.vector_load %arg4[%get3A_582] {strides = array<i32>} : memref<24576xf32, #tpu.memory_space<vmem>>, vector<16xf32>,
      %add3A_584 = arith.constant 4096 : i32
      %add3A_585 = arith.addi %add3A_422, %add3A_584 : i32
      %add3A_586 = arith.constant 128 : i32
      %add3A_587 = arith.addi %add3A_585, %add3A_586 : i32
      %get3A_588 = arith.index_cast %add3A_587 : i32 to index
      %get3A_589 = tpu.vector_load %arg4[%get3A_588] {strides = array<i32>} : memref<24576xf32, #tpu.memory_space<vmem>>, vector<16xf32>,
      %add3A_590 = arith.constant 12288 : i32
      %add3A_591 = arith.addi %add3A_422, %add3A_590 : i32
      %add3A_592 = arith.constant 128 : i32
      %add3A_593 = arith.addi %add3A_591, %add3A_592 : i32
      %get3A_594 = arith.index_cast %add3A_593 : i32 to index
      %get3A_595 = tpu.vector_load %arg4[%get3A_594] {strides = array<i32>} : memref<24576xf32, #tpu.memory_space<vmem>>, vector<16xf32>,
      %add3A_596 = arith.constant 20480 : i32
      %add3A_597 = arith.addi %add3A_422, %add3A_596 : i32
      %add3A_598 = arith.constant 128 : i32
      %add3A_599 = arith.addi %add3A_597, %add3A_598 : i32
      %get3A_600 = arith.index_cast %add3A_599 : i32 to index
      %get3A_601 = tpu.vector_load %arg4[%get3A_600] {strides = array<i32>} : memref<24576xf32, #tpu.memory_space<vmem>>, vector<16xf32>,
      %add3A_602 = arith.constant 4096 : i32
      %add3A_603 = arith.addi %add3A_422, %add3A_602 : i32
      %add3A_604 = arith.constant 256 : i32
      %add3A_605 = arith.addi %add3A_603, %add3A_604 : i32
      %get3A_606 = arith.index_cast %add3A_605 : i32 to index
      %get3A_607 = tpu.vector_load %arg4[%get3A_606] {strides = array<i32>} : memref<24576xf32, #tpu.memory_space<vmem>>, vector<16xf32>,
      %add3A_608 = arith.constant 12288 : i32
      %add3A_609 = arith.addi %add3A_422, %add3A_608 : i32
      %add3A_610 = arith.constant 256 : i32
      %add3A_611 = arith.addi %add3A_609, %add3A_610 : i32
      %get3A_612 = arith.index_cast %add3A_611 : i32 to index
      %get3A_613 = tpu.vector_load %arg4[%get3A_612] {strides = array<i32>} : memref<24576xf32, #tpu.memory_space<vmem>>, vector<16xf32>,
      %add3A_614 = arith.constant 20480 : i32
      %add3A_615 = arith.addi %add3A_422, %add3A_614 : i32
      %add3A_616 = arith.constant 256 : i32
      %add3A_617 = arith.addi %add3A_615, %add3A_616 : i32
      %get3A_618 = arith.index_cast %add3A_617 : i32 to index
      %get3A_619 = tpu.vector_load %arg4[%get3A_618] {strides = array<i32>} : memref<24576xf32, #tpu.memory_space<vmem>>, vector<16xf32>,
      %add3A_620 = arith.constant 4096 : i32
      %add3A_621 = arith.addi %add3A_422, %add3A_620 : i32
      %add3A_622 = arith.constant 384 : i32
      %add3A_623 = arith.addi %add3A_621, %add3A_622 : i32
      %get3A_624 = arith.index_cast %add3A_623 : i32 to index
      %get3A_625 = tpu.vector_load %arg4[%get3A_624] {strides = array<i32>} : memref<24576xf32, #tpu.memory_space<vmem>>, vector<16xf32>,
      %add3A_626 = arith.constant 12288 : i32
      %add3A_627 = arith.addi %add3A_422, %add3A_626 : i32
      %add3A_628 = arith.constant 384 : i32
      %add3A_629 = arith.addi %add3A_627, %add3A_628 : i32
      %get3A_630 = arith.index_cast %add3A_629 : i32 to index
      %get3A_631 = tpu.vector_load %arg4[%get3A_630] {strides = array<i32>} : memref<24576xf32, #tpu.memory_space<vmem>>, vector<16xf32>,
      %add3A_632 = arith.constant 20480 : i32
      %add3A_633 = arith.addi %add3A_422, %add3A_632 : i32
      %add3A_634 = arith.constant 384 : i32
      %add3A_635 = arith.addi %add3A_633, %add3A_634 : i32
      %get3A_636 = arith.index_cast %add3A_635 : i32 to index
      %get3A_637 = tpu.vector_load %arg4[%get3A_636] {strides = array<i32>} : memref<24576xf32, #tpu.memory_space<vmem>>, vector<16xf32>,
      %add3A_638 = arith.constant 4096 : i32
      %add3A_639 = arith.addi %add3A_422, %add3A_638 : i32
      %add3A_640 = arith.constant 512 : i32
      %add3A_641 = arith.addi %add3A_639, %add3A_640 : i32
      %get3A_642 = arith.index_cast %add3A_641 : i32 to index
      %get3A_643 = tpu.vector_load %arg4[%get3A_642] {strides = array<i32>} : memref<24576xf32, #tpu.memory_space<vmem>>, vector<16xf32>,
      %add3A_644 = arith.constant 12288 : i32
      %add3A_645 = arith.addi %add3A_422, %add3A_644 : i32
      %add3A_646 = arith.constant 512 : i32
      %add3A_647 = arith.addi %add3A_645, %add3A_646 : i32
      %get3A_648 = arith.index_cast %add3A_647 : i32 to index
      %get3A_649 = tpu.vector_load %arg4[%get3A_648] {strides = array<i32>} : memref<24576xf32, #tpu.memory_space<vmem>>, vector<16xf32>,
      %add3A_650 = arith.constant 20480 : i32
      %add3A_651 = arith.addi %add3A_422, %add3A_650 : i32
      %add3A_652 = arith.constant 512 : i32
      %add3A_653 = arith.addi %add3A_651, %add3A_652 : i32
      %get3A_654 = arith.index_cast %add3A_653 : i32 to index
      %get3A_655 = tpu.vector_load %arg4[%get3A_654] {strides = array<i32>} : memref<24576xf32, #tpu.memory_space<vmem>>, vector<16xf32>,
      %add3A_656 = arith.constant 4096 : i32
      %add3A_657 = arith.addi %add3A_422, %add3A_656 : i32
      %add3A_658 = arith.constant 640 : i32
      %add3A_659 = arith.addi %add3A_657, %add3A_658 : i32
      %get3A_660 = arith.index_cast %add3A_659 : i32 to index
      %get3A_661 = tpu.vector_load %arg4[%get3A_660] {strides = array<i32>} : memref<24576xf32, #tpu.memory_space<vmem>>, vector<16xf32>,
      %add3A_662 = arith.constant 12288 : i32
      %add3A_663 = arith.addi %add3A_422, %add3A_662 : i32
      %add3A_664 = arith.constant 640 : i32
      %add3A_665 = arith.addi %add3A_663, %add3A_664 : i32
      %get3A_666 = arith.index_cast %add3A_665 : i32 to index
      %get3A_667 = tpu.vector_load %arg4[%get3A_666] {strides = array<i32>} : memref<24576xf32, #tpu.memory_space<vmem>>, vector<16xf32>,
      %add3A_668 = arith.constant 20480 : i32
      %add3A_669 = arith.addi %add3A_422, %add3A_668 : i32
      %add3A_670 = arith.constant 640 : i32
      %add3A_671 = arith.addi %add3A_669, %add3A_670 : i32
      %get3A_672 = arith.index_cast %add3A_671 : i32 to index
      %get3A_673 = tpu.vector_load %arg4[%get3A_672] {strides = array<i32>} : memref<24576xf32, #tpu.memory_space<vmem>>, vector<16xf32>,
      %add3A_674 = arith.constant 4096 : i32
      %add3A_675 = arith.addi %add3A_422, %add3A_674 : i32
      %add3A_676 = arith.constant 768 : i32
      %add3A_677 = arith.addi %add3A_675, %add3A_676 : i32
      %get3A_678 = arith.index_cast %add3A_677 : i32 to index
      %get3A_679 = tpu.vector_load %arg4[%get3A_678] {strides = array<i32>} : memref<24576xf32, #tpu.memory_space<vmem>>, vector<16xf32>,
      %add3A_680 = arith.constant 12288 : i32
      %add3A_681 = arith.addi %add3A_422, %add3A_680 : i32
      %add3A_682 = arith.constant 768 : i32
      %add3A_683 = arith.addi %add3A_681, %add3A_682 : i32
      %get3A_684 = arith.index_cast %add3A_683 : i32 to index
      %get3A_685 = tpu.vector_load %arg4[%get3A_684] {strides = array<i32>} : memref<24576xf32, #tpu.memory_space<vmem>>, vector<16xf32>,
      %add3A_686 = arith.constant 20480 : i32
      %add3A_687 = arith.addi %add3A_422, %add3A_686 : i32
      %add3A_688 = arith.constant 768 : i32
      %add3A_689 = arith.addi %add3A_687, %add3A_688 : i32
      %get3A_690 = arith.index_cast %add3A_689 : i32 to index
      %get3A_691 = tpu.vector_load %arg4[%get3A_690] {strides = array<i32>} : memref<24576xf32, #tpu.memory_space<vmem>>, vector<16xf32>,
      %add3A_692 = arith.constant 4096 : i32
      %add3A_693 = arith.addi %add3A_422, %add3A_692 : i32
      %add3A_694 = arith.constant 896 : i32
      %add3A_695 = arith.addi %add3A_693, %add3A_694 : i32
      %get3A_696 = arith.index_cast %add3A_695 : i32 to index
      %get3A_697 = tpu.vector_load %arg4[%get3A_696] {strides = array<i32>} : memref<24576xf32, #tpu.memory_space<vmem>>, vector<16xf32>,
      %add3A_698 = arith.constant 12288 : i32
      %add3A_699 = arith.addi %add3A_422, %add3A_698 : i32
      %add3A_700 = arith.constant 896 : i32
      %add3A_701 = arith.addi %add3A_699, %add3A_700 : i32
      %get3A_702 = arith.index_cast %add3A_701 : i32 to index
      %get3A_703 = tpu.vector_load %arg4[%get3A_702] {strides = array<i32>} : memref<24576xf32, #tpu.memory_space<vmem>>, vector<16xf32>,
      %add3A_704 = arith.constant 20480 : i32
      %add3A_705 = arith.addi %add3A_422, %add3A_704 : i32
      %add3A_706 = arith.constant 896 : i32
      %add3A_707 = arith.addi %add3A_705, %add3A_706 : i32
      %get3A_708 = arith.index_cast %add3A_707 : i32 to index
      %get3A_709 = tpu.vector_load %arg4[%get3A_708] {strides = array<i32>} : memref<24576xf32, #tpu.memory_space<vmem>>, vector<16xf32>,
      %gt3A = arith.constant 0.000000e+00 : f32
      %gt3A_710 = vector.broadcast %gt3A : f32 to vector<16xf32>
      %gt3A_711 = arith.cmpf ogt, %get3A_427, %gt3A_710 : vector<16xf32>
      %gt3A_712 = arith.constant 0.000000e+00 : f32
      %gt3A_713 = vector.broadcast %gt3A_712 : f32 to vector<16xf32>
      %gt3A_714 = arith.cmpf ogt, %get3A_445, %gt3A_713 : vector<16xf32>
      %gt3A_715 = arith.constant 0.000000e+00 : f32
      %gt3A_716 = vector.broadcast %gt3A_715 : f32 to vector<16xf32>
      %gt3A_717 = arith.cmpf ogt, %get3A_463, %gt3A_716 : vector<16xf32>
      %gt3A_718 = arith.constant 0.000000e+00 : f32
      %gt3A_719 = vector.broadcast %gt3A_718 : f32 to vector<16xf32>
      %gt3A_720 = arith.cmpf ogt, %get3A_481, %gt3A_719 : vector<16xf32>
      %gt3A_721 = arith.constant 0.000000e+00 : f32
      %gt3A_722 = vector.broadcast %gt3A_721 : f32 to vector<16xf32>
      %gt3A_723 = arith.cmpf ogt, %get3A_499, %gt3A_722 : vector<16xf32>
      %gt3A_724 = arith.constant 0.000000e+00 : f32
      %gt3A_725 = vector.broadcast %gt3A_724 : f32 to vector<16xf32>
      %gt3A_726 = arith.cmpf ogt, %get3A_517, %gt3A_725 : vector<16xf32>
      %gt3A_727 = arith.constant 0.000000e+00 : f32
      %gt3A_728 = vector.broadcast %gt3A_727 : f32 to vector<16xf32>
      %gt3A_729 = arith.cmpf ogt, %get3A_535, %gt3A_728 : vector<16xf32>
      %gt3A_730 = arith.constant 0.000000e+00 : f32
      %gt3A_731 = vector.broadcast %gt3A_730 : f32 to vector<16xf32>
      %gt3A_732 = arith.cmpf ogt, %get3A_553, %gt3A_731 : vector<16xf32>
      %gt3A_733 = arith.constant 0.000000e+00 : f32
      %gt3A_734 = vector.broadcast %gt3A_733 : f32 to vector<16xf32>
      %gt3A_735 = arith.cmpf ogt, %get3A_571, %gt3A_734 : vector<16xf32>
      %gt3A_736 = arith.constant 0.000000e+00 : f32
      %gt3A_737 = vector.broadcast %gt3A_736 : f32 to vector<16xf32>
      %gt3A_738 = arith.cmpf ogt, %get3A_589, %gt3A_737 : vector<16xf32>
      %gt3A_739 = arith.constant 0.000000e+00 : f32
      %gt3A_740 = vector.broadcast %gt3A_739 : f32 to vector<16xf32>
      %gt3A_741 = arith.cmpf ogt, %get3A_607, %gt3A_740 : vector<16xf32>
      %gt3A_742 = arith.constant 0.000000e+00 : f32
      %gt3A_743 = vector.broadcast %gt3A_742 : f32 to vector<16xf32>
      %gt3A_744 = arith.cmpf ogt, %get3A_625, %gt3A_743 : vector<16xf32>
      %gt3A_745 = arith.constant 0.000000e+00 : f32
      %gt3A_746 = vector.broadcast %gt3A_745 : f32 to vector<16xf32>
      %gt3A_747 = arith.cmpf ogt, %get3A_643, %gt3A_746 : vector<16xf32>
      %gt3A_748 = arith.constant 0.000000e+00 : f32
      %gt3A_749 = vector.broadcast %gt3A_748 : f32 to vector<16xf32>
      %gt3A_750 = arith.cmpf ogt, %get3A_661, %gt3A_749 : vector<16xf32>
      %gt3A_751 = arith.constant 0.000000e+00 : f32
      %gt3A_752 = vector.broadcast %gt3A_751 : f32 to vector<16xf32>
      %gt3A_753 = arith.cmpf ogt, %get3A_679, %gt3A_752 : vector<16xf32>
      %select_n3A = arith.select %gt3A_711, %broadcast_in_dim3A_122, %broadcast_in_dim3A_126 : vector<16xi1>, vector<16xi32>
      %select_n3A_754 = arith.select %gt3A_714, %broadcast_in_dim3A_122, %broadcast_in_dim3A_126 : vector<16xi1>, vector<16xi32>
      %select_n3A_755 = arith.select %gt3A_717, %broadcast_in_dim3A_122, %broadcast_in_dim3A_126 : vector<16xi1>, vector<16xi32>
      %select_n3A_756 = arith.select %gt3A_720, %broadcast_in_dim3A_122, %broadcast_in_dim3A_126 : vector<16xi1>, vector<16xi32>
      %select_n3A_757 = arith.select %gt3A_723, %broadcast_in_dim3A_122, %broadcast_in_dim3A_126 : vector<16xi1>, vector<16xi32>
      %select_n3A_758 = arith.select %gt3A_726, %broadcast_in_dim3A_122, %broadcast_in_dim3A_126 : vector<16xi1>, vector<16xi32>
      %select_n3A_759 = arith.select %gt3A_729, %broadcast_in_dim3A_122, %broadcast_in_dim3A_126 : vector<16xi1>, vector<16xi32>
      %select_n3A_760 = arith.select %gt3A_732, %broadcast_in_dim3A_122, %broadcast_in_dim3A_126 : vector<16xi1>, vector<16xi32>
      %select_n3A_761 = arith.select %gt3A_735, %broadcast_in_dim3A_122, %broadcast_in_dim3A_126 : vector<16xi1>, vector<16xi32>
      %select_n3A_762 = arith.select %gt3A_738, %broadcast_in_dim3A_122, %broadcast_in_dim3A_126 : vector<16xi1>, vector<16xi32>
      %select_n3A_763 = arith.select %gt3A_741, %broadcast_in_dim3A_122, %broadcast_in_dim3A_126 : vector<16xi1>, vector<16xi32>
      %select_n3A_764 = arith.select %gt3A_744, %broadcast_in_dim3A_122, %broadcast_in_dim3A_126 : vector<16xi1>, vector<16xi32>
      %select_n3A_765 = arith.select %gt3A_747, %broadcast_in_dim3A_122, %broadcast_in_dim3A_126 : vector<16xi1>, vector<16xi32>
      %select_n3A_766 = arith.select %gt3A_750, %broadcast_in_dim3A_122, %broadcast_in_dim3A_126 : vector<16xi1>, vector<16xi32>
      %select_n3A_767 = arith.select %gt3A_753, %broadcast_in_dim3A_122, %broadcast_in_dim3A_126 : vector<16xi1>, vector<16xi32>
      %add3A_768 = arith.addi %broadcast_in_dim3A_126, %select_n3A : vector<16xi32>
      %add3A_769 = arith.addi %add3A_768, %select_n3A_754 : vector<16xi32>
      %add3A_770 = arith.addi %add3A_769, %select_n3A_755 : vector<16xi32>
      %add3A_771 = arith.addi %add3A_770, %select_n3A_756 : vector<16xi32>
      %add3A_772 = arith.addi %add3A_771, %select_n3A_757 : vector<16xi32>
      %add3A_773 = arith.addi %add3A_772, %select_n3A_758 : vector<16xi32>
      %add3A_774 = arith.addi %broadcast_in_dim3A_126, %select_n3A_759 : vector<16xi32>
      %add3A_775 = arith.addi %add3A_774, %select_n3A_760 : vector<16xi32>
      %add3A_776 = arith.addi %add3A_775, %select_n3A_761 : vector<16xi32>
      %add3A_777 = arith.addi %broadcast_in_dim3A_126, %select_n3A_762 : vector<16xi32>
      %add3A_778 = arith.addi %add3A_777, %select_n3A_763 : vector<16xi32>
      %add3A_779 = arith.addi %add3A_778, %select_n3A_764 : vector<16xi32>
      %add3A_780 = arith.addi %broadcast_in_dim3A_126, %select_n3A_765 : vector<16xi32>
      %add3A_781 = arith.addi %add3A_780, %select_n3A_766 : vector<16xi32>
      %add3A_782 = arith.addi %add3A_781, %select_n3A_767 : vector<16xi32>
      %add3A_783 = vector.broadcast %add3A_422 : i32 to vector<16xi32>
      %add3A_784 = arith.addi %add3A_783, %iota3A : vector<16xi32>
      %jit3A = arith.constant 0 : i32
      %jit3A_785 = arith.constant 5 : i32
      %broadcast_in_dim3A_786 = vector.broadcast %jit3A : i32 to vector<16xi32>
      %broadcast_in_dim3A_787 = vector.broadcast %jit3A_785 : i32 to vector<16xi32>
      %select_n3A_788 = arith.select %gt3A_711, %broadcast_in_dim3A_786, %broadcast_in_dim3A_787 : vector<16xi1>, vector<16xi32>
      %add3A_789 = arith.addi %broadcast_in_dim3A_126, %select_n3A_788 : vector<16xi32>
      %lt3A = arith.constant 0 : i32
      %lt3A_790 = vector.broadcast %lt3A : i32 to vector<16xi32>
      %lt3A_791 = arith.cmpi slt, %add3A_789, %lt3A_790 : vector<16xi32>
      %add3A_792 = arith.constant 16 : i32
      %add3A_793 = vector.broadcast %add3A_792 : i32 to vector<16xi32>
      %add3A_794 = arith.addi %add3A_789, %add3A_793 : vector<16xi32>
      %select_n3A_795 = arith.select %lt3A_791, %add3A_794, %add3A_789 : vector<16xi1>, vector<16xi32>
      %broadcast_in_dim3A_796 = vector.shape_cast %select_n3A_795 : vector<16xi32> to vector<16x1xi32>
      %gather3A = vector.shape_cast %broadcast_in_dim3A_796 : vector<16x1xi32> to vector<16xi32>
      %gather3A_797 = tpu.dynamic_gather %add3A_136[%gather3A] in [0] : vector<16xi32>, vector<16xi32> -> vector<16xi32>
      %add3A_798 = arith.addi %gather3A_797, %add3A_784 : vector<16xi32>
      %select_n3A_799 = arith.select %gt3A_711, %get3A_427, %broadcast_in_dim3A_124 : vector<16xi1>, vector<16xf32>
      %add3A_800 = arith.constant 0 : i32
      %add3A_801 = vector.broadcast %add3A_800 : i32 to vector<16xi32>
      %add3A_802 = arith.addi %add3A_798, %add3A_801 : vector<16xi32>
      tpu.vector_store_idx %arg5[%add3A_802], %select_n3A_799 : memref<24576xf32, #tpu.memory_space<vmem>>[vector<16xi32>], vector<16xf32>,
      %select_n3A_803 = arith.select %gt3A_711, %get3A_433, %broadcast_in_dim3A_124 : vector<16xi1>, vector<16xf32>
      %add3A_804 = arith.constant 8192 : i32
      %add3A_805 = vector.broadcast %add3A_804 : i32 to vector<16xi32>
      %add3A_806 = arith.addi %add3A_798, %add3A_805 : vector<16xi32>
      tpu.vector_store_idx %arg5[%add3A_806], %select_n3A_803 : memref<24576xf32, #tpu.memory_space<vmem>>[vector<16xi32>], vector<16xf32>,
      %select_n3A_807 = arith.select %gt3A_711, %get3A_439, %broadcast_in_dim3A_124 : vector<16xi1>, vector<16xf32>
      %add3A_808 = arith.constant 16384 : i32
      %add3A_809 = vector.broadcast %add3A_808 : i32 to vector<16xi32>
      %add3A_810 = arith.addi %add3A_798, %add3A_809 : vector<16xi32>
      tpu.vector_store_idx %arg5[%add3A_810], %select_n3A_807 : memref<24576xf32, #tpu.memory_space<vmem>>[vector<16xi32>], vector<16xf32>,
      %jit3A_811 = arith.constant 0 : i32
      %jit3A_812 = arith.constant 4 : i32
      %broadcast_in_dim3A_813 = vector.broadcast %jit3A_811 : i32 to vector<16xi32>
      %broadcast_in_dim3A_814 = vector.broadcast %jit3A_812 : i32 to vector<16xi32>
      %select_n3A_815 = arith.select %gt3A_714, %broadcast_in_dim3A_813, %broadcast_in_dim3A_814 : vector<16xi1>, vector<16xi32>
      %add3A_816 = arith.addi %add3A_768, %select_n3A_815 : vector<16xi32>
      %lt3A_817 = arith.constant 0 : i32
      %lt3A_818 = vector.broadcast %lt3A_817 : i32 to vector<16xi32>
      %lt3A_819 = arith.cmpi slt, %add3A_816, %lt3A_818 : vector<16xi32>
      %add3A_820 = arith.constant 16 : i32
      %add3A_821 = vector.broadcast %add3A_820 : i32 to vector<16xi32>
      %add3A_822 = arith.addi %add3A_816, %add3A_821 : vector<16xi32>
      %select_n3A_823 = arith.select %lt3A_819, %add3A_822, %add3A_816 : vector<16xi1>, vector<16xi32>
      %broadcast_in_dim3A_824 = vector.shape_cast %select_n3A_823 : vector<16xi32> to vector<16x1xi32>
      %gather3A_825 = vector.shape_cast %broadcast_in_dim3A_824 : vector<16x1xi32> to vector<16xi32>
      %gather3A_826 = tpu.dynamic_gather %add3A_136[%gather3A_825] in [0] : vector<16xi32>, vector<16xi32> -> vector<16xi32>
      %add3A_827 = arith.addi %gather3A_826, %add3A_784 : vector<16xi32>
      %select_n3A_828 = arith.select %gt3A_714, %get3A_445, %broadcast_in_dim3A_124 : vector<16xi1>, vector<16xf32>
      %add3A_829 = arith.constant 0 : i32
      %add3A_830 = vector.broadcast %add3A_829 : i32 to vector<16xi32>
      %add3A_831 = arith.addi %add3A_827, %add3A_830 : vector<16xi32>
      tpu.vector_store_idx %arg5[%add3A_831], %select_n3A_828 : memref<24576xf32, #tpu.memory_space<vmem>>[vector<16xi32>], vector<16xf32>,
      %select_n3A_832 = arith.select %gt3A_714, %get3A_451, %broadcast_in_dim3A_124 : vector<16xi1>, vector<16xf32>
      %add3A_833 = arith.constant 8192 : i32
      %add3A_834 = vector.broadcast %add3A_833 : i32 to vector<16xi32>
      %add3A_835 = arith.addi %add3A_827, %add3A_834 : vector<16xi32>
      tpu.vector_store_idx %arg5[%add3A_835], %select_n3A_832 : memref<24576xf32, #tpu.memory_space<vmem>>[vector<16xi32>], vector<16xf32>,
      %select_n3A_836 = arith.select %gt3A_714, %get3A_457, %broadcast_in_dim3A_124 : vector<16xi1>, vector<16xf32>
      %add3A_837 = arith.constant 16384 : i32
      %add3A_838 = vector.broadcast %add3A_837 : i32 to vector<16xi32>
      %add3A_839 = arith.addi %add3A_827, %add3A_838 : vector<16xi32>
      tpu.vector_store_idx %arg5[%add3A_839], %select_n3A_836 : memref<24576xf32, #tpu.memory_space<vmem>>[vector<16xi32>], vector<16xf32>,
      %jit3A_840 = arith.constant 0 : i32
      %jit3A_841 = arith.constant 3 : i32
      %broadcast_in_dim3A_842 = vector.broadcast %jit3A_840 : i32 to vector<16xi32>
      %broadcast_in_dim3A_843 = vector.broadcast %jit3A_841 : i32 to vector<16xi32>
      %select_n3A_844 = arith.select %gt3A_717, %broadcast_in_dim3A_842, %broadcast_in_dim3A_843 : vector<16xi1>, vector<16xi32>
      %add3A_845 = arith.addi %add3A_769, %select_n3A_844 : vector<16xi32>
      %lt3A_846 = arith.constant 0 : i32
      %lt3A_847 = vector.broadcast %lt3A_846 : i32 to vector<16xi32>
      %lt3A_848 = arith.cmpi slt, %add3A_845, %lt3A_847 : vector<16xi32>
      %add3A_849 = arith.constant 16 : i32
      %add3A_850 = vector.broadcast %add3A_849 : i32 to vector<16xi32>
      %add3A_851 = arith.addi %add3A_845, %add3A_850 : vector<16xi32>
      %select_n3A_852 = arith.select %lt3A_848, %add3A_851, %add3A_845 : vector<16xi1>, vector<16xi32>
      %broadcast_in_dim3A_853 = vector.shape_cast %select_n3A_852 : vector<16xi32> to vector<16x1xi32>
      %gather3A_854 = vector.shape_cast %broadcast_in_dim3A_853 : vector<16x1xi32> to vector<16xi32>
      %gather3A_855 = tpu.dynamic_gather %add3A_136[%gather3A_854] in [0] : vector<16xi32>, vector<16xi32> -> vector<16xi32>
      %add3A_856 = arith.addi %gather3A_855, %add3A_784 : vector<16xi32>
      %select_n3A_857 = arith.select %gt3A_717, %get3A_463, %broadcast_in_dim3A_124 : vector<16xi1>, vector<16xf32>
      %add3A_858 = arith.constant 0 : i32
      %add3A_859 = vector.broadcast %add3A_858 : i32 to vector<16xi32>
      %add3A_860 = arith.addi %add3A_856, %add3A_859 : vector<16xi32>
      tpu.vector_store_idx %arg5[%add3A_860], %select_n3A_857 : memref<24576xf32, #tpu.memory_space<vmem>>[vector<16xi32>], vector<16xf32>,
      %select_n3A_861 = arith.select %gt3A_717, %get3A_469, %broadcast_in_dim3A_124 : vector<16xi1>, vector<16xf32>
      %add3A_862 = arith.constant 8192 : i32
      %add3A_863 = vector.broadcast %add3A_862 : i32 to vector<16xi32>
      %add3A_864 = arith.addi %add3A_856, %add3A_863 : vector<16xi32>
      tpu.vector_store_idx %arg5[%add3A_864], %select_n3A_861 : memref<24576xf32, #tpu.memory_space<vmem>>[vector<16xi32>], vector<16xf32>,
      %select_n3A_865 = arith.select %gt3A_717, %get3A_475, %broadcast_in_dim3A_124 : vector<16xi1>, vector<16xf32>
      %add3A_866 = arith.constant 16384 : i32
      %add3A_867 = vector.broadcast %add3A_866 : i32 to vector<16xi32>
      %add3A_868 = arith.addi %add3A_856, %add3A_867 : vector<16xi32>
      tpu.vector_store_idx %arg5[%add3A_868], %select_n3A_865 : memref<24576xf32, #tpu.memory_space<vmem>>[vector<16xi32>], vector<16xf32>,
      %jit3A_869 = arith.constant 0 : i32
      %jit3A_870 = arith.constant 2 : i32
      %broadcast_in_dim3A_871 = vector.broadcast %jit3A_869 : i32 to vector<16xi32>
      %broadcast_in_dim3A_872 = vector.broadcast %jit3A_870 : i32 to vector<16xi32>
      %select_n3A_873 = arith.select %gt3A_720, %broadcast_in_dim3A_871, %broadcast_in_dim3A_872 : vector<16xi1>, vector<16xi32>
      %add3A_874 = arith.addi %add3A_770, %select_n3A_873 : vector<16xi32>
      %lt3A_875 = arith.constant 0 : i32
      %lt3A_876 = vector.broadcast %lt3A_875 : i32 to vector<16xi32>
      %lt3A_877 = arith.cmpi slt, %add3A_874, %lt3A_876 : vector<16xi32>
      %add3A_878 = arith.constant 16 : i32
      %add3A_879 = vector.broadcast %add3A_878 : i32 to vector<16xi32>
      %add3A_880 = arith.addi %add3A_874, %add3A_879 : vector<16xi32>
      %select_n3A_881 = arith.select %lt3A_877, %add3A_880, %add3A_874 : vector<16xi1>, vector<16xi32>
      %broadcast_in_dim3A_882 = vector.shape_cast %select_n3A_881 : vector<16xi32> to vector<16x1xi32>
      %gather3A_883 = vector.shape_cast %broadcast_in_dim3A_882 : vector<16x1xi32> to vector<16xi32>
      %gather3A_884 = tpu.dynamic_gather %add3A_136[%gather3A_883] in [0] : vector<16xi32>, vector<16xi32> -> vector<16xi32>
      %add3A_885 = arith.addi %gather3A_884, %add3A_784 : vector<16xi32>
      %select_n3A_886 = arith.select %gt3A_720, %get3A_481, %broadcast_in_dim3A_124 : vector<16xi1>, vector<16xf32>
      %add3A_887 = arith.constant 0 : i32
      %add3A_888 = vector.broadcast %add3A_887 : i32 to vector<16xi32>
      %add3A_889 = arith.addi %add3A_885, %add3A_888 : vector<16xi32>
      tpu.vector_store_idx %arg5[%add3A_889], %select_n3A_886 : memref<24576xf32, #tpu.memory_space<vmem>>[vector<16xi32>], vector<16xf32>,
      %select_n3A_890 = arith.select %gt3A_720, %get3A_487, %broadcast_in_dim3A_124 : vector<16xi1>, vector<16xf32>
      %add3A_891 = arith.constant 8192 : i32
      %add3A_892 = vector.broadcast %add3A_891 : i32 to vector<16xi32>
      %add3A_893 = arith.addi %add3A_885, %add3A_892 : vector<16xi32>
      tpu.vector_store_idx %arg5[%add3A_893], %select_n3A_890 : memref<24576xf32, #tpu.memory_space<vmem>>[vector<16xi32>], vector<16xf32>,
      %select_n3A_894 = arith.select %gt3A_720, %get3A_493, %broadcast_in_dim3A_124 : vector<16xi1>, vector<16xf32>
      %add3A_895 = arith.constant 16384 : i32
      %add3A_896 = vector.broadcast %add3A_895 : i32 to vector<16xi32>
      %add3A_897 = arith.addi %add3A_885, %add3A_896 : vector<16xi32>
      tpu.vector_store_idx %arg5[%add3A_897], %select_n3A_894 : memref<24576xf32, #tpu.memory_space<vmem>>[vector<16xi32>], vector<16xf32>,
      %jit3A_898 = arith.constant 0 : i32
      %jit3A_899 = arith.constant 1 : i32
      %broadcast_in_dim3A_900 = vector.broadcast %jit3A_898 : i32 to vector<16xi32>
      %broadcast_in_dim3A_901 = vector.broadcast %jit3A_899 : i32 to vector<16xi32>
      %select_n3A_902 = arith.select %gt3A_723, %broadcast_in_dim3A_900, %broadcast_in_dim3A_901 : vector<16xi1>, vector<16xi32>
      %add3A_903 = arith.addi %add3A_771, %select_n3A_902 : vector<16xi32>
      %lt3A_904 = arith.constant 0 : i32
      %lt3A_905 = vector.broadcast %lt3A_904 : i32 to vector<16xi32>
      %lt3A_906 = arith.cmpi slt, %add3A_903, %lt3A_905 : vector<16xi32>
      %add3A_907 = arith.constant 16 : i32
      %add3A_908 = vector.broadcast %add3A_907 : i32 to vector<16xi32>
      %add3A_909 = arith.addi %add3A_903, %add3A_908 : vector<16xi32>
      %select_n3A_910 = arith.select %lt3A_906, %add3A_909, %add3A_903 : vector<16xi1>, vector<16xi32>
      %broadcast_in_dim3A_911 = vector.shape_cast %select_n3A_910 : vector<16xi32> to vector<16x1xi32>
      %gather3A_912 = vector.shape_cast %broadcast_in_dim3A_911 : vector<16x1xi32> to vector<16xi32>
      %gather3A_913 = tpu.dynamic_gather %add3A_136[%gather3A_912] in [0] : vector<16xi32>, vector<16xi32> -> vector<16xi32>
      %add3A_914 = arith.addi %gather3A_913, %add3A_784 : vector<16xi32>
      %select_n3A_915 = arith.select %gt3A_723, %get3A_499, %broadcast_in_dim3A_124 : vector<16xi1>, vector<16xf32>
      %add3A_916 = arith.constant 0 : i32
      %add3A_917 = vector.broadcast %add3A_916 : i32 to vector<16xi32>
      %add3A_918 = arith.addi %add3A_914, %add3A_917 : vector<16xi32>
      tpu.vector_store_idx %arg5[%add3A_918], %select_n3A_915 : memref<24576xf32, #tpu.memory_space<vmem>>[vector<16xi32>], vector<16xf32>,
      %select_n3A_919 = arith.select %gt3A_723, %get3A_505, %broadcast_in_dim3A_124 : vector<16xi1>, vector<16xf32>
      %add3A_920 = arith.constant 8192 : i32
      %add3A_921 = vector.broadcast %add3A_920 : i32 to vector<16xi32>
      %add3A_922 = arith.addi %add3A_914, %add3A_921 : vector<16xi32>
      tpu.vector_store_idx %arg5[%add3A_922], %select_n3A_919 : memref<24576xf32, #tpu.memory_space<vmem>>[vector<16xi32>], vector<16xf32>,
      %select_n3A_923 = arith.select %gt3A_723, %get3A_511, %broadcast_in_dim3A_124 : vector<16xi1>, vector<16xf32>
      %add3A_924 = arith.constant 16384 : i32
      %add3A_925 = vector.broadcast %add3A_924 : i32 to vector<16xi32>
      %add3A_926 = arith.addi %add3A_914, %add3A_925 : vector<16xi32>
      tpu.vector_store_idx %arg5[%add3A_926], %select_n3A_923 : memref<24576xf32, #tpu.memory_space<vmem>>[vector<16xi32>], vector<16xf32>,
      %jit3A_927 = arith.constant 0 : i32
      %jit3A_928 = arith.constant 0 : i32
      %broadcast_in_dim3A_929 = vector.broadcast %jit3A_927 : i32 to vector<16xi32>
      %broadcast_in_dim3A_930 = vector.broadcast %jit3A_928 : i32 to vector<16xi32>
      %select_n3A_931 = arith.select %gt3A_726, %broadcast_in_dim3A_929, %broadcast_in_dim3A_930 : vector<16xi1>, vector<16xi32>
      %add3A_932 = arith.addi %add3A_772, %select_n3A_931 : vector<16xi32>
      %lt3A_933 = arith.constant 0 : i32
      %lt3A_934 = vector.broadcast %lt3A_933 : i32 to vector<16xi32>
      %lt3A_935 = arith.cmpi slt, %add3A_932, %lt3A_934 : vector<16xi32>
      %add3A_936 = arith.constant 16 : i32
      %add3A_937 = vector.broadcast %add3A_936 : i32 to vector<16xi32>
      %add3A_938 = arith.addi %add3A_932, %add3A_937 : vector<16xi32>
      %select_n3A_939 = arith.select %lt3A_935, %add3A_938, %add3A_932 : vector<16xi1>, vector<16xi32>
      %broadcast_in_dim3A_940 = vector.shape_cast %select_n3A_939 : vector<16xi32> to vector<16x1xi32>
      %gather3A_941 = vector.shape_cast %broadcast_in_dim3A_940 : vector<16x1xi32> to vector<16xi32>
      %gather3A_942 = tpu.dynamic_gather %add3A_136[%gather3A_941] in [0] : vector<16xi32>, vector<16xi32> -> vector<16xi32>
      %add3A_943 = arith.addi %gather3A_942, %add3A_784 : vector<16xi32>
      %select_n3A_944 = arith.select %gt3A_726, %get3A_517, %broadcast_in_dim3A_124 : vector<16xi1>, vector<16xf32>
      %add3A_945 = arith.constant 0 : i32
      %add3A_946 = vector.broadcast %add3A_945 : i32 to vector<16xi32>
      %add3A_947 = arith.addi %add3A_943, %add3A_946 : vector<16xi32>
      tpu.vector_store_idx %arg5[%add3A_947], %select_n3A_944 : memref<24576xf32, #tpu.memory_space<vmem>>[vector<16xi32>], vector<16xf32>,
      %select_n3A_948 = arith.select %gt3A_726, %get3A_523, %broadcast_in_dim3A_124 : vector<16xi1>, vector<16xf32>
      %add3A_949 = arith.constant 8192 : i32
      %add3A_950 = vector.broadcast %add3A_949 : i32 to vector<16xi32>
      %add3A_951 = arith.addi %add3A_943, %add3A_950 : vector<16xi32>
      tpu.vector_store_idx %arg5[%add3A_951], %select_n3A_948 : memref<24576xf32, #tpu.memory_space<vmem>>[vector<16xi32>], vector<16xf32>,
      %select_n3A_952 = arith.select %gt3A_726, %get3A_529, %broadcast_in_dim3A_124 : vector<16xi1>, vector<16xf32>
      %add3A_953 = arith.constant 16384 : i32
      %add3A_954 = vector.broadcast %add3A_953 : i32 to vector<16xi32>
      %add3A_955 = arith.addi %add3A_943, %add3A_954 : vector<16xi32>
      tpu.vector_store_idx %arg5[%add3A_955], %select_n3A_952 : memref<24576xf32, #tpu.memory_space<vmem>>[vector<16xi32>], vector<16xf32>,
      %jit3A_956 = arith.constant 6 : i32
      %jit3A_957 = arith.constant 8 : i32
      %broadcast_in_dim3A_958 = vector.broadcast %jit3A_956 : i32 to vector<16xi32>
      %broadcast_in_dim3A_959 = vector.broadcast %jit3A_957 : i32 to vector<16xi32>
      %select_n3A_960 = arith.select %gt3A_729, %broadcast_in_dim3A_958, %broadcast_in_dim3A_959 : vector<16xi1>, vector<16xi32>
      %add3A_961 = arith.addi %broadcast_in_dim3A_126, %select_n3A_960 : vector<16xi32>
      %lt3A_962 = arith.constant 0 : i32
      %lt3A_963 = vector.broadcast %lt3A_962 : i32 to vector<16xi32>
      %lt3A_964 = arith.cmpi slt, %add3A_961, %lt3A_963 : vector<16xi32>
      %add3A_965 = arith.constant 16 : i32
      %add3A_966 = vector.broadcast %add3A_965 : i32 to vector<16xi32>
      %add3A_967 = arith.addi %add3A_961, %add3A_966 : vector<16xi32>
      %select_n3A_968 = arith.select %lt3A_964, %add3A_967, %add3A_961 : vector<16xi1>, vector<16xi32>
      %broadcast_in_dim3A_969 = vector.shape_cast %select_n3A_968 : vector<16xi32> to vector<16x1xi32>
      %gather3A_970 = vector.shape_cast %broadcast_in_dim3A_969 : vector<16x1xi32> to vector<16xi32>
      %gather3A_971 = tpu.dynamic_gather %add3A_136[%gather3A_970] in [0] : vector<16xi32>, vector<16xi32> -> vector<16xi32>
      %add3A_972 = arith.addi %gather3A_971, %add3A_784 : vector<16xi32>
      %select_n3A_973 = arith.select %gt3A_729, %get3A_535, %broadcast_in_dim3A_124 : vector<16xi1>, vector<16xf32>
      %add3A_974 = arith.constant 0 : i32
      %add3A_975 = vector.broadcast %add3A_974 : i32 to vector<16xi32>
      %add3A_976 = arith.addi %add3A_972, %add3A_975 : vector<16xi32>
      tpu.vector_store_idx %arg5[%add3A_976], %select_n3A_973 : memref<24576xf32, #tpu.memory_space<vmem>>[vector<16xi32>], vector<16xf32>,
      %select_n3A_977 = arith.select %gt3A_729, %get3A_541, %broadcast_in_dim3A_124 : vector<16xi1>, vector<16xf32>
      %add3A_978 = arith.constant 8192 : i32
      %add3A_979 = vector.broadcast %add3A_978 : i32 to vector<16xi32>
      %add3A_980 = arith.addi %add3A_972, %add3A_979 : vector<16xi32>
      tpu.vector_store_idx %arg5[%add3A_980], %select_n3A_977 : memref<24576xf32, #tpu.memory_space<vmem>>[vector<16xi32>], vector<16xf32>,
      %select_n3A_981 = arith.select %gt3A_729, %get3A_547, %broadcast_in_dim3A_124 : vector<16xi1>, vector<16xf32>
      %add3A_982 = arith.constant 16384 : i32
      %add3A_983 = vector.broadcast %add3A_982 : i32 to vector<16xi32>
      %add3A_984 = arith.addi %add3A_972, %add3A_983 : vector<16xi32>
      tpu.vector_store_idx %arg5[%add3A_984], %select_n3A_981 : memref<24576xf32, #tpu.memory_space<vmem>>[vector<16xi32>], vector<16xf32>,
      %jit3A_985 = arith.constant 6 : i32
      %jit3A_986 = arith.constant 7 : i32
      %broadcast_in_dim3A_987 = vector.broadcast %jit3A_985 : i32 to vector<16xi32>
      %broadcast_in_dim3A_988 = vector.broadcast %jit3A_986 : i32 to vector<16xi32>
      %select_n3A_989 = arith.select %gt3A_732, %broadcast_in_dim3A_987, %broadcast_in_dim3A_988 : vector<16xi1>, vector<16xi32>
      %add3A_990 = arith.addi %add3A_774, %select_n3A_989 : vector<16xi32>
      %lt3A_991 = arith.constant 0 : i32
      %lt3A_992 = vector.broadcast %lt3A_991 : i32 to vector<16xi32>
      %lt3A_993 = arith.cmpi slt, %add3A_990, %lt3A_992 : vector<16xi32>
      %add3A_994 = arith.constant 16 : i32
      %add3A_995 = vector.broadcast %add3A_994 : i32 to vector<16xi32>
      %add3A_996 = arith.addi %add3A_990, %add3A_995 : vector<16xi32>
      %select_n3A_997 = arith.select %lt3A_993, %add3A_996, %add3A_990 : vector<16xi1>, vector<16xi32>
      %broadcast_in_dim3A_998 = vector.shape_cast %select_n3A_997 : vector<16xi32> to vector<16x1xi32>
      %gather3A_999 = vector.shape_cast %broadcast_in_dim3A_998 : vector<16x1xi32> to vector<16xi32>
      %gather3A_1000 = tpu.dynamic_gather %add3A_136[%gather3A_999] in [0] : vector<16xi32>, vector<16xi32> -> vector<16xi32>
      %add3A_1001 = arith.addi %gather3A_1000, %add3A_784 : vector<16xi32>
      %select_n3A_1002 = arith.select %gt3A_732, %get3A_553, %broadcast_in_dim3A_124 : vector<16xi1>, vector<16xf32>
      %add3A_1003 = arith.constant 0 : i32
      %add3A_1004 = vector.broadcast %add3A_1003 : i32 to vector<16xi32>
      %add3A_1005 = arith.addi %add3A_1001, %add3A_1004 : vector<16xi32>
      tpu.vector_store_idx %arg5[%add3A_1005], %select_n3A_1002 : memref<24576xf32, #tpu.memory_space<vmem>>[vector<16xi32>], vector<16xf32>,
      %select_n3A_1006 = arith.select %gt3A_732, %get3A_559, %broadcast_in_dim3A_124 : vector<16xi1>, vector<16xf32>
      %add3A_1007 = arith.constant 8192 : i32
      %add3A_1008 = vector.broadcast %add3A_1007 : i32 to vector<16xi32>
      %add3A_1009 = arith.addi %add3A_1001, %add3A_1008 : vector<16xi32>
      tpu.vector_store_idx %arg5[%add3A_1009], %select_n3A_1006 : memref<24576xf32, #tpu.memory_space<vmem>>[vector<16xi32>], vector<16xf32>,
      %select_n3A_1010 = arith.select %gt3A_732, %get3A_565, %broadcast_in_dim3A_124 : vector<16xi1>, vector<16xf32>
      %add3A_1011 = arith.constant 16384 : i32
      %add3A_1012 = vector.broadcast %add3A_1011 : i32 to vector<16xi32>
      %add3A_1013 = arith.addi %add3A_1001, %add3A_1012 : vector<16xi32>
      tpu.vector_store_idx %arg5[%add3A_1013], %select_n3A_1010 : memref<24576xf32, #tpu.memory_space<vmem>>[vector<16xi32>], vector<16xf32>,
      %jit3A_1014 = arith.constant 6 : i32
      %jit3A_1015 = arith.constant 6 : i32
      %broadcast_in_dim3A_1016 = vector.broadcast %jit3A_1014 : i32 to vector<16xi32>
      %broadcast_in_dim3A_1017 = vector.broadcast %jit3A_1015 : i32 to vector<16xi32>
      %select_n3A_1018 = arith.select %gt3A_735, %broadcast_in_dim3A_1016, %broadcast_in_dim3A_1017 : vector<16xi1>, vector<16xi32>
      %add3A_1019 = arith.addi %add3A_775, %select_n3A_1018 : vector<16xi32>
      %lt3A_1020 = arith.constant 0 : i32
      %lt3A_1021 = vector.broadcast %lt3A_1020 : i32 to vector<16xi32>
      %lt3A_1022 = arith.cmpi slt, %add3A_1019, %lt3A_1021 : vector<16xi32>
      %add3A_1023 = arith.constant 16 : i32
      %add3A_1024 = vector.broadcast %add3A_1023 : i32 to vector<16xi32>
      %add3A_1025 = arith.addi %add3A_1019, %add3A_1024 : vector<16xi32>
      %select_n3A_1026 = arith.select %lt3A_1022, %add3A_1025, %add3A_1019 : vector<16xi1>, vector<16xi32>
      %broadcast_in_dim3A_1027 = vector.shape_cast %select_n3A_1026 : vector<16xi32> to vector<16x1xi32>
      %gather3A_1028 = vector.shape_cast %broadcast_in_dim3A_1027 : vector<16x1xi32> to vector<16xi32>
      %gather3A_1029 = tpu.dynamic_gather %add3A_136[%gather3A_1028] in [0] : vector<16xi32>, vector<16xi32> -> vector<16xi32>
      %add3A_1030 = arith.addi %gather3A_1029, %add3A_784 : vector<16xi32>
      %select_n3A_1031 = arith.select %gt3A_735, %get3A_571, %broadcast_in_dim3A_124 : vector<16xi1>, vector<16xf32>
      %add3A_1032 = arith.constant 0 : i32
      %add3A_1033 = vector.broadcast %add3A_1032 : i32 to vector<16xi32>
      %add3A_1034 = arith.addi %add3A_1030, %add3A_1033 : vector<16xi32>
      tpu.vector_store_idx %arg5[%add3A_1034], %select_n3A_1031 : memref<24576xf32, #tpu.memory_space<vmem>>[vector<16xi32>], vector<16xf32>,
      %select_n3A_1035 = arith.select %gt3A_735, %get3A_577, %broadcast_in_dim3A_124 : vector<16xi1>, vector<16xf32>
      %add3A_1036 = arith.constant 8192 : i32
      %add3A_1037 = vector.broadcast %add3A_1036 : i32 to vector<16xi32>
      %add3A_1038 = arith.addi %add3A_1030, %add3A_1037 : vector<16xi32>
      tpu.vector_store_idx %arg5[%add3A_1038], %select_n3A_1035 : memref<24576xf32, #tpu.memory_space<vmem>>[vector<16xi32>], vector<16xf32>,
      %select_n3A_1039 = arith.select %gt3A_735, %get3A_583, %broadcast_in_dim3A_124 : vector<16xi1>, vector<16xf32>
      %add3A_1040 = arith.constant 16384 : i32
      %add3A_1041 = vector.broadcast %add3A_1040 : i32 to vector<16xi32>
      %add3A_1042 = arith.addi %add3A_1030, %add3A_1041 : vector<16xi32>
      tpu.vector_store_idx %arg5[%add3A_1042], %select_n3A_1039 : memref<24576xf32, #tpu.memory_space<vmem>>[vector<16xi32>], vector<16xf32>,
      %jit3A_1043 = arith.constant 9 : i32
      %jit3A_1044 = arith.constant 11 : i32
      %broadcast_in_dim3A_1045 = vector.broadcast %jit3A_1043 : i32 to vector<16xi32>
      %broadcast_in_dim3A_1046 = vector.broadcast %jit3A_1044 : i32 to vector<16xi32>
      %select_n3A_1047 = arith.select %gt3A_738, %broadcast_in_dim3A_1045, %broadcast_in_dim3A_1046 : vector<16xi1>, vector<16xi32>
      %add3A_1048 = arith.addi %broadcast_in_dim3A_126, %select_n3A_1047 : vector<16xi32>
      %lt3A_1049 = arith.constant 0 : i32
      %lt3A_1050 = vector.broadcast %lt3A_1049 : i32 to vector<16xi32>
      %lt3A_1051 = arith.cmpi slt, %add3A_1048, %lt3A_1050 : vector<16xi32>
      %add3A_1052 = arith.constant 16 : i32
      %add3A_1053 = vector.broadcast %add3A_1052 : i32 to vector<16xi32>
      %add3A_1054 = arith.addi %add3A_1048, %add3A_1053 : vector<16xi32>
      %select_n3A_1055 = arith.select %lt3A_1051, %add3A_1054, %add3A_1048 : vector<16xi1>, vector<16xi32>
      %broadcast_in_dim3A_1056 = vector.shape_cast %select_n3A_1055 : vector<16xi32> to vector<16x1xi32>
      %gather3A_1057 = vector.shape_cast %broadcast_in_dim3A_1056 : vector<16x1xi32> to vector<16xi32>
      %gather3A_1058 = tpu.dynamic_gather %add3A_136[%gather3A_1057] in [0] : vector<16xi32>, vector<16xi32> -> vector<16xi32>
      %add3A_1059 = arith.addi %gather3A_1058, %add3A_784 : vector<16xi32>
      %select_n3A_1060 = arith.select %gt3A_738, %get3A_589, %broadcast_in_dim3A_124 : vector<16xi1>, vector<16xf32>
      %add3A_1061 = arith.constant 0 : i32
      %add3A_1062 = vector.broadcast %add3A_1061 : i32 to vector<16xi32>
      %add3A_1063 = arith.addi %add3A_1059, %add3A_1062 : vector<16xi32>
      tpu.vector_store_idx %arg5[%add3A_1063], %select_n3A_1060 : memref<24576xf32, #tpu.memory_space<vmem>>[vector<16xi32>], vector<16xf32>,
      %select_n3A_1064 = arith.select %gt3A_738, %get3A_595, %broadcast_in_dim3A_124 : vector<16xi1>, vector<16xf32>
      %add3A_1065 = arith.constant 8192 : i32
      %add3A_1066 = vector.broadcast %add3A_1065 : i32 to vector<16xi32>
      %add3A_1067 = arith.addi %add3A_1059, %add3A_1066 : vector<16xi32>
      tpu.vector_store_idx %arg5[%add3A_1067], %select_n3A_1064 : memref<24576xf32, #tpu.memory_space<vmem>>[vector<16xi32>], vector<16xf32>,
      %select_n3A_1068 = arith.select %gt3A_738, %get3A_601, %broadcast_in_dim3A_124 : vector<16xi1>, vector<16xf32>
      %add3A_1069 = arith.constant 16384 : i32
      %add3A_1070 = vector.broadcast %add3A_1069 : i32 to vector<16xi32>
      %add3A_1071 = arith.addi %add3A_1059, %add3A_1070 : vector<16xi32>
      tpu.vector_store_idx %arg5[%add3A_1071], %select_n3A_1068 : memref<24576xf32, #tpu.memory_space<vmem>>[vector<16xi32>], vector<16xf32>,
      %jit3A_1072 = arith.constant 9 : i32
      %jit3A_1073 = arith.constant 10 : i32
      %broadcast_in_dim3A_1074 = vector.broadcast %jit3A_1072 : i32 to vector<16xi32>
      %broadcast_in_dim3A_1075 = vector.broadcast %jit3A_1073 : i32 to vector<16xi32>
      %select_n3A_1076 = arith.select %gt3A_741, %broadcast_in_dim3A_1074, %broadcast_in_dim3A_1075 : vector<16xi1>, vector<16xi32>
      %add3A_1077 = arith.addi %add3A_777, %select_n3A_1076 : vector<16xi32>
      %lt3A_1078 = arith.constant 0 : i32
      %lt3A_1079 = vector.broadcast %lt3A_1078 : i32 to vector<16xi32>
      %lt3A_1080 = arith.cmpi slt, %add3A_1077, %lt3A_1079 : vector<16xi32>
      %add3A_1081 = arith.constant 16 : i32
      %add3A_1082 = vector.broadcast %add3A_1081 : i32 to vector<16xi32>
      %add3A_1083 = arith.addi %add3A_1077, %add3A_1082 : vector<16xi32>
      %select_n3A_1084 = arith.select %lt3A_1080, %add3A_1083, %add3A_1077 : vector<16xi1>, vector<16xi32>
      %broadcast_in_dim3A_1085 = vector.shape_cast %select_n3A_1084 : vector<16xi32> to vector<16x1xi32>
      %gather3A_1086 = vector.shape_cast %broadcast_in_dim3A_1085 : vector<16x1xi32> to vector<16xi32>
      %gather3A_1087 = tpu.dynamic_gather %add3A_136[%gather3A_1086] in [0] : vector<16xi32>, vector<16xi32> -> vector<16xi32>
      %add3A_1088 = arith.addi %gather3A_1087, %add3A_784 : vector<16xi32>
      %select_n3A_1089 = arith.select %gt3A_741, %get3A_607, %broadcast_in_dim3A_124 : vector<16xi1>, vector<16xf32>
      %add3A_1090 = arith.constant 0 : i32
      %add3A_1091 = vector.broadcast %add3A_1090 : i32 to vector<16xi32>
      %add3A_1092 = arith.addi %add3A_1088, %add3A_1091 : vector<16xi32>
      tpu.vector_store_idx %arg5[%add3A_1092], %select_n3A_1089 : memref<24576xf32, #tpu.memory_space<vmem>>[vector<16xi32>], vector<16xf32>,
      %select_n3A_1093 = arith.select %gt3A_741, %get3A_613, %broadcast_in_dim3A_124 : vector<16xi1>, vector<16xf32>
      %add3A_1094 = arith.constant 8192 : i32
      %add3A_1095 = vector.broadcast %add3A_1094 : i32 to vector<16xi32>
      %add3A_1096 = arith.addi %add3A_1088, %add3A_1095 : vector<16xi32>
      tpu.vector_store_idx %arg5[%add3A_1096], %select_n3A_1093 : memref<24576xf32, #tpu.memory_space<vmem>>[vector<16xi32>], vector<16xf32>,
      %select_n3A_1097 = arith.select %gt3A_741, %get3A_619, %broadcast_in_dim3A_124 : vector<16xi1>, vector<16xf32>
      %add3A_1098 = arith.constant 16384 : i32
      %add3A_1099 = vector.broadcast %add3A_1098 : i32 to vector<16xi32>
      %add3A_1100 = arith.addi %add3A_1088, %add3A_1099 : vector<16xi32>
      tpu.vector_store_idx %arg5[%add3A_1100], %select_n3A_1097 : memref<24576xf32, #tpu.memory_space<vmem>>[vector<16xi32>], vector<16xf32>,
      %jit3A_1101 = arith.constant 9 : i32
      %jit3A_1102 = arith.constant 9 : i32
      %broadcast_in_dim3A_1103 = vector.broadcast %jit3A_1101 : i32 to vector<16xi32>
      %broadcast_in_dim3A_1104 = vector.broadcast %jit3A_1102 : i32 to vector<16xi32>
      %select_n3A_1105 = arith.select %gt3A_744, %broadcast_in_dim3A_1103, %broadcast_in_dim3A_1104 : vector<16xi1>, vector<16xi32>
      %add3A_1106 = arith.addi %add3A_778, %select_n3A_1105 : vector<16xi32>
      %lt3A_1107 = arith.constant 0 : i32
      %lt3A_1108 = vector.broadcast %lt3A_1107 : i32 to vector<16xi32>
      %lt3A_1109 = arith.cmpi slt, %add3A_1106, %lt3A_1108 : vector<16xi32>
      %add3A_1110 = arith.constant 16 : i32
      %add3A_1111 = vector.broadcast %add3A_1110 : i32 to vector<16xi32>
      %add3A_1112 = arith.addi %add3A_1106, %add3A_1111 : vector<16xi32>
      %select_n3A_1113 = arith.select %lt3A_1109, %add3A_1112, %add3A_1106 : vector<16xi1>, vector<16xi32>
      %broadcast_in_dim3A_1114 = vector.shape_cast %select_n3A_1113 : vector<16xi32> to vector<16x1xi32>
      %gather3A_1115 = vector.shape_cast %broadcast_in_dim3A_1114 : vector<16x1xi32> to vector<16xi32>
      %gather3A_1116 = tpu.dynamic_gather %add3A_136[%gather3A_1115] in [0] : vector<16xi32>, vector<16xi32> -> vector<16xi32>
      %add3A_1117 = arith.addi %gather3A_1116, %add3A_784 : vector<16xi32>
      %select_n3A_1118 = arith.select %gt3A_744, %get3A_625, %broadcast_in_dim3A_124 : vector<16xi1>, vector<16xf32>
      %add3A_1119 = arith.constant 0 : i32
      %add3A_1120 = vector.broadcast %add3A_1119 : i32 to vector<16xi32>
      %add3A_1121 = arith.addi %add3A_1117, %add3A_1120 : vector<16xi32>
      tpu.vector_store_idx %arg5[%add3A_1121], %select_n3A_1118 : memref<24576xf32, #tpu.memory_space<vmem>>[vector<16xi32>], vector<16xf32>,
      %select_n3A_1122 = arith.select %gt3A_744, %get3A_631, %broadcast_in_dim3A_124 : vector<16xi1>, vector<16xf32>
      %add3A_1123 = arith.constant 8192 : i32
      %add3A_1124 = vector.broadcast %add3A_1123 : i32 to vector<16xi32>
      %add3A_1125 = arith.addi %add3A_1117, %add3A_1124 : vector<16xi32>
      tpu.vector_store_idx %arg5[%add3A_1125], %select_n3A_1122 : memref<24576xf32, #tpu.memory_space<vmem>>[vector<16xi32>], vector<16xf32>,
      %select_n3A_1126 = arith.select %gt3A_744, %get3A_637, %broadcast_in_dim3A_124 : vector<16xi1>, vector<16xf32>
      %add3A_1127 = arith.constant 16384 : i32
      %add3A_1128 = vector.broadcast %add3A_1127 : i32 to vector<16xi32>
      %add3A_1129 = arith.addi %add3A_1117, %add3A_1128 : vector<16xi32>
      tpu.vector_store_idx %arg5[%add3A_1129], %select_n3A_1126 : memref<24576xf32, #tpu.memory_space<vmem>>[vector<16xi32>], vector<16xf32>,
      %jit3A_1130 = arith.constant 12 : i32
      %jit3A_1131 = arith.constant 14 : i32
      %broadcast_in_dim3A_1132 = vector.broadcast %jit3A_1130 : i32 to vector<16xi32>
      %broadcast_in_dim3A_1133 = vector.broadcast %jit3A_1131 : i32 to vector<16xi32>
      %select_n3A_1134 = arith.select %gt3A_747, %broadcast_in_dim3A_1132, %broadcast_in_dim3A_1133 : vector<16xi1>, vector<16xi32>
      %add3A_1135 = arith.addi %broadcast_in_dim3A_126, %select_n3A_1134 : vector<16xi32>
      %lt3A_1136 = arith.constant 0 : i32
      %lt3A_1137 = vector.broadcast %lt3A_1136 : i32 to vector<16xi32>
      %lt3A_1138 = arith.cmpi slt, %add3A_1135, %lt3A_1137 : vector<16xi32>
      %add3A_1139 = arith.constant 16 : i32
      %add3A_1140 = vector.broadcast %add3A_1139 : i32 to vector<16xi32>
      %add3A_1141 = arith.addi %add3A_1135, %add3A_1140 : vector<16xi32>
      %select_n3A_1142 = arith.select %lt3A_1138, %add3A_1141, %add3A_1135 : vector<16xi1>, vector<16xi32>
      %broadcast_in_dim3A_1143 = vector.shape_cast %select_n3A_1142 : vector<16xi32> to vector<16x1xi32>
      %gather3A_1144 = vector.shape_cast %broadcast_in_dim3A_1143 : vector<16x1xi32> to vector<16xi32>
      %gather3A_1145 = tpu.dynamic_gather %add3A_136[%gather3A_1144] in [0] : vector<16xi32>, vector<16xi32> -> vector<16xi32>
      %add3A_1146 = arith.addi %gather3A_1145, %add3A_784 : vector<16xi32>
      %select_n3A_1147 = arith.select %gt3A_747, %get3A_643, %broadcast_in_dim3A_124 : vector<16xi1>, vector<16xf32>
      %add3A_1148 = arith.constant 0 : i32
      %add3A_1149 = vector.broadcast %add3A_1148 : i32 to vector<16xi32>
      %add3A_1150 = arith.addi %add3A_1146, %add3A_1149 : vector<16xi32>
      tpu.vector_store_idx %arg5[%add3A_1150], %select_n3A_1147 : memref<24576xf32, #tpu.memory_space<vmem>>[vector<16xi32>], vector<16xf32>,
      %select_n3A_1151 = arith.select %gt3A_747, %get3A_649, %broadcast_in_dim3A_124 : vector<16xi1>, vector<16xf32>
      %add3A_1152 = arith.constant 8192 : i32
      %add3A_1153 = vector.broadcast %add3A_1152 : i32 to vector<16xi32>
      %add3A_1154 = arith.addi %add3A_1146, %add3A_1153 : vector<16xi32>
      tpu.vector_store_idx %arg5[%add3A_1154], %select_n3A_1151 : memref<24576xf32, #tpu.memory_space<vmem>>[vector<16xi32>], vector<16xf32>,
      %select_n3A_1155 = arith.select %gt3A_747, %get3A_655, %broadcast_in_dim3A_124 : vector<16xi1>, vector<16xf32>
      %add3A_1156 = arith.constant 16384 : i32
      %add3A_1157 = vector.broadcast %add3A_1156 : i32 to vector<16xi32>
      %add3A_1158 = arith.addi %add3A_1146, %add3A_1157 : vector<16xi32>
      tpu.vector_store_idx %arg5[%add3A_1158], %select_n3A_1155 : memref<24576xf32, #tpu.memory_space<vmem>>[vector<16xi32>], vector<16xf32>,
      %jit3A_1159 = arith.constant 12 : i32
      %jit3A_1160 = arith.constant 13 : i32
      %broadcast_in_dim3A_1161 = vector.broadcast %jit3A_1159 : i32 to vector<16xi32>
      %broadcast_in_dim3A_1162 = vector.broadcast %jit3A_1160 : i32 to vector<16xi32>
      %select_n3A_1163 = arith.select %gt3A_750, %broadcast_in_dim3A_1161, %broadcast_in_dim3A_1162 : vector<16xi1>, vector<16xi32>
      %add3A_1164 = arith.addi %add3A_780, %select_n3A_1163 : vector<16xi32>
      %lt3A_1165 = arith.constant 0 : i32
      %lt3A_1166 = vector.broadcast %lt3A_1165 : i32 to vector<16xi32>
      %lt3A_1167 = arith.cmpi slt, %add3A_1164, %lt3A_1166 : vector<16xi32>
      %add3A_1168 = arith.constant 16 : i32
      %add3A_1169 = vector.broadcast %add3A_1168 : i32 to vector<16xi32>
      %add3A_1170 = arith.addi %add3A_1164, %add3A_1169 : vector<16xi32>
      %select_n3A_1171 = arith.select %lt3A_1167, %add3A_1170, %add3A_1164 : vector<16xi1>, vector<16xi32>
      %broadcast_in_dim3A_1172 = vector.shape_cast %select_n3A_1171 : vector<16xi32> to vector<16x1xi32>
      %gather3A_1173 = vector.shape_cast %broadcast_in_dim3A_1172 : vector<16x1xi32> to vector<16xi32>
      %gather3A_1174 = tpu.dynamic_gather %add3A_136[%gather3A_1173] in [0] : vector<16xi32>, vector<16xi32> -> vector<16xi32>
      %add3A_1175 = arith.addi %gather3A_1174, %add3A_784 : vector<16xi32>
      %select_n3A_1176 = arith.select %gt3A_750, %get3A_661, %broadcast_in_dim3A_124 : vector<16xi1>, vector<16xf32>
      %add3A_1177 = arith.constant 0 : i32
      %add3A_1178 = vector.broadcast %add3A_1177 : i32 to vector<16xi32>
      %add3A_1179 = arith.addi %add3A_1175, %add3A_1178 : vector<16xi32>
      tpu.vector_store_idx %arg5[%add3A_1179], %select_n3A_1176 : memref<24576xf32, #tpu.memory_space<vmem>>[vector<16xi32>], vector<16xf32>,
      %select_n3A_1180 = arith.select %gt3A_750, %get3A_667, %broadcast_in_dim3A_124 : vector<16xi1>, vector<16xf32>
      %add3A_1181 = arith.constant 8192 : i32
      %add3A_1182 = vector.broadcast %add3A_1181 : i32 to vector<16xi32>
      %add3A_1183 = arith.addi %add3A_1175, %add3A_1182 : vector<16xi32>
      tpu.vector_store_idx %arg5[%add3A_1183], %select_n3A_1180 : memref<24576xf32, #tpu.memory_space<vmem>>[vector<16xi32>], vector<16xf32>,
      %select_n3A_1184 = arith.select %gt3A_750, %get3A_673, %broadcast_in_dim3A_124 : vector<16xi1>, vector<16xf32>
      %add3A_1185 = arith.constant 16384 : i32
      %add3A_1186 = vector.broadcast %add3A_1185 : i32 to vector<16xi32>
      %add3A_1187 = arith.addi %add3A_1175, %add3A_1186 : vector<16xi32>
      tpu.vector_store_idx %arg5[%add3A_1187], %select_n3A_1184 : memref<24576xf32, #tpu.memory_space<vmem>>[vector<16xi32>], vector<16xf32>,
      %jit3A_1188 = arith.constant 12 : i32
      %jit3A_1189 = arith.constant 12 : i32
      %broadcast_in_dim3A_1190 = vector.broadcast %jit3A_1188 : i32 to vector<16xi32>
      %broadcast_in_dim3A_1191 = vector.broadcast %jit3A_1189 : i32 to vector<16xi32>
      %select_n3A_1192 = arith.select %gt3A_753, %broadcast_in_dim3A_1190, %broadcast_in_dim3A_1191 : vector<16xi1>, vector<16xi32>
      %add3A_1193 = arith.addi %add3A_781, %select_n3A_1192 : vector<16xi32>
      %lt3A_1194 = arith.constant 0 : i32
      %lt3A_1195 = vector.broadcast %lt3A_1194 : i32 to vector<16xi32>
      %lt3A_1196 = arith.cmpi slt, %add3A_1193, %lt3A_1195 : vector<16xi32>
      %add3A_1197 = arith.constant 16 : i32
      %add3A_1198 = vector.broadcast %add3A_1197 : i32 to vector<16xi32>
      %add3A_1199 = arith.addi %add3A_1193, %add3A_1198 : vector<16xi32>
      %select_n3A_1200 = arith.select %lt3A_1196, %add3A_1199, %add3A_1193 : vector<16xi1>, vector<16xi32>
      %broadcast_in_dim3A_1201 = vector.shape_cast %select_n3A_1200 : vector<16xi32> to vector<16x1xi32>
      %gather3A_1202 = vector.shape_cast %broadcast_in_dim3A_1201 : vector<16x1xi32> to vector<16xi32>
      %gather3A_1203 = tpu.dynamic_gather %add3A_136[%gather3A_1202] in [0] : vector<16xi32>, vector<16xi32> -> vector<16xi32>
      %add3A_1204 = arith.addi %gather3A_1203, %add3A_784 : vector<16xi32>
      %select_n3A_1205 = arith.select %gt3A_753, %get3A_679, %broadcast_in_dim3A_124 : vector<16xi1>, vector<16xf32>
      %add3A_1206 = arith.constant 0 : i32
      %add3A_1207 = vector.broadcast %add3A_1206 : i32 to vector<16xi32>
      %add3A_1208 = arith.addi %add3A_1204, %add3A_1207 : vector<16xi32>
      tpu.vector_store_idx %arg5[%add3A_1208], %select_n3A_1205 : memref<24576xf32, #tpu.memory_space<vmem>>[vector<16xi32>], vector<16xf32>,
      %select_n3A_1209 = arith.select %gt3A_753, %get3A_685, %broadcast_in_dim3A_124 : vector<16xi1>, vector<16xf32>
      %add3A_1210 = arith.constant 8192 : i32
      %add3A_1211 = vector.broadcast %add3A_1210 : i32 to vector<16xi32>
      %add3A_1212 = arith.addi %add3A_1204, %add3A_1211 : vector<16xi32>
      tpu.vector_store_idx %arg5[%add3A_1212], %select_n3A_1209 : memref<24576xf32, #tpu.memory_space<vmem>>[vector<16xi32>], vector<16xf32>,
      %select_n3A_1213 = arith.select %gt3A_753, %get3A_691, %broadcast_in_dim3A_124 : vector<16xi1>, vector<16xf32>
      %add3A_1214 = arith.constant 16384 : i32
      %add3A_1215 = vector.broadcast %add3A_1214 : i32 to vector<16xi32>
      %add3A_1216 = arith.addi %add3A_1204, %add3A_1215 : vector<16xi32>
      tpu.vector_store_idx %arg5[%add3A_1216], %select_n3A_1213 : memref<24576xf32, #tpu.memory_space<vmem>>[vector<16xi32>], vector<16xf32>,
      %add3A_1217 = arith.constant 4096 : i32
      %add3A_1218 = arith.addi %add3A_422, %add3A_1217 : i32
      %add3A_1219 = arith.constant 896 : i32
      %add3A_1220 = arith.addi %add3A_1218, %add3A_1219 : i32
      %swap3A = arith.index_cast %add3A_1220 : i32 to index
      %swap3A_1221 = tpu.vector_load %arg5[%swap3A] {strides = array<i32>} : memref<24576xf32, #tpu.memory_space<vmem>>, vector<16xf32>,
      tpu.vector_store %arg5[%swap3A], %get3A_697 {strides = array<i32>} : memref<24576xf32, #tpu.memory_space<vmem>>, vector<16xf32>,
      %add3A_1222 = arith.constant 12288 : i32
      %add3A_1223 = arith.addi %add3A_422, %add3A_1222 : i32
      %add3A_1224 = arith.constant 896 : i32
      %add3A_1225 = arith.addi %add3A_1223, %add3A_1224 : i32
      %swap3A_1226 = arith.index_cast %add3A_1225 : i32 to index
      %swap3A_1227 = tpu.vector_load %arg5[%swap3A_1226] {strides = array<i32>} : memref<24576xf32, #tpu.memory_space<vmem>>, vector<16xf32>,
      tpu.vector_store %arg5[%swap3A_1226], %get3A_703 {strides = array<i32>} : memref<24576xf32, #tpu.memory_space<vmem>>, vector<16xf32>,
      %add3A_1228 = arith.constant 20480 : i32
      %add3A_1229 = arith.addi %add3A_422, %add3A_1228 : i32
      %add3A_1230 = arith.constant 896 : i32
      %add3A_1231 = arith.addi %add3A_1229, %add3A_1230 : i32
      %swap3A_1232 = arith.index_cast %add3A_1231 : i32 to index
      %swap3A_1233 = tpu.vector_load %arg5[%swap3A_1232] {strides = array<i32>} : memref<24576xf32, #tpu.memory_space<vmem>>, vector<16xf32>,
      tpu.vector_store %arg5[%swap3A_1232], %get3A_709 {strides = array<i32>} : memref<24576xf32, #tpu.memory_space<vmem>>, vector<16xf32>,
      %mul3A_1234 = arith.constant 2 : i32
      %mul3A_1235 = arith.muli %scan3A_411, %mul3A_1234 : i32
      %add3A_1236 = arith.constant 1 : i32
      %add3A_1237 = arith.addi %mul3A_1235, %add3A_1236 : i32
      %shift_right_arithmetic3A_1238 = arith.constant 3 : i32
      %shift_right_arithmetic3A_1239 = arith.shrsi %add3A_1237, %shift_right_arithmetic3A_1238 : i32
      %mul3A_1240 = arith.constant 1024 : i32
      %mul3A_1241 = arith.muli %shift_right_arithmetic3A_1239, %mul3A_1240 : i32
      %and3A_1242 = arith.constant 7 : i32
      %and3A_1243 = arith.andi %add3A_1237, %and3A_1242 : i32
      %mul3A_1244 = arith.constant 16 : i32
      %mul3A_1245 = arith.muli %and3A_1243, %mul3A_1244 : i32
      %add3A_1246 = arith.addi %mul3A_1241, %mul3A_1245 : i32
      %add3A_1247 = arith.constant 0 : i32
      %add3A_1248 = arith.addi %add3A_1246, %add3A_1247 : i32
      %add3A_1249 = arith.constant 0 : i32
      %add3A_1250 = arith.addi %add3A_1248, %add3A_1249 : i32
      %get3A_1251 = arith.index_cast %add3A_1250 : i32 to index
      %get3A_1252 = tpu.vector_load %arg4[%get3A_1251] {strides = array<i32>} : memref<24576xf32, #tpu.memory_space<vmem>>, vector<16xf32>,
      %add3A_1253 = arith.constant 8192 : i32
      %add3A_1254 = arith.addi %add3A_1246, %add3A_1253 : i32
      %add3A_1255 = arith.constant 0 : i32
      %add3A_1256 = arith.addi %add3A_1254, %add3A_1255 : i32
      %get3A_1257 = arith.index_cast %add3A_1256 : i32 to index
      %get3A_1258 = tpu.vector_load %arg4[%get3A_1257] {strides = array<i32>} : memref<24576xf32, #tpu.memory_space<vmem>>, vector<16xf32>,
      %add3A_1259 = arith.constant 16384 : i32
      %add3A_1260 = arith.addi %add3A_1246, %add3A_1259 : i32
      %add3A_1261 = arith.constant 0 : i32
      %add3A_1262 = arith.addi %add3A_1260, %add3A_1261 : i32
      %get3A_1263 = arith.index_cast %add3A_1262 : i32 to index
      %get3A_1264 = tpu.vector_load %arg4[%get3A_1263] {strides = array<i32>} : memref<24576xf32, #tpu.memory_space<vmem>>, vector<16xf32>,
      %add3A_1265 = arith.constant 0 : i32
      %add3A_1266 = arith.addi %add3A_1246, %add3A_1265 : i32
      %add3A_1267 = arith.constant 128 : i32
      %add3A_1268 = arith.addi %add3A_1266, %add3A_1267 : i32
      %get3A_1269 = arith.index_cast %add3A_1268 : i32 to index
      %get3A_1270 = tpu.vector_load %arg4[%get3A_1269] {strides = array<i32>} : memref<24576xf32, #tpu.memory_space<vmem>>, vector<16xf32>,
      %add3A_1271 = arith.constant 8192 : i32
      %add3A_1272 = arith.addi %add3A_1246, %add3A_1271 : i32
      %add3A_1273 = arith.constant 128 : i32
      %add3A_1274 = arith.addi %add3A_1272, %add3A_1273 : i32
      %get3A_1275 = arith.index_cast %add3A_1274 : i32 to index
      %get3A_1276 = tpu.vector_load %arg4[%get3A_1275] {strides = array<i32>} : memref<24576xf32, #tpu.memory_space<vmem>>, vector<16xf32>,
      %add3A_1277 = arith.constant 16384 : i32
      %add3A_1278 = arith.addi %add3A_1246, %add3A_1277 : i32
      %add3A_1279 = arith.constant 128 : i32
      %add3A_1280 = arith.addi %add3A_1278, %add3A_1279 : i32
      %get3A_1281 = arith.index_cast %add3A_1280 : i32 to index
      %get3A_1282 = tpu.vector_load %arg4[%get3A_1281] {strides = array<i32>} : memref<24576xf32, #tpu.memory_space<vmem>>, vector<16xf32>,
      %add3A_1283 = arith.constant 0 : i32
      %add3A_1284 = arith.addi %add3A_1246, %add3A_1283 : i32
      %add3A_1285 = arith.constant 256 : i32
      %add3A_1286 = arith.addi %add3A_1284, %add3A_1285 : i32
      %get3A_1287 = arith.index_cast %add3A_1286 : i32 to index
      %get3A_1288 = tpu.vector_load %arg4[%get3A_1287] {strides = array<i32>} : memref<24576xf32, #tpu.memory_space<vmem>>, vector<16xf32>,
      %add3A_1289 = arith.constant 8192 : i32
      %add3A_1290 = arith.addi %add3A_1246, %add3A_1289 : i32
      %add3A_1291 = arith.constant 256 : i32
      %add3A_1292 = arith.addi %add3A_1290, %add3A_1291 : i32
      %get3A_1293 = arith.index_cast %add3A_1292 : i32 to index
      %get3A_1294 = tpu.vector_load %arg4[%get3A_1293] {strides = array<i32>} : memref<24576xf32, #tpu.memory_space<vmem>>, vector<16xf32>,
      %add3A_1295 = arith.constant 16384 : i32
      %add3A_1296 = arith.addi %add3A_1246, %add3A_1295 : i32
      %add3A_1297 = arith.constant 256 : i32
      %add3A_1298 = arith.addi %add3A_1296, %add3A_1297 : i32
      %get3A_1299 = arith.index_cast %add3A_1298 : i32 to index
      %get3A_1300 = tpu.vector_load %arg4[%get3A_1299] {strides = array<i32>} : memref<24576xf32, #tpu.memory_space<vmem>>, vector<16xf32>,
      %add3A_1301 = arith.constant 0 : i32
      %add3A_1302 = arith.addi %add3A_1246, %add3A_1301 : i32
      %add3A_1303 = arith.constant 384 : i32
      %add3A_1304 = arith.addi %add3A_1302, %add3A_1303 : i32
      %get3A_1305 = arith.index_cast %add3A_1304 : i32 to index
      %get3A_1306 = tpu.vector_load %arg4[%get3A_1305] {strides = array<i32>} : memref<24576xf32, #tpu.memory_space<vmem>>, vector<16xf32>,
      %add3A_1307 = arith.constant 8192 : i32
      %add3A_1308 = arith.addi %add3A_1246, %add3A_1307 : i32
      %add3A_1309 = arith.constant 384 : i32
      %add3A_1310 = arith.addi %add3A_1308, %add3A_1309 : i32
      %get3A_1311 = arith.index_cast %add3A_1310 : i32 to index
      %get3A_1312 = tpu.vector_load %arg4[%get3A_1311] {strides = array<i32>} : memref<24576xf32, #tpu.memory_space<vmem>>, vector<16xf32>,
      %add3A_1313 = arith.constant 16384 : i32
      %add3A_1314 = arith.addi %add3A_1246, %add3A_1313 : i32
      %add3A_1315 = arith.constant 384 : i32
      %add3A_1316 = arith.addi %add3A_1314, %add3A_1315 : i32
      %get3A_1317 = arith.index_cast %add3A_1316 : i32 to index
      %get3A_1318 = tpu.vector_load %arg4[%get3A_1317] {strides = array<i32>} : memref<24576xf32, #tpu.memory_space<vmem>>, vector<16xf32>,
      %add3A_1319 = arith.constant 0 : i32
      %add3A_1320 = arith.addi %add3A_1246, %add3A_1319 : i32
      %add3A_1321 = arith.constant 512 : i32
      %add3A_1322 = arith.addi %add3A_1320, %add3A_1321 : i32
      %get3A_1323 = arith.index_cast %add3A_1322 : i32 to index
      %get3A_1324 = tpu.vector_load %arg4[%get3A_1323] {strides = array<i32>} : memref<24576xf32, #tpu.memory_space<vmem>>, vector<16xf32>,
      %add3A_1325 = arith.constant 8192 : i32
      %add3A_1326 = arith.addi %add3A_1246, %add3A_1325 : i32
      %add3A_1327 = arith.constant 512 : i32
      %add3A_1328 = arith.addi %add3A_1326, %add3A_1327 : i32
      %get3A_1329 = arith.index_cast %add3A_1328 : i32 to index
      %get3A_1330 = tpu.vector_load %arg4[%get3A_1329] {strides = array<i32>} : memref<24576xf32, #tpu.memory_space<vmem>>, vector<16xf32>,
      %add3A_1331 = arith.constant 16384 : i32
      %add3A_1332 = arith.addi %add3A_1246, %add3A_1331 : i32
      %add3A_1333 = arith.constant 512 : i32
      %add3A_1334 = arith.addi %add3A_1332, %add3A_1333 : i32
      %get3A_1335 = arith.index_cast %add3A_1334 : i32 to index
      %get3A_1336 = tpu.vector_load %arg4[%get3A_1335] {strides = array<i32>} : memref<24576xf32, #tpu.memory_space<vmem>>, vector<16xf32>,
      %add3A_1337 = arith.constant 0 : i32
      %add3A_1338 = arith.addi %add3A_1246, %add3A_1337 : i32
      %add3A_1339 = arith.constant 640 : i32
      %add3A_1340 = arith.addi %add3A_1338, %add3A_1339 : i32
      %get3A_1341 = arith.index_cast %add3A_1340 : i32 to index
      %get3A_1342 = tpu.vector_load %arg4[%get3A_1341] {strides = array<i32>} : memref<24576xf32, #tpu.memory_space<vmem>>, vector<16xf32>,
      %add3A_1343 = arith.constant 8192 : i32
      %add3A_1344 = arith.addi %add3A_1246, %add3A_1343 : i32
      %add3A_1345 = arith.constant 640 : i32
      %add3A_1346 = arith.addi %add3A_1344, %add3A_1345 : i32
      %get3A_1347 = arith.index_cast %add3A_1346 : i32 to index
      %get3A_1348 = tpu.vector_load %arg4[%get3A_1347] {strides = array<i32>} : memref<24576xf32, #tpu.memory_space<vmem>>, vector<16xf32>,
      %add3A_1349 = arith.constant 16384 : i32
      %add3A_1350 = arith.addi %add3A_1246, %add3A_1349 : i32
      %add3A_1351 = arith.constant 640 : i32
      %add3A_1352 = arith.addi %add3A_1350, %add3A_1351 : i32
      %get3A_1353 = arith.index_cast %add3A_1352 : i32 to index
      %get3A_1354 = tpu.vector_load %arg4[%get3A_1353] {strides = array<i32>} : memref<24576xf32, #tpu.memory_space<vmem>>, vector<16xf32>,
      %add3A_1355 = arith.constant 0 : i32
      %add3A_1356 = arith.addi %add3A_1246, %add3A_1355 : i32
      %add3A_1357 = arith.constant 768 : i32
      %add3A_1358 = arith.addi %add3A_1356, %add3A_1357 : i32
      %get3A_1359 = arith.index_cast %add3A_1358 : i32 to index
      %get3A_1360 = tpu.vector_load %arg4[%get3A_1359] {strides = array<i32>} : memref<24576xf32, #tpu.memory_space<vmem>>, vector<16xf32>,
      %add3A_1361 = arith.constant 8192 : i32
      %add3A_1362 = arith.addi %add3A_1246, %add3A_1361 : i32
      %add3A_1363 = arith.constant 768 : i32
      %add3A_1364 = arith.addi %add3A_1362, %add3A_1363 : i32
      %get3A_1365 = arith.index_cast %add3A_1364 : i32 to index
      %get3A_1366 = tpu.vector_load %arg4[%get3A_1365] {strides = array<i32>} : memref<24576xf32, #tpu.memory_space<vmem>>, vector<16xf32>,
      %add3A_1367 = arith.constant 16384 : i32
      %add3A_1368 = arith.addi %add3A_1246, %add3A_1367 : i32
      %add3A_1369 = arith.constant 768 : i32
      %add3A_1370 = arith.addi %add3A_1368, %add3A_1369 : i32
      %get3A_1371 = arith.index_cast %add3A_1370 : i32 to index
      %get3A_1372 = tpu.vector_load %arg4[%get3A_1371] {strides = array<i32>} : memref<24576xf32, #tpu.memory_space<vmem>>, vector<16xf32>,
      %add3A_1373 = arith.constant 0 : i32
      %add3A_1374 = arith.addi %add3A_1246, %add3A_1373 : i32
      %add3A_1375 = arith.constant 896 : i32
      %add3A_1376 = arith.addi %add3A_1374, %add3A_1375 : i32
      %get3A_1377 = arith.index_cast %add3A_1376 : i32 to index
      %get3A_1378 = tpu.vector_load %arg4[%get3A_1377] {strides = array<i32>} : memref<24576xf32, #tpu.memory_space<vmem>>, vector<16xf32>,
      %add3A_1379 = arith.constant 8192 : i32
      %add3A_1380 = arith.addi %add3A_1246, %add3A_1379 : i32
      %add3A_1381 = arith.constant 896 : i32
      %add3A_1382 = arith.addi %add3A_1380, %add3A_1381 : i32
      %get3A_1383 = arith.index_cast %add3A_1382 : i32 to index
      %get3A_1384 = tpu.vector_load %arg4[%get3A_1383] {strides = array<i32>} : memref<24576xf32, #tpu.memory_space<vmem>>, vector<16xf32>,
      %add3A_1385 = arith.constant 16384 : i32
      %add3A_1386 = arith.addi %add3A_1246, %add3A_1385 : i32
      %add3A_1387 = arith.constant 896 : i32
      %add3A_1388 = arith.addi %add3A_1386, %add3A_1387 : i32
      %get3A_1389 = arith.index_cast %add3A_1388 : i32 to index
      %get3A_1390 = tpu.vector_load %arg4[%get3A_1389] {strides = array<i32>} : memref<24576xf32, #tpu.memory_space<vmem>>, vector<16xf32>,
      %add3A_1391 = arith.constant 4096 : i32
      %add3A_1392 = arith.addi %add3A_1246, %add3A_1391 : i32
      %add3A_1393 = arith.constant 0 : i32
      %add3A_1394 = arith.addi %add3A_1392, %add3A_1393 : i32
      %get3A_1395 = arith.index_cast %add3A_1394 : i32 to index
      %get3A_1396 = tpu.vector_load %arg4[%get3A_1395] {strides = array<i32>} : memref<24576xf32, #tpu.memory_space<vmem>>, vector<16xf32>,
      %add3A_1397 = arith.constant 12288 : i32
      %add3A_1398 = arith.addi %add3A_1246, %add3A_1397 : i32
      %add3A_1399 = arith.constant 0 : i32
      %add3A_1400 = arith.addi %add3A_1398, %add3A_1399 : i32
      %get3A_1401 = arith.index_cast %add3A_1400 : i32 to index
      %get3A_1402 = tpu.vector_load %arg4[%get3A_1401] {strides = array<i32>} : memref<24576xf32, #tpu.memory_space<vmem>>, vector<16xf32>,
      %add3A_1403 = arith.constant 20480 : i32
      %add3A_1404 = arith.addi %add3A_1246, %add3A_1403 : i32
      %add3A_1405 = arith.constant 0 : i32
      %add3A_1406 = arith.addi %add3A_1404, %add3A_1405 : i32
      %get3A_1407 = arith.index_cast %add3A_1406 : i32 to index
      %get3A_1408 = tpu.vector_load %arg4[%get3A_1407] {strides = array<i32>} : memref<24576xf32, #tpu.memory_space<vmem>>, vector<16xf32>,
      %add3A_1409 = arith.constant 4096 : i32
      %add3A_1410 = arith.addi %add3A_1246, %add3A_1409 : i32
      %add3A_1411 = arith.constant 128 : i32
      %add3A_1412 = arith.addi %add3A_1410, %add3A_1411 : i32
      %get3A_1413 = arith.index_cast %add3A_1412 : i32 to index
      %get3A_1414 = tpu.vector_load %arg4[%get3A_1413] {strides = array<i32>} : memref<24576xf32, #tpu.memory_space<vmem>>, vector<16xf32>,
      %add3A_1415 = arith.constant 12288 : i32
      %add3A_1416 = arith.addi %add3A_1246, %add3A_1415 : i32
      %add3A_1417 = arith.constant 128 : i32
      %add3A_1418 = arith.addi %add3A_1416, %add3A_1417 : i32
      %get3A_1419 = arith.index_cast %add3A_1418 : i32 to index
      %get3A_1420 = tpu.vector_load %arg4[%get3A_1419] {strides = array<i32>} : memref<24576xf32, #tpu.memory_space<vmem>>, vector<16xf32>,
      %add3A_1421 = arith.constant 20480 : i32
      %add3A_1422 = arith.addi %add3A_1246, %add3A_1421 : i32
      %add3A_1423 = arith.constant 128 : i32
      %add3A_1424 = arith.addi %add3A_1422, %add3A_1423 : i32
      %get3A_1425 = arith.index_cast %add3A_1424 : i32 to index
      %get3A_1426 = tpu.vector_load %arg4[%get3A_1425] {strides = array<i32>} : memref<24576xf32, #tpu.memory_space<vmem>>, vector<16xf32>,
      %add3A_1427 = arith.constant 4096 : i32
      %add3A_1428 = arith.addi %add3A_1246, %add3A_1427 : i32
      %add3A_1429 = arith.constant 256 : i32
      %add3A_1430 = arith.addi %add3A_1428, %add3A_1429 : i32
      %get3A_1431 = arith.index_cast %add3A_1430 : i32 to index
      %get3A_1432 = tpu.vector_load %arg4[%get3A_1431] {strides = array<i32>} : memref<24576xf32, #tpu.memory_space<vmem>>, vector<16xf32>,
      %add3A_1433 = arith.constant 12288 : i32
      %add3A_1434 = arith.addi %add3A_1246, %add3A_1433 : i32
      %add3A_1435 = arith.constant 256 : i32
      %add3A_1436 = arith.addi %add3A_1434, %add3A_1435 : i32
      %get3A_1437 = arith.index_cast %add3A_1436 : i32 to index
      %get3A_1438 = tpu.vector_load %arg4[%get3A_1437] {strides = array<i32>} : memref<24576xf32, #tpu.memory_space<vmem>>, vector<16xf32>,
      %add3A_1439 = arith.constant 20480 : i32
      %add3A_1440 = arith.addi %add3A_1246, %add3A_1439 : i32
      %add3A_1441 = arith.constant 256 : i32
      %add3A_1442 = arith.addi %add3A_1440, %add3A_1441 : i32
      %get3A_1443 = arith.index_cast %add3A_1442 : i32 to index
      %get3A_1444 = tpu.vector_load %arg4[%get3A_1443] {strides = array<i32>} : memref<24576xf32, #tpu.memory_space<vmem>>, vector<16xf32>,
      %add3A_1445 = arith.constant 4096 : i32
      %add3A_1446 = arith.addi %add3A_1246, %add3A_1445 : i32
      %add3A_1447 = arith.constant 384 : i32
      %add3A_1448 = arith.addi %add3A_1446, %add3A_1447 : i32
      %get3A_1449 = arith.index_cast %add3A_1448 : i32 to index
      %get3A_1450 = tpu.vector_load %arg4[%get3A_1449] {strides = array<i32>} : memref<24576xf32, #tpu.memory_space<vmem>>, vector<16xf32>,
      %add3A_1451 = arith.constant 12288 : i32
      %add3A_1452 = arith.addi %add3A_1246, %add3A_1451 : i32
      %add3A_1453 = arith.constant 384 : i32
      %add3A_1454 = arith.addi %add3A_1452, %add3A_1453 : i32
      %get3A_1455 = arith.index_cast %add3A_1454 : i32 to index
      %get3A_1456 = tpu.vector_load %arg4[%get3A_1455] {strides = array<i32>} : memref<24576xf32, #tpu.memory_space<vmem>>, vector<16xf32>,
      %add3A_1457 = arith.constant 20480 : i32
      %add3A_1458 = arith.addi %add3A_1246, %add3A_1457 : i32
      %add3A_1459 = arith.constant 384 : i32
      %add3A_1460 = arith.addi %add3A_1458, %add3A_1459 : i32
      %get3A_1461 = arith.index_cast %add3A_1460 : i32 to index
      %get3A_1462 = tpu.vector_load %arg4[%get3A_1461] {strides = array<i32>} : memref<24576xf32, #tpu.memory_space<vmem>>, vector<16xf32>,
      %add3A_1463 = arith.constant 4096 : i32
      %add3A_1464 = arith.addi %add3A_1246, %add3A_1463 : i32
      %add3A_1465 = arith.constant 512 : i32
      %add3A_1466 = arith.addi %add3A_1464, %add3A_1465 : i32
      %get3A_1467 = arith.index_cast %add3A_1466 : i32 to index
      %get3A_1468 = tpu.vector_load %arg4[%get3A_1467] {strides = array<i32>} : memref<24576xf32, #tpu.memory_space<vmem>>, vector<16xf32>,
      %add3A_1469 = arith.constant 12288 : i32
      %add3A_1470 = arith.addi %add3A_1246, %add3A_1469 : i32
      %add3A_1471 = arith.constant 512 : i32
      %add3A_1472 = arith.addi %add3A_1470, %add3A_1471 : i32
      %get3A_1473 = arith.index_cast %add3A_1472 : i32 to index
      %get3A_1474 = tpu.vector_load %arg4[%get3A_1473] {strides = array<i32>} : memref<24576xf32, #tpu.memory_space<vmem>>, vector<16xf32>,
      %add3A_1475 = arith.constant 20480 : i32
      %add3A_1476 = arith.addi %add3A_1246, %add3A_1475 : i32
      %add3A_1477 = arith.constant 512 : i32
      %add3A_1478 = arith.addi %add3A_1476, %add3A_1477 : i32
      %get3A_1479 = arith.index_cast %add3A_1478 : i32 to index
      %get3A_1480 = tpu.vector_load %arg4[%get3A_1479] {strides = array<i32>} : memref<24576xf32, #tpu.memory_space<vmem>>, vector<16xf32>,
      %add3A_1481 = arith.constant 4096 : i32
      %add3A_1482 = arith.addi %add3A_1246, %add3A_1481 : i32
      %add3A_1483 = arith.constant 640 : i32
      %add3A_1484 = arith.addi %add3A_1482, %add3A_1483 : i32
      %get3A_1485 = arith.index_cast %add3A_1484 : i32 to index
      %get3A_1486 = tpu.vector_load %arg4[%get3A_1485] {strides = array<i32>} : memref<24576xf32, #tpu.memory_space<vmem>>, vector<16xf32>,
      %add3A_1487 = arith.constant 12288 : i32
      %add3A_1488 = arith.addi %add3A_1246, %add3A_1487 : i32
      %add3A_1489 = arith.constant 640 : i32
      %add3A_1490 = arith.addi %add3A_1488, %add3A_1489 : i32
      %get3A_1491 = arith.index_cast %add3A_1490 : i32 to index
      %get3A_1492 = tpu.vector_load %arg4[%get3A_1491] {strides = array<i32>} : memref<24576xf32, #tpu.memory_space<vmem>>, vector<16xf32>,
      %add3A_1493 = arith.constant 20480 : i32
      %add3A_1494 = arith.addi %add3A_1246, %add3A_1493 : i32
      %add3A_1495 = arith.constant 640 : i32
      %add3A_1496 = arith.addi %add3A_1494, %add3A_1495 : i32
      %get3A_1497 = arith.index_cast %add3A_1496 : i32 to index
      %get3A_1498 = tpu.vector_load %arg4[%get3A_1497] {strides = array<i32>} : memref<24576xf32, #tpu.memory_space<vmem>>, vector<16xf32>,
      %add3A_1499 = arith.constant 4096 : i32
      %add3A_1500 = arith.addi %add3A_1246, %add3A_1499 : i32
      %add3A_1501 = arith.constant 768 : i32
      %add3A_1502 = arith.addi %add3A_1500, %add3A_1501 : i32
      %get3A_1503 = arith.index_cast %add3A_1502 : i32 to index
      %get3A_1504 = tpu.vector_load %arg4[%get3A_1503] {strides = array<i32>} : memref<24576xf32, #tpu.memory_space<vmem>>, vector<16xf32>,
      %add3A_1505 = arith.constant 12288 : i32
      %add3A_1506 = arith.addi %add3A_1246, %add3A_1505 : i32
      %add3A_1507 = arith.constant 768 : i32
      %add3A_1508 = arith.addi %add3A_1506, %add3A_1507 : i32
      %get3A_1509 = arith.index_cast %add3A_1508 : i32 to index
      %get3A_1510 = tpu.vector_load %arg4[%get3A_1509] {strides = array<i32>} : memref<24576xf32, #tpu.memory_space<vmem>>, vector<16xf32>,
      %add3A_1511 = arith.constant 20480 : i32
      %add3A_1512 = arith.addi %add3A_1246, %add3A_1511 : i32
      %add3A_1513 = arith.constant 768 : i32
      %add3A_1514 = arith.addi %add3A_1512, %add3A_1513 : i32
      %get3A_1515 = arith.index_cast %add3A_1514 : i32 to index
      %get3A_1516 = tpu.vector_load %arg4[%get3A_1515] {strides = array<i32>} : memref<24576xf32, #tpu.memory_space<vmem>>, vector<16xf32>,
      %add3A_1517 = arith.constant 4096 : i32
      %add3A_1518 = arith.addi %add3A_1246, %add3A_1517 : i32
      %add3A_1519 = arith.constant 896 : i32
      %add3A_1520 = arith.addi %add3A_1518, %add3A_1519 : i32
      %get3A_1521 = arith.index_cast %add3A_1520 : i32 to index
      %get3A_1522 = tpu.vector_load %arg4[%get3A_1521] {strides = array<i32>} : memref<24576xf32, #tpu.memory_space<vmem>>, vector<16xf32>,
      %add3A_1523 = arith.constant 12288 : i32
      %add3A_1524 = arith.addi %add3A_1246, %add3A_1523 : i32
      %add3A_1525 = arith.constant 896 : i32
      %add3A_1526 = arith.addi %add3A_1524, %add3A_1525 : i32
      %get3A_1527 = arith.index_cast %add3A_1526 : i32 to index
      %get3A_1528 = tpu.vector_load %arg4[%get3A_1527] {strides = array<i32>} : memref<24576xf32, #tpu.memory_space<vmem>>, vector<16xf32>,
      %add3A_1529 = arith.constant 20480 : i32
      %add3A_1530 = arith.addi %add3A_1246, %add3A_1529 : i32
      %add3A_1531 = arith.constant 896 : i32
      %add3A_1532 = arith.addi %add3A_1530, %add3A_1531 : i32
      %get3A_1533 = arith.index_cast %add3A_1532 : i32 to index
      %get3A_1534 = tpu.vector_load %arg4[%get3A_1533] {strides = array<i32>} : memref<24576xf32, #tpu.memory_space<vmem>>, vector<16xf32>,
      %gt3A_1535 = arith.constant 0.000000e+00 : f32
      %gt3A_1536 = vector.broadcast %gt3A_1535 : f32 to vector<16xf32>
      %gt3A_1537 = arith.cmpf ogt, %get3A_1252, %gt3A_1536 : vector<16xf32>
      %gt3A_1538 = arith.constant 0.000000e+00 : f32
      %gt3A_1539 = vector.broadcast %gt3A_1538 : f32 to vector<16xf32>
      %gt3A_1540 = arith.cmpf ogt, %get3A_1270, %gt3A_1539 : vector<16xf32>
      %gt3A_1541 = arith.constant 0.000000e+00 : f32
      %gt3A_1542 = vector.broadcast %gt3A_1541 : f32 to vector<16xf32>
      %gt3A_1543 = arith.cmpf ogt, %get3A_1288, %gt3A_1542 : vector<16xf32>
      %gt3A_1544 = arith.constant 0.000000e+00 : f32
      %gt3A_1545 = vector.broadcast %gt3A_1544 : f32 to vector<16xf32>
      %gt3A_1546 = arith.cmpf ogt, %get3A_1306, %gt3A_1545 : vector<16xf32>
      %gt3A_1547 = arith.constant 0.000000e+00 : f32
      %gt3A_1548 = vector.broadcast %gt3A_1547 : f32 to vector<16xf32>
      %gt3A_1549 = arith.cmpf ogt, %get3A_1324, %gt3A_1548 : vector<16xf32>
      %gt3A_1550 = arith.constant 0.000000e+00 : f32
      %gt3A_1551 = vector.broadcast %gt3A_1550 : f32 to vector<16xf32>
      %gt3A_1552 = arith.cmpf ogt, %get3A_1342, %gt3A_1551 : vector<16xf32>
      %gt3A_1553 = arith.constant 0.000000e+00 : f32
      %gt3A_1554 = vector.broadcast %gt3A_1553 : f32 to vector<16xf32>
      %gt3A_1555 = arith.cmpf ogt, %get3A_1360, %gt3A_1554 : vector<16xf32>
      %gt3A_1556 = arith.constant 0.000000e+00 : f32
      %gt3A_1557 = vector.broadcast %gt3A_1556 : f32 to vector<16xf32>
      %gt3A_1558 = arith.cmpf ogt, %get3A_1378, %gt3A_1557 : vector<16xf32>
      %gt3A_1559 = arith.constant 0.000000e+00 : f32
      %gt3A_1560 = vector.broadcast %gt3A_1559 : f32 to vector<16xf32>
      %gt3A_1561 = arith.cmpf ogt, %get3A_1396, %gt3A_1560 : vector<16xf32>
      %gt3A_1562 = arith.constant 0.000000e+00 : f32
      %gt3A_1563 = vector.broadcast %gt3A_1562 : f32 to vector<16xf32>
      %gt3A_1564 = arith.cmpf ogt, %get3A_1414, %gt3A_1563 : vector<16xf32>
      %gt3A_1565 = arith.constant 0.000000e+00 : f32
      %gt3A_1566 = vector.broadcast %gt3A_1565 : f32 to vector<16xf32>
      %gt3A_1567 = arith.cmpf ogt, %get3A_1432, %gt3A_1566 : vector<16xf32>
      %gt3A_1568 = arith.constant 0.000000e+00 : f32
      %gt3A_1569 = vector.broadcast %gt3A_1568 : f32 to vector<16xf32>
      %gt3A_1570 = arith.cmpf ogt, %get3A_1450, %gt3A_1569 : vector<16xf32>
      %gt3A_1571 = arith.constant 0.000000e+00 : f32
      %gt3A_1572 = vector.broadcast %gt3A_1571 : f32 to vector<16xf32>
      %gt3A_1573 = arith.cmpf ogt, %get3A_1468, %gt3A_1572 : vector<16xf32>
      %gt3A_1574 = arith.constant 0.000000e+00 : f32
      %gt3A_1575 = vector.broadcast %gt3A_1574 : f32 to vector<16xf32>
      %gt3A_1576 = arith.cmpf ogt, %get3A_1486, %gt3A_1575 : vector<16xf32>
      %gt3A_1577 = arith.constant 0.000000e+00 : f32
      %gt3A_1578 = vector.broadcast %gt3A_1577 : f32 to vector<16xf32>
      %gt3A_1579 = arith.cmpf ogt, %get3A_1504, %gt3A_1578 : vector<16xf32>
      %select_n3A_1580 = arith.select %gt3A_1537, %broadcast_in_dim3A_122, %broadcast_in_dim3A_126 : vector<16xi1>, vector<16xi32>
      %select_n3A_1581 = arith.select %gt3A_1540, %broadcast_in_dim3A_122, %broadcast_in_dim3A_126 : vector<16xi1>, vector<16xi32>
      %select_n3A_1582 = arith.select %gt3A_1543, %broadcast_in_dim3A_122, %broadcast_in_dim3A_126 : vector<16xi1>, vector<16xi32>
      %select_n3A_1583 = arith.select %gt3A_1546, %broadcast_in_dim3A_122, %broadcast_in_dim3A_126 : vector<16xi1>, vector<16xi32>
      %select_n3A_1584 = arith.select %gt3A_1549, %broadcast_in_dim3A_122, %broadcast_in_dim3A_126 : vector<16xi1>, vector<16xi32>
      %select_n3A_1585 = arith.select %gt3A_1552, %broadcast_in_dim3A_122, %broadcast_in_dim3A_126 : vector<16xi1>, vector<16xi32>
      %select_n3A_1586 = arith.select %gt3A_1555, %broadcast_in_dim3A_122, %broadcast_in_dim3A_126 : vector<16xi1>, vector<16xi32>
      %select_n3A_1587 = arith.select %gt3A_1558, %broadcast_in_dim3A_122, %broadcast_in_dim3A_126 : vector<16xi1>, vector<16xi32>
      %select_n3A_1588 = arith.select %gt3A_1561, %broadcast_in_dim3A_122, %broadcast_in_dim3A_126 : vector<16xi1>, vector<16xi32>
      %select_n3A_1589 = arith.select %gt3A_1564, %broadcast_in_dim3A_122, %broadcast_in_dim3A_126 : vector<16xi1>, vector<16xi32>
      %select_n3A_1590 = arith.select %gt3A_1567, %broadcast_in_dim3A_122, %broadcast_in_dim3A_126 : vector<16xi1>, vector<16xi32>
      %select_n3A_1591 = arith.select %gt3A_1570, %broadcast_in_dim3A_122, %broadcast_in_dim3A_126 : vector<16xi1>, vector<16xi32>
      %select_n3A_1592 = arith.select %gt3A_1573, %broadcast_in_dim3A_122, %broadcast_in_dim3A_126 : vector<16xi1>, vector<16xi32>
      %select_n3A_1593 = arith.select %gt3A_1576, %broadcast_in_dim3A_122, %broadcast_in_dim3A_126 : vector<16xi1>, vector<16xi32>
      %select_n3A_1594 = arith.select %gt3A_1579, %broadcast_in_dim3A_122, %broadcast_in_dim3A_126 : vector<16xi1>, vector<16xi32>
      %add3A_1595 = arith.addi %broadcast_in_dim3A_126, %select_n3A_1580 : vector<16xi32>
      %add3A_1596 = arith.addi %add3A_1595, %select_n3A_1581 : vector<16xi32>
      %add3A_1597 = arith.addi %add3A_1596, %select_n3A_1582 : vector<16xi32>
      %add3A_1598 = arith.addi %add3A_1597, %select_n3A_1583 : vector<16xi32>
      %add3A_1599 = arith.addi %add3A_1598, %select_n3A_1584 : vector<16xi32>
      %add3A_1600 = arith.addi %add3A_1599, %select_n3A_1585 : vector<16xi32>
      %add3A_1601 = arith.addi %broadcast_in_dim3A_126, %select_n3A_1586 : vector<16xi32>
      %add3A_1602 = arith.addi %add3A_1601, %select_n3A_1587 : vector<16xi32>
      %add3A_1603 = arith.addi %add3A_1602, %select_n3A_1588 : vector<16xi32>
      %add3A_1604 = arith.addi %broadcast_in_dim3A_126, %select_n3A_1589 : vector<16xi32>
      %add3A_1605 = arith.addi %add3A_1604, %select_n3A_1590 : vector<16xi32>
      %add3A_1606 = arith.addi %add3A_1605, %select_n3A_1591 : vector<16xi32>
      %add3A_1607 = arith.addi %broadcast_in_dim3A_126, %select_n3A_1592 : vector<16xi32>
      %add3A_1608 = arith.addi %add3A_1607, %select_n3A_1593 : vector<16xi32>
      %add3A_1609 = arith.addi %add3A_1608, %select_n3A_1594 : vector<16xi32>
      %add3A_1610 = vector.broadcast %add3A_1246 : i32 to vector<16xi32>
      %add3A_1611 = arith.addi %add3A_1610, %iota3A : vector<16xi32>
      %jit3A_1612 = arith.constant 0 : i32
      %jit3A_1613 = arith.constant 5 : i32
      %broadcast_in_dim3A_1614 = vector.broadcast %jit3A_1612 : i32 to vector<16xi32>
      %broadcast_in_dim3A_1615 = vector.broadcast %jit3A_1613 : i32 to vector<16xi32>
      %select_n3A_1616 = arith.select %gt3A_1537, %broadcast_in_dim3A_1614, %broadcast_in_dim3A_1615 : vector<16xi1>, vector<16xi32>
      %add3A_1617 = arith.addi %broadcast_in_dim3A_126, %select_n3A_1616 : vector<16xi32>
      %lt3A_1618 = arith.constant 0 : i32
      %lt3A_1619 = vector.broadcast %lt3A_1618 : i32 to vector<16xi32>
      %lt3A_1620 = arith.cmpi slt, %add3A_1617, %lt3A_1619 : vector<16xi32>
      %add3A_1621 = arith.constant 16 : i32
      %add3A_1622 = vector.broadcast %add3A_1621 : i32 to vector<16xi32>
      %add3A_1623 = arith.addi %add3A_1617, %add3A_1622 : vector<16xi32>
      %select_n3A_1624 = arith.select %lt3A_1620, %add3A_1623, %add3A_1617 : vector<16xi1>, vector<16xi32>
      %broadcast_in_dim3A_1625 = vector.shape_cast %select_n3A_1624 : vector<16xi32> to vector<16x1xi32>
      %gather3A_1626 = vector.shape_cast %broadcast_in_dim3A_1625 : vector<16x1xi32> to vector<16xi32>
      %gather3A_1627 = tpu.dynamic_gather %add3A_136[%gather3A_1626] in [0] : vector<16xi32>, vector<16xi32> -> vector<16xi32>
      %add3A_1628 = arith.addi %gather3A_1627, %add3A_1611 : vector<16xi32>
      %select_n3A_1629 = arith.select %gt3A_1537, %get3A_1252, %broadcast_in_dim3A_124 : vector<16xi1>, vector<16xf32>
      %add3A_1630 = arith.constant 0 : i32
      %add3A_1631 = vector.broadcast %add3A_1630 : i32 to vector<16xi32>
      %add3A_1632 = arith.addi %add3A_1628, %add3A_1631 : vector<16xi32>
      tpu.vector_store_idx %arg5[%add3A_1632], %select_n3A_1629 : memref<24576xf32, #tpu.memory_space<vmem>>[vector<16xi32>], vector<16xf32>,
      %select_n3A_1633 = arith.select %gt3A_1537, %get3A_1258, %broadcast_in_dim3A_124 : vector<16xi1>, vector<16xf32>
      %add3A_1634 = arith.constant 8192 : i32
      %add3A_1635 = vector.broadcast %add3A_1634 : i32 to vector<16xi32>
      %add3A_1636 = arith.addi %add3A_1628, %add3A_1635 : vector<16xi32>
      tpu.vector_store_idx %arg5[%add3A_1636], %select_n3A_1633 : memref<24576xf32, #tpu.memory_space<vmem>>[vector<16xi32>], vector<16xf32>,
      %select_n3A_1637 = arith.select %gt3A_1537, %get3A_1264, %broadcast_in_dim3A_124 : vector<16xi1>, vector<16xf32>
      %add3A_1638 = arith.constant 16384 : i32
      %add3A_1639 = vector.broadcast %add3A_1638 : i32 to vector<16xi32>
      %add3A_1640 = arith.addi %add3A_1628, %add3A_1639 : vector<16xi32>
      tpu.vector_store_idx %arg5[%add3A_1640], %select_n3A_1637 : memref<24576xf32, #tpu.memory_space<vmem>>[vector<16xi32>], vector<16xf32>,
      %jit3A_1641 = arith.constant 0 : i32
      %jit3A_1642 = arith.constant 4 : i32
      %broadcast_in_dim3A_1643 = vector.broadcast %jit3A_1641 : i32 to vector<16xi32>
      %broadcast_in_dim3A_1644 = vector.broadcast %jit3A_1642 : i32 to vector<16xi32>
      %select_n3A_1645 = arith.select %gt3A_1540, %broadcast_in_dim3A_1643, %broadcast_in_dim3A_1644 : vector<16xi1>, vector<16xi32>
      %add3A_1646 = arith.addi %add3A_1595, %select_n3A_1645 : vector<16xi32>
      %lt3A_1647 = arith.constant 0 : i32
      %lt3A_1648 = vector.broadcast %lt3A_1647 : i32 to vector<16xi32>
      %lt3A_1649 = arith.cmpi slt, %add3A_1646, %lt3A_1648 : vector<16xi32>
      %add3A_1650 = arith.constant 16 : i32
      %add3A_1651 = vector.broadcast %add3A_1650 : i32 to vector<16xi32>
      %add3A_1652 = arith.addi %add3A_1646, %add3A_1651 : vector<16xi32>
      %select_n3A_1653 = arith.select %lt3A_1649, %add3A_1652, %add3A_1646 : vector<16xi1>, vector<16xi32>
      %broadcast_in_dim3A_1654 = vector.shape_cast %select_n3A_1653 : vector<16xi32> to vector<16x1xi32>
      %gather3A_1655 = vector.shape_cast %broadcast_in_dim3A_1654 : vector<16x1xi32> to vector<16xi32>
      %gather3A_1656 = tpu.dynamic_gather %add3A_136[%gather3A_1655] in [0] : vector<16xi32>, vector<16xi32> -> vector<16xi32>
      %add3A_1657 = arith.addi %gather3A_1656, %add3A_1611 : vector<16xi32>
      %select_n3A_1658 = arith.select %gt3A_1540, %get3A_1270, %broadcast_in_dim3A_124 : vector<16xi1>, vector<16xf32>
      %add3A_1659 = arith.constant 0 : i32
      %add3A_1660 = vector.broadcast %add3A_1659 : i32 to vector<16xi32>
      %add3A_1661 = arith.addi %add3A_1657, %add3A_1660 : vector<16xi32>
      tpu.vector_store_idx %arg5[%add3A_1661], %select_n3A_1658 : memref<24576xf32, #tpu.memory_space<vmem>>[vector<16xi32>], vector<16xf32>,
      %select_n3A_1662 = arith.select %gt3A_1540, %get3A_1276, %broadcast_in_dim3A_124 : vector<16xi1>, vector<16xf32>
      %add3A_1663 = arith.constant 8192 : i32
      %add3A_1664 = vector.broadcast %add3A_1663 : i32 to vector<16xi32>
      %add3A_1665 = arith.addi %add3A_1657, %add3A_1664 : vector<16xi32>
      tpu.vector_store_idx %arg5[%add3A_1665], %select_n3A_1662 : memref<24576xf32, #tpu.memory_space<vmem>>[vector<16xi32>], vector<16xf32>,
      %select_n3A_1666 = arith.select %gt3A_1540, %get3A_1282, %broadcast_in_dim3A_124 : vector<16xi1>, vector<16xf32>
      %add3A_1667 = arith.constant 16384 : i32
      %add3A_1668 = vector.broadcast %add3A_1667 : i32 to vector<16xi32>
      %add3A_1669 = arith.addi %add3A_1657, %add3A_1668 : vector<16xi32>
      tpu.vector_store_idx %arg5[%add3A_1669], %select_n3A_1666 : memref<24576xf32, #tpu.memory_space<vmem>>[vector<16xi32>], vector<16xf32>,
      %jit3A_1670 = arith.constant 0 : i32
      %jit3A_1671 = arith.constant 3 : i32
      %broadcast_in_dim3A_1672 = vector.broadcast %jit3A_1670 : i32 to vector<16xi32>
      %broadcast_in_dim3A_1673 = vector.broadcast %jit3A_1671 : i32 to vector<16xi32>
      %select_n3A_1674 = arith.select %gt3A_1543, %broadcast_in_dim3A_1672, %broadcast_in_dim3A_1673 : vector<16xi1>, vector<16xi32>
      %add3A_1675 = arith.addi %add3A_1596, %select_n3A_1674 : vector<16xi32>
      %lt3A_1676 = arith.constant 0 : i32
      %lt3A_1677 = vector.broadcast %lt3A_1676 : i32 to vector<16xi32>
      %lt3A_1678 = arith.cmpi slt, %add3A_1675, %lt3A_1677 : vector<16xi32>
      %add3A_1679 = arith.constant 16 : i32
      %add3A_1680 = vector.broadcast %add3A_1679 : i32 to vector<16xi32>
      %add3A_1681 = arith.addi %add3A_1675, %add3A_1680 : vector<16xi32>
      %select_n3A_1682 = arith.select %lt3A_1678, %add3A_1681, %add3A_1675 : vector<16xi1>, vector<16xi32>
      %broadcast_in_dim3A_1683 = vector.shape_cast %select_n3A_1682 : vector<16xi32> to vector<16x1xi32>
      %gather3A_1684 = vector.shape_cast %broadcast_in_dim3A_1683 : vector<16x1xi32> to vector<16xi32>
      %gather3A_1685 = tpu.dynamic_gather %add3A_136[%gather3A_1684] in [0] : vector<16xi32>, vector<16xi32> -> vector<16xi32>
      %add3A_1686 = arith.addi %gather3A_1685, %add3A_1611 : vector<16xi32>
      %select_n3A_1687 = arith.select %gt3A_1543, %get3A_1288, %broadcast_in_dim3A_124 : vector<16xi1>, vector<16xf32>
      %add3A_1688 = arith.constant 0 : i32
      %add3A_1689 = vector.broadcast %add3A_1688 : i32 to vector<16xi32>
      %add3A_1690 = arith.addi %add3A_1686, %add3A_1689 : vector<16xi32>
      tpu.vector_store_idx %arg5[%add3A_1690], %select_n3A_1687 : memref<24576xf32, #tpu.memory_space<vmem>>[vector<16xi32>], vector<16xf32>,
      %select_n3A_1691 = arith.select %gt3A_1543, %get3A_1294, %broadcast_in_dim3A_124 : vector<16xi1>, vector<16xf32>
      %add3A_1692 = arith.constant 8192 : i32
      %add3A_1693 = vector.broadcast %add3A_1692 : i32 to vector<16xi32>
      %add3A_1694 = arith.addi %add3A_1686, %add3A_1693 : vector<16xi32>
      tpu.vector_store_idx %arg5[%add3A_1694], %select_n3A_1691 : memref<24576xf32, #tpu.memory_space<vmem>>[vector<16xi32>], vector<16xf32>,
      %select_n3A_1695 = arith.select %gt3A_1543, %get3A_1300, %broadcast_in_dim3A_124 : vector<16xi1>, vector<16xf32>
      %add3A_1696 = arith.constant 16384 : i32
      %add3A_1697 = vector.broadcast %add3A_1696 : i32 to vector<16xi32>
      %add3A_1698 = arith.addi %add3A_1686, %add3A_1697 : vector<16xi32>
      tpu.vector_store_idx %arg5[%add3A_1698], %select_n3A_1695 : memref<24576xf32, #tpu.memory_space<vmem>>[vector<16xi32>], vector<16xf32>,
      %jit3A_1699 = arith.constant 0 : i32
      %jit3A_1700 = arith.constant 2 : i32
      %broadcast_in_dim3A_1701 = vector.broadcast %jit3A_1699 : i32 to vector<16xi32>
      %broadcast_in_dim3A_1702 = vector.broadcast %jit3A_1700 : i32 to vector<16xi32>
      %select_n3A_1703 = arith.select %gt3A_1546, %broadcast_in_dim3A_1701, %broadcast_in_dim3A_1702 : vector<16xi1>, vector<16xi32>
      %add3A_1704 = arith.addi %add3A_1597, %select_n3A_1703 : vector<16xi32>
      %lt3A_1705 = arith.constant 0 : i32
      %lt3A_1706 = vector.broadcast %lt3A_1705 : i32 to vector<16xi32>
      %lt3A_1707 = arith.cmpi slt, %add3A_1704, %lt3A_1706 : vector<16xi32>
      %add3A_1708 = arith.constant 16 : i32
      %add3A_1709 = vector.broadcast %add3A_1708 : i32 to vector<16xi32>
      %add3A_1710 = arith.addi %add3A_1704, %add3A_1709 : vector<16xi32>
      %select_n3A_1711 = arith.select %lt3A_1707, %add3A_1710, %add3A_1704 : vector<16xi1>, vector<16xi32>
      %broadcast_in_dim3A_1712 = vector.shape_cast %select_n3A_1711 : vector<16xi32> to vector<16x1xi32>
      %gather3A_1713 = vector.shape_cast %broadcast_in_dim3A_1712 : vector<16x1xi32> to vector<16xi32>
      %gather3A_1714 = tpu.dynamic_gather %add3A_136[%gather3A_1713] in [0] : vector<16xi32>, vector<16xi32> -> vector<16xi32>
      %add3A_1715 = arith.addi %gather3A_1714, %add3A_1611 : vector<16xi32>
      %select_n3A_1716 = arith.select %gt3A_1546, %get3A_1306, %broadcast_in_dim3A_124 : vector<16xi1>, vector<16xf32>
      %add3A_1717 = arith.constant 0 : i32
      %add3A_1718 = vector.broadcast %add3A_1717 : i32 to vector<16xi32>
      %add3A_1719 = arith.addi %add3A_1715, %add3A_1718 : vector<16xi32>
      tpu.vector_store_idx %arg5[%add3A_1719], %select_n3A_1716 : memref<24576xf32, #tpu.memory_space<vmem>>[vector<16xi32>], vector<16xf32>,
      %select_n3A_1720 = arith.select %gt3A_1546, %get3A_1312, %broadcast_in_dim3A_124 : vector<16xi1>, vector<16xf32>
      %add3A_1721 = arith.constant 8192 : i32
      %add3A_1722 = vector.broadcast %add3A_1721 : i32 to vector<16xi32>
      %add3A_1723 = arith.addi %add3A_1715, %add3A_1722 : vector<16xi32>
      tpu.vector_store_idx %arg5[%add3A_1723], %select_n3A_1720 : memref<24576xf32, #tpu.memory_space<vmem>>[vector<16xi32>], vector<16xf32>,
      %select_n3A_1724 = arith.select %gt3A_1546, %get3A_1318, %broadcast_in_dim3A_124 : vector<16xi1>, vector<16xf32>
      %add3A_1725 = arith.constant 16384 : i32
      %add3A_1726 = vector.broadcast %add3A_1725 : i32 to vector<16xi32>
      %add3A_1727 = arith.addi %add3A_1715, %add3A_1726 : vector<16xi32>
      tpu.vector_store_idx %arg5[%add3A_1727], %select_n3A_1724 : memref<24576xf32, #tpu.memory_space<vmem>>[vector<16xi32>], vector<16xf32>,
      %jit3A_1728 = arith.constant 0 : i32
      %jit3A_1729 = arith.constant 1 : i32
      %broadcast_in_dim3A_1730 = vector.broadcast %jit3A_1728 : i32 to vector<16xi32>
      %broadcast_in_dim3A_1731 = vector.broadcast %jit3A_1729 : i32 to vector<16xi32>
      %select_n3A_1732 = arith.select %gt3A_1549, %broadcast_in_dim3A_1730, %broadcast_in_dim3A_1731 : vector<16xi1>, vector<16xi32>
      %add3A_1733 = arith.addi %add3A_1598, %select_n3A_1732 : vector<16xi32>
      %lt3A_1734 = arith.constant 0 : i32
      %lt3A_1735 = vector.broadcast %lt3A_1734 : i32 to vector<16xi32>
      %lt3A_1736 = arith.cmpi slt, %add3A_1733, %lt3A_1735 : vector<16xi32>
      %add3A_1737 = arith.constant 16 : i32
      %add3A_1738 = vector.broadcast %add3A_1737 : i32 to vector<16xi32>
      %add3A_1739 = arith.addi %add3A_1733, %add3A_1738 : vector<16xi32>
      %select_n3A_1740 = arith.select %lt3A_1736, %add3A_1739, %add3A_1733 : vector<16xi1>, vector<16xi32>
      %broadcast_in_dim3A_1741 = vector.shape_cast %select_n3A_1740 : vector<16xi32> to vector<16x1xi32>
      %gather3A_1742 = vector.shape_cast %broadcast_in_dim3A_1741 : vector<16x1xi32> to vector<16xi32>
      %gather3A_1743 = tpu.dynamic_gather %add3A_136[%gather3A_1742] in [0] : vector<16xi32>, vector<16xi32> -> vector<16xi32>
      %add3A_1744 = arith.addi %gather3A_1743, %add3A_1611 : vector<16xi32>
      %select_n3A_1745 = arith.select %gt3A_1549, %get3A_1324, %broadcast_in_dim3A_124 : vector<16xi1>, vector<16xf32>
      %add3A_1746 = arith.constant 0 : i32
      %add3A_1747 = vector.broadcast %add3A_1746 : i32 to vector<16xi32>
      %add3A_1748 = arith.addi %add3A_1744, %add3A_1747 : vector<16xi32>
      tpu.vector_store_idx %arg5[%add3A_1748], %select_n3A_1745 : memref<24576xf32, #tpu.memory_space<vmem>>[vector<16xi32>], vector<16xf32>,
      %select_n3A_1749 = arith.select %gt3A_1549, %get3A_1330, %broadcast_in_dim3A_124 : vector<16xi1>, vector<16xf32>
      %add3A_1750 = arith.constant 8192 : i32
      %add3A_1751 = vector.broadcast %add3A_1750 : i32 to vector<16xi32>
      %add3A_1752 = arith.addi %add3A_1744, %add3A_1751 : vector<16xi32>
      tpu.vector_store_idx %arg5[%add3A_1752], %select_n3A_1749 : memref<24576xf32, #tpu.memory_space<vmem>>[vector<16xi32>], vector<16xf32>,
      %select_n3A_1753 = arith.select %gt3A_1549, %get3A_1336, %broadcast_in_dim3A_124 : vector<16xi1>, vector<16xf32>
      %add3A_1754 = arith.constant 16384 : i32
      %add3A_1755 = vector.broadcast %add3A_1754 : i32 to vector<16xi32>
      %add3A_1756 = arith.addi %add3A_1744, %add3A_1755 : vector<16xi32>
      tpu.vector_store_idx %arg5[%add3A_1756], %select_n3A_1753 : memref<24576xf32, #tpu.memory_space<vmem>>[vector<16xi32>], vector<16xf32>,
      %jit3A_1757 = arith.constant 0 : i32
      %jit3A_1758 = arith.constant 0 : i32
      %broadcast_in_dim3A_1759 = vector.broadcast %jit3A_1757 : i32 to vector<16xi32>
      %broadcast_in_dim3A_1760 = vector.broadcast %jit3A_1758 : i32 to vector<16xi32>
      %select_n3A_1761 = arith.select %gt3A_1552, %broadcast_in_dim3A_1759, %broadcast_in_dim3A_1760 : vector<16xi1>, vector<16xi32>
      %add3A_1762 = arith.addi %add3A_1599, %select_n3A_1761 : vector<16xi32>
      %lt3A_1763 = arith.constant 0 : i32
      %lt3A_1764 = vector.broadcast %lt3A_1763 : i32 to vector<16xi32>
      %lt3A_1765 = arith.cmpi slt, %add3A_1762, %lt3A_1764 : vector<16xi32>
      %add3A_1766 = arith.constant 16 : i32
      %add3A_1767 = vector.broadcast %add3A_1766 : i32 to vector<16xi32>
      %add3A_1768 = arith.addi %add3A_1762, %add3A_1767 : vector<16xi32>
      %select_n3A_1769 = arith.select %lt3A_1765, %add3A_1768, %add3A_1762 : vector<16xi1>, vector<16xi32>
      %broadcast_in_dim3A_1770 = vector.shape_cast %select_n3A_1769 : vector<16xi32> to vector<16x1xi32>
      %gather3A_1771 = vector.shape_cast %broadcast_in_dim3A_1770 : vector<16x1xi32> to vector<16xi32>
      %gather3A_1772 = tpu.dynamic_gather %add3A_136[%gather3A_1771] in [0] : vector<16xi32>, vector<16xi32> -> vector<16xi32>
      %add3A_1773 = arith.addi %gather3A_1772, %add3A_1611 : vector<16xi32>
      %select_n3A_1774 = arith.select %gt3A_1552, %get3A_1342, %broadcast_in_dim3A_124 : vector<16xi1>, vector<16xf32>
      %add3A_1775 = arith.constant 0 : i32
      %add3A_1776 = vector.broadcast %add3A_1775 : i32 to vector<16xi32>
      %add3A_1777 = arith.addi %add3A_1773, %add3A_1776 : vector<16xi32>
      tpu.vector_store_idx %arg5[%add3A_1777], %select_n3A_1774 : memref<24576xf32, #tpu.memory_space<vmem>>[vector<16xi32>], vector<16xf32>,
      %select_n3A_1778 = arith.select %gt3A_1552, %get3A_1348, %broadcast_in_dim3A_124 : vector<16xi1>, vector<16xf32>
      %add3A_1779 = arith.constant 8192 : i32
      %add3A_1780 = vector.broadcast %add3A_1779 : i32 to vector<16xi32>
      %add3A_1781 = arith.addi %add3A_1773, %add3A_1780 : vector<16xi32>
      tpu.vector_store_idx %arg5[%add3A_1781], %select_n3A_1778 : memref<24576xf32, #tpu.memory_space<vmem>>[vector<16xi32>], vector<16xf32>,
      %select_n3A_1782 = arith.select %gt3A_1552, %get3A_1354, %broadcast_in_dim3A_124 : vector<16xi1>, vector<16xf32>
      %add3A_1783 = arith.constant 16384 : i32
      %add3A_1784 = vector.broadcast %add3A_1783 : i32 to vector<16xi32>
      %add3A_1785 = arith.addi %add3A_1773, %add3A_1784 : vector<16xi32>
      tpu.vector_store_idx %arg5[%add3A_1785], %select_n3A_1782 : memref<24576xf32, #tpu.memory_space<vmem>>[vector<16xi32>], vector<16xf32>,
      %jit3A_1786 = arith.constant 6 : i32
      %jit3A_1787 = arith.constant 8 : i32
      %broadcast_in_dim3A_1788 = vector.broadcast %jit3A_1786 : i32 to vector<16xi32>
      %broadcast_in_dim3A_1789 = vector.broadcast %jit3A_1787 : i32 to vector<16xi32>
      %select_n3A_1790 = arith.select %gt3A_1555, %broadcast_in_dim3A_1788, %broadcast_in_dim3A_1789 : vector<16xi1>, vector<16xi32>
      %add3A_1791 = arith.addi %broadcast_in_dim3A_126, %select_n3A_1790 : vector<16xi32>
      %lt3A_1792 = arith.constant 0 : i32
      %lt3A_1793 = vector.broadcast %lt3A_1792 : i32 to vector<16xi32>
      %lt3A_1794 = arith.cmpi slt, %add3A_1791, %lt3A_1793 : vector<16xi32>
      %add3A_1795 = arith.constant 16 : i32
      %add3A_1796 = vector.broadcast %add3A_1795 : i32 to vector<16xi32>
      %add3A_1797 = arith.addi %add3A_1791, %add3A_1796 : vector<16xi32>
      %select_n3A_1798 = arith.select %lt3A_1794, %add3A_1797, %add3A_1791 : vector<16xi1>, vector<16xi32>
      %broadcast_in_dim3A_1799 = vector.shape_cast %select_n3A_1798 : vector<16xi32> to vector<16x1xi32>
      %gather3A_1800 = vector.shape_cast %broadcast_in_dim3A_1799 : vector<16x1xi32> to vector<16xi32>
      %gather3A_1801 = tpu.dynamic_gather %add3A_136[%gather3A_1800] in [0] : vector<16xi32>, vector<16xi32> -> vector<16xi32>
      %add3A_1802 = arith.addi %gather3A_1801, %add3A_1611 : vector<16xi32>
      %select_n3A_1803 = arith.select %gt3A_1555, %get3A_1360, %broadcast_in_dim3A_124 : vector<16xi1>, vector<16xf32>
      %add3A_1804 = arith.constant 0 : i32
      %add3A_1805 = vector.broadcast %add3A_1804 : i32 to vector<16xi32>
      %add3A_1806 = arith.addi %add3A_1802, %add3A_1805 : vector<16xi32>
      tpu.vector_store_idx %arg5[%add3A_1806], %select_n3A_1803 : memref<24576xf32, #tpu.memory_space<vmem>>[vector<16xi32>], vector<16xf32>,
      %select_n3A_1807 = arith.select %gt3A_1555, %get3A_1366, %broadcast_in_dim3A_124 : vector<16xi1>, vector<16xf32>
      %add3A_1808 = arith.constant 8192 : i32
      %add3A_1809 = vector.broadcast %add3A_1808 : i32 to vector<16xi32>
      %add3A_1810 = arith.addi %add3A_1802, %add3A_1809 : vector<16xi32>
      tpu.vector_store_idx %arg5[%add3A_1810], %select_n3A_1807 : memref<24576xf32, #tpu.memory_space<vmem>>[vector<16xi32>], vector<16xf32>,
      %select_n3A_1811 = arith.select %gt3A_1555, %get3A_1372, %broadcast_in_dim3A_124 : vector<16xi1>, vector<16xf32>
      %add3A_1812 = arith.constant 16384 : i32
      %add3A_1813 = vector.broadcast %add3A_1812 : i32 to vector<16xi32>
      %add3A_1814 = arith.addi %add3A_1802, %add3A_1813 : vector<16xi32>
      tpu.vector_store_idx %arg5[%add3A_1814], %select_n3A_1811 : memref<24576xf32, #tpu.memory_space<vmem>>[vector<16xi32>], vector<16xf32>,
      %jit3A_1815 = arith.constant 6 : i32
      %jit3A_1816 = arith.constant 7 : i32
      %broadcast_in_dim3A_1817 = vector.broadcast %jit3A_1815 : i32 to vector<16xi32>
      %broadcast_in_dim3A_1818 = vector.broadcast %jit3A_1816 : i32 to vector<16xi32>
      %select_n3A_1819 = arith.select %gt3A_1558, %broadcast_in_dim3A_1817, %broadcast_in_dim3A_1818 : vector<16xi1>, vector<16xi32>
      %add3A_1820 = arith.addi %add3A_1601, %select_n3A_1819 : vector<16xi32>
      %lt3A_1821 = arith.constant 0 : i32
      %lt3A_1822 = vector.broadcast %lt3A_1821 : i32 to vector<16xi32>
      %lt3A_1823 = arith.cmpi slt, %add3A_1820, %lt3A_1822 : vector<16xi32>
      %add3A_1824 = arith.constant 16 : i32
      %add3A_1825 = vector.broadcast %add3A_1824 : i32 to vector<16xi32>
      %add3A_1826 = arith.addi %add3A_1820, %add3A_1825 : vector<16xi32>
      %select_n3A_1827 = arith.select %lt3A_1823, %add3A_1826, %add3A_1820 : vector<16xi1>, vector<16xi32>
      %broadcast_in_dim3A_1828 = vector.shape_cast %select_n3A_1827 : vector<16xi32> to vector<16x1xi32>
      %gather3A_1829 = vector.shape_cast %broadcast_in_dim3A_1828 : vector<16x1xi32> to vector<16xi32>
      %gather3A_1830 = tpu.dynamic_gather %add3A_136[%gather3A_1829] in [0] : vector<16xi32>, vector<16xi32> -> vector<16xi32>
      %add3A_1831 = arith.addi %gather3A_1830, %add3A_1611 : vector<16xi32>
      %select_n3A_1832 = arith.select %gt3A_1558, %get3A_1378, %broadcast_in_dim3A_124 : vector<16xi1>, vector<16xf32>
      %add3A_1833 = arith.constant 0 : i32
      %add3A_1834 = vector.broadcast %add3A_1833 : i32 to vector<16xi32>
      %add3A_1835 = arith.addi %add3A_1831, %add3A_1834 : vector<16xi32>
      tpu.vector_store_idx %arg5[%add3A_1835], %select_n3A_1832 : memref<24576xf32, #tpu.memory_space<vmem>>[vector<16xi32>], vector<16xf32>,
      %select_n3A_1836 = arith.select %gt3A_1558, %get3A_1384, %broadcast_in_dim3A_124 : vector<16xi1>, vector<16xf32>
      %add3A_1837 = arith.constant 8192 : i32
      %add3A_1838 = vector.broadcast %add3A_1837 : i32 to vector<16xi32>
      %add3A_1839 = arith.addi %add3A_1831, %add3A_1838 : vector<16xi32>
      tpu.vector_store_idx %arg5[%add3A_1839], %select_n3A_1836 : memref<24576xf32, #tpu.memory_space<vmem>>[vector<16xi32>], vector<16xf32>,
      %select_n3A_1840 = arith.select %gt3A_1558, %get3A_1390, %broadcast_in_dim3A_124 : vector<16xi1>, vector<16xf32>
      %add3A_1841 = arith.constant 16384 : i32
      %add3A_1842 = vector.broadcast %add3A_1841 : i32 to vector<16xi32>
      %add3A_1843 = arith.addi %add3A_1831, %add3A_1842 : vector<16xi32>
      tpu.vector_store_idx %arg5[%add3A_1843], %select_n3A_1840 : memref<24576xf32, #tpu.memory_space<vmem>>[vector<16xi32>], vector<16xf32>,
      %jit3A_1844 = arith.constant 6 : i32
      %jit3A_1845 = arith.constant 6 : i32
      %broadcast_in_dim3A_1846 = vector.broadcast %jit3A_1844 : i32 to vector<16xi32>
      %broadcast_in_dim3A_1847 = vector.broadcast %jit3A_1845 : i32 to vector<16xi32>
      %select_n3A_1848 = arith.select %gt3A_1561, %broadcast_in_dim3A_1846, %broadcast_in_dim3A_1847 : vector<16xi1>, vector<16xi32>
      %add3A_1849 = arith.addi %add3A_1602, %select_n3A_1848 : vector<16xi32>
      %lt3A_1850 = arith.constant 0 : i32
      %lt3A_1851 = vector.broadcast %lt3A_1850 : i32 to vector<16xi32>
      %lt3A_1852 = arith.cmpi slt, %add3A_1849, %lt3A_1851 : vector<16xi32>
      %add3A_1853 = arith.constant 16 : i32
      %add3A_1854 = vector.broadcast %add3A_1853 : i32 to vector<16xi32>
      %add3A_1855 = arith.addi %add3A_1849, %add3A_1854 : vector<16xi32>
      %select_n3A_1856 = arith.select %lt3A_1852, %add3A_1855, %add3A_1849 : vector<16xi1>, vector<16xi32>
      %broadcast_in_dim3A_1857 = vector.shape_cast %select_n3A_1856 : vector<16xi32> to vector<16x1xi32>
      %gather3A_1858 = vector.shape_cast %broadcast_in_dim3A_1857 : vector<16x1xi32> to vector<16xi32>
      %gather3A_1859 = tpu.dynamic_gather %add3A_136[%gather3A_1858] in [0] : vector<16xi32>, vector<16xi32> -> vector<16xi32>
      %add3A_1860 = arith.addi %gather3A_1859, %add3A_1611 : vector<16xi32>
      %select_n3A_1861 = arith.select %gt3A_1561, %get3A_1396, %broadcast_in_dim3A_124 : vector<16xi1>, vector<16xf32>
      %add3A_1862 = arith.constant 0 : i32
      %add3A_1863 = vector.broadcast %add3A_1862 : i32 to vector<16xi32>
      %add3A_1864 = arith.addi %add3A_1860, %add3A_1863 : vector<16xi32>
      tpu.vector_store_idx %arg5[%add3A_1864], %select_n3A_1861 : memref<24576xf32, #tpu.memory_space<vmem>>[vector<16xi32>], vector<16xf32>,
      %select_n3A_1865 = arith.select %gt3A_1561, %get3A_1402, %broadcast_in_dim3A_124 : vector<16xi1>, vector<16xf32>
      %add3A_1866 = arith.constant 8192 : i32
      %add3A_1867 = vector.broadcast %add3A_1866 : i32 to vector<16xi32>
      %add3A_1868 = arith.addi %add3A_1860, %add3A_1867 : vector<16xi32>
      tpu.vector_store_idx %arg5[%add3A_1868], %select_n3A_1865 : memref<24576xf32, #tpu.memory_space<vmem>>[vector<16xi32>], vector<16xf32>,
      %select_n3A_1869 = arith.select %gt3A_1561, %get3A_1408, %broadcast_in_dim3A_124 : vector<16xi1>, vector<16xf32>
      %add3A_1870 = arith.constant 16384 : i32
      %add3A_1871 = vector.broadcast %add3A_1870 : i32 to vector<16xi32>
      %add3A_1872 = arith.addi %add3A_1860, %add3A_1871 : vector<16xi32>
      tpu.vector_store_idx %arg5[%add3A_1872], %select_n3A_1869 : memref<24576xf32, #tpu.memory_space<vmem>>[vector<16xi32>], vector<16xf32>,
      %jit3A_1873 = arith.constant 9 : i32
      %jit3A_1874 = arith.constant 11 : i32
      %broadcast_in_dim3A_1875 = vector.broadcast %jit3A_1873 : i32 to vector<16xi32>
      %broadcast_in_dim3A_1876 = vector.broadcast %jit3A_1874 : i32 to vector<16xi32>
      %select_n3A_1877 = arith.select %gt3A_1564, %broadcast_in_dim3A_1875, %broadcast_in_dim3A_1876 : vector<16xi1>, vector<16xi32>
      %add3A_1878 = arith.addi %broadcast_in_dim3A_126, %select_n3A_1877 : vector<16xi32>
      %lt3A_1879 = arith.constant 0 : i32
      %lt3A_1880 = vector.broadcast %lt3A_1879 : i32 to vector<16xi32>
      %lt3A_1881 = arith.cmpi slt, %add3A_1878, %lt3A_1880 : vector<16xi32>
      %add3A_1882 = arith.constant 16 : i32
      %add3A_1883 = vector.broadcast %add3A_1882 : i32 to vector<16xi32>
      %add3A_1884 = arith.addi %add3A_1878, %add3A_1883 : vector<16xi32>
      %select_n3A_1885 = arith.select %lt3A_1881, %add3A_1884, %add3A_1878 : vector<16xi1>, vector<16xi32>
      %broadcast_in_dim3A_1886 = vector.shape_cast %select_n3A_1885 : vector<16xi32> to vector<16x1xi32>
      %gather3A_1887 = vector.shape_cast %broadcast_in_dim3A_1886 : vector<16x1xi32> to vector<16xi32>
      %gather3A_1888 = tpu.dynamic_gather %add3A_136[%gather3A_1887] in [0] : vector<16xi32>, vector<16xi32> -> vector<16xi32>
      %add3A_1889 = arith.addi %gather3A_1888, %add3A_1611 : vector<16xi32>
      %select_n3A_1890 = arith.select %gt3A_1564, %get3A_1414, %broadcast_in_dim3A_124 : vector<16xi1>, vector<16xf32>
      %add3A_1891 = arith.constant 0 : i32
      %add3A_1892 = vector.broadcast %add3A_1891 : i32 to vector<16xi32>
      %add3A_1893 = arith.addi %add3A_1889, %add3A_1892 : vector<16xi32>
      tpu.vector_store_idx %arg5[%add3A_1893], %select_n3A_1890 : memref<24576xf32, #tpu.memory_space<vmem>>[vector<16xi32>], vector<16xf32>,
      %select_n3A_1894 = arith.select %gt3A_1564, %get3A_1420, %broadcast_in_dim3A_124 : vector<16xi1>, vector<16xf32>
      %add3A_1895 = arith.constant 8192 : i32
      %add3A_1896 = vector.broadcast %add3A_1895 : i32 to vector<16xi32>
      %add3A_1897 = arith.addi %add3A_1889, %add3A_1896 : vector<16xi32>
      tpu.vector_store_idx %arg5[%add3A_1897], %select_n3A_1894 : memref<24576xf32, #tpu.memory_space<vmem>>[vector<16xi32>], vector<16xf32>,
      %select_n3A_1898 = arith.select %gt3A_1564, %get3A_1426, %broadcast_in_dim3A_124 : vector<16xi1>, vector<16xf32>
      %add3A_1899 = arith.constant 16384 : i32
      %add3A_1900 = vector.broadcast %add3A_1899 : i32 to vector<16xi32>
      %add3A_1901 = arith.addi %add3A_1889, %add3A_1900 : vector<16xi32>
      tpu.vector_store_idx %arg5[%add3A_1901], %select_n3A_1898 : memref<24576xf32, #tpu.memory_space<vmem>>[vector<16xi32>], vector<16xf32>,
      %jit3A_1902 = arith.constant 9 : i32
      %jit3A_1903 = arith.constant 10 : i32
      %broadcast_in_dim3A_1904 = vector.broadcast %jit3A_1902 : i32 to vector<16xi32>
      %broadcast_in_dim3A_1905 = vector.broadcast %jit3A_1903 : i32 to vector<16xi32>
      %select_n3A_1906 = arith.select %gt3A_1567, %broadcast_in_dim3A_1904, %broadcast_in_dim3A_1905 : vector<16xi1>, vector<16xi32>
      %add3A_1907 = arith.addi %add3A_1604, %select_n3A_1906 : vector<16xi32>
      %lt3A_1908 = arith.constant 0 : i32
      %lt3A_1909 = vector.broadcast %lt3A_1908 : i32 to vector<16xi32>
      %lt3A_1910 = arith.cmpi slt, %add3A_1907, %lt3A_1909 : vector<16xi32>
      %add3A_1911 = arith.constant 16 : i32
      %add3A_1912 = vector.broadcast %add3A_1911 : i32 to vector<16xi32>
      %add3A_1913 = arith.addi %add3A_1907, %add3A_1912 : vector<16xi32>
      %select_n3A_1914 = arith.select %lt3A_1910, %add3A_1913, %add3A_1907 : vector<16xi1>, vector<16xi32>
      %broadcast_in_dim3A_1915 = vector.shape_cast %select_n3A_1914 : vector<16xi32> to vector<16x1xi32>
      %gather3A_1916 = vector.shape_cast %broadcast_in_dim3A_1915 : vector<16x1xi32> to vector<16xi32>
      %gather3A_1917 = tpu.dynamic_gather %add3A_136[%gather3A_1916] in [0] : vector<16xi32>, vector<16xi32> -> vector<16xi32>
      %add3A_1918 = arith.addi %gather3A_1917, %add3A_1611 : vector<16xi32>
      %select_n3A_1919 = arith.select %gt3A_1567, %get3A_1432, %broadcast_in_dim3A_124 : vector<16xi1>, vector<16xf32>
      %add3A_1920 = arith.constant 0 : i32
      %add3A_1921 = vector.broadcast %add3A_1920 : i32 to vector<16xi32>
      %add3A_1922 = arith.addi %add3A_1918, %add3A_1921 : vector<16xi32>
      tpu.vector_store_idx %arg5[%add3A_1922], %select_n3A_1919 : memref<24576xf32, #tpu.memory_space<vmem>>[vector<16xi32>], vector<16xf32>,
      %select_n3A_1923 = arith.select %gt3A_1567, %get3A_1438, %broadcast_in_dim3A_124 : vector<16xi1>, vector<16xf32>
      %add3A_1924 = arith.constant 8192 : i32
      %add3A_1925 = vector.broadcast %add3A_1924 : i32 to vector<16xi32>
      %add3A_1926 = arith.addi %add3A_1918, %add3A_1925 : vector<16xi32>
      tpu.vector_store_idx %arg5[%add3A_1926], %select_n3A_1923 : memref<24576xf32, #tpu.memory_space<vmem>>[vector<16xi32>], vector<16xf32>,
      %select_n3A_1927 = arith.select %gt3A_1567, %get3A_1444, %broadcast_in_dim3A_124 : vector<16xi1>, vector<16xf32>
      %add3A_1928 = arith.constant 16384 : i32
      %add3A_1929 = vector.broadcast %add3A_1928 : i32 to vector<16xi32>
      %add3A_1930 = arith.addi %add3A_1918, %add3A_1929 : vector<16xi32>
      tpu.vector_store_idx %arg5[%add3A_1930], %select_n3A_1927 : memref<24576xf32, #tpu.memory_space<vmem>>[vector<16xi32>], vector<16xf32>,
      %jit3A_1931 = arith.constant 9 : i32
      %jit3A_1932 = arith.constant 9 : i32
      %broadcast_in_dim3A_1933 = vector.broadcast %jit3A_1931 : i32 to vector<16xi32>
      %broadcast_in_dim3A_1934 = vector.broadcast %jit3A_1932 : i32 to vector<16xi32>
      %select_n3A_1935 = arith.select %gt3A_1570, %broadcast_in_dim3A_1933, %broadcast_in_dim3A_1934 : vector<16xi1>, vector<16xi32>
      %add3A_1936 = arith.addi %add3A_1605, %select_n3A_1935 : vector<16xi32>
      %lt3A_1937 = arith.constant 0 : i32
      %lt3A_1938 = vector.broadcast %lt3A_1937 : i32 to vector<16xi32>
      %lt3A_1939 = arith.cmpi slt, %add3A_1936, %lt3A_1938 : vector<16xi32>
      %add3A_1940 = arith.constant 16 : i32
      %add3A_1941 = vector.broadcast %add3A_1940 : i32 to vector<16xi32>
      %add3A_1942 = arith.addi %add3A_1936, %add3A_1941 : vector<16xi32>
      %select_n3A_1943 = arith.select %lt3A_1939, %add3A_1942, %add3A_1936 : vector<16xi1>, vector<16xi32>
      %broadcast_in_dim3A_1944 = vector.shape_cast %select_n3A_1943 : vector<16xi32> to vector<16x1xi32>
      %gather3A_1945 = vector.shape_cast %broadcast_in_dim3A_1944 : vector<16x1xi32> to vector<16xi32>
      %gather3A_1946 = tpu.dynamic_gather %add3A_136[%gather3A_1945] in [0] : vector<16xi32>, vector<16xi32> -> vector<16xi32>
      %add3A_1947 = arith.addi %gather3A_1946, %add3A_1611 : vector<16xi32>
      %select_n3A_1948 = arith.select %gt3A_1570, %get3A_1450, %broadcast_in_dim3A_124 : vector<16xi1>, vector<16xf32>
      %add3A_1949 = arith.constant 0 : i32
      %add3A_1950 = vector.broadcast %add3A_1949 : i32 to vector<16xi32>
      %add3A_1951 = arith.addi %add3A_1947, %add3A_1950 : vector<16xi32>
      tpu.vector_store_idx %arg5[%add3A_1951], %select_n3A_1948 : memref<24576xf32, #tpu.memory_space<vmem>>[vector<16xi32>], vector<16xf32>,
      %select_n3A_1952 = arith.select %gt3A_1570, %get3A_1456, %broadcast_in_dim3A_124 : vector<16xi1>, vector<16xf32>
      %add3A_1953 = arith.constant 8192 : i32
      %add3A_1954 = vector.broadcast %add3A_1953 : i32 to vector<16xi32>
      %add3A_1955 = arith.addi %add3A_1947, %add3A_1954 : vector<16xi32>
      tpu.vector_store_idx %arg5[%add3A_1955], %select_n3A_1952 : memref<24576xf32, #tpu.memory_space<vmem>>[vector<16xi32>], vector<16xf32>,
      %select_n3A_1956 = arith.select %gt3A_1570, %get3A_1462, %broadcast_in_dim3A_124 : vector<16xi1>, vector<16xf32>
      %add3A_1957 = arith.constant 16384 : i32
      %add3A_1958 = vector.broadcast %add3A_1957 : i32 to vector<16xi32>
      %add3A_1959 = arith.addi %add3A_1947, %add3A_1958 : vector<16xi32>
      tpu.vector_store_idx %arg5[%add3A_1959], %select_n3A_1956 : memref<24576xf32, #tpu.memory_space<vmem>>[vector<16xi32>], vector<16xf32>,
      %jit3A_1960 = arith.constant 12 : i32
      %jit3A_1961 = arith.constant 14 : i32
      %broadcast_in_dim3A_1962 = vector.broadcast %jit3A_1960 : i32 to vector<16xi32>
      %broadcast_in_dim3A_1963 = vector.broadcast %jit3A_1961 : i32 to vector<16xi32>
      %select_n3A_1964 = arith.select %gt3A_1573, %broadcast_in_dim3A_1962, %broadcast_in_dim3A_1963 : vector<16xi1>, vector<16xi32>
      %add3A_1965 = arith.addi %broadcast_in_dim3A_126, %select_n3A_1964 : vector<16xi32>
      %lt3A_1966 = arith.constant 0 : i32
      %lt3A_1967 = vector.broadcast %lt3A_1966 : i32 to vector<16xi32>
      %lt3A_1968 = arith.cmpi slt, %add3A_1965, %lt3A_1967 : vector<16xi32>
      %add3A_1969 = arith.constant 16 : i32
      %add3A_1970 = vector.broadcast %add3A_1969 : i32 to vector<16xi32>
      %add3A_1971 = arith.addi %add3A_1965, %add3A_1970 : vector<16xi32>
      %select_n3A_1972 = arith.select %lt3A_1968, %add3A_1971, %add3A_1965 : vector<16xi1>, vector<16xi32>
      %broadcast_in_dim3A_1973 = vector.shape_cast %select_n3A_1972 : vector<16xi32> to vector<16x1xi32>
      %gather3A_1974 = vector.shape_cast %broadcast_in_dim3A_1973 : vector<16x1xi32> to vector<16xi32>
      %gather3A_1975 = tpu.dynamic_gather %add3A_136[%gather3A_1974] in [0] : vector<16xi32>, vector<16xi32> -> vector<16xi32>
      %add3A_1976 = arith.addi %gather3A_1975, %add3A_1611 : vector<16xi32>
      %select_n3A_1977 = arith.select %gt3A_1573, %get3A_1468, %broadcast_in_dim3A_124 : vector<16xi1>, vector<16xf32>
      %add3A_1978 = arith.constant 0 : i32
      %add3A_1979 = vector.broadcast %add3A_1978 : i32 to vector<16xi32>
      %add3A_1980 = arith.addi %add3A_1976, %add3A_1979 : vector<16xi32>
      tpu.vector_store_idx %arg5[%add3A_1980], %select_n3A_1977 : memref<24576xf32, #tpu.memory_space<vmem>>[vector<16xi32>], vector<16xf32>,
      %select_n3A_1981 = arith.select %gt3A_1573, %get3A_1474, %broadcast_in_dim3A_124 : vector<16xi1>, vector<16xf32>
      %add3A_1982 = arith.constant 8192 : i32
      %add3A_1983 = vector.broadcast %add3A_1982 : i32 to vector<16xi32>
      %add3A_1984 = arith.addi %add3A_1976, %add3A_1983 : vector<16xi32>
      tpu.vector_store_idx %arg5[%add3A_1984], %select_n3A_1981 : memref<24576xf32, #tpu.memory_space<vmem>>[vector<16xi32>], vector<16xf32>,
      %select_n3A_1985 = arith.select %gt3A_1573, %get3A_1480, %broadcast_in_dim3A_124 : vector<16xi1>, vector<16xf32>
      %add3A_1986 = arith.constant 16384 : i32
      %add3A_1987 = vector.broadcast %add3A_1986 : i32 to vector<16xi32>
      %add3A_1988 = arith.addi %add3A_1976, %add3A_1987 : vector<16xi32>
      tpu.vector_store_idx %arg5[%add3A_1988], %select_n3A_1985 : memref<24576xf32, #tpu.memory_space<vmem>>[vector<16xi32>], vector<16xf32>,
      %jit3A_1989 = arith.constant 12 : i32
      %jit3A_1990 = arith.constant 13 : i32
      %broadcast_in_dim3A_1991 = vector.broadcast %jit3A_1989 : i32 to vector<16xi32>
      %broadcast_in_dim3A_1992 = vector.broadcast %jit3A_1990 : i32 to vector<16xi32>
      %select_n3A_1993 = arith.select %gt3A_1576, %broadcast_in_dim3A_1991, %broadcast_in_dim3A_1992 : vector<16xi1>, vector<16xi32>
      %add3A_1994 = arith.addi %add3A_1607, %select_n3A_1993 : vector<16xi32>
      %lt3A_1995 = arith.constant 0 : i32
      %lt3A_1996 = vector.broadcast %lt3A_1995 : i32 to vector<16xi32>
      %lt3A_1997 = arith.cmpi slt, %add3A_1994, %lt3A_1996 : vector<16xi32>
      %add3A_1998 = arith.constant 16 : i32
      %add3A_1999 = vector.broadcast %add3A_1998 : i32 to vector<16xi32>
      %add3A_2000 = arith.addi %add3A_1994, %add3A_1999 : vector<16xi32>
      %select_n3A_2001 = arith.select %lt3A_1997, %add3A_2000, %add3A_1994 : vector<16xi1>, vector<16xi32>
      %broadcast_in_dim3A_2002 = vector.shape_cast %select_n3A_2001 : vector<16xi32> to vector<16x1xi32>
      %gather3A_2003 = vector.shape_cast %broadcast_in_dim3A_2002 : vector<16x1xi32> to vector<16xi32>
      %gather3A_2004 = tpu.dynamic_gather %add3A_136[%gather3A_2003] in [0] : vector<16xi32>, vector<16xi32> -> vector<16xi32>
      %add3A_2005 = arith.addi %gather3A_2004, %add3A_1611 : vector<16xi32>
      %select_n3A_2006 = arith.select %gt3A_1576, %get3A_1486, %broadcast_in_dim3A_124 : vector<16xi1>, vector<16xf32>
      %add3A_2007 = arith.constant 0 : i32
      %add3A_2008 = vector.broadcast %add3A_2007 : i32 to vector<16xi32>
      %add3A_2009 = arith.addi %add3A_2005, %add3A_2008 : vector<16xi32>
      tpu.vector_store_idx %arg5[%add3A_2009], %select_n3A_2006 : memref<24576xf32, #tpu.memory_space<vmem>>[vector<16xi32>], vector<16xf32>,
      %select_n3A_2010 = arith.select %gt3A_1576, %get3A_1492, %broadcast_in_dim3A_124 : vector<16xi1>, vector<16xf32>
      %add3A_2011 = arith.constant 8192 : i32
      %add3A_2012 = vector.broadcast %add3A_2011 : i32 to vector<16xi32>
      %add3A_2013 = arith.addi %add3A_2005, %add3A_2012 : vector<16xi32>
      tpu.vector_store_idx %arg5[%add3A_2013], %select_n3A_2010 : memref<24576xf32, #tpu.memory_space<vmem>>[vector<16xi32>], vector<16xf32>,
      %select_n3A_2014 = arith.select %gt3A_1576, %get3A_1498, %broadcast_in_dim3A_124 : vector<16xi1>, vector<16xf32>
      %add3A_2015 = arith.constant 16384 : i32
      %add3A_2016 = vector.broadcast %add3A_2015 : i32 to vector<16xi32>
      %add3A_2017 = arith.addi %add3A_2005, %add3A_2016 : vector<16xi32>
      tpu.vector_store_idx %arg5[%add3A_2017], %select_n3A_2014 : memref<24576xf32, #tpu.memory_space<vmem>>[vector<16xi32>], vector<16xf32>,
      %jit3A_2018 = arith.constant 12 : i32
      %jit3A_2019 = arith.constant 12 : i32
      %broadcast_in_dim3A_2020 = vector.broadcast %jit3A_2018 : i32 to vector<16xi32>
      %broadcast_in_dim3A_2021 = vector.broadcast %jit3A_2019 : i32 to vector<16xi32>
      %select_n3A_2022 = arith.select %gt3A_1579, %broadcast_in_dim3A_2020, %broadcast_in_dim3A_2021 : vector<16xi1>, vector<16xi32>
      %add3A_2023 = arith.addi %add3A_1608, %select_n3A_2022 : vector<16xi32>
      %lt3A_2024 = arith.constant 0 : i32
      %lt3A_2025 = vector.broadcast %lt3A_2024 : i32 to vector<16xi32>
      %lt3A_2026 = arith.cmpi slt, %add3A_2023, %lt3A_2025 : vector<16xi32>
      %add3A_2027 = arith.constant 16 : i32
      %add3A_2028 = vector.broadcast %add3A_2027 : i32 to vector<16xi32>
      %add3A_2029 = arith.addi %add3A_2023, %add3A_2028 : vector<16xi32>
      %select_n3A_2030 = arith.select %lt3A_2026, %add3A_2029, %add3A_2023 : vector<16xi1>, vector<16xi32>
      %broadcast_in_dim3A_2031 = vector.shape_cast %select_n3A_2030 : vector<16xi32> to vector<16x1xi32>
      %gather3A_2032 = vector.shape_cast %broadcast_in_dim3A_2031 : vector<16x1xi32> to vector<16xi32>
      %gather3A_2033 = tpu.dynamic_gather %add3A_136[%gather3A_2032] in [0] : vector<16xi32>, vector<16xi32> -> vector<16xi32>
      %add3A_2034 = arith.addi %gather3A_2033, %add3A_1611 : vector<16xi32>
      %select_n3A_2035 = arith.select %gt3A_1579, %get3A_1504, %broadcast_in_dim3A_124 : vector<16xi1>, vector<16xf32>
      %add3A_2036 = arith.constant 0 : i32
      %add3A_2037 = vector.broadcast %add3A_2036 : i32 to vector<16xi32>
      %add3A_2038 = arith.addi %add3A_2034, %add3A_2037 : vector<16xi32>
      tpu.vector_store_idx %arg5[%add3A_2038], %select_n3A_2035 : memref<24576xf32, #tpu.memory_space<vmem>>[vector<16xi32>], vector<16xf32>,
      %select_n3A_2039 = arith.select %gt3A_1579, %get3A_1510, %broadcast_in_dim3A_124 : vector<16xi1>, vector<16xf32>
      %add3A_2040 = arith.constant 8192 : i32
      %add3A_2041 = vector.broadcast %add3A_2040 : i32 to vector<16xi32>
      %add3A_2042 = arith.addi %add3A_2034, %add3A_2041 : vector<16xi32>
      tpu.vector_store_idx %arg5[%add3A_2042], %select_n3A_2039 : memref<24576xf32, #tpu.memory_space<vmem>>[vector<16xi32>], vector<16xf32>,
      %select_n3A_2043 = arith.select %gt3A_1579, %get3A_1516, %broadcast_in_dim3A_124 : vector<16xi1>, vector<16xf32>
      %add3A_2044 = arith.constant 16384 : i32
      %add3A_2045 = vector.broadcast %add3A_2044 : i32 to vector<16xi32>
      %add3A_2046 = arith.addi %add3A_2034, %add3A_2045 : vector<16xi32>
      tpu.vector_store_idx %arg5[%add3A_2046], %select_n3A_2043 : memref<24576xf32, #tpu.memory_space<vmem>>[vector<16xi32>], vector<16xf32>,
      %add3A_2047 = arith.constant 4096 : i32
      %add3A_2048 = arith.addi %add3A_1246, %add3A_2047 : i32
      %add3A_2049 = arith.constant 896 : i32
      %add3A_2050 = arith.addi %add3A_2048, %add3A_2049 : i32
      %swap3A_2051 = arith.index_cast %add3A_2050 : i32 to index
      %swap3A_2052 = tpu.vector_load %arg5[%swap3A_2051] {strides = array<i32>} : memref<24576xf32, #tpu.memory_space<vmem>>, vector<16xf32>,
      tpu.vector_store %arg5[%swap3A_2051], %get3A_1522 {strides = array<i32>} : memref<24576xf32, #tpu.memory_space<vmem>>, vector<16xf32>,
      %add3A_2053 = arith.constant 12288 : i32
      %add3A_2054 = arith.addi %add3A_1246, %add3A_2053 : i32
      %add3A_2055 = arith.constant 896 : i32
      %add3A_2056 = arith.addi %add3A_2054, %add3A_2055 : i32
      %swap3A_2057 = arith.index_cast %add3A_2056 : i32 to index
      %swap3A_2058 = tpu.vector_load %arg5[%swap3A_2057] {strides = array<i32>} : memref<24576xf32, #tpu.memory_space<vmem>>, vector<16xf32>,
      tpu.vector_store %arg5[%swap3A_2057], %get3A_1528 {strides = array<i32>} : memref<24576xf32, #tpu.memory_space<vmem>>, vector<16xf32>,
      %add3A_2059 = arith.constant 20480 : i32
      %add3A_2060 = arith.addi %add3A_1246, %add3A_2059 : i32
      %add3A_2061 = arith.constant 896 : i32
      %add3A_2062 = arith.addi %add3A_2060, %add3A_2061 : i32
      %swap3A_2063 = arith.index_cast %add3A_2062 : i32 to index
      %swap3A_2064 = tpu.vector_load %arg5[%swap3A_2063] {strides = array<i32>} : memref<24576xf32, #tpu.memory_space<vmem>>, vector<16xf32>,
      tpu.vector_store %arg5[%swap3A_2063], %get3A_1534 {strides = array<i32>} : memref<24576xf32, #tpu.memory_space<vmem>>, vector<16xf32>,
    }
    %scan3A_176 = arith.constant 8 : i32
    %add3A_177 = arith.constant 0 : i32
    %add3A_178 = arith.addi %add3A_177, %mul3A_2 : i32
    %add3A_179 = arith.constant 0 : i32
    %add3A_180 = arith.addi %add3A_178, %add3A_179 : i32
    %dma_start3A_181 = arith.constant 0 : i32
    %dma_start3A_182 = tpu.memref_slice %arg5[%dma_start3A_181] : memref<24576xf32, #tpu.memory_space<vmem>> -> memref<2048xf32, #tpu.memory_space<vmem>>
    %dma_start3A_183 = tpu.memref_slice %arg3[%add3A_180] : memref<786432xf32, #tpu.memory_space<hbm>> -> memref<2048xf32, #tpu.memory_space<hbm>>
    %dma_start3A_184 = tpu.memref_slice %arg3[%add3A_180] : memref<786432xf32, #tpu.memory_space<hbm>> -> memref<2048xf32, #tpu.memory_space<hbm>>
    %dma_start3A_185 = arith.constant 0 : i32
    %dma_start3A_186 = tpu.memref_slice %arg5[%dma_start3A_185] : memref<24576xf32, #tpu.memory_space<vmem>> -> memref<2048xf32, #tpu.memory_space<vmem>>
    tpu.enqueue_dma source(%dma_start3A_186 : memref<2048xf32, #tpu.memory_space<vmem>>) target(%dma_start3A_184 : memref<2048xf32, #tpu.memory_space<hbm>>) target_semaphore(%arg8 : memref<!tpu.dma_semaphore, #tpu.memory_space<semaphore_mem>>)
    %add3A_187 = arith.constant 131072 : i32
    %add3A_188 = arith.addi %add3A_187, %mul3A_2 : i32
    %add3A_189 = arith.constant 0 : i32
    %add3A_190 = arith.addi %add3A_188, %add3A_189 : i32
    %dma_start3A_191 = arith.constant 4096 : i32
    %dma_start3A_192 = tpu.memref_slice %arg5[%dma_start3A_191] : memref<24576xf32, #tpu.memory_space<vmem>> -> memref<2048xf32, #tpu.memory_space<vmem>>
    %dma_start3A_193 = tpu.memref_slice %arg3[%add3A_190] : memref<786432xf32, #tpu.memory_space<hbm>> -> memref<2048xf32, #tpu.memory_space<hbm>>
    %dma_start3A_194 = tpu.memref_slice %arg3[%add3A_190] : memref<786432xf32, #tpu.memory_space<hbm>> -> memref<2048xf32, #tpu.memory_space<hbm>>
    %dma_start3A_195 = arith.constant 4096 : i32
    %dma_start3A_196 = tpu.memref_slice %arg5[%dma_start3A_195] : memref<24576xf32, #tpu.memory_space<vmem>> -> memref<2048xf32, #tpu.memory_space<vmem>>
    tpu.enqueue_dma source(%dma_start3A_196 : memref<2048xf32, #tpu.memory_space<vmem>>) target(%dma_start3A_194 : memref<2048xf32, #tpu.memory_space<hbm>>) target_semaphore(%arg8 : memref<!tpu.dma_semaphore, #tpu.memory_space<semaphore_mem>>)
    %add3A_197 = arith.constant 262144 : i32
    %add3A_198 = arith.addi %add3A_197, %mul3A_2 : i32
    %add3A_199 = arith.constant 0 : i32
    %add3A_200 = arith.addi %add3A_198, %add3A_199 : i32
    %dma_start3A_201 = arith.constant 8192 : i32
    %dma_start3A_202 = tpu.memref_slice %arg5[%dma_start3A_201] : memref<24576xf32, #tpu.memory_space<vmem>> -> memref<2048xf32, #tpu.memory_space<vmem>>
    %dma_start3A_203 = tpu.memref_slice %arg3[%add3A_200] : memref<786432xf32, #tpu.memory_space<hbm>> -> memref<2048xf32, #tpu.memory_space<hbm>>
    %dma_start3A_204 = tpu.memref_slice %arg3[%add3A_200] : memref<786432xf32, #tpu.memory_space<hbm>> -> memref<2048xf32, #tpu.memory_space<hbm>>
    %dma_start3A_205 = arith.constant 8192 : i32
    %dma_start3A_206 = tpu.memref_slice %arg5[%dma_start3A_205] : memref<24576xf32, #tpu.memory_space<vmem>> -> memref<2048xf32, #tpu.memory_space<vmem>>
    tpu.enqueue_dma source(%dma_start3A_206 : memref<2048xf32, #tpu.memory_space<vmem>>) target(%dma_start3A_204 : memref<2048xf32, #tpu.memory_space<hbm>>) target_semaphore(%arg8 : memref<!tpu.dma_semaphore, #tpu.memory_space<semaphore_mem>>)
    %add3A_207 = arith.constant 393216 : i32
    %add3A_208 = arith.addi %add3A_207, %mul3A_2 : i32
    %add3A_209 = arith.constant 0 : i32
    %add3A_210 = arith.addi %add3A_208, %add3A_209 : i32
    %dma_start3A_211 = arith.constant 12288 : i32
    %dma_start3A_212 = tpu.memref_slice %arg5[%dma_start3A_211] : memref<24576xf32, #tpu.memory_space<vmem>> -> memref<2048xf32, #tpu.memory_space<vmem>>
    %dma_start3A_213 = tpu.memref_slice %arg3[%add3A_210] : memref<786432xf32, #tpu.memory_space<hbm>> -> memref<2048xf32, #tpu.memory_space<hbm>>
    %dma_start3A_214 = tpu.memref_slice %arg3[%add3A_210] : memref<786432xf32, #tpu.memory_space<hbm>> -> memref<2048xf32, #tpu.memory_space<hbm>>
    %dma_start3A_215 = arith.constant 12288 : i32
    %dma_start3A_216 = tpu.memref_slice %arg5[%dma_start3A_215] : memref<24576xf32, #tpu.memory_space<vmem>> -> memref<2048xf32, #tpu.memory_space<vmem>>
    tpu.enqueue_dma source(%dma_start3A_216 : memref<2048xf32, #tpu.memory_space<vmem>>) target(%dma_start3A_214 : memref<2048xf32, #tpu.memory_space<hbm>>) target_semaphore(%arg8 : memref<!tpu.dma_semaphore, #tpu.memory_space<semaphore_mem>>)
    %add3A_217 = arith.constant 524288 : i32
    %add3A_218 = arith.addi %add3A_217, %mul3A_2 : i32
    %add3A_219 = arith.constant 0 : i32
    %add3A_220 = arith.addi %add3A_218, %add3A_219 : i32
    %dma_start3A_221 = arith.constant 16384 : i32
    %dma_start3A_222 = tpu.memref_slice %arg5[%dma_start3A_221] : memref<24576xf32, #tpu.memory_space<vmem>> -> memref<2048xf32, #tpu.memory_space<vmem>>
    %dma_start3A_223 = tpu.memref_slice %arg3[%add3A_220] : memref<786432xf32, #tpu.memory_space<hbm>> -> memref<2048xf32, #tpu.memory_space<hbm>>
    %dma_start3A_224 = tpu.memref_slice %arg3[%add3A_220] : memref<786432xf32, #tpu.memory_space<hbm>> -> memref<2048xf32, #tpu.memory_space<hbm>>
    %dma_start3A_225 = arith.constant 16384 : i32
    %dma_start3A_226 = tpu.memref_slice %arg5[%dma_start3A_225] : memref<24576xf32, #tpu.memory_space<vmem>> -> memref<2048xf32, #tpu.memory_space<vmem>>
    tpu.enqueue_dma source(%dma_start3A_226 : memref<2048xf32, #tpu.memory_space<vmem>>) target(%dma_start3A_224 : memref<2048xf32, #tpu.memory_space<hbm>>) target_semaphore(%arg8 : memref<!tpu.dma_semaphore, #tpu.memory_space<semaphore_mem>>)
    %add3A_227 = arith.constant 655360 : i32
    %add3A_228 = arith.addi %add3A_227, %mul3A_2 : i32
    %add3A_229 = arith.constant 0 : i32
    %add3A_230 = arith.addi %add3A_228, %add3A_229 : i32
    %dma_start3A_231 = arith.constant 20480 : i32
    %dma_start3A_232 = tpu.memref_slice %arg5[%dma_start3A_231] : memref<24576xf32, #tpu.memory_space<vmem>> -> memref<2048xf32, #tpu.memory_space<vmem>>
    %dma_start3A_233 = tpu.memref_slice %arg3[%add3A_230] : memref<786432xf32, #tpu.memory_space<hbm>> -> memref<2048xf32, #tpu.memory_space<hbm>>
    %dma_start3A_234 = tpu.memref_slice %arg3[%add3A_230] : memref<786432xf32, #tpu.memory_space<hbm>> -> memref<2048xf32, #tpu.memory_space<hbm>>
    %dma_start3A_235 = arith.constant 20480 : i32
    %dma_start3A_236 = tpu.memref_slice %arg5[%dma_start3A_235] : memref<24576xf32, #tpu.memory_space<vmem>> -> memref<2048xf32, #tpu.memory_space<vmem>>
    tpu.enqueue_dma source(%dma_start3A_236 : memref<2048xf32, #tpu.memory_space<vmem>>) target(%dma_start3A_234 : memref<2048xf32, #tpu.memory_space<hbm>>) target_semaphore(%arg8 : memref<!tpu.dma_semaphore, #tpu.memory_space<semaphore_mem>>)
    %dma_wait3A_237 = arith.constant 2048 : i32
    %dma_wait3A_238 = tpu.memref_slice %arg4[%dma_wait3A_237] : memref<24576xf32, #tpu.memory_space<vmem>> -> memref<2048xf32, #tpu.memory_space<vmem>>
    %dma_wait3A_239 = tpu.memref_slice %arg2[%add3A_65] : memref<786432xf32, #tpu.memory_space<hbm>> -> memref<2048xf32, #tpu.memory_space<hbm>>
    %dma_wait3A_240 = arith.constant 2048 : i32
    %dma_wait3A_241 = tpu.memref_slice %arg4[%dma_wait3A_240] : memref<24576xf32, #tpu.memory_space<vmem>> -> memref<2048xf32, #tpu.memory_space<vmem>>
    %dma_wait3A_242 = tpu.memref_slice %arg2[%add3A_65] : memref<786432xf32, #tpu.memory_space<hbm>> -> memref<2048xf32, #tpu.memory_space<hbm>>
    tpu.wait_dma2 semaphore(%arg7 : memref<!tpu.dma_semaphore, #tpu.memory_space<semaphore_mem>>) src(%dma_wait3A_242 : memref<2048xf32, #tpu.memory_space<hbm>>) dst(%dma_wait3A_241 : memref<2048xf32, #tpu.memory_space<vmem>>)
    %dma_wait3A_243 = arith.constant 6144 : i32
    %dma_wait3A_244 = tpu.memref_slice %arg4[%dma_wait3A_243] : memref<24576xf32, #tpu.memory_space<vmem>> -> memref<2048xf32, #tpu.memory_space<vmem>>
    %dma_wait3A_245 = tpu.memref_slice %arg2[%add3A_75] : memref<786432xf32, #tpu.memory_space<hbm>> -> memref<2048xf32, #tpu.memory_space<hbm>>
    %dma_wait3A_246 = arith.constant 6144 : i32
    %dma_wait3A_247 = tpu.memref_slice %arg4[%dma_wait3A_246] : memref<24576xf32, #tpu.memory_space<vmem>> -> memref<2048xf32, #tpu.memory_space<vmem>>
    %dma_wait3A_248 = tpu.memref_slice %arg2[%add3A_75] : memref<786432xf32, #tpu.memory_space<hbm>> -> memref<2048xf32, #tpu.memory_space<hbm>>
    tpu.wait_dma2 semaphore(%arg7 : memref<!tpu.dma_semaphore, #tpu.memory_space<semaphore_mem>>) src(%dma_wait3A_248 : memref<2048xf32, #tpu.memory_space<hbm>>) dst(%dma_wait3A_247 : memref<2048xf32, #tpu.memory_space<vmem>>)
    %dma_wait3A_249 = arith.constant 10240 : i32
    %dma_wait3A_250 = tpu.memref_slice %arg4[%dma_wait3A_249] : memref<24576xf32, #tpu.memory_space<vmem>> -> memref<2048xf32, #tpu.memory_space<vmem>>
    %dma_wait3A_251 = tpu.memref_slice %arg2[%add3A_85] : memref<786432xf32, #tpu.memory_space<hbm>> -> memref<2048xf32, #tpu.memory_space<hbm>>
    %dma_wait3A_252 = arith.constant 10240 : i32
    %dma_wait3A_253 = tpu.memref_slice %arg4[%dma_wait3A_252] : memref<24576xf32, #tpu.memory_space<vmem>> -> memref<2048xf32, #tpu.memory_space<vmem>>
    %dma_wait3A_254 = tpu.memref_slice %arg2[%add3A_85] : memref<786432xf32, #tpu.memory_space<hbm>> -> memref<2048xf32, #tpu.memory_space<hbm>>
    tpu.wait_dma2 semaphore(%arg7 : memref<!tpu.dma_semaphore, #tpu.memory_space<semaphore_mem>>) src(%dma_wait3A_254 : memref<2048xf32, #tpu.memory_space<hbm>>) dst(%dma_wait3A_253 : memref<2048xf32, #tpu.memory_space<vmem>>)
    %dma_wait3A_255 = arith.constant 14336 : i32
    %dma_wait3A_256 = tpu.memref_slice %arg4[%dma_wait3A_255] : memref<24576xf32, #tpu.memory_space<vmem>> -> memref<2048xf32, #tpu.memory_space<vmem>>
    %dma_wait3A_257 = tpu.memref_slice %arg2[%add3A_95] : memref<786432xf32, #tpu.memory_space<hbm>> -> memref<2048xf32, #tpu.memory_space<hbm>>
    %dma_wait3A_258 = arith.constant 14336 : i32
    %dma_wait3A_259 = tpu.memref_slice %arg4[%dma_wait3A_258] : memref<24576xf32, #tpu.memory_space<vmem>> -> memref<2048xf32, #tpu.memory_space<vmem>>
    %dma_wait3A_260 = tpu.memref_slice %arg2[%add3A_95] : memref<786432xf32, #tpu.memory_space<hbm>> -> memref<2048xf32, #tpu.memory_space<hbm>>
    tpu.wait_dma2 semaphore(%arg7 : memref<!tpu.dma_semaphore, #tpu.memory_space<semaphore_mem>>) src(%dma_wait3A_260 : memref<2048xf32, #tpu.memory_space<hbm>>) dst(%dma_wait3A_259 : memref<2048xf32, #tpu.memory_space<vmem>>)
    %dma_wait3A_261 = arith.constant 18432 : i32
    %dma_wait3A_262 = tpu.memref_slice %arg4[%dma_wait3A_261] : memref<24576xf32, #tpu.memory_space<vmem>> -> memref<2048xf32, #tpu.memory_space<vmem>>
    %dma_wait3A_263 = tpu.memref_slice %arg2[%add3A_105] : memref<786432xf32, #tpu.memory_space<hbm>> -> memref<2048xf32, #tpu.memory_space<hbm>>
    %dma_wait3A_264 = arith.constant 18432 : i32
    %dma_wait3A_265 = tpu.memref_slice %arg4[%dma_wait3A_264] : memref<24576xf32, #tpu.memory_space<vmem>> -> memref<2048xf32, #tpu.memory_space<vmem>>
    %dma_wait3A_266 = tpu.memref_slice %arg2[%add3A_105] : memref<786432xf32, #tpu.memory_space<hbm>> -> memref<2048xf32, #tpu.memory_space<hbm>>
    tpu.wait_dma2 semaphore(%arg7 : memref<!tpu.dma_semaphore, #tpu.memory_space<semaphore_mem>>) src(%dma_wait3A_266 : memref<2048xf32, #tpu.memory_space<hbm>>) dst(%dma_wait3A_265 : memref<2048xf32, #tpu.memory_space<vmem>>)
    %dma_wait3A_267 = arith.constant 22528 : i32
    %dma_wait3A_268 = tpu.memref_slice %arg4[%dma_wait3A_267] : memref<24576xf32, #tpu.memory_space<vmem>> -> memref<2048xf32, #tpu.memory_space<vmem>>
    %dma_wait3A_269 = tpu.memref_slice %arg2[%add3A_115] : memref<786432xf32, #tpu.memory_space<hbm>> -> memref<2048xf32, #tpu.memory_space<hbm>>
    %dma_wait3A_270 = arith.constant 22528 : i32
    %dma_wait3A_271 = tpu.memref_slice %arg4[%dma_wait3A_270] : memref<24576xf32, #tpu.memory_space<vmem>> -> memref<2048xf32, #tpu.memory_space<vmem>>
    %dma_wait3A_272 = tpu.memref_slice %arg2[%add3A_115] : memref<786432xf32, #tpu.memory_space<hbm>> -> memref<2048xf32, #tpu.memory_space<hbm>>
    tpu.wait_dma2 semaphore(%arg7 : memref<!tpu.dma_semaphore, #tpu.memory_space<semaphore_mem>>) src(%dma_wait3A_272 : memref<2048xf32, #tpu.memory_space<hbm>>) dst(%dma_wait3A_271 : memref<2048xf32, #tpu.memory_space<vmem>>)
    %scan3A_273 = arith.constant 0 : i32
    %scan3A_274 = arith.constant 8 : i32
    %scan3A_275 = arith.constant 8 : i32
    %scan3A_276 = arith.addi %scan3A_274, %scan3A_275 : i32
    %scan3A_277 = arith.constant 1 : i32
    scf.for %scan3A_411 = %scan3A_274 to %scan3A_276 step %scan3A_277  : i32 {
      %mul3A_412 = arith.constant 2 : i32
      %mul3A_413 = arith.muli %scan3A_411, %mul3A_412 : i32
      %shift_right_arithmetic3A_414 = arith.constant 3 : i32
      %shift_right_arithmetic3A_415 = arith.shrsi %mul3A_413, %shift_right_arithmetic3A_414 : i32
      %mul3A_416 = arith.constant 1024 : i32
      %mul3A_417 = arith.muli %shift_right_arithmetic3A_415, %mul3A_416 : i32
      %and3A_418 = arith.constant 7 : i32
      %and3A_419 = arith.andi %mul3A_413, %and3A_418 : i32
      %mul3A_420 = arith.constant 16 : i32
      %mul3A_421 = arith.muli %and3A_419, %mul3A_420 : i32
      %add3A_422 = arith.addi %mul3A_417, %mul3A_421 : i32
      %add3A_423 = arith.constant 0 : i32
      %add3A_424 = arith.addi %add3A_422, %add3A_423 : i32
      %add3A_425 = arith.constant 0 : i32
      %add3A_426 = arith.addi %add3A_424, %add3A_425 : i32
      %get3A = arith.index_cast %add3A_426 : i32 to index
      %get3A_427 = tpu.vector_load %arg4[%get3A] {strides = array<i32>} : memref<24576xf32, #tpu.memory_space<vmem>>, vector<16xf32>,
      %add3A_428 = arith.constant 8192 : i32
      %add3A_429 = arith.addi %add3A_422, %add3A_428 : i32
      %add3A_430 = arith.constant 0 : i32
      %add3A_431 = arith.addi %add3A_429, %add3A_430 : i32
      %get3A_432 = arith.index_cast %add3A_431 : i32 to index
      %get3A_433 = tpu.vector_load %arg4[%get3A_432] {strides = array<i32>} : memref<24576xf32, #tpu.memory_space<vmem>>, vector<16xf32>,
      %add3A_434 = arith.constant 16384 : i32
      %add3A_435 = arith.addi %add3A_422, %add3A_434 : i32
      %add3A_436 = arith.constant 0 : i32
      %add3A_437 = arith.addi %add3A_435, %add3A_436 : i32
      %get3A_438 = arith.index_cast %add3A_437 : i32 to index
      %get3A_439 = tpu.vector_load %arg4[%get3A_438] {strides = array<i32>} : memref<24576xf32, #tpu.memory_space<vmem>>, vector<16xf32>,
      %add3A_440 = arith.constant 0 : i32
      %add3A_441 = arith.addi %add3A_422, %add3A_440 : i32
      %add3A_442 = arith.constant 128 : i32
      %add3A_443 = arith.addi %add3A_441, %add3A_442 : i32
      %get3A_444 = arith.index_cast %add3A_443 : i32 to index
      %get3A_445 = tpu.vector_load %arg4[%get3A_444] {strides = array<i32>} : memref<24576xf32, #tpu.memory_space<vmem>>, vector<16xf32>,
      %add3A_446 = arith.constant 8192 : i32
      %add3A_447 = arith.addi %add3A_422, %add3A_446 : i32
      %add3A_448 = arith.constant 128 : i32
      %add3A_449 = arith.addi %add3A_447, %add3A_448 : i32
      %get3A_450 = arith.index_cast %add3A_449 : i32 to index
      %get3A_451 = tpu.vector_load %arg4[%get3A_450] {strides = array<i32>} : memref<24576xf32, #tpu.memory_space<vmem>>, vector<16xf32>,
      %add3A_452 = arith.constant 16384 : i32
      %add3A_453 = arith.addi %add3A_422, %add3A_452 : i32
      %add3A_454 = arith.constant 128 : i32
      %add3A_455 = arith.addi %add3A_453, %add3A_454 : i32
      %get3A_456 = arith.index_cast %add3A_455 : i32 to index
      %get3A_457 = tpu.vector_load %arg4[%get3A_456] {strides = array<i32>} : memref<24576xf32, #tpu.memory_space<vmem>>, vector<16xf32>,
      %add3A_458 = arith.constant 0 : i32
      %add3A_459 = arith.addi %add3A_422, %add3A_458 : i32
      %add3A_460 = arith.constant 256 : i32
      %add3A_461 = arith.addi %add3A_459, %add3A_460 : i32
      %get3A_462 = arith.index_cast %add3A_461 : i32 to index
      %get3A_463 = tpu.vector_load %arg4[%get3A_462] {strides = array<i32>} : memref<24576xf32, #tpu.memory_space<vmem>>, vector<16xf32>,
      %add3A_464 = arith.constant 8192 : i32
      %add3A_465 = arith.addi %add3A_422, %add3A_464 : i32
      %add3A_466 = arith.constant 256 : i32
      %add3A_467 = arith.addi %add3A_465, %add3A_466 : i32
      %get3A_468 = arith.index_cast %add3A_467 : i32 to index
      %get3A_469 = tpu.vector_load %arg4[%get3A_468] {strides = array<i32>} : memref<24576xf32, #tpu.memory_space<vmem>>, vector<16xf32>,
      %add3A_470 = arith.constant 16384 : i32
      %add3A_471 = arith.addi %add3A_422, %add3A_470 : i32
      %add3A_472 = arith.constant 256 : i32
      %add3A_473 = arith.addi %add3A_471, %add3A_472 : i32
      %get3A_474 = arith.index_cast %add3A_473 : i32 to index
      %get3A_475 = tpu.vector_load %arg4[%get3A_474] {strides = array<i32>} : memref<24576xf32, #tpu.memory_space<vmem>>, vector<16xf32>,
      %add3A_476 = arith.constant 0 : i32
      %add3A_477 = arith.addi %add3A_422, %add3A_476 : i32
      %add3A_478 = arith.constant 384 : i32
      %add3A_479 = arith.addi %add3A_477, %add3A_478 : i32
      %get3A_480 = arith.index_cast %add3A_479 : i32 to index
      %get3A_481 = tpu.vector_load %arg4[%get3A_480] {strides = array<i32>} : memref<24576xf32, #tpu.memory_space<vmem>>, vector<16xf32>,
      %add3A_482 = arith.constant 8192 : i32
      %add3A_483 = arith.addi %add3A_422, %add3A_482 : i32
      %add3A_484 = arith.constant 384 : i32
      %add3A_485 = arith.addi %add3A_483, %add3A_484 : i32
      %get3A_486 = arith.index_cast %add3A_485 : i32 to index
      %get3A_487 = tpu.vector_load %arg4[%get3A_486] {strides = array<i32>} : memref<24576xf32, #tpu.memory_space<vmem>>, vector<16xf32>,
      %add3A_488 = arith.constant 16384 : i32
      %add3A_489 = arith.addi %add3A_422, %add3A_488 : i32
      %add3A_490 = arith.constant 384 : i32
      %add3A_491 = arith.addi %add3A_489, %add3A_490 : i32
      %get3A_492 = arith.index_cast %add3A_491 : i32 to index
      %get3A_493 = tpu.vector_load %arg4[%get3A_492] {strides = array<i32>} : memref<24576xf32, #tpu.memory_space<vmem>>, vector<16xf32>,
      %add3A_494 = arith.constant 0 : i32
      %add3A_495 = arith.addi %add3A_422, %add3A_494 : i32
      %add3A_496 = arith.constant 512 : i32
      %add3A_497 = arith.addi %add3A_495, %add3A_496 : i32
      %get3A_498 = arith.index_cast %add3A_497 : i32 to index
      %get3A_499 = tpu.vector_load %arg4[%get3A_498] {strides = array<i32>} : memref<24576xf32, #tpu.memory_space<vmem>>, vector<16xf32>,
      %add3A_500 = arith.constant 8192 : i32
      %add3A_501 = arith.addi %add3A_422, %add3A_500 : i32
      %add3A_502 = arith.constant 512 : i32
      %add3A_503 = arith.addi %add3A_501, %add3A_502 : i32
      %get3A_504 = arith.index_cast %add3A_503 : i32 to index
      %get3A_505 = tpu.vector_load %arg4[%get3A_504] {strides = array<i32>} : memref<24576xf32, #tpu.memory_space<vmem>>, vector<16xf32>,
      %add3A_506 = arith.constant 16384 : i32
      %add3A_507 = arith.addi %add3A_422, %add3A_506 : i32
      %add3A_508 = arith.constant 512 : i32
      %add3A_509 = arith.addi %add3A_507, %add3A_508 : i32
      %get3A_510 = arith.index_cast %add3A_509 : i32 to index
      %get3A_511 = tpu.vector_load %arg4[%get3A_510] {strides = array<i32>} : memref<24576xf32, #tpu.memory_space<vmem>>, vector<16xf32>,
      %add3A_512 = arith.constant 0 : i32
      %add3A_513 = arith.addi %add3A_422, %add3A_512 : i32
      %add3A_514 = arith.constant 640 : i32
      %add3A_515 = arith.addi %add3A_513, %add3A_514 : i32
      %get3A_516 = arith.index_cast %add3A_515 : i32 to index
      %get3A_517 = tpu.vector_load %arg4[%get3A_516] {strides = array<i32>} : memref<24576xf32, #tpu.memory_space<vmem>>, vector<16xf32>,
      %add3A_518 = arith.constant 8192 : i32
      %add3A_519 = arith.addi %add3A_422, %add3A_518 : i32
      %add3A_520 = arith.constant 640 : i32
      %add3A_521 = arith.addi %add3A_519, %add3A_520 : i32
      %get3A_522 = arith.index_cast %add3A_521 : i32 to index
      %get3A_523 = tpu.vector_load %arg4[%get3A_522] {strides = array<i32>} : memref<24576xf32, #tpu.memory_space<vmem>>, vector<16xf32>,
      %add3A_524 = arith.constant 16384 : i32
      %add3A_525 = arith.addi %add3A_422, %add3A_524 : i32
      %add3A_526 = arith.constant 640 : i32
      %add3A_527 = arith.addi %add3A_525, %add3A_526 : i32
      %get3A_528 = arith.index_cast %add3A_527 : i32 to index
      %get3A_529 = tpu.vector_load %arg4[%get3A_528] {strides = array<i32>} : memref<24576xf32, #tpu.memory_space<vmem>>, vector<16xf32>,
      %add3A_530 = arith.constant 0 : i32
      %add3A_531 = arith.addi %add3A_422, %add3A_530 : i32
      %add3A_532 = arith.constant 768 : i32
      %add3A_533 = arith.addi %add3A_531, %add3A_532 : i32
      %get3A_534 = arith.index_cast %add3A_533 : i32 to index
      %get3A_535 = tpu.vector_load %arg4[%get3A_534] {strides = array<i32>} : memref<24576xf32, #tpu.memory_space<vmem>>, vector<16xf32>,
      %add3A_536 = arith.constant 8192 : i32
      %add3A_537 = arith.addi %add3A_422, %add3A_536 : i32
      %add3A_538 = arith.constant 768 : i32
      %add3A_539 = arith.addi %add3A_537, %add3A_538 : i32
      %get3A_540 = arith.index_cast %add3A_539 : i32 to index
      %get3A_541 = tpu.vector_load %arg4[%get3A_540] {strides = array<i32>} : memref<24576xf32, #tpu.memory_space<vmem>>, vector<16xf32>,
      %add3A_542 = arith.constant 16384 : i32
      %add3A_543 = arith.addi %add3A_422, %add3A_542 : i32
      %add3A_544 = arith.constant 768 : i32
      %add3A_545 = arith.addi %add3A_543, %add3A_544 : i32
      %get3A_546 = arith.index_cast %add3A_545 : i32 to index
      %get3A_547 = tpu.vector_load %arg4[%get3A_546] {strides = array<i32>} : memref<24576xf32, #tpu.memory_space<vmem>>, vector<16xf32>,
      %add3A_548 = arith.constant 0 : i32
      %add3A_549 = arith.addi %add3A_422, %add3A_548 : i32
      %add3A_550 = arith.constant 896 : i32
      %add3A_551 = arith.addi %add3A_549, %add3A_550 : i32
      %get3A_552 = arith.index_cast %add3A_551 : i32 to index
      %get3A_553 = tpu.vector_load %arg4[%get3A_552] {strides = array<i32>} : memref<24576xf32, #tpu.memory_space<vmem>>, vector<16xf32>,
      %add3A_554 = arith.constant 8192 : i32
      %add3A_555 = arith.addi %add3A_422, %add3A_554 : i32
      %add3A_556 = arith.constant 896 : i32
      %add3A_557 = arith.addi %add3A_555, %add3A_556 : i32
      %get3A_558 = arith.index_cast %add3A_557 : i32 to index
      %get3A_559 = tpu.vector_load %arg4[%get3A_558] {strides = array<i32>} : memref<24576xf32, #tpu.memory_space<vmem>>, vector<16xf32>,
      %add3A_560 = arith.constant 16384 : i32
      %add3A_561 = arith.addi %add3A_422, %add3A_560 : i32
      %add3A_562 = arith.constant 896 : i32
      %add3A_563 = arith.addi %add3A_561, %add3A_562 : i32
      %get3A_564 = arith.index_cast %add3A_563 : i32 to index
      %get3A_565 = tpu.vector_load %arg4[%get3A_564] {strides = array<i32>} : memref<24576xf32, #tpu.memory_space<vmem>>, vector<16xf32>,
      %add3A_566 = arith.constant 4096 : i32
      %add3A_567 = arith.addi %add3A_422, %add3A_566 : i32
      %add3A_568 = arith.constant 0 : i32
      %add3A_569 = arith.addi %add3A_567, %add3A_568 : i32
      %get3A_570 = arith.index_cast %add3A_569 : i32 to index
      %get3A_571 = tpu.vector_load %arg4[%get3A_570] {strides = array<i32>} : memref<24576xf32, #tpu.memory_space<vmem>>, vector<16xf32>,
      %add3A_572 = arith.constant 12288 : i32
      %add3A_573 = arith.addi %add3A_422, %add3A_572 : i32
      %add3A_574 = arith.constant 0 : i32
      %add3A_575 = arith.addi %add3A_573, %add3A_574 : i32
      %get3A_576 = arith.index_cast %add3A_575 : i32 to index
      %get3A_577 = tpu.vector_load %arg4[%get3A_576] {strides = array<i32>} : memref<24576xf32, #tpu.memory_space<vmem>>, vector<16xf32>,
      %add3A_578 = arith.constant 20480 : i32
      %add3A_579 = arith.addi %add3A_422, %add3A_578 : i32
      %add3A_580 = arith.constant 0 : i32
      %add3A_581 = arith.addi %add3A_579, %add3A_580 : i32
      %get3A_582 = arith.index_cast %add3A_581 : i32 to index
      %get3A_583 = tpu.vector_load %arg4[%get3A_582] {strides = array<i32>} : memref<24576xf32, #tpu.memory_space<vmem>>, vector<16xf32>,
      %add3A_584 = arith.constant 4096 : i32
      %add3A_585 = arith.addi %add3A_422, %add3A_584 : i32
      %add3A_586 = arith.constant 128 : i32
      %add3A_587 = arith.addi %add3A_585, %add3A_586 : i32
      %get3A_588 = arith.index_cast %add3A_587 : i32 to index
      %get3A_589 = tpu.vector_load %arg4[%get3A_588] {strides = array<i32>} : memref<24576xf32, #tpu.memory_space<vmem>>, vector<16xf32>,
      %add3A_590 = arith.constant 12288 : i32
      %add3A_591 = arith.addi %add3A_422, %add3A_590 : i32
      %add3A_592 = arith.constant 128 : i32
      %add3A_593 = arith.addi %add3A_591, %add3A_592 : i32
      %get3A_594 = arith.index_cast %add3A_593 : i32 to index
      %get3A_595 = tpu.vector_load %arg4[%get3A_594] {strides = array<i32>} : memref<24576xf32, #tpu.memory_space<vmem>>, vector<16xf32>,
      %add3A_596 = arith.constant 20480 : i32
      %add3A_597 = arith.addi %add3A_422, %add3A_596 : i32
      %add3A_598 = arith.constant 128 : i32
      %add3A_599 = arith.addi %add3A_597, %add3A_598 : i32
      %get3A_600 = arith.index_cast %add3A_599 : i32 to index
      %get3A_601 = tpu.vector_load %arg4[%get3A_600] {strides = array<i32>} : memref<24576xf32, #tpu.memory_space<vmem>>, vector<16xf32>,
      %add3A_602 = arith.constant 4096 : i32
      %add3A_603 = arith.addi %add3A_422, %add3A_602 : i32
      %add3A_604 = arith.constant 256 : i32
      %add3A_605 = arith.addi %add3A_603, %add3A_604 : i32
      %get3A_606 = arith.index_cast %add3A_605 : i32 to index
      %get3A_607 = tpu.vector_load %arg4[%get3A_606] {strides = array<i32>} : memref<24576xf32, #tpu.memory_space<vmem>>, vector<16xf32>,
      %add3A_608 = arith.constant 12288 : i32
      %add3A_609 = arith.addi %add3A_422, %add3A_608 : i32
      %add3A_610 = arith.constant 256 : i32
      %add3A_611 = arith.addi %add3A_609, %add3A_610 : i32
      %get3A_612 = arith.index_cast %add3A_611 : i32 to index
      %get3A_613 = tpu.vector_load %arg4[%get3A_612] {strides = array<i32>} : memref<24576xf32, #tpu.memory_space<vmem>>, vector<16xf32>,
      %add3A_614 = arith.constant 20480 : i32
      %add3A_615 = arith.addi %add3A_422, %add3A_614 : i32
      %add3A_616 = arith.constant 256 : i32
      %add3A_617 = arith.addi %add3A_615, %add3A_616 : i32
      %get3A_618 = arith.index_cast %add3A_617 : i32 to index
      %get3A_619 = tpu.vector_load %arg4[%get3A_618] {strides = array<i32>} : memref<24576xf32, #tpu.memory_space<vmem>>, vector<16xf32>,
      %add3A_620 = arith.constant 4096 : i32
      %add3A_621 = arith.addi %add3A_422, %add3A_620 : i32
      %add3A_622 = arith.constant 384 : i32
      %add3A_623 = arith.addi %add3A_621, %add3A_622 : i32
      %get3A_624 = arith.index_cast %add3A_623 : i32 to index
      %get3A_625 = tpu.vector_load %arg4[%get3A_624] {strides = array<i32>} : memref<24576xf32, #tpu.memory_space<vmem>>, vector<16xf32>,
      %add3A_626 = arith.constant 12288 : i32
      %add3A_627 = arith.addi %add3A_422, %add3A_626 : i32
      %add3A_628 = arith.constant 384 : i32
      %add3A_629 = arith.addi %add3A_627, %add3A_628 : i32
      %get3A_630 = arith.index_cast %add3A_629 : i32 to index
      %get3A_631 = tpu.vector_load %arg4[%get3A_630] {strides = array<i32>} : memref<24576xf32, #tpu.memory_space<vmem>>, vector<16xf32>,
      %add3A_632 = arith.constant 20480 : i32
      %add3A_633 = arith.addi %add3A_422, %add3A_632 : i32
      %add3A_634 = arith.constant 384 : i32
      %add3A_635 = arith.addi %add3A_633, %add3A_634 : i32
      %get3A_636 = arith.index_cast %add3A_635 : i32 to index
      %get3A_637 = tpu.vector_load %arg4[%get3A_636] {strides = array<i32>} : memref<24576xf32, #tpu.memory_space<vmem>>, vector<16xf32>,
      %add3A_638 = arith.constant 4096 : i32
      %add3A_639 = arith.addi %add3A_422, %add3A_638 : i32
      %add3A_640 = arith.constant 512 : i32
      %add3A_641 = arith.addi %add3A_639, %add3A_640 : i32
      %get3A_642 = arith.index_cast %add3A_641 : i32 to index
      %get3A_643 = tpu.vector_load %arg4[%get3A_642] {strides = array<i32>} : memref<24576xf32, #tpu.memory_space<vmem>>, vector<16xf32>,
      %add3A_644 = arith.constant 12288 : i32
      %add3A_645 = arith.addi %add3A_422, %add3A_644 : i32
      %add3A_646 = arith.constant 512 : i32
      %add3A_647 = arith.addi %add3A_645, %add3A_646 : i32
      %get3A_648 = arith.index_cast %add3A_647 : i32 to index
      %get3A_649 = tpu.vector_load %arg4[%get3A_648] {strides = array<i32>} : memref<24576xf32, #tpu.memory_space<vmem>>, vector<16xf32>,
      %add3A_650 = arith.constant 20480 : i32
      %add3A_651 = arith.addi %add3A_422, %add3A_650 : i32
      %add3A_652 = arith.constant 512 : i32
      %add3A_653 = arith.addi %add3A_651, %add3A_652 : i32
      %get3A_654 = arith.index_cast %add3A_653 : i32 to index
      %get3A_655 = tpu.vector_load %arg4[%get3A_654] {strides = array<i32>} : memref<24576xf32, #tpu.memory_space<vmem>>, vector<16xf32>,
      %add3A_656 = arith.constant 4096 : i32
      %add3A_657 = arith.addi %add3A_422, %add3A_656 : i32
      %add3A_658 = arith.constant 640 : i32
      %add3A_659 = arith.addi %add3A_657, %add3A_658 : i32
      %get3A_660 = arith.index_cast %add3A_659 : i32 to index
      %get3A_661 = tpu.vector_load %arg4[%get3A_660] {strides = array<i32>} : memref<24576xf32, #tpu.memory_space<vmem>>, vector<16xf32>,
      %add3A_662 = arith.constant 12288 : i32
      %add3A_663 = arith.addi %add3A_422, %add3A_662 : i32
      %add3A_664 = arith.constant 640 : i32
      %add3A_665 = arith.addi %add3A_663, %add3A_664 : i32
      %get3A_666 = arith.index_cast %add3A_665 : i32 to index
      %get3A_667 = tpu.vector_load %arg4[%get3A_666] {strides = array<i32>} : memref<24576xf32, #tpu.memory_space<vmem>>, vector<16xf32>,
      %add3A_668 = arith.constant 20480 : i32
      %add3A_669 = arith.addi %add3A_422, %add3A_668 : i32
      %add3A_670 = arith.constant 640 : i32
      %add3A_671 = arith.addi %add3A_669, %add3A_670 : i32
      %get3A_672 = arith.index_cast %add3A_671 : i32 to index
      %get3A_673 = tpu.vector_load %arg4[%get3A_672] {strides = array<i32>} : memref<24576xf32, #tpu.memory_space<vmem>>, vector<16xf32>,
      %add3A_674 = arith.constant 4096 : i32
      %add3A_675 = arith.addi %add3A_422, %add3A_674 : i32
      %add3A_676 = arith.constant 768 : i32
      %add3A_677 = arith.addi %add3A_675, %add3A_676 : i32
      %get3A_678 = arith.index_cast %add3A_677 : i32 to index
      %get3A_679 = tpu.vector_load %arg4[%get3A_678] {strides = array<i32>} : memref<24576xf32, #tpu.memory_space<vmem>>, vector<16xf32>,
      %add3A_680 = arith.constant 12288 : i32
      %add3A_681 = arith.addi %add3A_422, %add3A_680 : i32
      %add3A_682 = arith.constant 768 : i32
      %add3A_683 = arith.addi %add3A_681, %add3A_682 : i32
      %get3A_684 = arith.index_cast %add3A_683 : i32 to index
      %get3A_685 = tpu.vector_load %arg4[%get3A_684] {strides = array<i32>} : memref<24576xf32, #tpu.memory_space<vmem>>, vector<16xf32>,
      %add3A_686 = arith.constant 20480 : i32
      %add3A_687 = arith.addi %add3A_422, %add3A_686 : i32
      %add3A_688 = arith.constant 768 : i32
      %add3A_689 = arith.addi %add3A_687, %add3A_688 : i32
      %get3A_690 = arith.index_cast %add3A_689 : i32 to index
      %get3A_691 = tpu.vector_load %arg4[%get3A_690] {strides = array<i32>} : memref<24576xf32, #tpu.memory_space<vmem>>, vector<16xf32>,
      %add3A_692 = arith.constant 4096 : i32
      %add3A_693 = arith.addi %add3A_422, %add3A_692 : i32
      %add3A_694 = arith.constant 896 : i32
      %add3A_695 = arith.addi %add3A_693, %add3A_694 : i32
      %get3A_696 = arith.index_cast %add3A_695 : i32 to index
      %get3A_697 = tpu.vector_load %arg4[%get3A_696] {strides = array<i32>} : memref<24576xf32, #tpu.memory_space<vmem>>, vector<16xf32>,
      %add3A_698 = arith.constant 12288 : i32
      %add3A_699 = arith.addi %add3A_422, %add3A_698 : i32
      %add3A_700 = arith.constant 896 : i32
      %add3A_701 = arith.addi %add3A_699, %add3A_700 : i32
      %get3A_702 = arith.index_cast %add3A_701 : i32 to index
      %get3A_703 = tpu.vector_load %arg4[%get3A_702] {strides = array<i32>} : memref<24576xf32, #tpu.memory_space<vmem>>, vector<16xf32>,
      %add3A_704 = arith.constant 20480 : i32
      %add3A_705 = arith.addi %add3A_422, %add3A_704 : i32
      %add3A_706 = arith.constant 896 : i32
      %add3A_707 = arith.addi %add3A_705, %add3A_706 : i32
      %get3A_708 = arith.index_cast %add3A_707 : i32 to index
      %get3A_709 = tpu.vector_load %arg4[%get3A_708] {strides = array<i32>} : memref<24576xf32, #tpu.memory_space<vmem>>, vector<16xf32>,
      %gt3A = arith.constant 0.000000e+00 : f32
      %gt3A_710 = vector.broadcast %gt3A : f32 to vector<16xf32>
      %gt3A_711 = arith.cmpf ogt, %get3A_427, %gt3A_710 : vector<16xf32>
      %gt3A_712 = arith.constant 0.000000e+00 : f32
      %gt3A_713 = vector.broadcast %gt3A_712 : f32 to vector<16xf32>
      %gt3A_714 = arith.cmpf ogt, %get3A_445, %gt3A_713 : vector<16xf32>
      %gt3A_715 = arith.constant 0.000000e+00 : f32
      %gt3A_716 = vector.broadcast %gt3A_715 : f32 to vector<16xf32>
      %gt3A_717 = arith.cmpf ogt, %get3A_463, %gt3A_716 : vector<16xf32>
      %gt3A_718 = arith.constant 0.000000e+00 : f32
      %gt3A_719 = vector.broadcast %gt3A_718 : f32 to vector<16xf32>
      %gt3A_720 = arith.cmpf ogt, %get3A_481, %gt3A_719 : vector<16xf32>
      %gt3A_721 = arith.constant 0.000000e+00 : f32
      %gt3A_722 = vector.broadcast %gt3A_721 : f32 to vector<16xf32>
      %gt3A_723 = arith.cmpf ogt, %get3A_499, %gt3A_722 : vector<16xf32>
      %gt3A_724 = arith.constant 0.000000e+00 : f32
      %gt3A_725 = vector.broadcast %gt3A_724 : f32 to vector<16xf32>
      %gt3A_726 = arith.cmpf ogt, %get3A_517, %gt3A_725 : vector<16xf32>
      %gt3A_727 = arith.constant 0.000000e+00 : f32
      %gt3A_728 = vector.broadcast %gt3A_727 : f32 to vector<16xf32>
      %gt3A_729 = arith.cmpf ogt, %get3A_535, %gt3A_728 : vector<16xf32>
      %gt3A_730 = arith.constant 0.000000e+00 : f32
      %gt3A_731 = vector.broadcast %gt3A_730 : f32 to vector<16xf32>
      %gt3A_732 = arith.cmpf ogt, %get3A_553, %gt3A_731 : vector<16xf32>
      %gt3A_733 = arith.constant 0.000000e+00 : f32
      %gt3A_734 = vector.broadcast %gt3A_733 : f32 to vector<16xf32>
      %gt3A_735 = arith.cmpf ogt, %get3A_571, %gt3A_734 : vector<16xf32>
      %gt3A_736 = arith.constant 0.000000e+00 : f32
      %gt3A_737 = vector.broadcast %gt3A_736 : f32 to vector<16xf32>
      %gt3A_738 = arith.cmpf ogt, %get3A_589, %gt3A_737 : vector<16xf32>
      %gt3A_739 = arith.constant 0.000000e+00 : f32
      %gt3A_740 = vector.broadcast %gt3A_739 : f32 to vector<16xf32>
      %gt3A_741 = arith.cmpf ogt, %get3A_607, %gt3A_740 : vector<16xf32>
      %gt3A_742 = arith.constant 0.000000e+00 : f32
      %gt3A_743 = vector.broadcast %gt3A_742 : f32 to vector<16xf32>
      %gt3A_744 = arith.cmpf ogt, %get3A_625, %gt3A_743 : vector<16xf32>
      %gt3A_745 = arith.constant 0.000000e+00 : f32
      %gt3A_746 = vector.broadcast %gt3A_745 : f32 to vector<16xf32>
      %gt3A_747 = arith.cmpf ogt, %get3A_643, %gt3A_746 : vector<16xf32>
      %gt3A_748 = arith.constant 0.000000e+00 : f32
      %gt3A_749 = vector.broadcast %gt3A_748 : f32 to vector<16xf32>
      %gt3A_750 = arith.cmpf ogt, %get3A_661, %gt3A_749 : vector<16xf32>
      %gt3A_751 = arith.constant 0.000000e+00 : f32
      %gt3A_752 = vector.broadcast %gt3A_751 : f32 to vector<16xf32>
      %gt3A_753 = arith.cmpf ogt, %get3A_679, %gt3A_752 : vector<16xf32>
      %select_n3A = arith.select %gt3A_711, %broadcast_in_dim3A_122, %broadcast_in_dim3A_126 : vector<16xi1>, vector<16xi32>
      %select_n3A_754 = arith.select %gt3A_714, %broadcast_in_dim3A_122, %broadcast_in_dim3A_126 : vector<16xi1>, vector<16xi32>
      %select_n3A_755 = arith.select %gt3A_717, %broadcast_in_dim3A_122, %broadcast_in_dim3A_126 : vector<16xi1>, vector<16xi32>
      %select_n3A_756 = arith.select %gt3A_720, %broadcast_in_dim3A_122, %broadcast_in_dim3A_126 : vector<16xi1>, vector<16xi32>
      %select_n3A_757 = arith.select %gt3A_723, %broadcast_in_dim3A_122, %broadcast_in_dim3A_126 : vector<16xi1>, vector<16xi32>
      %select_n3A_758 = arith.select %gt3A_726, %broadcast_in_dim3A_122, %broadcast_in_dim3A_126 : vector<16xi1>, vector<16xi32>
      %select_n3A_759 = arith.select %gt3A_729, %broadcast_in_dim3A_122, %broadcast_in_dim3A_126 : vector<16xi1>, vector<16xi32>
      %select_n3A_760 = arith.select %gt3A_732, %broadcast_in_dim3A_122, %broadcast_in_dim3A_126 : vector<16xi1>, vector<16xi32>
      %select_n3A_761 = arith.select %gt3A_735, %broadcast_in_dim3A_122, %broadcast_in_dim3A_126 : vector<16xi1>, vector<16xi32>
      %select_n3A_762 = arith.select %gt3A_738, %broadcast_in_dim3A_122, %broadcast_in_dim3A_126 : vector<16xi1>, vector<16xi32>
      %select_n3A_763 = arith.select %gt3A_741, %broadcast_in_dim3A_122, %broadcast_in_dim3A_126 : vector<16xi1>, vector<16xi32>
      %select_n3A_764 = arith.select %gt3A_744, %broadcast_in_dim3A_122, %broadcast_in_dim3A_126 : vector<16xi1>, vector<16xi32>
      %select_n3A_765 = arith.select %gt3A_747, %broadcast_in_dim3A_122, %broadcast_in_dim3A_126 : vector<16xi1>, vector<16xi32>
      %select_n3A_766 = arith.select %gt3A_750, %broadcast_in_dim3A_122, %broadcast_in_dim3A_126 : vector<16xi1>, vector<16xi32>
      %select_n3A_767 = arith.select %gt3A_753, %broadcast_in_dim3A_122, %broadcast_in_dim3A_126 : vector<16xi1>, vector<16xi32>
      %add3A_768 = arith.addi %broadcast_in_dim3A_126, %select_n3A : vector<16xi32>
      %add3A_769 = arith.addi %add3A_768, %select_n3A_754 : vector<16xi32>
      %add3A_770 = arith.addi %add3A_769, %select_n3A_755 : vector<16xi32>
      %add3A_771 = arith.addi %add3A_770, %select_n3A_756 : vector<16xi32>
      %add3A_772 = arith.addi %add3A_771, %select_n3A_757 : vector<16xi32>
      %add3A_773 = arith.addi %add3A_772, %select_n3A_758 : vector<16xi32>
      %add3A_774 = arith.addi %broadcast_in_dim3A_126, %select_n3A_759 : vector<16xi32>
      %add3A_775 = arith.addi %add3A_774, %select_n3A_760 : vector<16xi32>
      %add3A_776 = arith.addi %add3A_775, %select_n3A_761 : vector<16xi32>
      %add3A_777 = arith.addi %broadcast_in_dim3A_126, %select_n3A_762 : vector<16xi32>
      %add3A_778 = arith.addi %add3A_777, %select_n3A_763 : vector<16xi32>
      %add3A_779 = arith.addi %add3A_778, %select_n3A_764 : vector<16xi32>
      %add3A_780 = arith.addi %broadcast_in_dim3A_126, %select_n3A_765 : vector<16xi32>
      %add3A_781 = arith.addi %add3A_780, %select_n3A_766 : vector<16xi32>
      %add3A_782 = arith.addi %add3A_781, %select_n3A_767 : vector<16xi32>
      %add3A_783 = vector.broadcast %add3A_422 : i32 to vector<16xi32>
      %add3A_784 = arith.addi %add3A_783, %iota3A : vector<16xi32>
      %jit3A = arith.constant 0 : i32
      %jit3A_785 = arith.constant 5 : i32
      %broadcast_in_dim3A_786 = vector.broadcast %jit3A : i32 to vector<16xi32>
      %broadcast_in_dim3A_787 = vector.broadcast %jit3A_785 : i32 to vector<16xi32>
      %select_n3A_788 = arith.select %gt3A_711, %broadcast_in_dim3A_786, %broadcast_in_dim3A_787 : vector<16xi1>, vector<16xi32>
      %add3A_789 = arith.addi %broadcast_in_dim3A_126, %select_n3A_788 : vector<16xi32>
      %lt3A = arith.constant 0 : i32
      %lt3A_790 = vector.broadcast %lt3A : i32 to vector<16xi32>
      %lt3A_791 = arith.cmpi slt, %add3A_789, %lt3A_790 : vector<16xi32>
      %add3A_792 = arith.constant 16 : i32
      %add3A_793 = vector.broadcast %add3A_792 : i32 to vector<16xi32>
      %add3A_794 = arith.addi %add3A_789, %add3A_793 : vector<16xi32>
      %select_n3A_795 = arith.select %lt3A_791, %add3A_794, %add3A_789 : vector<16xi1>, vector<16xi32>
      %broadcast_in_dim3A_796 = vector.shape_cast %select_n3A_795 : vector<16xi32> to vector<16x1xi32>
      %gather3A = vector.shape_cast %broadcast_in_dim3A_796 : vector<16x1xi32> to vector<16xi32>
      %gather3A_797 = tpu.dynamic_gather %add3A_136[%gather3A] in [0] : vector<16xi32>, vector<16xi32> -> vector<16xi32>
      %add3A_798 = arith.addi %gather3A_797, %add3A_784 : vector<16xi32>
      %select_n3A_799 = arith.select %gt3A_711, %get3A_427, %broadcast_in_dim3A_124 : vector<16xi1>, vector<16xf32>
      %add3A_800 = arith.constant 0 : i32
      %add3A_801 = vector.broadcast %add3A_800 : i32 to vector<16xi32>
      %add3A_802 = arith.addi %add3A_798, %add3A_801 : vector<16xi32>
      tpu.vector_store_idx %arg5[%add3A_802], %select_n3A_799 : memref<24576xf32, #tpu.memory_space<vmem>>[vector<16xi32>], vector<16xf32>,
      %select_n3A_803 = arith.select %gt3A_711, %get3A_433, %broadcast_in_dim3A_124 : vector<16xi1>, vector<16xf32>
      %add3A_804 = arith.constant 8192 : i32
      %add3A_805 = vector.broadcast %add3A_804 : i32 to vector<16xi32>
      %add3A_806 = arith.addi %add3A_798, %add3A_805 : vector<16xi32>
      tpu.vector_store_idx %arg5[%add3A_806], %select_n3A_803 : memref<24576xf32, #tpu.memory_space<vmem>>[vector<16xi32>], vector<16xf32>,
      %select_n3A_807 = arith.select %gt3A_711, %get3A_439, %broadcast_in_dim3A_124 : vector<16xi1>, vector<16xf32>
      %add3A_808 = arith.constant 16384 : i32
      %add3A_809 = vector.broadcast %add3A_808 : i32 to vector<16xi32>
      %add3A_810 = arith.addi %add3A_798, %add3A_809 : vector<16xi32>
      tpu.vector_store_idx %arg5[%add3A_810], %select_n3A_807 : memref<24576xf32, #tpu.memory_space<vmem>>[vector<16xi32>], vector<16xf32>,
      %jit3A_811 = arith.constant 0 : i32
      %jit3A_812 = arith.constant 4 : i32
      %broadcast_in_dim3A_813 = vector.broadcast %jit3A_811 : i32 to vector<16xi32>
      %broadcast_in_dim3A_814 = vector.broadcast %jit3A_812 : i32 to vector<16xi32>
      %select_n3A_815 = arith.select %gt3A_714, %broadcast_in_dim3A_813, %broadcast_in_dim3A_814 : vector<16xi1>, vector<16xi32>
      %add3A_816 = arith.addi %add3A_768, %select_n3A_815 : vector<16xi32>
      %lt3A_817 = arith.constant 0 : i32
      %lt3A_818 = vector.broadcast %lt3A_817 : i32 to vector<16xi32>
      %lt3A_819 = arith.cmpi slt, %add3A_816, %lt3A_818 : vector<16xi32>
      %add3A_820 = arith.constant 16 : i32
      %add3A_821 = vector.broadcast %add3A_820 : i32 to vector<16xi32>
      %add3A_822 = arith.addi %add3A_816, %add3A_821 : vector<16xi32>
      %select_n3A_823 = arith.select %lt3A_819, %add3A_822, %add3A_816 : vector<16xi1>, vector<16xi32>
      %broadcast_in_dim3A_824 = vector.shape_cast %select_n3A_823 : vector<16xi32> to vector<16x1xi32>
      %gather3A_825 = vector.shape_cast %broadcast_in_dim3A_824 : vector<16x1xi32> to vector<16xi32>
      %gather3A_826 = tpu.dynamic_gather %add3A_136[%gather3A_825] in [0] : vector<16xi32>, vector<16xi32> -> vector<16xi32>
      %add3A_827 = arith.addi %gather3A_826, %add3A_784 : vector<16xi32>
      %select_n3A_828 = arith.select %gt3A_714, %get3A_445, %broadcast_in_dim3A_124 : vector<16xi1>, vector<16xf32>
      %add3A_829 = arith.constant 0 : i32
      %add3A_830 = vector.broadcast %add3A_829 : i32 to vector<16xi32>
      %add3A_831 = arith.addi %add3A_827, %add3A_830 : vector<16xi32>
      tpu.vector_store_idx %arg5[%add3A_831], %select_n3A_828 : memref<24576xf32, #tpu.memory_space<vmem>>[vector<16xi32>], vector<16xf32>,
      %select_n3A_832 = arith.select %gt3A_714, %get3A_451, %broadcast_in_dim3A_124 : vector<16xi1>, vector<16xf32>
      %add3A_833 = arith.constant 8192 : i32
      %add3A_834 = vector.broadcast %add3A_833 : i32 to vector<16xi32>
      %add3A_835 = arith.addi %add3A_827, %add3A_834 : vector<16xi32>
      tpu.vector_store_idx %arg5[%add3A_835], %select_n3A_832 : memref<24576xf32, #tpu.memory_space<vmem>>[vector<16xi32>], vector<16xf32>,
      %select_n3A_836 = arith.select %gt3A_714, %get3A_457, %broadcast_in_dim3A_124 : vector<16xi1>, vector<16xf32>
      %add3A_837 = arith.constant 16384 : i32
      %add3A_838 = vector.broadcast %add3A_837 : i32 to vector<16xi32>
      %add3A_839 = arith.addi %add3A_827, %add3A_838 : vector<16xi32>
      tpu.vector_store_idx %arg5[%add3A_839], %select_n3A_836 : memref<24576xf32, #tpu.memory_space<vmem>>[vector<16xi32>], vector<16xf32>,
      %jit3A_840 = arith.constant 0 : i32
      %jit3A_841 = arith.constant 3 : i32
      %broadcast_in_dim3A_842 = vector.broadcast %jit3A_840 : i32 to vector<16xi32>
      %broadcast_in_dim3A_843 = vector.broadcast %jit3A_841 : i32 to vector<16xi32>
      %select_n3A_844 = arith.select %gt3A_717, %broadcast_in_dim3A_842, %broadcast_in_dim3A_843 : vector<16xi1>, vector<16xi32>
      %add3A_845 = arith.addi %add3A_769, %select_n3A_844 : vector<16xi32>
      %lt3A_846 = arith.constant 0 : i32
      %lt3A_847 = vector.broadcast %lt3A_846 : i32 to vector<16xi32>
      %lt3A_848 = arith.cmpi slt, %add3A_845, %lt3A_847 : vector<16xi32>
      %add3A_849 = arith.constant 16 : i32
      %add3A_850 = vector.broadcast %add3A_849 : i32 to vector<16xi32>
      %add3A_851 = arith.addi %add3A_845, %add3A_850 : vector<16xi32>
      %select_n3A_852 = arith.select %lt3A_848, %add3A_851, %add3A_845 : vector<16xi1>, vector<16xi32>
      %broadcast_in_dim3A_853 = vector.shape_cast %select_n3A_852 : vector<16xi32> to vector<16x1xi32>
      %gather3A_854 = vector.shape_cast %broadcast_in_dim3A_853 : vector<16x1xi32> to vector<16xi32>
      %gather3A_855 = tpu.dynamic_gather %add3A_136[%gather3A_854] in [0] : vector<16xi32>, vector<16xi32> -> vector<16xi32>
      %add3A_856 = arith.addi %gather3A_855, %add3A_784 : vector<16xi32>
      %select_n3A_857 = arith.select %gt3A_717, %get3A_463, %broadcast_in_dim3A_124 : vector<16xi1>, vector<16xf32>
      %add3A_858 = arith.constant 0 : i32
      %add3A_859 = vector.broadcast %add3A_858 : i32 to vector<16xi32>
      %add3A_860 = arith.addi %add3A_856, %add3A_859 : vector<16xi32>
      tpu.vector_store_idx %arg5[%add3A_860], %select_n3A_857 : memref<24576xf32, #tpu.memory_space<vmem>>[vector<16xi32>], vector<16xf32>,
      %select_n3A_861 = arith.select %gt3A_717, %get3A_469, %broadcast_in_dim3A_124 : vector<16xi1>, vector<16xf32>
      %add3A_862 = arith.constant 8192 : i32
      %add3A_863 = vector.broadcast %add3A_862 : i32 to vector<16xi32>
      %add3A_864 = arith.addi %add3A_856, %add3A_863 : vector<16xi32>
      tpu.vector_store_idx %arg5[%add3A_864], %select_n3A_861 : memref<24576xf32, #tpu.memory_space<vmem>>[vector<16xi32>], vector<16xf32>,
      %select_n3A_865 = arith.select %gt3A_717, %get3A_475, %broadcast_in_dim3A_124 : vector<16xi1>, vector<16xf32>
      %add3A_866 = arith.constant 16384 : i32
      %add3A_867 = vector.broadcast %add3A_866 : i32 to vector<16xi32>
      %add3A_868 = arith.addi %add3A_856, %add3A_867 : vector<16xi32>
      tpu.vector_store_idx %arg5[%add3A_868], %select_n3A_865 : memref<24576xf32, #tpu.memory_space<vmem>>[vector<16xi32>], vector<16xf32>,
      %jit3A_869 = arith.constant 0 : i32
      %jit3A_870 = arith.constant 2 : i32
      %broadcast_in_dim3A_871 = vector.broadcast %jit3A_869 : i32 to vector<16xi32>
      %broadcast_in_dim3A_872 = vector.broadcast %jit3A_870 : i32 to vector<16xi32>
      %select_n3A_873 = arith.select %gt3A_720, %broadcast_in_dim3A_871, %broadcast_in_dim3A_872 : vector<16xi1>, vector<16xi32>
      %add3A_874 = arith.addi %add3A_770, %select_n3A_873 : vector<16xi32>
      %lt3A_875 = arith.constant 0 : i32
      %lt3A_876 = vector.broadcast %lt3A_875 : i32 to vector<16xi32>
      %lt3A_877 = arith.cmpi slt, %add3A_874, %lt3A_876 : vector<16xi32>
      %add3A_878 = arith.constant 16 : i32
      %add3A_879 = vector.broadcast %add3A_878 : i32 to vector<16xi32>
      %add3A_880 = arith.addi %add3A_874, %add3A_879 : vector<16xi32>
      %select_n3A_881 = arith.select %lt3A_877, %add3A_880, %add3A_874 : vector<16xi1>, vector<16xi32>
      %broadcast_in_dim3A_882 = vector.shape_cast %select_n3A_881 : vector<16xi32> to vector<16x1xi32>
      %gather3A_883 = vector.shape_cast %broadcast_in_dim3A_882 : vector<16x1xi32> to vector<16xi32>
      %gather3A_884 = tpu.dynamic_gather %add3A_136[%gather3A_883] in [0] : vector<16xi32>, vector<16xi32> -> vector<16xi32>
      %add3A_885 = arith.addi %gather3A_884, %add3A_784 : vector<16xi32>
      %select_n3A_886 = arith.select %gt3A_720, %get3A_481, %broadcast_in_dim3A_124 : vector<16xi1>, vector<16xf32>
      %add3A_887 = arith.constant 0 : i32
      %add3A_888 = vector.broadcast %add3A_887 : i32 to vector<16xi32>
      %add3A_889 = arith.addi %add3A_885, %add3A_888 : vector<16xi32>
      tpu.vector_store_idx %arg5[%add3A_889], %select_n3A_886 : memref<24576xf32, #tpu.memory_space<vmem>>[vector<16xi32>], vector<16xf32>,
      %select_n3A_890 = arith.select %gt3A_720, %get3A_487, %broadcast_in_dim3A_124 : vector<16xi1>, vector<16xf32>
      %add3A_891 = arith.constant 8192 : i32
      %add3A_892 = vector.broadcast %add3A_891 : i32 to vector<16xi32>
      %add3A_893 = arith.addi %add3A_885, %add3A_892 : vector<16xi32>
      tpu.vector_store_idx %arg5[%add3A_893], %select_n3A_890 : memref<24576xf32, #tpu.memory_space<vmem>>[vector<16xi32>], vector<16xf32>,
      %select_n3A_894 = arith.select %gt3A_720, %get3A_493, %broadcast_in_dim3A_124 : vector<16xi1>, vector<16xf32>
      %add3A_895 = arith.constant 16384 : i32
      %add3A_896 = vector.broadcast %add3A_895 : i32 to vector<16xi32>
      %add3A_897 = arith.addi %add3A_885, %add3A_896 : vector<16xi32>
      tpu.vector_store_idx %arg5[%add3A_897], %select_n3A_894 : memref<24576xf32, #tpu.memory_space<vmem>>[vector<16xi32>], vector<16xf32>,
      %jit3A_898 = arith.constant 0 : i32
      %jit3A_899 = arith.constant 1 : i32
      %broadcast_in_dim3A_900 = vector.broadcast %jit3A_898 : i32 to vector<16xi32>
      %broadcast_in_dim3A_901 = vector.broadcast %jit3A_899 : i32 to vector<16xi32>
      %select_n3A_902 = arith.select %gt3A_723, %broadcast_in_dim3A_900, %broadcast_in_dim3A_901 : vector<16xi1>, vector<16xi32>
      %add3A_903 = arith.addi %add3A_771, %select_n3A_902 : vector<16xi32>
      %lt3A_904 = arith.constant 0 : i32
      %lt3A_905 = vector.broadcast %lt3A_904 : i32 to vector<16xi32>
      %lt3A_906 = arith.cmpi slt, %add3A_903, %lt3A_905 : vector<16xi32>
      %add3A_907 = arith.constant 16 : i32
      %add3A_908 = vector.broadcast %add3A_907 : i32 to vector<16xi32>
      %add3A_909 = arith.addi %add3A_903, %add3A_908 : vector<16xi32>
      %select_n3A_910 = arith.select %lt3A_906, %add3A_909, %add3A_903 : vector<16xi1>, vector<16xi32>
      %broadcast_in_dim3A_911 = vector.shape_cast %select_n3A_910 : vector<16xi32> to vector<16x1xi32>
      %gather3A_912 = vector.shape_cast %broadcast_in_dim3A_911 : vector<16x1xi32> to vector<16xi32>
      %gather3A_913 = tpu.dynamic_gather %add3A_136[%gather3A_912] in [0] : vector<16xi32>, vector<16xi32> -> vector<16xi32>
      %add3A_914 = arith.addi %gather3A_913, %add3A_784 : vector<16xi32>
      %select_n3A_915 = arith.select %gt3A_723, %get3A_499, %broadcast_in_dim3A_124 : vector<16xi1>, vector<16xf32>
      %add3A_916 = arith.constant 0 : i32
      %add3A_917 = vector.broadcast %add3A_916 : i32 to vector<16xi32>
      %add3A_918 = arith.addi %add3A_914, %add3A_917 : vector<16xi32>
      tpu.vector_store_idx %arg5[%add3A_918], %select_n3A_915 : memref<24576xf32, #tpu.memory_space<vmem>>[vector<16xi32>], vector<16xf32>,
      %select_n3A_919 = arith.select %gt3A_723, %get3A_505, %broadcast_in_dim3A_124 : vector<16xi1>, vector<16xf32>
      %add3A_920 = arith.constant 8192 : i32
      %add3A_921 = vector.broadcast %add3A_920 : i32 to vector<16xi32>
      %add3A_922 = arith.addi %add3A_914, %add3A_921 : vector<16xi32>
      tpu.vector_store_idx %arg5[%add3A_922], %select_n3A_919 : memref<24576xf32, #tpu.memory_space<vmem>>[vector<16xi32>], vector<16xf32>,
      %select_n3A_923 = arith.select %gt3A_723, %get3A_511, %broadcast_in_dim3A_124 : vector<16xi1>, vector<16xf32>
      %add3A_924 = arith.constant 16384 : i32
      %add3A_925 = vector.broadcast %add3A_924 : i32 to vector<16xi32>
      %add3A_926 = arith.addi %add3A_914, %add3A_925 : vector<16xi32>
      tpu.vector_store_idx %arg5[%add3A_926], %select_n3A_923 : memref<24576xf32, #tpu.memory_space<vmem>>[vector<16xi32>], vector<16xf32>,
      %jit3A_927 = arith.constant 0 : i32
      %jit3A_928 = arith.constant 0 : i32
      %broadcast_in_dim3A_929 = vector.broadcast %jit3A_927 : i32 to vector<16xi32>
      %broadcast_in_dim3A_930 = vector.broadcast %jit3A_928 : i32 to vector<16xi32>
      %select_n3A_931 = arith.select %gt3A_726, %broadcast_in_dim3A_929, %broadcast_in_dim3A_930 : vector<16xi1>, vector<16xi32>
      %add3A_932 = arith.addi %add3A_772, %select_n3A_931 : vector<16xi32>
      %lt3A_933 = arith.constant 0 : i32
      %lt3A_934 = vector.broadcast %lt3A_933 : i32 to vector<16xi32>
      %lt3A_935 = arith.cmpi slt, %add3A_932, %lt3A_934 : vector<16xi32>
      %add3A_936 = arith.constant 16 : i32
      %add3A_937 = vector.broadcast %add3A_936 : i32 to vector<16xi32>
      %add3A_938 = arith.addi %add3A_932, %add3A_937 : vector<16xi32>
      %select_n3A_939 = arith.select %lt3A_935, %add3A_938, %add3A_932 : vector<16xi1>, vector<16xi32>
      %broadcast_in_dim3A_940 = vector.shape_cast %select_n3A_939 : vector<16xi32> to vector<16x1xi32>
      %gather3A_941 = vector.shape_cast %broadcast_in_dim3A_940 : vector<16x1xi32> to vector<16xi32>
      %gather3A_942 = tpu.dynamic_gather %add3A_136[%gather3A_941] in [0] : vector<16xi32>, vector<16xi32> -> vector<16xi32>
      %add3A_943 = arith.addi %gather3A_942, %add3A_784 : vector<16xi32>
      %select_n3A_944 = arith.select %gt3A_726, %get3A_517, %broadcast_in_dim3A_124 : vector<16xi1>, vector<16xf32>
      %add3A_945 = arith.constant 0 : i32
      %add3A_946 = vector.broadcast %add3A_945 : i32 to vector<16xi32>
      %add3A_947 = arith.addi %add3A_943, %add3A_946 : vector<16xi32>
      tpu.vector_store_idx %arg5[%add3A_947], %select_n3A_944 : memref<24576xf32, #tpu.memory_space<vmem>>[vector<16xi32>], vector<16xf32>,
      %select_n3A_948 = arith.select %gt3A_726, %get3A_523, %broadcast_in_dim3A_124 : vector<16xi1>, vector<16xf32>
      %add3A_949 = arith.constant 8192 : i32
      %add3A_950 = vector.broadcast %add3A_949 : i32 to vector<16xi32>
      %add3A_951 = arith.addi %add3A_943, %add3A_950 : vector<16xi32>
      tpu.vector_store_idx %arg5[%add3A_951], %select_n3A_948 : memref<24576xf32, #tpu.memory_space<vmem>>[vector<16xi32>], vector<16xf32>,
      %select_n3A_952 = arith.select %gt3A_726, %get3A_529, %broadcast_in_dim3A_124 : vector<16xi1>, vector<16xf32>
      %add3A_953 = arith.constant 16384 : i32
      %add3A_954 = vector.broadcast %add3A_953 : i32 to vector<16xi32>
      %add3A_955 = arith.addi %add3A_943, %add3A_954 : vector<16xi32>
      tpu.vector_store_idx %arg5[%add3A_955], %select_n3A_952 : memref<24576xf32, #tpu.memory_space<vmem>>[vector<16xi32>], vector<16xf32>,
      %jit3A_956 = arith.constant 6 : i32
      %jit3A_957 = arith.constant 8 : i32
      %broadcast_in_dim3A_958 = vector.broadcast %jit3A_956 : i32 to vector<16xi32>
      %broadcast_in_dim3A_959 = vector.broadcast %jit3A_957 : i32 to vector<16xi32>
      %select_n3A_960 = arith.select %gt3A_729, %broadcast_in_dim3A_958, %broadcast_in_dim3A_959 : vector<16xi1>, vector<16xi32>
      %add3A_961 = arith.addi %broadcast_in_dim3A_126, %select_n3A_960 : vector<16xi32>
      %lt3A_962 = arith.constant 0 : i32
      %lt3A_963 = vector.broadcast %lt3A_962 : i32 to vector<16xi32>
      %lt3A_964 = arith.cmpi slt, %add3A_961, %lt3A_963 : vector<16xi32>
      %add3A_965 = arith.constant 16 : i32
      %add3A_966 = vector.broadcast %add3A_965 : i32 to vector<16xi32>
      %add3A_967 = arith.addi %add3A_961, %add3A_966 : vector<16xi32>
      %select_n3A_968 = arith.select %lt3A_964, %add3A_967, %add3A_961 : vector<16xi1>, vector<16xi32>
      %broadcast_in_dim3A_969 = vector.shape_cast %select_n3A_968 : vector<16xi32> to vector<16x1xi32>
      %gather3A_970 = vector.shape_cast %broadcast_in_dim3A_969 : vector<16x1xi32> to vector<16xi32>
      %gather3A_971 = tpu.dynamic_gather %add3A_136[%gather3A_970] in [0] : vector<16xi32>, vector<16xi32> -> vector<16xi32>
      %add3A_972 = arith.addi %gather3A_971, %add3A_784 : vector<16xi32>
      %select_n3A_973 = arith.select %gt3A_729, %get3A_535, %broadcast_in_dim3A_124 : vector<16xi1>, vector<16xf32>
      %add3A_974 = arith.constant 0 : i32
      %add3A_975 = vector.broadcast %add3A_974 : i32 to vector<16xi32>
      %add3A_976 = arith.addi %add3A_972, %add3A_975 : vector<16xi32>
      tpu.vector_store_idx %arg5[%add3A_976], %select_n3A_973 : memref<24576xf32, #tpu.memory_space<vmem>>[vector<16xi32>], vector<16xf32>,
      %select_n3A_977 = arith.select %gt3A_729, %get3A_541, %broadcast_in_dim3A_124 : vector<16xi1>, vector<16xf32>
      %add3A_978 = arith.constant 8192 : i32
      %add3A_979 = vector.broadcast %add3A_978 : i32 to vector<16xi32>
      %add3A_980 = arith.addi %add3A_972, %add3A_979 : vector<16xi32>
      tpu.vector_store_idx %arg5[%add3A_980], %select_n3A_977 : memref<24576xf32, #tpu.memory_space<vmem>>[vector<16xi32>], vector<16xf32>,
      %select_n3A_981 = arith.select %gt3A_729, %get3A_547, %broadcast_in_dim3A_124 : vector<16xi1>, vector<16xf32>
      %add3A_982 = arith.constant 16384 : i32
      %add3A_983 = vector.broadcast %add3A_982 : i32 to vector<16xi32>
      %add3A_984 = arith.addi %add3A_972, %add3A_983 : vector<16xi32>
      tpu.vector_store_idx %arg5[%add3A_984], %select_n3A_981 : memref<24576xf32, #tpu.memory_space<vmem>>[vector<16xi32>], vector<16xf32>,
      %jit3A_985 = arith.constant 6 : i32
      %jit3A_986 = arith.constant 7 : i32
      %broadcast_in_dim3A_987 = vector.broadcast %jit3A_985 : i32 to vector<16xi32>
      %broadcast_in_dim3A_988 = vector.broadcast %jit3A_986 : i32 to vector<16xi32>
      %select_n3A_989 = arith.select %gt3A_732, %broadcast_in_dim3A_987, %broadcast_in_dim3A_988 : vector<16xi1>, vector<16xi32>
      %add3A_990 = arith.addi %add3A_774, %select_n3A_989 : vector<16xi32>
      %lt3A_991 = arith.constant 0 : i32
      %lt3A_992 = vector.broadcast %lt3A_991 : i32 to vector<16xi32>
      %lt3A_993 = arith.cmpi slt, %add3A_990, %lt3A_992 : vector<16xi32>
      %add3A_994 = arith.constant 16 : i32
      %add3A_995 = vector.broadcast %add3A_994 : i32 to vector<16xi32>
      %add3A_996 = arith.addi %add3A_990, %add3A_995 : vector<16xi32>
      %select_n3A_997 = arith.select %lt3A_993, %add3A_996, %add3A_990 : vector<16xi1>, vector<16xi32>
      %broadcast_in_dim3A_998 = vector.shape_cast %select_n3A_997 : vector<16xi32> to vector<16x1xi32>
      %gather3A_999 = vector.shape_cast %broadcast_in_dim3A_998 : vector<16x1xi32> to vector<16xi32>
      %gather3A_1000 = tpu.dynamic_gather %add3A_136[%gather3A_999] in [0] : vector<16xi32>, vector<16xi32> -> vector<16xi32>
      %add3A_1001 = arith.addi %gather3A_1000, %add3A_784 : vector<16xi32>
      %select_n3A_1002 = arith.select %gt3A_732, %get3A_553, %broadcast_in_dim3A_124 : vector<16xi1>, vector<16xf32>
      %add3A_1003 = arith.constant 0 : i32
      %add3A_1004 = vector.broadcast %add3A_1003 : i32 to vector<16xi32>
      %add3A_1005 = arith.addi %add3A_1001, %add3A_1004 : vector<16xi32>
      tpu.vector_store_idx %arg5[%add3A_1005], %select_n3A_1002 : memref<24576xf32, #tpu.memory_space<vmem>>[vector<16xi32>], vector<16xf32>,
      %select_n3A_1006 = arith.select %gt3A_732, %get3A_559, %broadcast_in_dim3A_124 : vector<16xi1>, vector<16xf32>
      %add3A_1007 = arith.constant 8192 : i32
      %add3A_1008 = vector.broadcast %add3A_1007 : i32 to vector<16xi32>
      %add3A_1009 = arith.addi %add3A_1001, %add3A_1008 : vector<16xi32>
      tpu.vector_store_idx %arg5[%add3A_1009], %select_n3A_1006 : memref<24576xf32, #tpu.memory_space<vmem>>[vector<16xi32>], vector<16xf32>,
      %select_n3A_1010 = arith.select %gt3A_732, %get3A_565, %broadcast_in_dim3A_124 : vector<16xi1>, vector<16xf32>
      %add3A_1011 = arith.constant 16384 : i32
      %add3A_1012 = vector.broadcast %add3A_1011 : i32 to vector<16xi32>
      %add3A_1013 = arith.addi %add3A_1001, %add3A_1012 : vector<16xi32>
      tpu.vector_store_idx %arg5[%add3A_1013], %select_n3A_1010 : memref<24576xf32, #tpu.memory_space<vmem>>[vector<16xi32>], vector<16xf32>,
      %jit3A_1014 = arith.constant 6 : i32
      %jit3A_1015 = arith.constant 6 : i32
      %broadcast_in_dim3A_1016 = vector.broadcast %jit3A_1014 : i32 to vector<16xi32>
      %broadcast_in_dim3A_1017 = vector.broadcast %jit3A_1015 : i32 to vector<16xi32>
      %select_n3A_1018 = arith.select %gt3A_735, %broadcast_in_dim3A_1016, %broadcast_in_dim3A_1017 : vector<16xi1>, vector<16xi32>
      %add3A_1019 = arith.addi %add3A_775, %select_n3A_1018 : vector<16xi32>
      %lt3A_1020 = arith.constant 0 : i32
      %lt3A_1021 = vector.broadcast %lt3A_1020 : i32 to vector<16xi32>
      %lt3A_1022 = arith.cmpi slt, %add3A_1019, %lt3A_1021 : vector<16xi32>
      %add3A_1023 = arith.constant 16 : i32
      %add3A_1024 = vector.broadcast %add3A_1023 : i32 to vector<16xi32>
      %add3A_1025 = arith.addi %add3A_1019, %add3A_1024 : vector<16xi32>
      %select_n3A_1026 = arith.select %lt3A_1022, %add3A_1025, %add3A_1019 : vector<16xi1>, vector<16xi32>
      %broadcast_in_dim3A_1027 = vector.shape_cast %select_n3A_1026 : vector<16xi32> to vector<16x1xi32>
      %gather3A_1028 = vector.shape_cast %broadcast_in_dim3A_1027 : vector<16x1xi32> to vector<16xi32>
      %gather3A_1029 = tpu.dynamic_gather %add3A_136[%gather3A_1028] in [0] : vector<16xi32>, vector<16xi32> -> vector<16xi32>
      %add3A_1030 = arith.addi %gather3A_1029, %add3A_784 : vector<16xi32>
      %select_n3A_1031 = arith.select %gt3A_735, %get3A_571, %broadcast_in_dim3A_124 : vector<16xi1>, vector<16xf32>
      %add3A_1032 = arith.constant 0 : i32
      %add3A_1033 = vector.broadcast %add3A_1032 : i32 to vector<16xi32>
      %add3A_1034 = arith.addi %add3A_1030, %add3A_1033 : vector<16xi32>
      tpu.vector_store_idx %arg5[%add3A_1034], %select_n3A_1031 : memref<24576xf32, #tpu.memory_space<vmem>>[vector<16xi32>], vector<16xf32>,
      %select_n3A_1035 = arith.select %gt3A_735, %get3A_577, %broadcast_in_dim3A_124 : vector<16xi1>, vector<16xf32>
      %add3A_1036 = arith.constant 8192 : i32
      %add3A_1037 = vector.broadcast %add3A_1036 : i32 to vector<16xi32>
      %add3A_1038 = arith.addi %add3A_1030, %add3A_1037 : vector<16xi32>
      tpu.vector_store_idx %arg5[%add3A_1038], %select_n3A_1035 : memref<24576xf32, #tpu.memory_space<vmem>>[vector<16xi32>], vector<16xf32>,
      %select_n3A_1039 = arith.select %gt3A_735, %get3A_583, %broadcast_in_dim3A_124 : vector<16xi1>, vector<16xf32>
      %add3A_1040 = arith.constant 16384 : i32
      %add3A_1041 = vector.broadcast %add3A_1040 : i32 to vector<16xi32>
      %add3A_1042 = arith.addi %add3A_1030, %add3A_1041 : vector<16xi32>
      tpu.vector_store_idx %arg5[%add3A_1042], %select_n3A_1039 : memref<24576xf32, #tpu.memory_space<vmem>>[vector<16xi32>], vector<16xf32>,
      %jit3A_1043 = arith.constant 9 : i32
      %jit3A_1044 = arith.constant 11 : i32
      %broadcast_in_dim3A_1045 = vector.broadcast %jit3A_1043 : i32 to vector<16xi32>
      %broadcast_in_dim3A_1046 = vector.broadcast %jit3A_1044 : i32 to vector<16xi32>
      %select_n3A_1047 = arith.select %gt3A_738, %broadcast_in_dim3A_1045, %broadcast_in_dim3A_1046 : vector<16xi1>, vector<16xi32>
      %add3A_1048 = arith.addi %broadcast_in_dim3A_126, %select_n3A_1047 : vector<16xi32>
      %lt3A_1049 = arith.constant 0 : i32
      %lt3A_1050 = vector.broadcast %lt3A_1049 : i32 to vector<16xi32>
      %lt3A_1051 = arith.cmpi slt, %add3A_1048, %lt3A_1050 : vector<16xi32>
      %add3A_1052 = arith.constant 16 : i32
      %add3A_1053 = vector.broadcast %add3A_1052 : i32 to vector<16xi32>
      %add3A_1054 = arith.addi %add3A_1048, %add3A_1053 : vector<16xi32>
      %select_n3A_1055 = arith.select %lt3A_1051, %add3A_1054, %add3A_1048 : vector<16xi1>, vector<16xi32>
      %broadcast_in_dim3A_1056 = vector.shape_cast %select_n3A_1055 : vector<16xi32> to vector<16x1xi32>
      %gather3A_1057 = vector.shape_cast %broadcast_in_dim3A_1056 : vector<16x1xi32> to vector<16xi32>
      %gather3A_1058 = tpu.dynamic_gather %add3A_136[%gather3A_1057] in [0] : vector<16xi32>, vector<16xi32> -> vector<16xi32>
      %add3A_1059 = arith.addi %gather3A_1058, %add3A_784 : vector<16xi32>
      %select_n3A_1060 = arith.select %gt3A_738, %get3A_589, %broadcast_in_dim3A_124 : vector<16xi1>, vector<16xf32>
      %add3A_1061 = arith.constant 0 : i32
      %add3A_1062 = vector.broadcast %add3A_1061 : i32 to vector<16xi32>
      %add3A_1063 = arith.addi %add3A_1059, %add3A_1062 : vector<16xi32>
      tpu.vector_store_idx %arg5[%add3A_1063], %select_n3A_1060 : memref<24576xf32, #tpu.memory_space<vmem>>[vector<16xi32>], vector<16xf32>,
      %select_n3A_1064 = arith.select %gt3A_738, %get3A_595, %broadcast_in_dim3A_124 : vector<16xi1>, vector<16xf32>
      %add3A_1065 = arith.constant 8192 : i32
      %add3A_1066 = vector.broadcast %add3A_1065 : i32 to vector<16xi32>
      %add3A_1067 = arith.addi %add3A_1059, %add3A_1066 : vector<16xi32>
      tpu.vector_store_idx %arg5[%add3A_1067], %select_n3A_1064 : memref<24576xf32, #tpu.memory_space<vmem>>[vector<16xi32>], vector<16xf32>,
      %select_n3A_1068 = arith.select %gt3A_738, %get3A_601, %broadcast_in_dim3A_124 : vector<16xi1>, vector<16xf32>
      %add3A_1069 = arith.constant 16384 : i32
      %add3A_1070 = vector.broadcast %add3A_1069 : i32 to vector<16xi32>
      %add3A_1071 = arith.addi %add3A_1059, %add3A_1070 : vector<16xi32>
      tpu.vector_store_idx %arg5[%add3A_1071], %select_n3A_1068 : memref<24576xf32, #tpu.memory_space<vmem>>[vector<16xi32>], vector<16xf32>,
      %jit3A_1072 = arith.constant 9 : i32
      %jit3A_1073 = arith.constant 10 : i32
      %broadcast_in_dim3A_1074 = vector.broadcast %jit3A_1072 : i32 to vector<16xi32>
      %broadcast_in_dim3A_1075 = vector.broadcast %jit3A_1073 : i32 to vector<16xi32>
      %select_n3A_1076 = arith.select %gt3A_741, %broadcast_in_dim3A_1074, %broadcast_in_dim3A_1075 : vector<16xi1>, vector<16xi32>
      %add3A_1077 = arith.addi %add3A_777, %select_n3A_1076 : vector<16xi32>
      %lt3A_1078 = arith.constant 0 : i32
      %lt3A_1079 = vector.broadcast %lt3A_1078 : i32 to vector<16xi32>
      %lt3A_1080 = arith.cmpi slt, %add3A_1077, %lt3A_1079 : vector<16xi32>
      %add3A_1081 = arith.constant 16 : i32
      %add3A_1082 = vector.broadcast %add3A_1081 : i32 to vector<16xi32>
      %add3A_1083 = arith.addi %add3A_1077, %add3A_1082 : vector<16xi32>
      %select_n3A_1084 = arith.select %lt3A_1080, %add3A_1083, %add3A_1077 : vector<16xi1>, vector<16xi32>
      %broadcast_in_dim3A_1085 = vector.shape_cast %select_n3A_1084 : vector<16xi32> to vector<16x1xi32>
      %gather3A_1086 = vector.shape_cast %broadcast_in_dim3A_1085 : vector<16x1xi32> to vector<16xi32>
      %gather3A_1087 = tpu.dynamic_gather %add3A_136[%gather3A_1086] in [0] : vector<16xi32>, vector<16xi32> -> vector<16xi32>
      %add3A_1088 = arith.addi %gather3A_1087, %add3A_784 : vector<16xi32>
      %select_n3A_1089 = arith.select %gt3A_741, %get3A_607, %broadcast_in_dim3A_124 : vector<16xi1>, vector<16xf32>
      %add3A_1090 = arith.constant 0 : i32
      %add3A_1091 = vector.broadcast %add3A_1090 : i32 to vector<16xi32>
      %add3A_1092 = arith.addi %add3A_1088, %add3A_1091 : vector<16xi32>
      tpu.vector_store_idx %arg5[%add3A_1092], %select_n3A_1089 : memref<24576xf32, #tpu.memory_space<vmem>>[vector<16xi32>], vector<16xf32>,
      %select_n3A_1093 = arith.select %gt3A_741, %get3A_613, %broadcast_in_dim3A_124 : vector<16xi1>, vector<16xf32>
      %add3A_1094 = arith.constant 8192 : i32
      %add3A_1095 = vector.broadcast %add3A_1094 : i32 to vector<16xi32>
      %add3A_1096 = arith.addi %add3A_1088, %add3A_1095 : vector<16xi32>
      tpu.vector_store_idx %arg5[%add3A_1096], %select_n3A_1093 : memref<24576xf32, #tpu.memory_space<vmem>>[vector<16xi32>], vector<16xf32>,
      %select_n3A_1097 = arith.select %gt3A_741, %get3A_619, %broadcast_in_dim3A_124 : vector<16xi1>, vector<16xf32>
      %add3A_1098 = arith.constant 16384 : i32
      %add3A_1099 = vector.broadcast %add3A_1098 : i32 to vector<16xi32>
      %add3A_1100 = arith.addi %add3A_1088, %add3A_1099 : vector<16xi32>
      tpu.vector_store_idx %arg5[%add3A_1100], %select_n3A_1097 : memref<24576xf32, #tpu.memory_space<vmem>>[vector<16xi32>], vector<16xf32>,
      %jit3A_1101 = arith.constant 9 : i32
      %jit3A_1102 = arith.constant 9 : i32
      %broadcast_in_dim3A_1103 = vector.broadcast %jit3A_1101 : i32 to vector<16xi32>
      %broadcast_in_dim3A_1104 = vector.broadcast %jit3A_1102 : i32 to vector<16xi32>
      %select_n3A_1105 = arith.select %gt3A_744, %broadcast_in_dim3A_1103, %broadcast_in_dim3A_1104 : vector<16xi1>, vector<16xi32>
      %add3A_1106 = arith.addi %add3A_778, %select_n3A_1105 : vector<16xi32>
      %lt3A_1107 = arith.constant 0 : i32
      %lt3A_1108 = vector.broadcast %lt3A_1107 : i32 to vector<16xi32>
      %lt3A_1109 = arith.cmpi slt, %add3A_1106, %lt3A_1108 : vector<16xi32>
      %add3A_1110 = arith.constant 16 : i32
      %add3A_1111 = vector.broadcast %add3A_1110 : i32 to vector<16xi32>
      %add3A_1112 = arith.addi %add3A_1106, %add3A_1111 : vector<16xi32>
      %select_n3A_1113 = arith.select %lt3A_1109, %add3A_1112, %add3A_1106 : vector<16xi1>, vector<16xi32>
      %broadcast_in_dim3A_1114 = vector.shape_cast %select_n3A_1113 : vector<16xi32> to vector<16x1xi32>
      %gather3A_1115 = vector.shape_cast %broadcast_in_dim3A_1114 : vector<16x1xi32> to vector<16xi32>
      %gather3A_1116 = tpu.dynamic_gather %add3A_136[%gather3A_1115] in [0] : vector<16xi32>, vector<16xi32> -> vector<16xi32>
      %add3A_1117 = arith.addi %gather3A_1116, %add3A_784 : vector<16xi32>
      %select_n3A_1118 = arith.select %gt3A_744, %get3A_625, %broadcast_in_dim3A_124 : vector<16xi1>, vector<16xf32>
      %add3A_1119 = arith.constant 0 : i32
      %add3A_1120 = vector.broadcast %add3A_1119 : i32 to vector<16xi32>
      %add3A_1121 = arith.addi %add3A_1117, %add3A_1120 : vector<16xi32>
      tpu.vector_store_idx %arg5[%add3A_1121], %select_n3A_1118 : memref<24576xf32, #tpu.memory_space<vmem>>[vector<16xi32>], vector<16xf32>,
      %select_n3A_1122 = arith.select %gt3A_744, %get3A_631, %broadcast_in_dim3A_124 : vector<16xi1>, vector<16xf32>
      %add3A_1123 = arith.constant 8192 : i32
      %add3A_1124 = vector.broadcast %add3A_1123 : i32 to vector<16xi32>
      %add3A_1125 = arith.addi %add3A_1117, %add3A_1124 : vector<16xi32>
      tpu.vector_store_idx %arg5[%add3A_1125], %select_n3A_1122 : memref<24576xf32, #tpu.memory_space<vmem>>[vector<16xi32>], vector<16xf32>,
      %select_n3A_1126 = arith.select %gt3A_744, %get3A_637, %broadcast_in_dim3A_124 : vector<16xi1>, vector<16xf32>
      %add3A_1127 = arith.constant 16384 : i32
      %add3A_1128 = vector.broadcast %add3A_1127 : i32 to vector<16xi32>
      %add3A_1129 = arith.addi %add3A_1117, %add3A_1128 : vector<16xi32>
      tpu.vector_store_idx %arg5[%add3A_1129], %select_n3A_1126 : memref<24576xf32, #tpu.memory_space<vmem>>[vector<16xi32>], vector<16xf32>,
      %jit3A_1130 = arith.constant 12 : i32
      %jit3A_1131 = arith.constant 14 : i32
      %broadcast_in_dim3A_1132 = vector.broadcast %jit3A_1130 : i32 to vector<16xi32>
      %broadcast_in_dim3A_1133 = vector.broadcast %jit3A_1131 : i32 to vector<16xi32>
      %select_n3A_1134 = arith.select %gt3A_747, %broadcast_in_dim3A_1132, %broadcast_in_dim3A_1133 : vector<16xi1>, vector<16xi32>
      %add3A_1135 = arith.addi %broadcast_in_dim3A_126, %select_n3A_1134 : vector<16xi32>
      %lt3A_1136 = arith.constant 0 : i32
      %lt3A_1137 = vector.broadcast %lt3A_1136 : i32 to vector<16xi32>
      %lt3A_1138 = arith.cmpi slt, %add3A_1135, %lt3A_1137 : vector<16xi32>
      %add3A_1139 = arith.constant 16 : i32
      %add3A_1140 = vector.broadcast %add3A_1139 : i32 to vector<16xi32>
      %add3A_1141 = arith.addi %add3A_1135, %add3A_1140 : vector<16xi32>
      %select_n3A_1142 = arith.select %lt3A_1138, %add3A_1141, %add3A_1135 : vector<16xi1>, vector<16xi32>
      %broadcast_in_dim3A_1143 = vector.shape_cast %select_n3A_1142 : vector<16xi32> to vector<16x1xi32>
      %gather3A_1144 = vector.shape_cast %broadcast_in_dim3A_1143 : vector<16x1xi32> to vector<16xi32>
      %gather3A_1145 = tpu.dynamic_gather %add3A_136[%gather3A_1144] in [0] : vector<16xi32>, vector<16xi32> -> vector<16xi32>
      %add3A_1146 = arith.addi %gather3A_1145, %add3A_784 : vector<16xi32>
      %select_n3A_1147 = arith.select %gt3A_747, %get3A_643, %broadcast_in_dim3A_124 : vector<16xi1>, vector<16xf32>
      %add3A_1148 = arith.constant 0 : i32
      %add3A_1149 = vector.broadcast %add3A_1148 : i32 to vector<16xi32>
      %add3A_1150 = arith.addi %add3A_1146, %add3A_1149 : vector<16xi32>
      tpu.vector_store_idx %arg5[%add3A_1150], %select_n3A_1147 : memref<24576xf32, #tpu.memory_space<vmem>>[vector<16xi32>], vector<16xf32>,
      %select_n3A_1151 = arith.select %gt3A_747, %get3A_649, %broadcast_in_dim3A_124 : vector<16xi1>, vector<16xf32>
      %add3A_1152 = arith.constant 8192 : i32
      %add3A_1153 = vector.broadcast %add3A_1152 : i32 to vector<16xi32>
      %add3A_1154 = arith.addi %add3A_1146, %add3A_1153 : vector<16xi32>
      tpu.vector_store_idx %arg5[%add3A_1154], %select_n3A_1151 : memref<24576xf32, #tpu.memory_space<vmem>>[vector<16xi32>], vector<16xf32>,
      %select_n3A_1155 = arith.select %gt3A_747, %get3A_655, %broadcast_in_dim3A_124 : vector<16xi1>, vector<16xf32>
      %add3A_1156 = arith.constant 16384 : i32
      %add3A_1157 = vector.broadcast %add3A_1156 : i32 to vector<16xi32>
      %add3A_1158 = arith.addi %add3A_1146, %add3A_1157 : vector<16xi32>
      tpu.vector_store_idx %arg5[%add3A_1158], %select_n3A_1155 : memref<24576xf32, #tpu.memory_space<vmem>>[vector<16xi32>], vector<16xf32>,
      %jit3A_1159 = arith.constant 12 : i32
      %jit3A_1160 = arith.constant 13 : i32
      %broadcast_in_dim3A_1161 = vector.broadcast %jit3A_1159 : i32 to vector<16xi32>
      %broadcast_in_dim3A_1162 = vector.broadcast %jit3A_1160 : i32 to vector<16xi32>
      %select_n3A_1163 = arith.select %gt3A_750, %broadcast_in_dim3A_1161, %broadcast_in_dim3A_1162 : vector<16xi1>, vector<16xi32>
      %add3A_1164 = arith.addi %add3A_780, %select_n3A_1163 : vector<16xi32>
      %lt3A_1165 = arith.constant 0 : i32
      %lt3A_1166 = vector.broadcast %lt3A_1165 : i32 to vector<16xi32>
      %lt3A_1167 = arith.cmpi slt, %add3A_1164, %lt3A_1166 : vector<16xi32>
      %add3A_1168 = arith.constant 16 : i32
      %add3A_1169 = vector.broadcast %add3A_1168 : i32 to vector<16xi32>
      %add3A_1170 = arith.addi %add3A_1164, %add3A_1169 : vector<16xi32>
      %select_n3A_1171 = arith.select %lt3A_1167, %add3A_1170, %add3A_1164 : vector<16xi1>, vector<16xi32>
      %broadcast_in_dim3A_1172 = vector.shape_cast %select_n3A_1171 : vector<16xi32> to vector<16x1xi32>
      %gather3A_1173 = vector.shape_cast %broadcast_in_dim3A_1172 : vector<16x1xi32> to vector<16xi32>
      %gather3A_1174 = tpu.dynamic_gather %add3A_136[%gather3A_1173] in [0] : vector<16xi32>, vector<16xi32> -> vector<16xi32>
      %add3A_1175 = arith.addi %gather3A_1174, %add3A_784 : vector<16xi32>
      %select_n3A_1176 = arith.select %gt3A_750, %get3A_661, %broadcast_in_dim3A_124 : vector<16xi1>, vector<16xf32>
      %add3A_1177 = arith.constant 0 : i32
      %add3A_1178 = vector.broadcast %add3A_1177 : i32 to vector<16xi32>
      %add3A_1179 = arith.addi %add3A_1175, %add3A_1178 : vector<16xi32>
      tpu.vector_store_idx %arg5[%add3A_1179], %select_n3A_1176 : memref<24576xf32, #tpu.memory_space<vmem>>[vector<16xi32>], vector<16xf32>,
      %select_n3A_1180 = arith.select %gt3A_750, %get3A_667, %broadcast_in_dim3A_124 : vector<16xi1>, vector<16xf32>
      %add3A_1181 = arith.constant 8192 : i32
      %add3A_1182 = vector.broadcast %add3A_1181 : i32 to vector<16xi32>
      %add3A_1183 = arith.addi %add3A_1175, %add3A_1182 : vector<16xi32>
      tpu.vector_store_idx %arg5[%add3A_1183], %select_n3A_1180 : memref<24576xf32, #tpu.memory_space<vmem>>[vector<16xi32>], vector<16xf32>,
      %select_n3A_1184 = arith.select %gt3A_750, %get3A_673, %broadcast_in_dim3A_124 : vector<16xi1>, vector<16xf32>
      %add3A_1185 = arith.constant 16384 : i32
      %add3A_1186 = vector.broadcast %add3A_1185 : i32 to vector<16xi32>
      %add3A_1187 = arith.addi %add3A_1175, %add3A_1186 : vector<16xi32>
      tpu.vector_store_idx %arg5[%add3A_1187], %select_n3A_1184 : memref<24576xf32, #tpu.memory_space<vmem>>[vector<16xi32>], vector<16xf32>,
      %jit3A_1188 = arith.constant 12 : i32
      %jit3A_1189 = arith.constant 12 : i32
      %broadcast_in_dim3A_1190 = vector.broadcast %jit3A_1188 : i32 to vector<16xi32>
      %broadcast_in_dim3A_1191 = vector.broadcast %jit3A_1189 : i32 to vector<16xi32>
      %select_n3A_1192 = arith.select %gt3A_753, %broadcast_in_dim3A_1190, %broadcast_in_dim3A_1191 : vector<16xi1>, vector<16xi32>
      %add3A_1193 = arith.addi %add3A_781, %select_n3A_1192 : vector<16xi32>
      %lt3A_1194 = arith.constant 0 : i32
      %lt3A_1195 = vector.broadcast %lt3A_1194 : i32 to vector<16xi32>
      %lt3A_1196 = arith.cmpi slt, %add3A_1193, %lt3A_1195 : vector<16xi32>
      %add3A_1197 = arith.constant 16 : i32
      %add3A_1198 = vector.broadcast %add3A_1197 : i32 to vector<16xi32>
      %add3A_1199 = arith.addi %add3A_1193, %add3A_1198 : vector<16xi32>
      %select_n3A_1200 = arith.select %lt3A_1196, %add3A_1199, %add3A_1193 : vector<16xi1>, vector<16xi32>
      %broadcast_in_dim3A_1201 = vector.shape_cast %select_n3A_1200 : vector<16xi32> to vector<16x1xi32>
      %gather3A_1202 = vector.shape_cast %broadcast_in_dim3A_1201 : vector<16x1xi32> to vector<16xi32>
      %gather3A_1203 = tpu.dynamic_gather %add3A_136[%gather3A_1202] in [0] : vector<16xi32>, vector<16xi32> -> vector<16xi32>
      %add3A_1204 = arith.addi %gather3A_1203, %add3A_784 : vector<16xi32>
      %select_n3A_1205 = arith.select %gt3A_753, %get3A_679, %broadcast_in_dim3A_124 : vector<16xi1>, vector<16xf32>
      %add3A_1206 = arith.constant 0 : i32
      %add3A_1207 = vector.broadcast %add3A_1206 : i32 to vector<16xi32>
      %add3A_1208 = arith.addi %add3A_1204, %add3A_1207 : vector<16xi32>
      tpu.vector_store_idx %arg5[%add3A_1208], %select_n3A_1205 : memref<24576xf32, #tpu.memory_space<vmem>>[vector<16xi32>], vector<16xf32>,
      %select_n3A_1209 = arith.select %gt3A_753, %get3A_685, %broadcast_in_dim3A_124 : vector<16xi1>, vector<16xf32>
      %add3A_1210 = arith.constant 8192 : i32
      %add3A_1211 = vector.broadcast %add3A_1210 : i32 to vector<16xi32>
      %add3A_1212 = arith.addi %add3A_1204, %add3A_1211 : vector<16xi32>
      tpu.vector_store_idx %arg5[%add3A_1212], %select_n3A_1209 : memref<24576xf32, #tpu.memory_space<vmem>>[vector<16xi32>], vector<16xf32>,
      %select_n3A_1213 = arith.select %gt3A_753, %get3A_691, %broadcast_in_dim3A_124 : vector<16xi1>, vector<16xf32>
      %add3A_1214 = arith.constant 16384 : i32
      %add3A_1215 = vector.broadcast %add3A_1214 : i32 to vector<16xi32>
      %add3A_1216 = arith.addi %add3A_1204, %add3A_1215 : vector<16xi32>
      tpu.vector_store_idx %arg5[%add3A_1216], %select_n3A_1213 : memref<24576xf32, #tpu.memory_space<vmem>>[vector<16xi32>], vector<16xf32>,
      %add3A_1217 = arith.constant 4096 : i32
      %add3A_1218 = arith.addi %add3A_422, %add3A_1217 : i32
      %add3A_1219 = arith.constant 896 : i32
      %add3A_1220 = arith.addi %add3A_1218, %add3A_1219 : i32
      %swap3A = arith.index_cast %add3A_1220 : i32 to index
      %swap3A_1221 = tpu.vector_load %arg5[%swap3A] {strides = array<i32>} : memref<24576xf32, #tpu.memory_space<vmem>>, vector<16xf32>,
      tpu.vector_store %arg5[%swap3A], %get3A_697 {strides = array<i32>} : memref<24576xf32, #tpu.memory_space<vmem>>, vector<16xf32>,
      %add3A_1222 = arith.constant 12288 : i32
      %add3A_1223 = arith.addi %add3A_422, %add3A_1222 : i32
      %add3A_1224 = arith.constant 896 : i32
      %add3A_1225 = arith.addi %add3A_1223, %add3A_1224 : i32
      %swap3A_1226 = arith.index_cast %add3A_1225 : i32 to index
      %swap3A_1227 = tpu.vector_load %arg5[%swap3A_1226] {strides = array<i32>} : memref<24576xf32, #tpu.memory_space<vmem>>, vector<16xf32>,
      tpu.vector_store %arg5[%swap3A_1226], %get3A_703 {strides = array<i32>} : memref<24576xf32, #tpu.memory_space<vmem>>, vector<16xf32>,
      %add3A_1228 = arith.constant 20480 : i32
      %add3A_1229 = arith.addi %add3A_422, %add3A_1228 : i32
      %add3A_1230 = arith.constant 896 : i32
      %add3A_1231 = arith.addi %add3A_1229, %add3A_1230 : i32
      %swap3A_1232 = arith.index_cast %add3A_1231 : i32 to index
      %swap3A_1233 = tpu.vector_load %arg5[%swap3A_1232] {strides = array<i32>} : memref<24576xf32, #tpu.memory_space<vmem>>, vector<16xf32>,
      tpu.vector_store %arg5[%swap3A_1232], %get3A_709 {strides = array<i32>} : memref<24576xf32, #tpu.memory_space<vmem>>, vector<16xf32>,
      %mul3A_1234 = arith.constant 2 : i32
      %mul3A_1235 = arith.muli %scan3A_411, %mul3A_1234 : i32
      %add3A_1236 = arith.constant 1 : i32
      %add3A_1237 = arith.addi %mul3A_1235, %add3A_1236 : i32
      %shift_right_arithmetic3A_1238 = arith.constant 3 : i32
      %shift_right_arithmetic3A_1239 = arith.shrsi %add3A_1237, %shift_right_arithmetic3A_1238 : i32
      %mul3A_1240 = arith.constant 1024 : i32
      %mul3A_1241 = arith.muli %shift_right_arithmetic3A_1239, %mul3A_1240 : i32
      %and3A_1242 = arith.constant 7 : i32
      %and3A_1243 = arith.andi %add3A_1237, %and3A_1242 : i32
      %mul3A_1244 = arith.constant 16 : i32
      %mul3A_1245 = arith.muli %and3A_1243, %mul3A_1244 : i32
      %add3A_1246 = arith.addi %mul3A_1241, %mul3A_1245 : i32
      %add3A_1247 = arith.constant 0 : i32
      %add3A_1248 = arith.addi %add3A_1246, %add3A_1247 : i32
      %add3A_1249 = arith.constant 0 : i32
      %add3A_1250 = arith.addi %add3A_1248, %add3A_1249 : i32
      %get3A_1251 = arith.index_cast %add3A_1250 : i32 to index
      %get3A_1252 = tpu.vector_load %arg4[%get3A_1251] {strides = array<i32>} : memref<24576xf32, #tpu.memory_space<vmem>>, vector<16xf32>,
      %add3A_1253 = arith.constant 8192 : i32
      %add3A_1254 = arith.addi %add3A_1246, %add3A_1253 : i32
      %add3A_1255 = arith.constant 0 : i32
      %add3A_1256 = arith.addi %add3A_1254, %add3A_1255 : i32
      %get3A_1257 = arith.index_cast %add3A_1256 : i32 to index
      %get3A_1258 = tpu.vector_load %arg4[%get3A_1257] {strides = array<i32>} : memref<24576xf32, #tpu.memory_space<vmem>>, vector<16xf32>,
      %add3A_1259 = arith.constant 16384 : i32
      %add3A_1260 = arith.addi %add3A_1246, %add3A_1259 : i32
      %add3A_1261 = arith.constant 0 : i32
      %add3A_1262 = arith.addi %add3A_1260, %add3A_1261 : i32
      %get3A_1263 = arith.index_cast %add3A_1262 : i32 to index
      %get3A_1264 = tpu.vector_load %arg4[%get3A_1263] {strides = array<i32>} : memref<24576xf32, #tpu.memory_space<vmem>>, vector<16xf32>,
      %add3A_1265 = arith.constant 0 : i32
      %add3A_1266 = arith.addi %add3A_1246, %add3A_1265 : i32
      %add3A_1267 = arith.constant 128 : i32
      %add3A_1268 = arith.addi %add3A_1266, %add3A_1267 : i32
      %get3A_1269 = arith.index_cast %add3A_1268 : i32 to index
      %get3A_1270 = tpu.vector_load %arg4[%get3A_1269] {strides = array<i32>} : memref<24576xf32, #tpu.memory_space<vmem>>, vector<16xf32>,
      %add3A_1271 = arith.constant 8192 : i32
      %add3A_1272 = arith.addi %add3A_1246, %add3A_1271 : i32
      %add3A_1273 = arith.constant 128 : i32
      %add3A_1274 = arith.addi %add3A_1272, %add3A_1273 : i32
      %get3A_1275 = arith.index_cast %add3A_1274 : i32 to index
      %get3A_1276 = tpu.vector_load %arg4[%get3A_1275] {strides = array<i32>} : memref<24576xf32, #tpu.memory_space<vmem>>, vector<16xf32>,
      %add3A_1277 = arith.constant 16384 : i32
      %add3A_1278 = arith.addi %add3A_1246, %add3A_1277 : i32
      %add3A_1279 = arith.constant 128 : i32
      %add3A_1280 = arith.addi %add3A_1278, %add3A_1279 : i32
      %get3A_1281 = arith.index_cast %add3A_1280 : i32 to index
      %get3A_1282 = tpu.vector_load %arg4[%get3A_1281] {strides = array<i32>} : memref<24576xf32, #tpu.memory_space<vmem>>, vector<16xf32>,
      %add3A_1283 = arith.constant 0 : i32
      %add3A_1284 = arith.addi %add3A_1246, %add3A_1283 : i32
      %add3A_1285 = arith.constant 256 : i32
      %add3A_1286 = arith.addi %add3A_1284, %add3A_1285 : i32
      %get3A_1287 = arith.index_cast %add3A_1286 : i32 to index
      %get3A_1288 = tpu.vector_load %arg4[%get3A_1287] {strides = array<i32>} : memref<24576xf32, #tpu.memory_space<vmem>>, vector<16xf32>,
      %add3A_1289 = arith.constant 8192 : i32
      %add3A_1290 = arith.addi %add3A_1246, %add3A_1289 : i32
      %add3A_1291 = arith.constant 256 : i32
      %add3A_1292 = arith.addi %add3A_1290, %add3A_1291 : i32
      %get3A_1293 = arith.index_cast %add3A_1292 : i32 to index
      %get3A_1294 = tpu.vector_load %arg4[%get3A_1293] {strides = array<i32>} : memref<24576xf32, #tpu.memory_space<vmem>>, vector<16xf32>,
      %add3A_1295 = arith.constant 16384 : i32
      %add3A_1296 = arith.addi %add3A_1246, %add3A_1295 : i32
      %add3A_1297 = arith.constant 256 : i32
      %add3A_1298 = arith.addi %add3A_1296, %add3A_1297 : i32
      %get3A_1299 = arith.index_cast %add3A_1298 : i32 to index
      %get3A_1300 = tpu.vector_load %arg4[%get3A_1299] {strides = array<i32>} : memref<24576xf32, #tpu.memory_space<vmem>>, vector<16xf32>,
      %add3A_1301 = arith.constant 0 : i32
      %add3A_1302 = arith.addi %add3A_1246, %add3A_1301 : i32
      %add3A_1303 = arith.constant 384 : i32
      %add3A_1304 = arith.addi %add3A_1302, %add3A_1303 : i32
      %get3A_1305 = arith.index_cast %add3A_1304 : i32 to index
      %get3A_1306 = tpu.vector_load %arg4[%get3A_1305] {strides = array<i32>} : memref<24576xf32, #tpu.memory_space<vmem>>, vector<16xf32>,
      %add3A_1307 = arith.constant 8192 : i32
      %add3A_1308 = arith.addi %add3A_1246, %add3A_1307 : i32
      %add3A_1309 = arith.constant 384 : i32
      %add3A_1310 = arith.addi %add3A_1308, %add3A_1309 : i32
      %get3A_1311 = arith.index_cast %add3A_1310 : i32 to index
      %get3A_1312 = tpu.vector_load %arg4[%get3A_1311] {strides = array<i32>} : memref<24576xf32, #tpu.memory_space<vmem>>, vector<16xf32>,
      %add3A_1313 = arith.constant 16384 : i32
      %add3A_1314 = arith.addi %add3A_1246, %add3A_1313 : i32
      %add3A_1315 = arith.constant 384 : i32
      %add3A_1316 = arith.addi %add3A_1314, %add3A_1315 : i32
      %get3A_1317 = arith.index_cast %add3A_1316 : i32 to index
      %get3A_1318 = tpu.vector_load %arg4[%get3A_1317] {strides = array<i32>} : memref<24576xf32, #tpu.memory_space<vmem>>, vector<16xf32>,
      %add3A_1319 = arith.constant 0 : i32
      %add3A_1320 = arith.addi %add3A_1246, %add3A_1319 : i32
      %add3A_1321 = arith.constant 512 : i32
      %add3A_1322 = arith.addi %add3A_1320, %add3A_1321 : i32
      %get3A_1323 = arith.index_cast %add3A_1322 : i32 to index
      %get3A_1324 = tpu.vector_load %arg4[%get3A_1323] {strides = array<i32>} : memref<24576xf32, #tpu.memory_space<vmem>>, vector<16xf32>,
      %add3A_1325 = arith.constant 8192 : i32
      %add3A_1326 = arith.addi %add3A_1246, %add3A_1325 : i32
      %add3A_1327 = arith.constant 512 : i32
      %add3A_1328 = arith.addi %add3A_1326, %add3A_1327 : i32
      %get3A_1329 = arith.index_cast %add3A_1328 : i32 to index
      %get3A_1330 = tpu.vector_load %arg4[%get3A_1329] {strides = array<i32>} : memref<24576xf32, #tpu.memory_space<vmem>>, vector<16xf32>,
      %add3A_1331 = arith.constant 16384 : i32
      %add3A_1332 = arith.addi %add3A_1246, %add3A_1331 : i32
      %add3A_1333 = arith.constant 512 : i32
      %add3A_1334 = arith.addi %add3A_1332, %add3A_1333 : i32
      %get3A_1335 = arith.index_cast %add3A_1334 : i32 to index
      %get3A_1336 = tpu.vector_load %arg4[%get3A_1335] {strides = array<i32>} : memref<24576xf32, #tpu.memory_space<vmem>>, vector<16xf32>,
      %add3A_1337 = arith.constant 0 : i32
      %add3A_1338 = arith.addi %add3A_1246, %add3A_1337 : i32
      %add3A_1339 = arith.constant 640 : i32
      %add3A_1340 = arith.addi %add3A_1338, %add3A_1339 : i32
      %get3A_1341 = arith.index_cast %add3A_1340 : i32 to index
      %get3A_1342 = tpu.vector_load %arg4[%get3A_1341] {strides = array<i32>} : memref<24576xf32, #tpu.memory_space<vmem>>, vector<16xf32>,
      %add3A_1343 = arith.constant 8192 : i32
      %add3A_1344 = arith.addi %add3A_1246, %add3A_1343 : i32
      %add3A_1345 = arith.constant 640 : i32
      %add3A_1346 = arith.addi %add3A_1344, %add3A_1345 : i32
      %get3A_1347 = arith.index_cast %add3A_1346 : i32 to index
      %get3A_1348 = tpu.vector_load %arg4[%get3A_1347] {strides = array<i32>} : memref<24576xf32, #tpu.memory_space<vmem>>, vector<16xf32>,
      %add3A_1349 = arith.constant 16384 : i32
      %add3A_1350 = arith.addi %add3A_1246, %add3A_1349 : i32
      %add3A_1351 = arith.constant 640 : i32
      %add3A_1352 = arith.addi %add3A_1350, %add3A_1351 : i32
      %get3A_1353 = arith.index_cast %add3A_1352 : i32 to index
      %get3A_1354 = tpu.vector_load %arg4[%get3A_1353] {strides = array<i32>} : memref<24576xf32, #tpu.memory_space<vmem>>, vector<16xf32>,
      %add3A_1355 = arith.constant 0 : i32
      %add3A_1356 = arith.addi %add3A_1246, %add3A_1355 : i32
      %add3A_1357 = arith.constant 768 : i32
      %add3A_1358 = arith.addi %add3A_1356, %add3A_1357 : i32
      %get3A_1359 = arith.index_cast %add3A_1358 : i32 to index
      %get3A_1360 = tpu.vector_load %arg4[%get3A_1359] {strides = array<i32>} : memref<24576xf32, #tpu.memory_space<vmem>>, vector<16xf32>,
      %add3A_1361 = arith.constant 8192 : i32
      %add3A_1362 = arith.addi %add3A_1246, %add3A_1361 : i32
      %add3A_1363 = arith.constant 768 : i32
      %add3A_1364 = arith.addi %add3A_1362, %add3A_1363 : i32
      %get3A_1365 = arith.index_cast %add3A_1364 : i32 to index
      %get3A_1366 = tpu.vector_load %arg4[%get3A_1365] {strides = array<i32>} : memref<24576xf32, #tpu.memory_space<vmem>>, vector<16xf32>,
      %add3A_1367 = arith.constant 16384 : i32
      %add3A_1368 = arith.addi %add3A_1246, %add3A_1367 : i32
      %add3A_1369 = arith.constant 768 : i32
      %add3A_1370 = arith.addi %add3A_1368, %add3A_1369 : i32
      %get3A_1371 = arith.index_cast %add3A_1370 : i32 to index
      %get3A_1372 = tpu.vector_load %arg4[%get3A_1371] {strides = array<i32>} : memref<24576xf32, #tpu.memory_space<vmem>>, vector<16xf32>,
      %add3A_1373 = arith.constant 0 : i32
      %add3A_1374 = arith.addi %add3A_1246, %add3A_1373 : i32
      %add3A_1375 = arith.constant 896 : i32
      %add3A_1376 = arith.addi %add3A_1374, %add3A_1375 : i32
      %get3A_1377 = arith.index_cast %add3A_1376 : i32 to index
      %get3A_1378 = tpu.vector_load %arg4[%get3A_1377] {strides = array<i32>} : memref<24576xf32, #tpu.memory_space<vmem>>, vector<16xf32>,
      %add3A_1379 = arith.constant 8192 : i32
      %add3A_1380 = arith.addi %add3A_1246, %add3A_1379 : i32
      %add3A_1381 = arith.constant 896 : i32
      %add3A_1382 = arith.addi %add3A_1380, %add3A_1381 : i32
      %get3A_1383 = arith.index_cast %add3A_1382 : i32 to index
      %get3A_1384 = tpu.vector_load %arg4[%get3A_1383] {strides = array<i32>} : memref<24576xf32, #tpu.memory_space<vmem>>, vector<16xf32>,
      %add3A_1385 = arith.constant 16384 : i32
      %add3A_1386 = arith.addi %add3A_1246, %add3A_1385 : i32
      %add3A_1387 = arith.constant 896 : i32
      %add3A_1388 = arith.addi %add3A_1386, %add3A_1387 : i32
      %get3A_1389 = arith.index_cast %add3A_1388 : i32 to index
      %get3A_1390 = tpu.vector_load %arg4[%get3A_1389] {strides = array<i32>} : memref<24576xf32, #tpu.memory_space<vmem>>, vector<16xf32>,
      %add3A_1391 = arith.constant 4096 : i32
      %add3A_1392 = arith.addi %add3A_1246, %add3A_1391 : i32
      %add3A_1393 = arith.constant 0 : i32
      %add3A_1394 = arith.addi %add3A_1392, %add3A_1393 : i32
      %get3A_1395 = arith.index_cast %add3A_1394 : i32 to index
      %get3A_1396 = tpu.vector_load %arg4[%get3A_1395] {strides = array<i32>} : memref<24576xf32, #tpu.memory_space<vmem>>, vector<16xf32>,
      %add3A_1397 = arith.constant 12288 : i32
      %add3A_1398 = arith.addi %add3A_1246, %add3A_1397 : i32
      %add3A_1399 = arith.constant 0 : i32
      %add3A_1400 = arith.addi %add3A_1398, %add3A_1399 : i32
      %get3A_1401 = arith.index_cast %add3A_1400 : i32 to index
      %get3A_1402 = tpu.vector_load %arg4[%get3A_1401] {strides = array<i32>} : memref<24576xf32, #tpu.memory_space<vmem>>, vector<16xf32>,
      %add3A_1403 = arith.constant 20480 : i32
      %add3A_1404 = arith.addi %add3A_1246, %add3A_1403 : i32
      %add3A_1405 = arith.constant 0 : i32
      %add3A_1406 = arith.addi %add3A_1404, %add3A_1405 : i32
      %get3A_1407 = arith.index_cast %add3A_1406 : i32 to index
      %get3A_1408 = tpu.vector_load %arg4[%get3A_1407] {strides = array<i32>} : memref<24576xf32, #tpu.memory_space<vmem>>, vector<16xf32>,
      %add3A_1409 = arith.constant 4096 : i32
      %add3A_1410 = arith.addi %add3A_1246, %add3A_1409 : i32
      %add3A_1411 = arith.constant 128 : i32
      %add3A_1412 = arith.addi %add3A_1410, %add3A_1411 : i32
      %get3A_1413 = arith.index_cast %add3A_1412 : i32 to index
      %get3A_1414 = tpu.vector_load %arg4[%get3A_1413] {strides = array<i32>} : memref<24576xf32, #tpu.memory_space<vmem>>, vector<16xf32>,
      %add3A_1415 = arith.constant 12288 : i32
      %add3A_1416 = arith.addi %add3A_1246, %add3A_1415 : i32
      %add3A_1417 = arith.constant 128 : i32
      %add3A_1418 = arith.addi %add3A_1416, %add3A_1417 : i32
      %get3A_1419 = arith.index_cast %add3A_1418 : i32 to index
      %get3A_1420 = tpu.vector_load %arg4[%get3A_1419] {strides = array<i32>} : memref<24576xf32, #tpu.memory_space<vmem>>, vector<16xf32>,
      %add3A_1421 = arith.constant 20480 : i32
      %add3A_1422 = arith.addi %add3A_1246, %add3A_1421 : i32
      %add3A_1423 = arith.constant 128 : i32
      %add3A_1424 = arith.addi %add3A_1422, %add3A_1423 : i32
      %get3A_1425 = arith.index_cast %add3A_1424 : i32 to index
      %get3A_1426 = tpu.vector_load %arg4[%get3A_1425] {strides = array<i32>} : memref<24576xf32, #tpu.memory_space<vmem>>, vector<16xf32>,
      %add3A_1427 = arith.constant 4096 : i32
      %add3A_1428 = arith.addi %add3A_1246, %add3A_1427 : i32
      %add3A_1429 = arith.constant 256 : i32
      %add3A_1430 = arith.addi %add3A_1428, %add3A_1429 : i32
      %get3A_1431 = arith.index_cast %add3A_1430 : i32 to index
      %get3A_1432 = tpu.vector_load %arg4[%get3A_1431] {strides = array<i32>} : memref<24576xf32, #tpu.memory_space<vmem>>, vector<16xf32>,
      %add3A_1433 = arith.constant 12288 : i32
      %add3A_1434 = arith.addi %add3A_1246, %add3A_1433 : i32
      %add3A_1435 = arith.constant 256 : i32
      %add3A_1436 = arith.addi %add3A_1434, %add3A_1435 : i32
      %get3A_1437 = arith.index_cast %add3A_1436 : i32 to index
      %get3A_1438 = tpu.vector_load %arg4[%get3A_1437] {strides = array<i32>} : memref<24576xf32, #tpu.memory_space<vmem>>, vector<16xf32>,
      %add3A_1439 = arith.constant 20480 : i32
      %add3A_1440 = arith.addi %add3A_1246, %add3A_1439 : i32
      %add3A_1441 = arith.constant 256 : i32
      %add3A_1442 = arith.addi %add3A_1440, %add3A_1441 : i32
      %get3A_1443 = arith.index_cast %add3A_1442 : i32 to index
      %get3A_1444 = tpu.vector_load %arg4[%get3A_1443] {strides = array<i32>} : memref<24576xf32, #tpu.memory_space<vmem>>, vector<16xf32>,
      %add3A_1445 = arith.constant 4096 : i32
      %add3A_1446 = arith.addi %add3A_1246, %add3A_1445 : i32
      %add3A_1447 = arith.constant 384 : i32
      %add3A_1448 = arith.addi %add3A_1446, %add3A_1447 : i32
      %get3A_1449 = arith.index_cast %add3A_1448 : i32 to index
      %get3A_1450 = tpu.vector_load %arg4[%get3A_1449] {strides = array<i32>} : memref<24576xf32, #tpu.memory_space<vmem>>, vector<16xf32>,
      %add3A_1451 = arith.constant 12288 : i32
      %add3A_1452 = arith.addi %add3A_1246, %add3A_1451 : i32
      %add3A_1453 = arith.constant 384 : i32
      %add3A_1454 = arith.addi %add3A_1452, %add3A_1453 : i32
      %get3A_1455 = arith.index_cast %add3A_1454 : i32 to index
      %get3A_1456 = tpu.vector_load %arg4[%get3A_1455] {strides = array<i32>} : memref<24576xf32, #tpu.memory_space<vmem>>, vector<16xf32>,
      %add3A_1457 = arith.constant 20480 : i32
      %add3A_1458 = arith.addi %add3A_1246, %add3A_1457 : i32
      %add3A_1459 = arith.constant 384 : i32
      %add3A_1460 = arith.addi %add3A_1458, %add3A_1459 : i32
      %get3A_1461 = arith.index_cast %add3A_1460 : i32 to index
      %get3A_1462 = tpu.vector_load %arg4[%get3A_1461] {strides = array<i32>} : memref<24576xf32, #tpu.memory_space<vmem>>, vector<16xf32>,
      %add3A_1463 = arith.constant 4096 : i32
      %add3A_1464 = arith.addi %add3A_1246, %add3A_1463 : i32
      %add3A_1465 = arith.constant 512 : i32
      %add3A_1466 = arith.addi %add3A_1464, %add3A_1465 : i32
      %get3A_1467 = arith.index_cast %add3A_1466 : i32 to index
      %get3A_1468 = tpu.vector_load %arg4[%get3A_1467] {strides = array<i32>} : memref<24576xf32, #tpu.memory_space<vmem>>, vector<16xf32>,
      %add3A_1469 = arith.constant 12288 : i32
      %add3A_1470 = arith.addi %add3A_1246, %add3A_1469 : i32
      %add3A_1471 = arith.constant 512 : i32
      %add3A_1472 = arith.addi %add3A_1470, %add3A_1471 : i32
      %get3A_1473 = arith.index_cast %add3A_1472 : i32 to index
      %get3A_1474 = tpu.vector_load %arg4[%get3A_1473] {strides = array<i32>} : memref<24576xf32, #tpu.memory_space<vmem>>, vector<16xf32>,
      %add3A_1475 = arith.constant 20480 : i32
      %add3A_1476 = arith.addi %add3A_1246, %add3A_1475 : i32
      %add3A_1477 = arith.constant 512 : i32
      %add3A_1478 = arith.addi %add3A_1476, %add3A_1477 : i32
      %get3A_1479 = arith.index_cast %add3A_1478 : i32 to index
      %get3A_1480 = tpu.vector_load %arg4[%get3A_1479] {strides = array<i32>} : memref<24576xf32, #tpu.memory_space<vmem>>, vector<16xf32>,
      %add3A_1481 = arith.constant 4096 : i32
      %add3A_1482 = arith.addi %add3A_1246, %add3A_1481 : i32
      %add3A_1483 = arith.constant 640 : i32
      %add3A_1484 = arith.addi %add3A_1482, %add3A_1483 : i32
      %get3A_1485 = arith.index_cast %add3A_1484 : i32 to index
      %get3A_1486 = tpu.vector_load %arg4[%get3A_1485] {strides = array<i32>} : memref<24576xf32, #tpu.memory_space<vmem>>, vector<16xf32>,
      %add3A_1487 = arith.constant 12288 : i32
      %add3A_1488 = arith.addi %add3A_1246, %add3A_1487 : i32
      %add3A_1489 = arith.constant 640 : i32
      %add3A_1490 = arith.addi %add3A_1488, %add3A_1489 : i32
      %get3A_1491 = arith.index_cast %add3A_1490 : i32 to index
      %get3A_1492 = tpu.vector_load %arg4[%get3A_1491] {strides = array<i32>} : memref<24576xf32, #tpu.memory_space<vmem>>, vector<16xf32>,
      %add3A_1493 = arith.constant 20480 : i32
      %add3A_1494 = arith.addi %add3A_1246, %add3A_1493 : i32
      %add3A_1495 = arith.constant 640 : i32
      %add3A_1496 = arith.addi %add3A_1494, %add3A_1495 : i32
      %get3A_1497 = arith.index_cast %add3A_1496 : i32 to index
      %get3A_1498 = tpu.vector_load %arg4[%get3A_1497] {strides = array<i32>} : memref<24576xf32, #tpu.memory_space<vmem>>, vector<16xf32>,
      %add3A_1499 = arith.constant 4096 : i32
      %add3A_1500 = arith.addi %add3A_1246, %add3A_1499 : i32
      %add3A_1501 = arith.constant 768 : i32
      %add3A_1502 = arith.addi %add3A_1500, %add3A_1501 : i32
      %get3A_1503 = arith.index_cast %add3A_1502 : i32 to index
      %get3A_1504 = tpu.vector_load %arg4[%get3A_1503] {strides = array<i32>} : memref<24576xf32, #tpu.memory_space<vmem>>, vector<16xf32>,
      %add3A_1505 = arith.constant 12288 : i32
      %add3A_1506 = arith.addi %add3A_1246, %add3A_1505 : i32
      %add3A_1507 = arith.constant 768 : i32
      %add3A_1508 = arith.addi %add3A_1506, %add3A_1507 : i32
      %get3A_1509 = arith.index_cast %add3A_1508 : i32 to index
      %get3A_1510 = tpu.vector_load %arg4[%get3A_1509] {strides = array<i32>} : memref<24576xf32, #tpu.memory_space<vmem>>, vector<16xf32>,
      %add3A_1511 = arith.constant 20480 : i32
      %add3A_1512 = arith.addi %add3A_1246, %add3A_1511 : i32
      %add3A_1513 = arith.constant 768 : i32
      %add3A_1514 = arith.addi %add3A_1512, %add3A_1513 : i32
      %get3A_1515 = arith.index_cast %add3A_1514 : i32 to index
      %get3A_1516 = tpu.vector_load %arg4[%get3A_1515] {strides = array<i32>} : memref<24576xf32, #tpu.memory_space<vmem>>, vector<16xf32>,
      %add3A_1517 = arith.constant 4096 : i32
      %add3A_1518 = arith.addi %add3A_1246, %add3A_1517 : i32
      %add3A_1519 = arith.constant 896 : i32
      %add3A_1520 = arith.addi %add3A_1518, %add3A_1519 : i32
      %get3A_1521 = arith.index_cast %add3A_1520 : i32 to index
      %get3A_1522 = tpu.vector_load %arg4[%get3A_1521] {strides = array<i32>} : memref<24576xf32, #tpu.memory_space<vmem>>, vector<16xf32>,
      %add3A_1523 = arith.constant 12288 : i32
      %add3A_1524 = arith.addi %add3A_1246, %add3A_1523 : i32
      %add3A_1525 = arith.constant 896 : i32
      %add3A_1526 = arith.addi %add3A_1524, %add3A_1525 : i32
      %get3A_1527 = arith.index_cast %add3A_1526 : i32 to index
      %get3A_1528 = tpu.vector_load %arg4[%get3A_1527] {strides = array<i32>} : memref<24576xf32, #tpu.memory_space<vmem>>, vector<16xf32>,
      %add3A_1529 = arith.constant 20480 : i32
      %add3A_1530 = arith.addi %add3A_1246, %add3A_1529 : i32
      %add3A_1531 = arith.constant 896 : i32
      %add3A_1532 = arith.addi %add3A_1530, %add3A_1531 : i32
      %get3A_1533 = arith.index_cast %add3A_1532 : i32 to index
      %get3A_1534 = tpu.vector_load %arg4[%get3A_1533] {strides = array<i32>} : memref<24576xf32, #tpu.memory_space<vmem>>, vector<16xf32>,
      %gt3A_1535 = arith.constant 0.000000e+00 : f32
      %gt3A_1536 = vector.broadcast %gt3A_1535 : f32 to vector<16xf32>
      %gt3A_1537 = arith.cmpf ogt, %get3A_1252, %gt3A_1536 : vector<16xf32>
      %gt3A_1538 = arith.constant 0.000000e+00 : f32
      %gt3A_1539 = vector.broadcast %gt3A_1538 : f32 to vector<16xf32>
      %gt3A_1540 = arith.cmpf ogt, %get3A_1270, %gt3A_1539 : vector<16xf32>
      %gt3A_1541 = arith.constant 0.000000e+00 : f32
      %gt3A_1542 = vector.broadcast %gt3A_1541 : f32 to vector<16xf32>
      %gt3A_1543 = arith.cmpf ogt, %get3A_1288, %gt3A_1542 : vector<16xf32>
      %gt3A_1544 = arith.constant 0.000000e+00 : f32
      %gt3A_1545 = vector.broadcast %gt3A_1544 : f32 to vector<16xf32>
      %gt3A_1546 = arith.cmpf ogt, %get3A_1306, %gt3A_1545 : vector<16xf32>
      %gt3A_1547 = arith.constant 0.000000e+00 : f32
      %gt3A_1548 = vector.broadcast %gt3A_1547 : f32 to vector<16xf32>
      %gt3A_1549 = arith.cmpf ogt, %get3A_1324, %gt3A_1548 : vector<16xf32>
      %gt3A_1550 = arith.constant 0.000000e+00 : f32
      %gt3A_1551 = vector.broadcast %gt3A_1550 : f32 to vector<16xf32>
      %gt3A_1552 = arith.cmpf ogt, %get3A_1342, %gt3A_1551 : vector<16xf32>
      %gt3A_1553 = arith.constant 0.000000e+00 : f32
      %gt3A_1554 = vector.broadcast %gt3A_1553 : f32 to vector<16xf32>
      %gt3A_1555 = arith.cmpf ogt, %get3A_1360, %gt3A_1554 : vector<16xf32>
      %gt3A_1556 = arith.constant 0.000000e+00 : f32
      %gt3A_1557 = vector.broadcast %gt3A_1556 : f32 to vector<16xf32>
      %gt3A_1558 = arith.cmpf ogt, %get3A_1378, %gt3A_1557 : vector<16xf32>
      %gt3A_1559 = arith.constant 0.000000e+00 : f32
      %gt3A_1560 = vector.broadcast %gt3A_1559 : f32 to vector<16xf32>
      %gt3A_1561 = arith.cmpf ogt, %get3A_1396, %gt3A_1560 : vector<16xf32>
      %gt3A_1562 = arith.constant 0.000000e+00 : f32
      %gt3A_1563 = vector.broadcast %gt3A_1562 : f32 to vector<16xf32>
      %gt3A_1564 = arith.cmpf ogt, %get3A_1414, %gt3A_1563 : vector<16xf32>
      %gt3A_1565 = arith.constant 0.000000e+00 : f32
      %gt3A_1566 = vector.broadcast %gt3A_1565 : f32 to vector<16xf32>
      %gt3A_1567 = arith.cmpf ogt, %get3A_1432, %gt3A_1566 : vector<16xf32>
      %gt3A_1568 = arith.constant 0.000000e+00 : f32
      %gt3A_1569 = vector.broadcast %gt3A_1568 : f32 to vector<16xf32>
      %gt3A_1570 = arith.cmpf ogt, %get3A_1450, %gt3A_1569 : vector<16xf32>
      %gt3A_1571 = arith.constant 0.000000e+00 : f32
      %gt3A_1572 = vector.broadcast %gt3A_1571 : f32 to vector<16xf32>
      %gt3A_1573 = arith.cmpf ogt, %get3A_1468, %gt3A_1572 : vector<16xf32>
      %gt3A_1574 = arith.constant 0.000000e+00 : f32
      %gt3A_1575 = vector.broadcast %gt3A_1574 : f32 to vector<16xf32>
      %gt3A_1576 = arith.cmpf ogt, %get3A_1486, %gt3A_1575 : vector<16xf32>
      %gt3A_1577 = arith.constant 0.000000e+00 : f32
      %gt3A_1578 = vector.broadcast %gt3A_1577 : f32 to vector<16xf32>
      %gt3A_1579 = arith.cmpf ogt, %get3A_1504, %gt3A_1578 : vector<16xf32>
      %select_n3A_1580 = arith.select %gt3A_1537, %broadcast_in_dim3A_122, %broadcast_in_dim3A_126 : vector<16xi1>, vector<16xi32>
      %select_n3A_1581 = arith.select %gt3A_1540, %broadcast_in_dim3A_122, %broadcast_in_dim3A_126 : vector<16xi1>, vector<16xi32>
      %select_n3A_1582 = arith.select %gt3A_1543, %broadcast_in_dim3A_122, %broadcast_in_dim3A_126 : vector<16xi1>, vector<16xi32>
      %select_n3A_1583 = arith.select %gt3A_1546, %broadcast_in_dim3A_122, %broadcast_in_dim3A_126 : vector<16xi1>, vector<16xi32>
      %select_n3A_1584 = arith.select %gt3A_1549, %broadcast_in_dim3A_122, %broadcast_in_dim3A_126 : vector<16xi1>, vector<16xi32>
      %select_n3A_1585 = arith.select %gt3A_1552, %broadcast_in_dim3A_122, %broadcast_in_dim3A_126 : vector<16xi1>, vector<16xi32>
      %select_n3A_1586 = arith.select %gt3A_1555, %broadcast_in_dim3A_122, %broadcast_in_dim3A_126 : vector<16xi1>, vector<16xi32>
      %select_n3A_1587 = arith.select %gt3A_1558, %broadcast_in_dim3A_122, %broadcast_in_dim3A_126 : vector<16xi1>, vector<16xi32>
      %select_n3A_1588 = arith.select %gt3A_1561, %broadcast_in_dim3A_122, %broadcast_in_dim3A_126 : vector<16xi1>, vector<16xi32>
      %select_n3A_1589 = arith.select %gt3A_1564, %broadcast_in_dim3A_122, %broadcast_in_dim3A_126 : vector<16xi1>, vector<16xi32>
      %select_n3A_1590 = arith.select %gt3A_1567, %broadcast_in_dim3A_122, %broadcast_in_dim3A_126 : vector<16xi1>, vector<16xi32>
      %select_n3A_1591 = arith.select %gt3A_1570, %broadcast_in_dim3A_122, %broadcast_in_dim3A_126 : vector<16xi1>, vector<16xi32>
      %select_n3A_1592 = arith.select %gt3A_1573, %broadcast_in_dim3A_122, %broadcast_in_dim3A_126 : vector<16xi1>, vector<16xi32>
      %select_n3A_1593 = arith.select %gt3A_1576, %broadcast_in_dim3A_122, %broadcast_in_dim3A_126 : vector<16xi1>, vector<16xi32>
      %select_n3A_1594 = arith.select %gt3A_1579, %broadcast_in_dim3A_122, %broadcast_in_dim3A_126 : vector<16xi1>, vector<16xi32>
      %add3A_1595 = arith.addi %broadcast_in_dim3A_126, %select_n3A_1580 : vector<16xi32>
      %add3A_1596 = arith.addi %add3A_1595, %select_n3A_1581 : vector<16xi32>
      %add3A_1597 = arith.addi %add3A_1596, %select_n3A_1582 : vector<16xi32>
      %add3A_1598 = arith.addi %add3A_1597, %select_n3A_1583 : vector<16xi32>
      %add3A_1599 = arith.addi %add3A_1598, %select_n3A_1584 : vector<16xi32>
      %add3A_1600 = arith.addi %add3A_1599, %select_n3A_1585 : vector<16xi32>
      %add3A_1601 = arith.addi %broadcast_in_dim3A_126, %select_n3A_1586 : vector<16xi32>
      %add3A_1602 = arith.addi %add3A_1601, %select_n3A_1587 : vector<16xi32>
      %add3A_1603 = arith.addi %add3A_1602, %select_n3A_1588 : vector<16xi32>
      %add3A_1604 = arith.addi %broadcast_in_dim3A_126, %select_n3A_1589 : vector<16xi32>
      %add3A_1605 = arith.addi %add3A_1604, %select_n3A_1590 : vector<16xi32>
      %add3A_1606 = arith.addi %add3A_1605, %select_n3A_1591 : vector<16xi32>
      %add3A_1607 = arith.addi %broadcast_in_dim3A_126, %select_n3A_1592 : vector<16xi32>
      %add3A_1608 = arith.addi %add3A_1607, %select_n3A_1593 : vector<16xi32>
      %add3A_1609 = arith.addi %add3A_1608, %select_n3A_1594 : vector<16xi32>
      %add3A_1610 = vector.broadcast %add3A_1246 : i32 to vector<16xi32>
      %add3A_1611 = arith.addi %add3A_1610, %iota3A : vector<16xi32>
      %jit3A_1612 = arith.constant 0 : i32
      %jit3A_1613 = arith.constant 5 : i32
      %broadcast_in_dim3A_1614 = vector.broadcast %jit3A_1612 : i32 to vector<16xi32>
      %broadcast_in_dim3A_1615 = vector.broadcast %jit3A_1613 : i32 to vector<16xi32>
      %select_n3A_1616 = arith.select %gt3A_1537, %broadcast_in_dim3A_1614, %broadcast_in_dim3A_1615 : vector<16xi1>, vector<16xi32>
      %add3A_1617 = arith.addi %broadcast_in_dim3A_126, %select_n3A_1616 : vector<16xi32>
      %lt3A_1618 = arith.constant 0 : i32
      %lt3A_1619 = vector.broadcast %lt3A_1618 : i32 to vector<16xi32>
      %lt3A_1620 = arith.cmpi slt, %add3A_1617, %lt3A_1619 : vector<16xi32>
      %add3A_1621 = arith.constant 16 : i32
      %add3A_1622 = vector.broadcast %add3A_1621 : i32 to vector<16xi32>
      %add3A_1623 = arith.addi %add3A_1617, %add3A_1622 : vector<16xi32>
      %select_n3A_1624 = arith.select %lt3A_1620, %add3A_1623, %add3A_1617 : vector<16xi1>, vector<16xi32>
      %broadcast_in_dim3A_1625 = vector.shape_cast %select_n3A_1624 : vector<16xi32> to vector<16x1xi32>
      %gather3A_1626 = vector.shape_cast %broadcast_in_dim3A_1625 : vector<16x1xi32> to vector<16xi32>
      %gather3A_1627 = tpu.dynamic_gather %add3A_136[%gather3A_1626] in [0] : vector<16xi32>, vector<16xi32> -> vector<16xi32>
      %add3A_1628 = arith.addi %gather3A_1627, %add3A_1611 : vector<16xi32>
      %select_n3A_1629 = arith.select %gt3A_1537, %get3A_1252, %broadcast_in_dim3A_124 : vector<16xi1>, vector<16xf32>
      %add3A_1630 = arith.constant 0 : i32
      %add3A_1631 = vector.broadcast %add3A_1630 : i32 to vector<16xi32>
      %add3A_1632 = arith.addi %add3A_1628, %add3A_1631 : vector<16xi32>
      tpu.vector_store_idx %arg5[%add3A_1632], %select_n3A_1629 : memref<24576xf32, #tpu.memory_space<vmem>>[vector<16xi32>], vector<16xf32>,
      %select_n3A_1633 = arith.select %gt3A_1537, %get3A_1258, %broadcast_in_dim3A_124 : vector<16xi1>, vector<16xf32>
      %add3A_1634 = arith.constant 8192 : i32
      %add3A_1635 = vector.broadcast %add3A_1634 : i32 to vector<16xi32>
      %add3A_1636 = arith.addi %add3A_1628, %add3A_1635 : vector<16xi32>
      tpu.vector_store_idx %arg5[%add3A_1636], %select_n3A_1633 : memref<24576xf32, #tpu.memory_space<vmem>>[vector<16xi32>], vector<16xf32>,
      %select_n3A_1637 = arith.select %gt3A_1537, %get3A_1264, %broadcast_in_dim3A_124 : vector<16xi1>, vector<16xf32>
      %add3A_1638 = arith.constant 16384 : i32
      %add3A_1639 = vector.broadcast %add3A_1638 : i32 to vector<16xi32>
      %add3A_1640 = arith.addi %add3A_1628, %add3A_1639 : vector<16xi32>
      tpu.vector_store_idx %arg5[%add3A_1640], %select_n3A_1637 : memref<24576xf32, #tpu.memory_space<vmem>>[vector<16xi32>], vector<16xf32>,
      %jit3A_1641 = arith.constant 0 : i32
      %jit3A_1642 = arith.constant 4 : i32
      %broadcast_in_dim3A_1643 = vector.broadcast %jit3A_1641 : i32 to vector<16xi32>
      %broadcast_in_dim3A_1644 = vector.broadcast %jit3A_1642 : i32 to vector<16xi32>
      %select_n3A_1645 = arith.select %gt3A_1540, %broadcast_in_dim3A_1643, %broadcast_in_dim3A_1644 : vector<16xi1>, vector<16xi32>
      %add3A_1646 = arith.addi %add3A_1595, %select_n3A_1645 : vector<16xi32>
      %lt3A_1647 = arith.constant 0 : i32
      %lt3A_1648 = vector.broadcast %lt3A_1647 : i32 to vector<16xi32>
      %lt3A_1649 = arith.cmpi slt, %add3A_1646, %lt3A_1648 : vector<16xi32>
      %add3A_1650 = arith.constant 16 : i32
      %add3A_1651 = vector.broadcast %add3A_1650 : i32 to vector<16xi32>
      %add3A_1652 = arith.addi %add3A_1646, %add3A_1651 : vector<16xi32>
      %select_n3A_1653 = arith.select %lt3A_1649, %add3A_1652, %add3A_1646 : vector<16xi1>, vector<16xi32>
      %broadcast_in_dim3A_1654 = vector.shape_cast %select_n3A_1653 : vector<16xi32> to vector<16x1xi32>
      %gather3A_1655 = vector.shape_cast %broadcast_in_dim3A_1654 : vector<16x1xi32> to vector<16xi32>
      %gather3A_1656 = tpu.dynamic_gather %add3A_136[%gather3A_1655] in [0] : vector<16xi32>, vector<16xi32> -> vector<16xi32>
      %add3A_1657 = arith.addi %gather3A_1656, %add3A_1611 : vector<16xi32>
      %select_n3A_1658 = arith.select %gt3A_1540, %get3A_1270, %broadcast_in_dim3A_124 : vector<16xi1>, vector<16xf32>
      %add3A_1659 = arith.constant 0 : i32
      %add3A_1660 = vector.broadcast %add3A_1659 : i32 to vector<16xi32>
      %add3A_1661 = arith.addi %add3A_1657, %add3A_1660 : vector<16xi32>
      tpu.vector_store_idx %arg5[%add3A_1661], %select_n3A_1658 : memref<24576xf32, #tpu.memory_space<vmem>>[vector<16xi32>], vector<16xf32>,
      %select_n3A_1662 = arith.select %gt3A_1540, %get3A_1276, %broadcast_in_dim3A_124 : vector<16xi1>, vector<16xf32>
      %add3A_1663 = arith.constant 8192 : i32
      %add3A_1664 = vector.broadcast %add3A_1663 : i32 to vector<16xi32>
      %add3A_1665 = arith.addi %add3A_1657, %add3A_1664 : vector<16xi32>
      tpu.vector_store_idx %arg5[%add3A_1665], %select_n3A_1662 : memref<24576xf32, #tpu.memory_space<vmem>>[vector<16xi32>], vector<16xf32>,
      %select_n3A_1666 = arith.select %gt3A_1540, %get3A_1282, %broadcast_in_dim3A_124 : vector<16xi1>, vector<16xf32>
      %add3A_1667 = arith.constant 16384 : i32
      %add3A_1668 = vector.broadcast %add3A_1667 : i32 to vector<16xi32>
      %add3A_1669 = arith.addi %add3A_1657, %add3A_1668 : vector<16xi32>
      tpu.vector_store_idx %arg5[%add3A_1669], %select_n3A_1666 : memref<24576xf32, #tpu.memory_space<vmem>>[vector<16xi32>], vector<16xf32>,
      %jit3A_1670 = arith.constant 0 : i32
      %jit3A_1671 = arith.constant 3 : i32
      %broadcast_in_dim3A_1672 = vector.broadcast %jit3A_1670 : i32 to vector<16xi32>
      %broadcast_in_dim3A_1673 = vector.broadcast %jit3A_1671 : i32 to vector<16xi32>
      %select_n3A_1674 = arith.select %gt3A_1543, %broadcast_in_dim3A_1672, %broadcast_in_dim3A_1673 : vector<16xi1>, vector<16xi32>
      %add3A_1675 = arith.addi %add3A_1596, %select_n3A_1674 : vector<16xi32>
      %lt3A_1676 = arith.constant 0 : i32
      %lt3A_1677 = vector.broadcast %lt3A_1676 : i32 to vector<16xi32>
      %lt3A_1678 = arith.cmpi slt, %add3A_1675, %lt3A_1677 : vector<16xi32>
      %add3A_1679 = arith.constant 16 : i32
      %add3A_1680 = vector.broadcast %add3A_1679 : i32 to vector<16xi32>
      %add3A_1681 = arith.addi %add3A_1675, %add3A_1680 : vector<16xi32>
      %select_n3A_1682 = arith.select %lt3A_1678, %add3A_1681, %add3A_1675 : vector<16xi1>, vector<16xi32>
      %broadcast_in_dim3A_1683 = vector.shape_cast %select_n3A_1682 : vector<16xi32> to vector<16x1xi32>
      %gather3A_1684 = vector.shape_cast %broadcast_in_dim3A_1683 : vector<16x1xi32> to vector<16xi32>
      %gather3A_1685 = tpu.dynamic_gather %add3A_136[%gather3A_1684] in [0] : vector<16xi32>, vector<16xi32> -> vector<16xi32>
      %add3A_1686 = arith.addi %gather3A_1685, %add3A_1611 : vector<16xi32>
      %select_n3A_1687 = arith.select %gt3A_1543, %get3A_1288, %broadcast_in_dim3A_124 : vector<16xi1>, vector<16xf32>
      %add3A_1688 = arith.constant 0 : i32
      %add3A_1689 = vector.broadcast %add3A_1688 : i32 to vector<16xi32>
      %add3A_1690 = arith.addi %add3A_1686, %add3A_1689 : vector<16xi32>
      tpu.vector_store_idx %arg5[%add3A_1690], %select_n3A_1687 : memref<24576xf32, #tpu.memory_space<vmem>>[vector<16xi32>], vector<16xf32>,
      %select_n3A_1691 = arith.select %gt3A_1543, %get3A_1294, %broadcast_in_dim3A_124 : vector<16xi1>, vector<16xf32>
      %add3A_1692 = arith.constant 8192 : i32
      %add3A_1693 = vector.broadcast %add3A_1692 : i32 to vector<16xi32>
      %add3A_1694 = arith.addi %add3A_1686, %add3A_1693 : vector<16xi32>
      tpu.vector_store_idx %arg5[%add3A_1694], %select_n3A_1691 : memref<24576xf32, #tpu.memory_space<vmem>>[vector<16xi32>], vector<16xf32>,
      %select_n3A_1695 = arith.select %gt3A_1543, %get3A_1300, %broadcast_in_dim3A_124 : vector<16xi1>, vector<16xf32>
      %add3A_1696 = arith.constant 16384 : i32
      %add3A_1697 = vector.broadcast %add3A_1696 : i32 to vector<16xi32>
      %add3A_1698 = arith.addi %add3A_1686, %add3A_1697 : vector<16xi32>
      tpu.vector_store_idx %arg5[%add3A_1698], %select_n3A_1695 : memref<24576xf32, #tpu.memory_space<vmem>>[vector<16xi32>], vector<16xf32>,
      %jit3A_1699 = arith.constant 0 : i32
      %jit3A_1700 = arith.constant 2 : i32
      %broadcast_in_dim3A_1701 = vector.broadcast %jit3A_1699 : i32 to vector<16xi32>
      %broadcast_in_dim3A_1702 = vector.broadcast %jit3A_1700 : i32 to vector<16xi32>
      %select_n3A_1703 = arith.select %gt3A_1546, %broadcast_in_dim3A_1701, %broadcast_in_dim3A_1702 : vector<16xi1>, vector<16xi32>
      %add3A_1704 = arith.addi %add3A_1597, %select_n3A_1703 : vector<16xi32>
      %lt3A_1705 = arith.constant 0 : i32
      %lt3A_1706 = vector.broadcast %lt3A_1705 : i32 to vector<16xi32>
      %lt3A_1707 = arith.cmpi slt, %add3A_1704, %lt3A_1706 : vector<16xi32>
      %add3A_1708 = arith.constant 16 : i32
      %add3A_1709 = vector.broadcast %add3A_1708 : i32 to vector<16xi32>
      %add3A_1710 = arith.addi %add3A_1704, %add3A_1709 : vector<16xi32>
      %select_n3A_1711 = arith.select %lt3A_1707, %add3A_1710, %add3A_1704 : vector<16xi1>, vector<16xi32>
      %broadcast_in_dim3A_1712 = vector.shape_cast %select_n3A_1711 : vector<16xi32> to vector<16x1xi32>
      %gather3A_1713 = vector.shape_cast %broadcast_in_dim3A_1712 : vector<16x1xi32> to vector<16xi32>
      %gather3A_1714 = tpu.dynamic_gather %add3A_136[%gather3A_1713] in [0] : vector<16xi32>, vector<16xi32> -> vector<16xi32>
      %add3A_1715 = arith.addi %gather3A_1714, %add3A_1611 : vector<16xi32>
      %select_n3A_1716 = arith.select %gt3A_1546, %get3A_1306, %broadcast_in_dim3A_124 : vector<16xi1>, vector<16xf32>
      %add3A_1717 = arith.constant 0 : i32
      %add3A_1718 = vector.broadcast %add3A_1717 : i32 to vector<16xi32>
      %add3A_1719 = arith.addi %add3A_1715, %add3A_1718 : vector<16xi32>
      tpu.vector_store_idx %arg5[%add3A_1719], %select_n3A_1716 : memref<24576xf32, #tpu.memory_space<vmem>>[vector<16xi32>], vector<16xf32>,
      %select_n3A_1720 = arith.select %gt3A_1546, %get3A_1312, %broadcast_in_dim3A_124 : vector<16xi1>, vector<16xf32>
      %add3A_1721 = arith.constant 8192 : i32
      %add3A_1722 = vector.broadcast %add3A_1721 : i32 to vector<16xi32>
      %add3A_1723 = arith.addi %add3A_1715, %add3A_1722 : vector<16xi32>
      tpu.vector_store_idx %arg5[%add3A_1723], %select_n3A_1720 : memref<24576xf32, #tpu.memory_space<vmem>>[vector<16xi32>], vector<16xf32>,
      %select_n3A_1724 = arith.select %gt3A_1546, %get3A_1318, %broadcast_in_dim3A_124 : vector<16xi1>, vector<16xf32>
      %add3A_1725 = arith.constant 16384 : i32
      %add3A_1726 = vector.broadcast %add3A_1725 : i32 to vector<16xi32>
      %add3A_1727 = arith.addi %add3A_1715, %add3A_1726 : vector<16xi32>
      tpu.vector_store_idx %arg5[%add3A_1727], %select_n3A_1724 : memref<24576xf32, #tpu.memory_space<vmem>>[vector<16xi32>], vector<16xf32>,
      %jit3A_1728 = arith.constant 0 : i32
      %jit3A_1729 = arith.constant 1 : i32
      %broadcast_in_dim3A_1730 = vector.broadcast %jit3A_1728 : i32 to vector<16xi32>
      %broadcast_in_dim3A_1731 = vector.broadcast %jit3A_1729 : i32 to vector<16xi32>
      %select_n3A_1732 = arith.select %gt3A_1549, %broadcast_in_dim3A_1730, %broadcast_in_dim3A_1731 : vector<16xi1>, vector<16xi32>
      %add3A_1733 = arith.addi %add3A_1598, %select_n3A_1732 : vector<16xi32>
      %lt3A_1734 = arith.constant 0 : i32
      %lt3A_1735 = vector.broadcast %lt3A_1734 : i32 to vector<16xi32>
      %lt3A_1736 = arith.cmpi slt, %add3A_1733, %lt3A_1735 : vector<16xi32>
      %add3A_1737 = arith.constant 16 : i32
      %add3A_1738 = vector.broadcast %add3A_1737 : i32 to vector<16xi32>
      %add3A_1739 = arith.addi %add3A_1733, %add3A_1738 : vector<16xi32>
      %select_n3A_1740 = arith.select %lt3A_1736, %add3A_1739, %add3A_1733 : vector<16xi1>, vector<16xi32>
      %broadcast_in_dim3A_1741 = vector.shape_cast %select_n3A_1740 : vector<16xi32> to vector<16x1xi32>
      %gather3A_1742 = vector.shape_cast %broadcast_in_dim3A_1741 : vector<16x1xi32> to vector<16xi32>
      %gather3A_1743 = tpu.dynamic_gather %add3A_136[%gather3A_1742] in [0] : vector<16xi32>, vector<16xi32> -> vector<16xi32>
      %add3A_1744 = arith.addi %gather3A_1743, %add3A_1611 : vector<16xi32>
      %select_n3A_1745 = arith.select %gt3A_1549, %get3A_1324, %broadcast_in_dim3A_124 : vector<16xi1>, vector<16xf32>
      %add3A_1746 = arith.constant 0 : i32
      %add3A_1747 = vector.broadcast %add3A_1746 : i32 to vector<16xi32>
      %add3A_1748 = arith.addi %add3A_1744, %add3A_1747 : vector<16xi32>
      tpu.vector_store_idx %arg5[%add3A_1748], %select_n3A_1745 : memref<24576xf32, #tpu.memory_space<vmem>>[vector<16xi32>], vector<16xf32>,
      %select_n3A_1749 = arith.select %gt3A_1549, %get3A_1330, %broadcast_in_dim3A_124 : vector<16xi1>, vector<16xf32>
      %add3A_1750 = arith.constant 8192 : i32
      %add3A_1751 = vector.broadcast %add3A_1750 : i32 to vector<16xi32>
      %add3A_1752 = arith.addi %add3A_1744, %add3A_1751 : vector<16xi32>
      tpu.vector_store_idx %arg5[%add3A_1752], %select_n3A_1749 : memref<24576xf32, #tpu.memory_space<vmem>>[vector<16xi32>], vector<16xf32>,
      %select_n3A_1753 = arith.select %gt3A_1549, %get3A_1336, %broadcast_in_dim3A_124 : vector<16xi1>, vector<16xf32>
      %add3A_1754 = arith.constant 16384 : i32
      %add3A_1755 = vector.broadcast %add3A_1754 : i32 to vector<16xi32>
      %add3A_1756 = arith.addi %add3A_1744, %add3A_1755 : vector<16xi32>
      tpu.vector_store_idx %arg5[%add3A_1756], %select_n3A_1753 : memref<24576xf32, #tpu.memory_space<vmem>>[vector<16xi32>], vector<16xf32>,
      %jit3A_1757 = arith.constant 0 : i32
      %jit3A_1758 = arith.constant 0 : i32
      %broadcast_in_dim3A_1759 = vector.broadcast %jit3A_1757 : i32 to vector<16xi32>
      %broadcast_in_dim3A_1760 = vector.broadcast %jit3A_1758 : i32 to vector<16xi32>
      %select_n3A_1761 = arith.select %gt3A_1552, %broadcast_in_dim3A_1759, %broadcast_in_dim3A_1760 : vector<16xi1>, vector<16xi32>
      %add3A_1762 = arith.addi %add3A_1599, %select_n3A_1761 : vector<16xi32>
      %lt3A_1763 = arith.constant 0 : i32
      %lt3A_1764 = vector.broadcast %lt3A_1763 : i32 to vector<16xi32>
      %lt3A_1765 = arith.cmpi slt, %add3A_1762, %lt3A_1764 : vector<16xi32>
      %add3A_1766 = arith.constant 16 : i32
      %add3A_1767 = vector.broadcast %add3A_1766 : i32 to vector<16xi32>
      %add3A_1768 = arith.addi %add3A_1762, %add3A_1767 : vector<16xi32>
      %select_n3A_1769 = arith.select %lt3A_1765, %add3A_1768, %add3A_1762 : vector<16xi1>, vector<16xi32>
      %broadcast_in_dim3A_1770 = vector.shape_cast %select_n3A_1769 : vector<16xi32> to vector<16x1xi32>
      %gather3A_1771 = vector.shape_cast %broadcast_in_dim3A_1770 : vector<16x1xi32> to vector<16xi32>
      %gather3A_1772 = tpu.dynamic_gather %add3A_136[%gather3A_1771] in [0] : vector<16xi32>, vector<16xi32> -> vector<16xi32>
      %add3A_1773 = arith.addi %gather3A_1772, %add3A_1611 : vector<16xi32>
      %select_n3A_1774 = arith.select %gt3A_1552, %get3A_1342, %broadcast_in_dim3A_124 : vector<16xi1>, vector<16xf32>
      %add3A_1775 = arith.constant 0 : i32
      %add3A_1776 = vector.broadcast %add3A_1775 : i32 to vector<16xi32>
      %add3A_1777 = arith.addi %add3A_1773, %add3A_1776 : vector<16xi32>
      tpu.vector_store_idx %arg5[%add3A_1777], %select_n3A_1774 : memref<24576xf32, #tpu.memory_space<vmem>>[vector<16xi32>], vector<16xf32>,
      %select_n3A_1778 = arith.select %gt3A_1552, %get3A_1348, %broadcast_in_dim3A_124 : vector<16xi1>, vector<16xf32>
      %add3A_1779 = arith.constant 8192 : i32
      %add3A_1780 = vector.broadcast %add3A_1779 : i32 to vector<16xi32>
      %add3A_1781 = arith.addi %add3A_1773, %add3A_1780 : vector<16xi32>
      tpu.vector_store_idx %arg5[%add3A_1781], %select_n3A_1778 : memref<24576xf32, #tpu.memory_space<vmem>>[vector<16xi32>], vector<16xf32>,
      %select_n3A_1782 = arith.select %gt3A_1552, %get3A_1354, %broadcast_in_dim3A_124 : vector<16xi1>, vector<16xf32>
      %add3A_1783 = arith.constant 16384 : i32
      %add3A_1784 = vector.broadcast %add3A_1783 : i32 to vector<16xi32>
      %add3A_1785 = arith.addi %add3A_1773, %add3A_1784 : vector<16xi32>
      tpu.vector_store_idx %arg5[%add3A_1785], %select_n3A_1782 : memref<24576xf32, #tpu.memory_space<vmem>>[vector<16xi32>], vector<16xf32>,
      %jit3A_1786 = arith.constant 6 : i32
      %jit3A_1787 = arith.constant 8 : i32
      %broadcast_in_dim3A_1788 = vector.broadcast %jit3A_1786 : i32 to vector<16xi32>
      %broadcast_in_dim3A_1789 = vector.broadcast %jit3A_1787 : i32 to vector<16xi32>
      %select_n3A_1790 = arith.select %gt3A_1555, %broadcast_in_dim3A_1788, %broadcast_in_dim3A_1789 : vector<16xi1>, vector<16xi32>
      %add3A_1791 = arith.addi %broadcast_in_dim3A_126, %select_n3A_1790 : vector<16xi32>
      %lt3A_1792 = arith.constant 0 : i32
      %lt3A_1793 = vector.broadcast %lt3A_1792 : i32 to vector<16xi32>
      %lt3A_1794 = arith.cmpi slt, %add3A_1791, %lt3A_1793 : vector<16xi32>
      %add3A_1795 = arith.constant 16 : i32
      %add3A_1796 = vector.broadcast %add3A_1795 : i32 to vector<16xi32>
      %add3A_1797 = arith.addi %add3A_1791, %add3A_1796 : vector<16xi32>
      %select_n3A_1798 = arith.select %lt3A_1794, %add3A_1797, %add3A_1791 : vector<16xi1>, vector<16xi32>
      %broadcast_in_dim3A_1799 = vector.shape_cast %select_n3A_1798 : vector<16xi32> to vector<16x1xi32>
      %gather3A_1800 = vector.shape_cast %broadcast_in_dim3A_1799 : vector<16x1xi32> to vector<16xi32>
      %gather3A_1801 = tpu.dynamic_gather %add3A_136[%gather3A_1800] in [0] : vector<16xi32>, vector<16xi32> -> vector<16xi32>
      %add3A_1802 = arith.addi %gather3A_1801, %add3A_1611 : vector<16xi32>
      %select_n3A_1803 = arith.select %gt3A_1555, %get3A_1360, %broadcast_in_dim3A_124 : vector<16xi1>, vector<16xf32>
      %add3A_1804 = arith.constant 0 : i32
      %add3A_1805 = vector.broadcast %add3A_1804 : i32 to vector<16xi32>
      %add3A_1806 = arith.addi %add3A_1802, %add3A_1805 : vector<16xi32>
      tpu.vector_store_idx %arg5[%add3A_1806], %select_n3A_1803 : memref<24576xf32, #tpu.memory_space<vmem>>[vector<16xi32>], vector<16xf32>,
      %select_n3A_1807 = arith.select %gt3A_1555, %get3A_1366, %broadcast_in_dim3A_124 : vector<16xi1>, vector<16xf32>
      %add3A_1808 = arith.constant 8192 : i32
      %add3A_1809 = vector.broadcast %add3A_1808 : i32 to vector<16xi32>
      %add3A_1810 = arith.addi %add3A_1802, %add3A_1809 : vector<16xi32>
      tpu.vector_store_idx %arg5[%add3A_1810], %select_n3A_1807 : memref<24576xf32, #tpu.memory_space<vmem>>[vector<16xi32>], vector<16xf32>,
      %select_n3A_1811 = arith.select %gt3A_1555, %get3A_1372, %broadcast_in_dim3A_124 : vector<16xi1>, vector<16xf32>
      %add3A_1812 = arith.constant 16384 : i32
      %add3A_1813 = vector.broadcast %add3A_1812 : i32 to vector<16xi32>
      %add3A_1814 = arith.addi %add3A_1802, %add3A_1813 : vector<16xi32>
      tpu.vector_store_idx %arg5[%add3A_1814], %select_n3A_1811 : memref<24576xf32, #tpu.memory_space<vmem>>[vector<16xi32>], vector<16xf32>,
      %jit3A_1815 = arith.constant 6 : i32
      %jit3A_1816 = arith.constant 7 : i32
      %broadcast_in_dim3A_1817 = vector.broadcast %jit3A_1815 : i32 to vector<16xi32>
      %broadcast_in_dim3A_1818 = vector.broadcast %jit3A_1816 : i32 to vector<16xi32>
      %select_n3A_1819 = arith.select %gt3A_1558, %broadcast_in_dim3A_1817, %broadcast_in_dim3A_1818 : vector<16xi1>, vector<16xi32>
      %add3A_1820 = arith.addi %add3A_1601, %select_n3A_1819 : vector<16xi32>
      %lt3A_1821 = arith.constant 0 : i32
      %lt3A_1822 = vector.broadcast %lt3A_1821 : i32 to vector<16xi32>
      %lt3A_1823 = arith.cmpi slt, %add3A_1820, %lt3A_1822 : vector<16xi32>
      %add3A_1824 = arith.constant 16 : i32
      %add3A_1825 = vector.broadcast %add3A_1824 : i32 to vector<16xi32>
      %add3A_1826 = arith.addi %add3A_1820, %add3A_1825 : vector<16xi32>
      %select_n3A_1827 = arith.select %lt3A_1823, %add3A_1826, %add3A_1820 : vector<16xi1>, vector<16xi32>
      %broadcast_in_dim3A_1828 = vector.shape_cast %select_n3A_1827 : vector<16xi32> to vector<16x1xi32>
      %gather3A_1829 = vector.shape_cast %broadcast_in_dim3A_1828 : vector<16x1xi32> to vector<16xi32>
      %gather3A_1830 = tpu.dynamic_gather %add3A_136[%gather3A_1829] in [0] : vector<16xi32>, vector<16xi32> -> vector<16xi32>
      %add3A_1831 = arith.addi %gather3A_1830, %add3A_1611 : vector<16xi32>
      %select_n3A_1832 = arith.select %gt3A_1558, %get3A_1378, %broadcast_in_dim3A_124 : vector<16xi1>, vector<16xf32>
      %add3A_1833 = arith.constant 0 : i32
      %add3A_1834 = vector.broadcast %add3A_1833 : i32 to vector<16xi32>
      %add3A_1835 = arith.addi %add3A_1831, %add3A_1834 : vector<16xi32>
      tpu.vector_store_idx %arg5[%add3A_1835], %select_n3A_1832 : memref<24576xf32, #tpu.memory_space<vmem>>[vector<16xi32>], vector<16xf32>,
      %select_n3A_1836 = arith.select %gt3A_1558, %get3A_1384, %broadcast_in_dim3A_124 : vector<16xi1>, vector<16xf32>
      %add3A_1837 = arith.constant 8192 : i32
      %add3A_1838 = vector.broadcast %add3A_1837 : i32 to vector<16xi32>
      %add3A_1839 = arith.addi %add3A_1831, %add3A_1838 : vector<16xi32>
      tpu.vector_store_idx %arg5[%add3A_1839], %select_n3A_1836 : memref<24576xf32, #tpu.memory_space<vmem>>[vector<16xi32>], vector<16xf32>,
      %select_n3A_1840 = arith.select %gt3A_1558, %get3A_1390, %broadcast_in_dim3A_124 : vector<16xi1>, vector<16xf32>
      %add3A_1841 = arith.constant 16384 : i32
      %add3A_1842 = vector.broadcast %add3A_1841 : i32 to vector<16xi32>
      %add3A_1843 = arith.addi %add3A_1831, %add3A_1842 : vector<16xi32>
      tpu.vector_store_idx %arg5[%add3A_1843], %select_n3A_1840 : memref<24576xf32, #tpu.memory_space<vmem>>[vector<16xi32>], vector<16xf32>,
      %jit3A_1844 = arith.constant 6 : i32
      %jit3A_1845 = arith.constant 6 : i32
      %broadcast_in_dim3A_1846 = vector.broadcast %jit3A_1844 : i32 to vector<16xi32>
      %broadcast_in_dim3A_1847 = vector.broadcast %jit3A_1845 : i32 to vector<16xi32>
      %select_n3A_1848 = arith.select %gt3A_1561, %broadcast_in_dim3A_1846, %broadcast_in_dim3A_1847 : vector<16xi1>, vector<16xi32>
      %add3A_1849 = arith.addi %add3A_1602, %select_n3A_1848 : vector<16xi32>
      %lt3A_1850 = arith.constant 0 : i32
      %lt3A_1851 = vector.broadcast %lt3A_1850 : i32 to vector<16xi32>
      %lt3A_1852 = arith.cmpi slt, %add3A_1849, %lt3A_1851 : vector<16xi32>
      %add3A_1853 = arith.constant 16 : i32
      %add3A_1854 = vector.broadcast %add3A_1853 : i32 to vector<16xi32>
      %add3A_1855 = arith.addi %add3A_1849, %add3A_1854 : vector<16xi32>
      %select_n3A_1856 = arith.select %lt3A_1852, %add3A_1855, %add3A_1849 : vector<16xi1>, vector<16xi32>
      %broadcast_in_dim3A_1857 = vector.shape_cast %select_n3A_1856 : vector<16xi32> to vector<16x1xi32>
      %gather3A_1858 = vector.shape_cast %broadcast_in_dim3A_1857 : vector<16x1xi32> to vector<16xi32>
      %gather3A_1859 = tpu.dynamic_gather %add3A_136[%gather3A_1858] in [0] : vector<16xi32>, vector<16xi32> -> vector<16xi32>
      %add3A_1860 = arith.addi %gather3A_1859, %add3A_1611 : vector<16xi32>
      %select_n3A_1861 = arith.select %gt3A_1561, %get3A_1396, %broadcast_in_dim3A_124 : vector<16xi1>, vector<16xf32>
      %add3A_1862 = arith.constant 0 : i32
      %add3A_1863 = vector.broadcast %add3A_1862 : i32 to vector<16xi32>
      %add3A_1864 = arith.addi %add3A_1860, %add3A_1863 : vector<16xi32>
      tpu.vector_store_idx %arg5[%add3A_1864], %select_n3A_1861 : memref<24576xf32, #tpu.memory_space<vmem>>[vector<16xi32>], vector<16xf32>,
      %select_n3A_1865 = arith.select %gt3A_1561, %get3A_1402, %broadcast_in_dim3A_124 : vector<16xi1>, vector<16xf32>
      %add3A_1866 = arith.constant 8192 : i32
      %add3A_1867 = vector.broadcast %add3A_1866 : i32 to vector<16xi32>
      %add3A_1868 = arith.addi %add3A_1860, %add3A_1867 : vector<16xi32>
      tpu.vector_store_idx %arg5[%add3A_1868], %select_n3A_1865 : memref<24576xf32, #tpu.memory_space<vmem>>[vector<16xi32>], vector<16xf32>,
      %select_n3A_1869 = arith.select %gt3A_1561, %get3A_1408, %broadcast_in_dim3A_124 : vector<16xi1>, vector<16xf32>
      %add3A_1870 = arith.constant 16384 : i32
      %add3A_1871 = vector.broadcast %add3A_1870 : i32 to vector<16xi32>
      %add3A_1872 = arith.addi %add3A_1860, %add3A_1871 : vector<16xi32>
      tpu.vector_store_idx %arg5[%add3A_1872], %select_n3A_1869 : memref<24576xf32, #tpu.memory_space<vmem>>[vector<16xi32>], vector<16xf32>,
      %jit3A_1873 = arith.constant 9 : i32
      %jit3A_1874 = arith.constant 11 : i32
      %broadcast_in_dim3A_1875 = vector.broadcast %jit3A_1873 : i32 to vector<16xi32>
      %broadcast_in_dim3A_1876 = vector.broadcast %jit3A_1874 : i32 to vector<16xi32>
      %select_n3A_1877 = arith.select %gt3A_1564, %broadcast_in_dim3A_1875, %broadcast_in_dim3A_1876 : vector<16xi1>, vector<16xi32>
      %add3A_1878 = arith.addi %broadcast_in_dim3A_126, %select_n3A_1877 : vector<16xi32>
      %lt3A_1879 = arith.constant 0 : i32
      %lt3A_1880 = vector.broadcast %lt3A_1879 : i32 to vector<16xi32>
      %lt3A_1881 = arith.cmpi slt, %add3A_1878, %lt3A_1880 : vector<16xi32>
      %add3A_1882 = arith.constant 16 : i32
      %add3A_1883 = vector.broadcast %add3A_1882 : i32 to vector<16xi32>
      %add3A_1884 = arith.addi %add3A_1878, %add3A_1883 : vector<16xi32>
      %select_n3A_1885 = arith.select %lt3A_1881, %add3A_1884, %add3A_1878 : vector<16xi1>, vector<16xi32>
      %broadcast_in_dim3A_1886 = vector.shape_cast %select_n3A_1885 : vector<16xi32> to vector<16x1xi32>
      %gather3A_1887 = vector.shape_cast %broadcast_in_dim3A_1886 : vector<16x1xi32> to vector<16xi32>
      %gather3A_1888 = tpu.dynamic_gather %add3A_136[%gather3A_1887] in [0] : vector<16xi32>, vector<16xi32> -> vector<16xi32>
      %add3A_1889 = arith.addi %gather3A_1888, %add3A_1611 : vector<16xi32>
      %select_n3A_1890 = arith.select %gt3A_1564, %get3A_1414, %broadcast_in_dim3A_124 : vector<16xi1>, vector<16xf32>
      %add3A_1891 = arith.constant 0 : i32
      %add3A_1892 = vector.broadcast %add3A_1891 : i32 to vector<16xi32>
      %add3A_1893 = arith.addi %add3A_1889, %add3A_1892 : vector<16xi32>
      tpu.vector_store_idx %arg5[%add3A_1893], %select_n3A_1890 : memref<24576xf32, #tpu.memory_space<vmem>>[vector<16xi32>], vector<16xf32>,
      %select_n3A_1894 = arith.select %gt3A_1564, %get3A_1420, %broadcast_in_dim3A_124 : vector<16xi1>, vector<16xf32>
      %add3A_1895 = arith.constant 8192 : i32
      %add3A_1896 = vector.broadcast %add3A_1895 : i32 to vector<16xi32>
      %add3A_1897 = arith.addi %add3A_1889, %add3A_1896 : vector<16xi32>
      tpu.vector_store_idx %arg5[%add3A_1897], %select_n3A_1894 : memref<24576xf32, #tpu.memory_space<vmem>>[vector<16xi32>], vector<16xf32>,
      %select_n3A_1898 = arith.select %gt3A_1564, %get3A_1426, %broadcast_in_dim3A_124 : vector<16xi1>, vector<16xf32>
      %add3A_1899 = arith.constant 16384 : i32
      %add3A_1900 = vector.broadcast %add3A_1899 : i32 to vector<16xi32>
      %add3A_1901 = arith.addi %add3A_1889, %add3A_1900 : vector<16xi32>
      tpu.vector_store_idx %arg5[%add3A_1901], %select_n3A_1898 : memref<24576xf32, #tpu.memory_space<vmem>>[vector<16xi32>], vector<16xf32>,
      %jit3A_1902 = arith.constant 9 : i32
      %jit3A_1903 = arith.constant 10 : i32
      %broadcast_in_dim3A_1904 = vector.broadcast %jit3A_1902 : i32 to vector<16xi32>
      %broadcast_in_dim3A_1905 = vector.broadcast %jit3A_1903 : i32 to vector<16xi32>
      %select_n3A_1906 = arith.select %gt3A_1567, %broadcast_in_dim3A_1904, %broadcast_in_dim3A_1905 : vector<16xi1>, vector<16xi32>
      %add3A_1907 = arith.addi %add3A_1604, %select_n3A_1906 : vector<16xi32>
      %lt3A_1908 = arith.constant 0 : i32
      %lt3A_1909 = vector.broadcast %lt3A_1908 : i32 to vector<16xi32>
      %lt3A_1910 = arith.cmpi slt, %add3A_1907, %lt3A_1909 : vector<16xi32>
      %add3A_1911 = arith.constant 16 : i32
      %add3A_1912 = vector.broadcast %add3A_1911 : i32 to vector<16xi32>
      %add3A_1913 = arith.addi %add3A_1907, %add3A_1912 : vector<16xi32>
      %select_n3A_1914 = arith.select %lt3A_1910, %add3A_1913, %add3A_1907 : vector<16xi1>, vector<16xi32>
      %broadcast_in_dim3A_1915 = vector.shape_cast %select_n3A_1914 : vector<16xi32> to vector<16x1xi32>
      %gather3A_1916 = vector.shape_cast %broadcast_in_dim3A_1915 : vector<16x1xi32> to vector<16xi32>
      %gather3A_1917 = tpu.dynamic_gather %add3A_136[%gather3A_1916] in [0] : vector<16xi32>, vector<16xi32> -> vector<16xi32>
      %add3A_1918 = arith.addi %gather3A_1917, %add3A_1611 : vector<16xi32>
      %select_n3A_1919 = arith.select %gt3A_1567, %get3A_1432, %broadcast_in_dim3A_124 : vector<16xi1>, vector<16xf32>
      %add3A_1920 = arith.constant 0 : i32
      %add3A_1921 = vector.broadcast %add3A_1920 : i32 to vector<16xi32>
      %add3A_1922 = arith.addi %add3A_1918, %add3A_1921 : vector<16xi32>
      tpu.vector_store_idx %arg5[%add3A_1922], %select_n3A_1919 : memref<24576xf32, #tpu.memory_space<vmem>>[vector<16xi32>], vector<16xf32>,
      %select_n3A_1923 = arith.select %gt3A_1567, %get3A_1438, %broadcast_in_dim3A_124 : vector<16xi1>, vector<16xf32>
      %add3A_1924 = arith.constant 8192 : i32
      %add3A_1925 = vector.broadcast %add3A_1924 : i32 to vector<16xi32>
      %add3A_1926 = arith.addi %add3A_1918, %add3A_1925 : vector<16xi32>
      tpu.vector_store_idx %arg5[%add3A_1926], %select_n3A_1923 : memref<24576xf32, #tpu.memory_space<vmem>>[vector<16xi32>], vector<16xf32>,
      %select_n3A_1927 = arith.select %gt3A_1567, %get3A_1444, %broadcast_in_dim3A_124 : vector<16xi1>, vector<16xf32>
      %add3A_1928 = arith.constant 16384 : i32
      %add3A_1929 = vector.broadcast %add3A_1928 : i32 to vector<16xi32>
      %add3A_1930 = arith.addi %add3A_1918, %add3A_1929 : vector<16xi32>
      tpu.vector_store_idx %arg5[%add3A_1930], %select_n3A_1927 : memref<24576xf32, #tpu.memory_space<vmem>>[vector<16xi32>], vector<16xf32>,
      %jit3A_1931 = arith.constant 9 : i32
      %jit3A_1932 = arith.constant 9 : i32
      %broadcast_in_dim3A_1933 = vector.broadcast %jit3A_1931 : i32 to vector<16xi32>
      %broadcast_in_dim3A_1934 = vector.broadcast %jit3A_1932 : i32 to vector<16xi32>
      %select_n3A_1935 = arith.select %gt3A_1570, %broadcast_in_dim3A_1933, %broadcast_in_dim3A_1934 : vector<16xi1>, vector<16xi32>
      %add3A_1936 = arith.addi %add3A_1605, %select_n3A_1935 : vector<16xi32>
      %lt3A_1937 = arith.constant 0 : i32
      %lt3A_1938 = vector.broadcast %lt3A_1937 : i32 to vector<16xi32>
      %lt3A_1939 = arith.cmpi slt, %add3A_1936, %lt3A_1938 : vector<16xi32>
      %add3A_1940 = arith.constant 16 : i32
      %add3A_1941 = vector.broadcast %add3A_1940 : i32 to vector<16xi32>
      %add3A_1942 = arith.addi %add3A_1936, %add3A_1941 : vector<16xi32>
      %select_n3A_1943 = arith.select %lt3A_1939, %add3A_1942, %add3A_1936 : vector<16xi1>, vector<16xi32>
      %broadcast_in_dim3A_1944 = vector.shape_cast %select_n3A_1943 : vector<16xi32> to vector<16x1xi32>
      %gather3A_1945 = vector.shape_cast %broadcast_in_dim3A_1944 : vector<16x1xi32> to vector<16xi32>
      %gather3A_1946 = tpu.dynamic_gather %add3A_136[%gather3A_1945] in [0] : vector<16xi32>, vector<16xi32> -> vector<16xi32>
      %add3A_1947 = arith.addi %gather3A_1946, %add3A_1611 : vector<16xi32>
      %select_n3A_1948 = arith.select %gt3A_1570, %get3A_1450, %broadcast_in_dim3A_124 : vector<16xi1>, vector<16xf32>
      %add3A_1949 = arith.constant 0 : i32
      %add3A_1950 = vector.broadcast %add3A_1949 : i32 to vector<16xi32>
      %add3A_1951 = arith.addi %add3A_1947, %add3A_1950 : vector<16xi32>
      tpu.vector_store_idx %arg5[%add3A_1951], %select_n3A_1948 : memref<24576xf32, #tpu.memory_space<vmem>>[vector<16xi32>], vector<16xf32>,
      %select_n3A_1952 = arith.select %gt3A_1570, %get3A_1456, %broadcast_in_dim3A_124 : vector<16xi1>, vector<16xf32>
      %add3A_1953 = arith.constant 8192 : i32
      %add3A_1954 = vector.broadcast %add3A_1953 : i32 to vector<16xi32>
      %add3A_1955 = arith.addi %add3A_1947, %add3A_1954 : vector<16xi32>
      tpu.vector_store_idx %arg5[%add3A_1955], %select_n3A_1952 : memref<24576xf32, #tpu.memory_space<vmem>>[vector<16xi32>], vector<16xf32>,
      %select_n3A_1956 = arith.select %gt3A_1570, %get3A_1462, %broadcast_in_dim3A_124 : vector<16xi1>, vector<16xf32>
      %add3A_1957 = arith.constant 16384 : i32
      %add3A_1958 = vector.broadcast %add3A_1957 : i32 to vector<16xi32>
      %add3A_1959 = arith.addi %add3A_1947, %add3A_1958 : vector<16xi32>
      tpu.vector_store_idx %arg5[%add3A_1959], %select_n3A_1956 : memref<24576xf32, #tpu.memory_space<vmem>>[vector<16xi32>], vector<16xf32>,
      %jit3A_1960 = arith.constant 12 : i32
      %jit3A_1961 = arith.constant 14 : i32
      %broadcast_in_dim3A_1962 = vector.broadcast %jit3A_1960 : i32 to vector<16xi32>
      %broadcast_in_dim3A_1963 = vector.broadcast %jit3A_1961 : i32 to vector<16xi32>
      %select_n3A_1964 = arith.select %gt3A_1573, %broadcast_in_dim3A_1962, %broadcast_in_dim3A_1963 : vector<16xi1>, vector<16xi32>
      %add3A_1965 = arith.addi %broadcast_in_dim3A_126, %select_n3A_1964 : vector<16xi32>
      %lt3A_1966 = arith.constant 0 : i32
      %lt3A_1967 = vector.broadcast %lt3A_1966 : i32 to vector<16xi32>
      %lt3A_1968 = arith.cmpi slt, %add3A_1965, %lt3A_1967 : vector<16xi32>
      %add3A_1969 = arith.constant 16 : i32
      %add3A_1970 = vector.broadcast %add3A_1969 : i32 to vector<16xi32>
      %add3A_1971 = arith.addi %add3A_1965, %add3A_1970 : vector<16xi32>
      %select_n3A_1972 = arith.select %lt3A_1968, %add3A_1971, %add3A_1965 : vector<16xi1>, vector<16xi32>
      %broadcast_in_dim3A_1973 = vector.shape_cast %select_n3A_1972 : vector<16xi32> to vector<16x1xi32>
      %gather3A_1974 = vector.shape_cast %broadcast_in_dim3A_1973 : vector<16x1xi32> to vector<16xi32>
      %gather3A_1975 = tpu.dynamic_gather %add3A_136[%gather3A_1974] in [0] : vector<16xi32>, vector<16xi32> -> vector<16xi32>
      %add3A_1976 = arith.addi %gather3A_1975, %add3A_1611 : vector<16xi32>
      %select_n3A_1977 = arith.select %gt3A_1573, %get3A_1468, %broadcast_in_dim3A_124 : vector<16xi1>, vector<16xf32>
      %add3A_1978 = arith.constant 0 : i32
      %add3A_1979 = vector.broadcast %add3A_1978 : i32 to vector<16xi32>
      %add3A_1980 = arith.addi %add3A_1976, %add3A_1979 : vector<16xi32>
      tpu.vector_store_idx %arg5[%add3A_1980], %select_n3A_1977 : memref<24576xf32, #tpu.memory_space<vmem>>[vector<16xi32>], vector<16xf32>,
      %select_n3A_1981 = arith.select %gt3A_1573, %get3A_1474, %broadcast_in_dim3A_124 : vector<16xi1>, vector<16xf32>
      %add3A_1982 = arith.constant 8192 : i32
      %add3A_1983 = vector.broadcast %add3A_1982 : i32 to vector<16xi32>
      %add3A_1984 = arith.addi %add3A_1976, %add3A_1983 : vector<16xi32>
      tpu.vector_store_idx %arg5[%add3A_1984], %select_n3A_1981 : memref<24576xf32, #tpu.memory_space<vmem>>[vector<16xi32>], vector<16xf32>,
      %select_n3A_1985 = arith.select %gt3A_1573, %get3A_1480, %broadcast_in_dim3A_124 : vector<16xi1>, vector<16xf32>
      %add3A_1986 = arith.constant 16384 : i32
      %add3A_1987 = vector.broadcast %add3A_1986 : i32 to vector<16xi32>
      %add3A_1988 = arith.addi %add3A_1976, %add3A_1987 : vector<16xi32>
      tpu.vector_store_idx %arg5[%add3A_1988], %select_n3A_1985 : memref<24576xf32, #tpu.memory_space<vmem>>[vector<16xi32>], vector<16xf32>,
      %jit3A_1989 = arith.constant 12 : i32
      %jit3A_1990 = arith.constant 13 : i32
      %broadcast_in_dim3A_1991 = vector.broadcast %jit3A_1989 : i32 to vector<16xi32>
      %broadcast_in_dim3A_1992 = vector.broadcast %jit3A_1990 : i32 to vector<16xi32>
      %select_n3A_1993 = arith.select %gt3A_1576, %broadcast_in_dim3A_1991, %broadcast_in_dim3A_1992 : vector<16xi1>, vector<16xi32>
      %add3A_1994 = arith.addi %add3A_1607, %select_n3A_1993 : vector<16xi32>
      %lt3A_1995 = arith.constant 0 : i32
      %lt3A_1996 = vector.broadcast %lt3A_1995 : i32 to vector<16xi32>
      %lt3A_1997 = arith.cmpi slt, %add3A_1994, %lt3A_1996 : vector<16xi32>
      %add3A_1998 = arith.constant 16 : i32
      %add3A_1999 = vector.broadcast %add3A_1998 : i32 to vector<16xi32>
      %add3A_2000 = arith.addi %add3A_1994, %add3A_1999 : vector<16xi32>
      %select_n3A_2001 = arith.select %lt3A_1997, %add3A_2000, %add3A_1994 : vector<16xi1>, vector<16xi32>
      %broadcast_in_dim3A_2002 = vector.shape_cast %select_n3A_2001 : vector<16xi32> to vector<16x1xi32>
      %gather3A_2003 = vector.shape_cast %broadcast_in_dim3A_2002 : vector<16x1xi32> to vector<16xi32>
      %gather3A_2004 = tpu.dynamic_gather %add3A_136[%gather3A_2003] in [0] : vector<16xi32>, vector<16xi32> -> vector<16xi32>
      %add3A_2005 = arith.addi %gather3A_2004, %add3A_1611 : vector<16xi32>
      %select_n3A_2006 = arith.select %gt3A_1576, %get3A_1486, %broadcast_in_dim3A_124 : vector<16xi1>, vector<16xf32>
      %add3A_2007 = arith.constant 0 : i32
      %add3A_2008 = vector.broadcast %add3A_2007 : i32 to vector<16xi32>
      %add3A_2009 = arith.addi %add3A_2005, %add3A_2008 : vector<16xi32>
      tpu.vector_store_idx %arg5[%add3A_2009], %select_n3A_2006 : memref<24576xf32, #tpu.memory_space<vmem>>[vector<16xi32>], vector<16xf32>,
      %select_n3A_2010 = arith.select %gt3A_1576, %get3A_1492, %broadcast_in_dim3A_124 : vector<16xi1>, vector<16xf32>
      %add3A_2011 = arith.constant 8192 : i32
      %add3A_2012 = vector.broadcast %add3A_2011 : i32 to vector<16xi32>
      %add3A_2013 = arith.addi %add3A_2005, %add3A_2012 : vector<16xi32>
      tpu.vector_store_idx %arg5[%add3A_2013], %select_n3A_2010 : memref<24576xf32, #tpu.memory_space<vmem>>[vector<16xi32>], vector<16xf32>,
      %select_n3A_2014 = arith.select %gt3A_1576, %get3A_1498, %broadcast_in_dim3A_124 : vector<16xi1>, vector<16xf32>
      %add3A_2015 = arith.constant 16384 : i32
      %add3A_2016 = vector.broadcast %add3A_2015 : i32 to vector<16xi32>
      %add3A_2017 = arith.addi %add3A_2005, %add3A_2016 : vector<16xi32>
      tpu.vector_store_idx %arg5[%add3A_2017], %select_n3A_2014 : memref<24576xf32, #tpu.memory_space<vmem>>[vector<16xi32>], vector<16xf32>,
      %jit3A_2018 = arith.constant 12 : i32
      %jit3A_2019 = arith.constant 12 : i32
      %broadcast_in_dim3A_2020 = vector.broadcast %jit3A_2018 : i32 to vector<16xi32>
      %broadcast_in_dim3A_2021 = vector.broadcast %jit3A_2019 : i32 to vector<16xi32>
      %select_n3A_2022 = arith.select %gt3A_1579, %broadcast_in_dim3A_2020, %broadcast_in_dim3A_2021 : vector<16xi1>, vector<16xi32>
      %add3A_2023 = arith.addi %add3A_1608, %select_n3A_2022 : vector<16xi32>
      %lt3A_2024 = arith.constant 0 : i32
      %lt3A_2025 = vector.broadcast %lt3A_2024 : i32 to vector<16xi32>
      %lt3A_2026 = arith.cmpi slt, %add3A_2023, %lt3A_2025 : vector<16xi32>
      %add3A_2027 = arith.constant 16 : i32
      %add3A_2028 = vector.broadcast %add3A_2027 : i32 to vector<16xi32>
      %add3A_2029 = arith.addi %add3A_2023, %add3A_2028 : vector<16xi32>
      %select_n3A_2030 = arith.select %lt3A_2026, %add3A_2029, %add3A_2023 : vector<16xi1>, vector<16xi32>
      %broadcast_in_dim3A_2031 = vector.shape_cast %select_n3A_2030 : vector<16xi32> to vector<16x1xi32>
      %gather3A_2032 = vector.shape_cast %broadcast_in_dim3A_2031 : vector<16x1xi32> to vector<16xi32>
      %gather3A_2033 = tpu.dynamic_gather %add3A_136[%gather3A_2032] in [0] : vector<16xi32>, vector<16xi32> -> vector<16xi32>
      %add3A_2034 = arith.addi %gather3A_2033, %add3A_1611 : vector<16xi32>
      %select_n3A_2035 = arith.select %gt3A_1579, %get3A_1504, %broadcast_in_dim3A_124 : vector<16xi1>, vector<16xf32>
      %add3A_2036 = arith.constant 0 : i32
      %add3A_2037 = vector.broadcast %add3A_2036 : i32 to vector<16xi32>
      %add3A_2038 = arith.addi %add3A_2034, %add3A_2037 : vector<16xi32>
      tpu.vector_store_idx %arg5[%add3A_2038], %select_n3A_2035 : memref<24576xf32, #tpu.memory_space<vmem>>[vector<16xi32>], vector<16xf32>,
      %select_n3A_2039 = arith.select %gt3A_1579, %get3A_1510, %broadcast_in_dim3A_124 : vector<16xi1>, vector<16xf32>
      %add3A_2040 = arith.constant 8192 : i32
      %add3A_2041 = vector.broadcast %add3A_2040 : i32 to vector<16xi32>
      %add3A_2042 = arith.addi %add3A_2034, %add3A_2041 : vector<16xi32>
      tpu.vector_store_idx %arg5[%add3A_2042], %select_n3A_2039 : memref<24576xf32, #tpu.memory_space<vmem>>[vector<16xi32>], vector<16xf32>,
      %select_n3A_2043 = arith.select %gt3A_1579, %get3A_1516, %broadcast_in_dim3A_124 : vector<16xi1>, vector<16xf32>
      %add3A_2044 = arith.constant 16384 : i32
      %add3A_2045 = vector.broadcast %add3A_2044 : i32 to vector<16xi32>
      %add3A_2046 = arith.addi %add3A_2034, %add3A_2045 : vector<16xi32>
      tpu.vector_store_idx %arg5[%add3A_2046], %select_n3A_2043 : memref<24576xf32, #tpu.memory_space<vmem>>[vector<16xi32>], vector<16xf32>,
      %add3A_2047 = arith.constant 4096 : i32
      %add3A_2048 = arith.addi %add3A_1246, %add3A_2047 : i32
      %add3A_2049 = arith.constant 896 : i32
      %add3A_2050 = arith.addi %add3A_2048, %add3A_2049 : i32
      %swap3A_2051 = arith.index_cast %add3A_2050 : i32 to index
      %swap3A_2052 = tpu.vector_load %arg5[%swap3A_2051] {strides = array<i32>} : memref<24576xf32, #tpu.memory_space<vmem>>, vector<16xf32>,
      tpu.vector_store %arg5[%swap3A_2051], %get3A_1522 {strides = array<i32>} : memref<24576xf32, #tpu.memory_space<vmem>>, vector<16xf32>,
      %add3A_2053 = arith.constant 12288 : i32
      %add3A_2054 = arith.addi %add3A_1246, %add3A_2053 : i32
      %add3A_2055 = arith.constant 896 : i32
      %add3A_2056 = arith.addi %add3A_2054, %add3A_2055 : i32
      %swap3A_2057 = arith.index_cast %add3A_2056 : i32 to index
      %swap3A_2058 = tpu.vector_load %arg5[%swap3A_2057] {strides = array<i32>} : memref<24576xf32, #tpu.memory_space<vmem>>, vector<16xf32>,
      tpu.vector_store %arg5[%swap3A_2057], %get3A_1528 {strides = array<i32>} : memref<24576xf32, #tpu.memory_space<vmem>>, vector<16xf32>,
      %add3A_2059 = arith.constant 20480 : i32
      %add3A_2060 = arith.addi %add3A_1246, %add3A_2059 : i32
      %add3A_2061 = arith.constant 896 : i32
      %add3A_2062 = arith.addi %add3A_2060, %add3A_2061 : i32
      %swap3A_2063 = arith.index_cast %add3A_2062 : i32 to index
      %swap3A_2064 = tpu.vector_load %arg5[%swap3A_2063] {strides = array<i32>} : memref<24576xf32, #tpu.memory_space<vmem>>, vector<16xf32>,
      tpu.vector_store %arg5[%swap3A_2063], %get3A_1534 {strides = array<i32>} : memref<24576xf32, #tpu.memory_space<vmem>>, vector<16xf32>,
    }
    %scan3A_278 = arith.constant 8 : i32
    %add3A_279 = arith.constant 0 : i32
    %add3A_280 = arith.addi %add3A_279, %mul3A_2 : i32
    %add3A_281 = arith.constant 2048 : i32
    %add3A_282 = arith.addi %add3A_280, %add3A_281 : i32
    %dma_start3A_283 = arith.constant 2048 : i32
    %dma_start3A_284 = tpu.memref_slice %arg5[%dma_start3A_283] : memref<24576xf32, #tpu.memory_space<vmem>> -> memref<2048xf32, #tpu.memory_space<vmem>>
    %dma_start3A_285 = tpu.memref_slice %arg3[%add3A_282] : memref<786432xf32, #tpu.memory_space<hbm>> -> memref<2048xf32, #tpu.memory_space<hbm>>
    %dma_start3A_286 = tpu.memref_slice %arg3[%add3A_282] : memref<786432xf32, #tpu.memory_space<hbm>> -> memref<2048xf32, #tpu.memory_space<hbm>>
    %dma_start3A_287 = arith.constant 2048 : i32
    %dma_start3A_288 = tpu.memref_slice %arg5[%dma_start3A_287] : memref<24576xf32, #tpu.memory_space<vmem>> -> memref<2048xf32, #tpu.memory_space<vmem>>
    tpu.enqueue_dma source(%dma_start3A_288 : memref<2048xf32, #tpu.memory_space<vmem>>) target(%dma_start3A_286 : memref<2048xf32, #tpu.memory_space<hbm>>) target_semaphore(%arg8 : memref<!tpu.dma_semaphore, #tpu.memory_space<semaphore_mem>>)
    %add3A_289 = arith.constant 131072 : i32
    %add3A_290 = arith.addi %add3A_289, %mul3A_2 : i32
    %add3A_291 = arith.constant 2048 : i32
    %add3A_292 = arith.addi %add3A_290, %add3A_291 : i32
    %dma_start3A_293 = arith.constant 6144 : i32
    %dma_start3A_294 = tpu.memref_slice %arg5[%dma_start3A_293] : memref<24576xf32, #tpu.memory_space<vmem>> -> memref<2048xf32, #tpu.memory_space<vmem>>
    %dma_start3A_295 = tpu.memref_slice %arg3[%add3A_292] : memref<786432xf32, #tpu.memory_space<hbm>> -> memref<2048xf32, #tpu.memory_space<hbm>>
    %dma_start3A_296 = tpu.memref_slice %arg3[%add3A_292] : memref<786432xf32, #tpu.memory_space<hbm>> -> memref<2048xf32, #tpu.memory_space<hbm>>
    %dma_start3A_297 = arith.constant 6144 : i32
    %dma_start3A_298 = tpu.memref_slice %arg5[%dma_start3A_297] : memref<24576xf32, #tpu.memory_space<vmem>> -> memref<2048xf32, #tpu.memory_space<vmem>>
    tpu.enqueue_dma source(%dma_start3A_298 : memref<2048xf32, #tpu.memory_space<vmem>>) target(%dma_start3A_296 : memref<2048xf32, #tpu.memory_space<hbm>>) target_semaphore(%arg8 : memref<!tpu.dma_semaphore, #tpu.memory_space<semaphore_mem>>)
    %add3A_299 = arith.constant 262144 : i32
    %add3A_300 = arith.addi %add3A_299, %mul3A_2 : i32
    %add3A_301 = arith.constant 2048 : i32
    %add3A_302 = arith.addi %add3A_300, %add3A_301 : i32
    %dma_start3A_303 = arith.constant 10240 : i32
    %dma_start3A_304 = tpu.memref_slice %arg5[%dma_start3A_303] : memref<24576xf32, #tpu.memory_space<vmem>> -> memref<2048xf32, #tpu.memory_space<vmem>>
    %dma_start3A_305 = tpu.memref_slice %arg3[%add3A_302] : memref<786432xf32, #tpu.memory_space<hbm>> -> memref<2048xf32, #tpu.memory_space<hbm>>
    %dma_start3A_306 = tpu.memref_slice %arg3[%add3A_302] : memref<786432xf32, #tpu.memory_space<hbm>> -> memref<2048xf32, #tpu.memory_space<hbm>>
    %dma_start3A_307 = arith.constant 10240 : i32
    %dma_start3A_308 = tpu.memref_slice %arg5[%dma_start3A_307] : memref<24576xf32, #tpu.memory_space<vmem>> -> memref<2048xf32, #tpu.memory_space<vmem>>
    tpu.enqueue_dma source(%dma_start3A_308 : memref<2048xf32, #tpu.memory_space<vmem>>) target(%dma_start3A_306 : memref<2048xf32, #tpu.memory_space<hbm>>) target_semaphore(%arg8 : memref<!tpu.dma_semaphore, #tpu.memory_space<semaphore_mem>>)
    %add3A_309 = arith.constant 393216 : i32
    %add3A_310 = arith.addi %add3A_309, %mul3A_2 : i32
    %add3A_311 = arith.constant 2048 : i32
    %add3A_312 = arith.addi %add3A_310, %add3A_311 : i32
    %dma_start3A_313 = arith.constant 14336 : i32
    %dma_start3A_314 = tpu.memref_slice %arg5[%dma_start3A_313] : memref<24576xf32, #tpu.memory_space<vmem>> -> memref<2048xf32, #tpu.memory_space<vmem>>
    %dma_start3A_315 = tpu.memref_slice %arg3[%add3A_312] : memref<786432xf32, #tpu.memory_space<hbm>> -> memref<2048xf32, #tpu.memory_space<hbm>>
    %dma_start3A_316 = tpu.memref_slice %arg3[%add3A_312] : memref<786432xf32, #tpu.memory_space<hbm>> -> memref<2048xf32, #tpu.memory_space<hbm>>
    %dma_start3A_317 = arith.constant 14336 : i32
    %dma_start3A_318 = tpu.memref_slice %arg5[%dma_start3A_317] : memref<24576xf32, #tpu.memory_space<vmem>> -> memref<2048xf32, #tpu.memory_space<vmem>>
    tpu.enqueue_dma source(%dma_start3A_318 : memref<2048xf32, #tpu.memory_space<vmem>>) target(%dma_start3A_316 : memref<2048xf32, #tpu.memory_space<hbm>>) target_semaphore(%arg8 : memref<!tpu.dma_semaphore, #tpu.memory_space<semaphore_mem>>)
    %add3A_319 = arith.constant 524288 : i32
    %add3A_320 = arith.addi %add3A_319, %mul3A_2 : i32
    %add3A_321 = arith.constant 2048 : i32
    %add3A_322 = arith.addi %add3A_320, %add3A_321 : i32
    %dma_start3A_323 = arith.constant 18432 : i32
    %dma_start3A_324 = tpu.memref_slice %arg5[%dma_start3A_323] : memref<24576xf32, #tpu.memory_space<vmem>> -> memref<2048xf32, #tpu.memory_space<vmem>>
    %dma_start3A_325 = tpu.memref_slice %arg3[%add3A_322] : memref<786432xf32, #tpu.memory_space<hbm>> -> memref<2048xf32, #tpu.memory_space<hbm>>
    %dma_start3A_326 = tpu.memref_slice %arg3[%add3A_322] : memref<786432xf32, #tpu.memory_space<hbm>> -> memref<2048xf32, #tpu.memory_space<hbm>>
    %dma_start3A_327 = arith.constant 18432 : i32
    %dma_start3A_328 = tpu.memref_slice %arg5[%dma_start3A_327] : memref<24576xf32, #tpu.memory_space<vmem>> -> memref<2048xf32, #tpu.memory_space<vmem>>
    tpu.enqueue_dma source(%dma_start3A_328 : memref<2048xf32, #tpu.memory_space<vmem>>) target(%dma_start3A_326 : memref<2048xf32, #tpu.memory_space<hbm>>) target_semaphore(%arg8 : memref<!tpu.dma_semaphore, #tpu.memory_space<semaphore_mem>>)
    %add3A_329 = arith.constant 655360 : i32
    %add3A_330 = arith.addi %add3A_329, %mul3A_2 : i32
    %add3A_331 = arith.constant 2048 : i32
    %add3A_332 = arith.addi %add3A_330, %add3A_331 : i32
    %dma_start3A_333 = arith.constant 22528 : i32
    %dma_start3A_334 = tpu.memref_slice %arg5[%dma_start3A_333] : memref<24576xf32, #tpu.memory_space<vmem>> -> memref<2048xf32, #tpu.memory_space<vmem>>
    %dma_start3A_335 = tpu.memref_slice %arg3[%add3A_332] : memref<786432xf32, #tpu.memory_space<hbm>> -> memref<2048xf32, #tpu.memory_space<hbm>>
    %dma_start3A_336 = tpu.memref_slice %arg3[%add3A_332] : memref<786432xf32, #tpu.memory_space<hbm>> -> memref<2048xf32, #tpu.memory_space<hbm>>
    %dma_start3A_337 = arith.constant 22528 : i32
    %dma_start3A_338 = tpu.memref_slice %arg5[%dma_start3A_337] : memref<24576xf32, #tpu.memory_space<vmem>> -> memref<2048xf32, #tpu.memory_space<vmem>>
    tpu.enqueue_dma source(%dma_start3A_338 : memref<2048xf32, #tpu.memory_space<vmem>>) target(%dma_start3A_336 : memref<2048xf32, #tpu.memory_space<hbm>>) target_semaphore(%arg8 : memref<!tpu.dma_semaphore, #tpu.memory_space<semaphore_mem>>)
    %dma_wait3A_339 = arith.constant 0 : i32
    %dma_wait3A_340 = tpu.memref_slice %arg5[%dma_wait3A_339] : memref<24576xf32, #tpu.memory_space<vmem>> -> memref<2048xf32, #tpu.memory_space<vmem>>
    %dma_wait3A_341 = tpu.memref_slice %arg3[%add3A_180] : memref<786432xf32, #tpu.memory_space<hbm>> -> memref<2048xf32, #tpu.memory_space<hbm>>
    %dma_wait3A_342 = tpu.memref_slice %arg3[%add3A_180] : memref<786432xf32, #tpu.memory_space<hbm>> -> memref<2048xf32, #tpu.memory_space<hbm>>
    %dma_wait3A_343 = arith.constant 0 : i32
    %dma_wait3A_344 = tpu.memref_slice %arg5[%dma_wait3A_343] : memref<24576xf32, #tpu.memory_space<vmem>> -> memref<2048xf32, #tpu.memory_space<vmem>>
    tpu.wait_dma2 semaphore(%arg8 : memref<!tpu.dma_semaphore, #tpu.memory_space<semaphore_mem>>) src(%dma_wait3A_344 : memref<2048xf32, #tpu.memory_space<vmem>>) dst(%dma_wait3A_342 : memref<2048xf32, #tpu.memory_space<hbm>>)
    %dma_wait3A_345 = arith.constant 4096 : i32
    %dma_wait3A_346 = tpu.memref_slice %arg5[%dma_wait3A_345] : memref<24576xf32, #tpu.memory_space<vmem>> -> memref<2048xf32, #tpu.memory_space<vmem>>
    %dma_wait3A_347 = tpu.memref_slice %arg3[%add3A_190] : memref<786432xf32, #tpu.memory_space<hbm>> -> memref<2048xf32, #tpu.memory_space<hbm>>
    %dma_wait3A_348 = tpu.memref_slice %arg3[%add3A_190] : memref<786432xf32, #tpu.memory_space<hbm>> -> memref<2048xf32, #tpu.memory_space<hbm>>
    %dma_wait3A_349 = arith.constant 4096 : i32
    %dma_wait3A_350 = tpu.memref_slice %arg5[%dma_wait3A_349] : memref<24576xf32, #tpu.memory_space<vmem>> -> memref<2048xf32, #tpu.memory_space<vmem>>
    tpu.wait_dma2 semaphore(%arg8 : memref<!tpu.dma_semaphore, #tpu.memory_space<semaphore_mem>>) src(%dma_wait3A_350 : memref<2048xf32, #tpu.memory_space<vmem>>) dst(%dma_wait3A_348 : memref<2048xf32, #tpu.memory_space<hbm>>)
    %dma_wait3A_351 = arith.constant 8192 : i32
    %dma_wait3A_352 = tpu.memref_slice %arg5[%dma_wait3A_351] : memref<24576xf32, #tpu.memory_space<vmem>> -> memref<2048xf32, #tpu.memory_space<vmem>>
    %dma_wait3A_353 = tpu.memref_slice %arg3[%add3A_200] : memref<786432xf32, #tpu.memory_space<hbm>> -> memref<2048xf32, #tpu.memory_space<hbm>>
    %dma_wait3A_354 = tpu.memref_slice %arg3[%add3A_200] : memref<786432xf32, #tpu.memory_space<hbm>> -> memref<2048xf32, #tpu.memory_space<hbm>>
    %dma_wait3A_355 = arith.constant 8192 : i32
    %dma_wait3A_356 = tpu.memref_slice %arg5[%dma_wait3A_355] : memref<24576xf32, #tpu.memory_space<vmem>> -> memref<2048xf32, #tpu.memory_space<vmem>>
    tpu.wait_dma2 semaphore(%arg8 : memref<!tpu.dma_semaphore, #tpu.memory_space<semaphore_mem>>) src(%dma_wait3A_356 : memref<2048xf32, #tpu.memory_space<vmem>>) dst(%dma_wait3A_354 : memref<2048xf32, #tpu.memory_space<hbm>>)
    %dma_wait3A_357 = arith.constant 12288 : i32
    %dma_wait3A_358 = tpu.memref_slice %arg5[%dma_wait3A_357] : memref<24576xf32, #tpu.memory_space<vmem>> -> memref<2048xf32, #tpu.memory_space<vmem>>
    %dma_wait3A_359 = tpu.memref_slice %arg3[%add3A_210] : memref<786432xf32, #tpu.memory_space<hbm>> -> memref<2048xf32, #tpu.memory_space<hbm>>
    %dma_wait3A_360 = tpu.memref_slice %arg3[%add3A_210] : memref<786432xf32, #tpu.memory_space<hbm>> -> memref<2048xf32, #tpu.memory_space<hbm>>
    %dma_wait3A_361 = arith.constant 12288 : i32
    %dma_wait3A_362 = tpu.memref_slice %arg5[%dma_wait3A_361] : memref<24576xf32, #tpu.memory_space<vmem>> -> memref<2048xf32, #tpu.memory_space<vmem>>
    tpu.wait_dma2 semaphore(%arg8 : memref<!tpu.dma_semaphore, #tpu.memory_space<semaphore_mem>>) src(%dma_wait3A_362 : memref<2048xf32, #tpu.memory_space<vmem>>) dst(%dma_wait3A_360 : memref<2048xf32, #tpu.memory_space<hbm>>)
    %dma_wait3A_363 = arith.constant 16384 : i32
    %dma_wait3A_364 = tpu.memref_slice %arg5[%dma_wait3A_363] : memref<24576xf32, #tpu.memory_space<vmem>> -> memref<2048xf32, #tpu.memory_space<vmem>>
    %dma_wait3A_365 = tpu.memref_slice %arg3[%add3A_220] : memref<786432xf32, #tpu.memory_space<hbm>> -> memref<2048xf32, #tpu.memory_space<hbm>>
    %dma_wait3A_366 = tpu.memref_slice %arg3[%add3A_220] : memref<786432xf32, #tpu.memory_space<hbm>> -> memref<2048xf32, #tpu.memory_space<hbm>>
    %dma_wait3A_367 = arith.constant 16384 : i32
    %dma_wait3A_368 = tpu.memref_slice %arg5[%dma_wait3A_367] : memref<24576xf32, #tpu.memory_space<vmem>> -> memref<2048xf32, #tpu.memory_space<vmem>>
    tpu.wait_dma2 semaphore(%arg8 : memref<!tpu.dma_semaphore, #tpu.memory_space<semaphore_mem>>) src(%dma_wait3A_368 : memref<2048xf32, #tpu.memory_space<vmem>>) dst(%dma_wait3A_366 : memref<2048xf32, #tpu.memory_space<hbm>>)
    %dma_wait3A_369 = arith.constant 20480 : i32
    %dma_wait3A_370 = tpu.memref_slice %arg5[%dma_wait3A_369] : memref<24576xf32, #tpu.memory_space<vmem>> -> memref<2048xf32, #tpu.memory_space<vmem>>
    %dma_wait3A_371 = tpu.memref_slice %arg3[%add3A_230] : memref<786432xf32, #tpu.memory_space<hbm>> -> memref<2048xf32, #tpu.memory_space<hbm>>
    %dma_wait3A_372 = tpu.memref_slice %arg3[%add3A_230] : memref<786432xf32, #tpu.memory_space<hbm>> -> memref<2048xf32, #tpu.memory_space<hbm>>
    %dma_wait3A_373 = arith.constant 20480 : i32
    %dma_wait3A_374 = tpu.memref_slice %arg5[%dma_wait3A_373] : memref<24576xf32, #tpu.memory_space<vmem>> -> memref<2048xf32, #tpu.memory_space<vmem>>
    tpu.wait_dma2 semaphore(%arg8 : memref<!tpu.dma_semaphore, #tpu.memory_space<semaphore_mem>>) src(%dma_wait3A_374 : memref<2048xf32, #tpu.memory_space<vmem>>) dst(%dma_wait3A_372 : memref<2048xf32, #tpu.memory_space<hbm>>)
    %dma_wait3A_375 = arith.constant 2048 : i32
    %dma_wait3A_376 = tpu.memref_slice %arg5[%dma_wait3A_375] : memref<24576xf32, #tpu.memory_space<vmem>> -> memref<2048xf32, #tpu.memory_space<vmem>>
    %dma_wait3A_377 = tpu.memref_slice %arg3[%add3A_282] : memref<786432xf32, #tpu.memory_space<hbm>> -> memref<2048xf32, #tpu.memory_space<hbm>>
    %dma_wait3A_378 = tpu.memref_slice %arg3[%add3A_282] : memref<786432xf32, #tpu.memory_space<hbm>> -> memref<2048xf32, #tpu.memory_space<hbm>>
    %dma_wait3A_379 = arith.constant 2048 : i32
    %dma_wait3A_380 = tpu.memref_slice %arg5[%dma_wait3A_379] : memref<24576xf32, #tpu.memory_space<vmem>> -> memref<2048xf32, #tpu.memory_space<vmem>>
    tpu.wait_dma2 semaphore(%arg8 : memref<!tpu.dma_semaphore, #tpu.memory_space<semaphore_mem>>) src(%dma_wait3A_380 : memref<2048xf32, #tpu.memory_space<vmem>>) dst(%dma_wait3A_378 : memref<2048xf32, #tpu.memory_space<hbm>>)
    %dma_wait3A_381 = arith.constant 6144 : i32
    %dma_wait3A_382 = tpu.memref_slice %arg5[%dma_wait3A_381] : memref<24576xf32, #tpu.memory_space<vmem>> -> memref<2048xf32, #tpu.memory_space<vmem>>
    %dma_wait3A_383 = tpu.memref_slice %arg3[%add3A_292] : memref<786432xf32, #tpu.memory_space<hbm>> -> memref<2048xf32, #tpu.memory_space<hbm>>
    %dma_wait3A_384 = tpu.memref_slice %arg3[%add3A_292] : memref<786432xf32, #tpu.memory_space<hbm>> -> memref<2048xf32, #tpu.memory_space<hbm>>
    %dma_wait3A_385 = arith.constant 6144 : i32
    %dma_wait3A_386 = tpu.memref_slice %arg5[%dma_wait3A_385] : memref<24576xf32, #tpu.memory_space<vmem>> -> memref<2048xf32, #tpu.memory_space<vmem>>
    tpu.wait_dma2 semaphore(%arg8 : memref<!tpu.dma_semaphore, #tpu.memory_space<semaphore_mem>>) src(%dma_wait3A_386 : memref<2048xf32, #tpu.memory_space<vmem>>) dst(%dma_wait3A_384 : memref<2048xf32, #tpu.memory_space<hbm>>)
    %dma_wait3A_387 = arith.constant 10240 : i32
    %dma_wait3A_388 = tpu.memref_slice %arg5[%dma_wait3A_387] : memref<24576xf32, #tpu.memory_space<vmem>> -> memref<2048xf32, #tpu.memory_space<vmem>>
    %dma_wait3A_389 = tpu.memref_slice %arg3[%add3A_302] : memref<786432xf32, #tpu.memory_space<hbm>> -> memref<2048xf32, #tpu.memory_space<hbm>>
    %dma_wait3A_390 = tpu.memref_slice %arg3[%add3A_302] : memref<786432xf32, #tpu.memory_space<hbm>> -> memref<2048xf32, #tpu.memory_space<hbm>>
    %dma_wait3A_391 = arith.constant 10240 : i32
    %dma_wait3A_392 = tpu.memref_slice %arg5[%dma_wait3A_391] : memref<24576xf32, #tpu.memory_space<vmem>> -> memref<2048xf32, #tpu.memory_space<vmem>>
    tpu.wait_dma2 semaphore(%arg8 : memref<!tpu.dma_semaphore, #tpu.memory_space<semaphore_mem>>) src(%dma_wait3A_392 : memref<2048xf32, #tpu.memory_space<vmem>>) dst(%dma_wait3A_390 : memref<2048xf32, #tpu.memory_space<hbm>>)
    %dma_wait3A_393 = arith.constant 14336 : i32
    %dma_wait3A_394 = tpu.memref_slice %arg5[%dma_wait3A_393] : memref<24576xf32, #tpu.memory_space<vmem>> -> memref<2048xf32, #tpu.memory_space<vmem>>
    %dma_wait3A_395 = tpu.memref_slice %arg3[%add3A_312] : memref<786432xf32, #tpu.memory_space<hbm>> -> memref<2048xf32, #tpu.memory_space<hbm>>
    %dma_wait3A_396 = tpu.memref_slice %arg3[%add3A_312] : memref<786432xf32, #tpu.memory_space<hbm>> -> memref<2048xf32, #tpu.memory_space<hbm>>
    %dma_wait3A_397 = arith.constant 14336 : i32
    %dma_wait3A_398 = tpu.memref_slice %arg5[%dma_wait3A_397] : memref<24576xf32, #tpu.memory_space<vmem>> -> memref<2048xf32, #tpu.memory_space<vmem>>
    tpu.wait_dma2 semaphore(%arg8 : memref<!tpu.dma_semaphore, #tpu.memory_space<semaphore_mem>>) src(%dma_wait3A_398 : memref<2048xf32, #tpu.memory_space<vmem>>) dst(%dma_wait3A_396 : memref<2048xf32, #tpu.memory_space<hbm>>)
    %dma_wait3A_399 = arith.constant 18432 : i32
    %dma_wait3A_400 = tpu.memref_slice %arg5[%dma_wait3A_399] : memref<24576xf32, #tpu.memory_space<vmem>> -> memref<2048xf32, #tpu.memory_space<vmem>>
    %dma_wait3A_401 = tpu.memref_slice %arg3[%add3A_322] : memref<786432xf32, #tpu.memory_space<hbm>> -> memref<2048xf32, #tpu.memory_space<hbm>>
    %dma_wait3A_402 = tpu.memref_slice %arg3[%add3A_322] : memref<786432xf32, #tpu.memory_space<hbm>> -> memref<2048xf32, #tpu.memory_space<hbm>>
    %dma_wait3A_403 = arith.constant 18432 : i32
    %dma_wait3A_404 = tpu.memref_slice %arg5[%dma_wait3A_403] : memref<24576xf32, #tpu.memory_space<vmem>> -> memref<2048xf32, #tpu.memory_space<vmem>>
    tpu.wait_dma2 semaphore(%arg8 : memref<!tpu.dma_semaphore, #tpu.memory_space<semaphore_mem>>) src(%dma_wait3A_404 : memref<2048xf32, #tpu.memory_space<vmem>>) dst(%dma_wait3A_402 : memref<2048xf32, #tpu.memory_space<hbm>>)
    %dma_wait3A_405 = arith.constant 22528 : i32
    %dma_wait3A_406 = tpu.memref_slice %arg5[%dma_wait3A_405] : memref<24576xf32, #tpu.memory_space<vmem>> -> memref<2048xf32, #tpu.memory_space<vmem>>
    %dma_wait3A_407 = tpu.memref_slice %arg3[%add3A_332] : memref<786432xf32, #tpu.memory_space<hbm>> -> memref<2048xf32, #tpu.memory_space<hbm>>
    %dma_wait3A_408 = tpu.memref_slice %arg3[%add3A_332] : memref<786432xf32, #tpu.memory_space<hbm>> -> memref<2048xf32, #tpu.memory_space<hbm>>
    %dma_wait3A_409 = arith.constant 22528 : i32
    %dma_wait3A_410 = tpu.memref_slice %arg5[%dma_wait3A_409] : memref<24576xf32, #tpu.memory_space<vmem>> -> memref<2048xf32, #tpu.memory_space<vmem>>
    tpu.wait_dma2 semaphore(%arg8 : memref<!tpu.dma_semaphore, #tpu.memory_space<semaphore_mem>>) src(%dma_wait3A_410 : memref<2048xf32, #tpu.memory_space<vmem>>) dst(%dma_wait3A_408 : memref<2048xf32, #tpu.memory_space<hbm>>)
    return
  }
}

</mosaic_0001>

<sc_bundles>
// kernel: _reorder.3.cloned.1.call-start
scs
__scs_entry_jumppad:
0x0: {  	(pc) =	sbr.rel $0x88, $3  }
0x1: {  	(tag) =	ssettag $0x0;
	lr =	simm.s32 $0x1  }
0x2: {  	[smem:$0x3FA0] =	sst lr;
	_ =	strace $0xD0000000  }
0x3: {  	_ = 	snop  }
0x4: {  	_ = 	snop  }
0x5: {  	_ = 	snop  }
0x6: {  	_ = 	snop  }
0x7: {  	_ = 	snop  }
__scs_overlays_trampoline_lowered:
0x8: {  	[smem:$0x3FAF] =	sst s0  }
0x9: {  	[smem:$0x3FB0] =	sst s1  }
0xa: {  	[smem:$0x3FB1] =	sst s2  }
0xb: {  	[smem:$0x3FB2] =	sst s3  }
0xc: {  	[smem:$0x3FB3] =	sst s4  }
0xd: {  	[smem:$0x3FB4] =	sst s5  }
0xe: {  	[smem:$0x3FB5] =	sst s6  }
0xf: {  	[smem:$0x3FB6] =	sst s7  }
0x10: {  	[smem:$0x3FB7] =	sst s8  }
0x11: {  	[smem:$0x3FB8] =	sst s9;
	s0 =	simm.s32 @!p0 $0x0  }
0x12: {  	s1 =	sld [smem:$0x3F9E];
	s0 =	simm.s32 @p0 $0x1  }
0x13: {  	[smem:$0x3FB9] =	sst s0;
	s0 =	simm.s32 @!p1 $0x0  }
0x14: {  	s2 =	sld [smem:$0x3F9D];
	s0 =	simm.s32 @p1 $0x1  }
0x15: {  	[smem:$0x3FBA] =	sst s0;
	s0 =	simm.s32 @!p2 $0x0  }
0x16: {  	s3 =	sld [smem:$0x3FDB];
	s0 =	simm.s32 @p2 $0x1  }
0x17: {  	s4 =	simm.s32 $0x1BF5;
	[smem:$0x3FBC] =	sst s0  }
0x18: {  	s0 =	sld [smem:$0x3F9F];
	_ =	swait.ge [sflag:s4], $0x0  }
0x19: {  	s7 =	sld [smem:$0x3FA0]  }
0x1a: {  	s8 =	sadd.s32 $0xFFFFE003, lr  }
0x1b: {  	s9 =	sadd.s32 $0xFFFFFEF7, lr;
	s5 =	simm.s32 $0xFFFFFFFF;
	p2 =	slt.u32 s8, $0xFFFFF086  }
0x1c: {  	p1 =	slt.u32 s9, $0xF7A;
	s5 =	simm.s32 @!p2 $0x0  }
0x1d: {  	s5 =	simm.s32 @p1 $0x1;
	p0 =	seq.s32 s7, s2  }
0x1e: {  	s7 =	smul.u32 @!p0 $0xF7A, s2;
	p2 =	seq.s32 @!p0 s5, $0x0  }
0x1f: {  	s9 =	smul.u32 $0xF7A, s1;
	s8 =	simm.s32 @!p0 $0x1BF5;
	p2 =	por !p2, p0  }
0x20: {  	[sflag:s8] =	ssyncset.s32 @!p0 $0xFFFFF086;
	s6 =	sadd.s32 @!p0 s3, s7;
	s7 =	simm.s32 @!p0 $0x108  }
0x21: {  	s3 =	sadd.s32 s3, s9;
	s6 =	sadd.s32 @!p0 $0x88, s6;
	s7 =	simm.s32 @p2 $0x1082  }
0x22: {  	[simem:s7], [sflag:s8] =	dma.local @!p0 [hbm:s6], $0xF7A  }
0x23: {  	s9 =	sor.u32 $0xD0000000, s2;
	s6 =	simm.s32 $0x108;
	_ =	swait.ge @!p0 [sflag:s8], $0x0  }
0x24: {  	s3 =	sadd.s32 $0x88, s3;
	s6 =	simm.s32 @!p1 $0x1082;
	[sflag:s4] =	ssyncset.s32 $0xFFFFF086  }
0x25: {  	[simem:s6], [sflag:s4] =	dma.local [hbm:s3], $0xF7A  }
0x26: {  	[smem:$0x3FA0] =	sst s1;
	(tag) =	ssettag s2;
	_ =	strace s9  }
0x27: {  	s1 =	sld [smem:$0x3FB0]  }
0x28: {  	s2 =	sld [smem:$0x3FB1]  }
0x29: {  	s4 =	sld [smem:$0x3FB3]  }
0x2a: {  	p0 =	seq.s32 s5, $0x0;
	s5 =	sld [smem:$0x3FB4]  }
0x2b: {  	s6 =	sld [smem:$0x3FB5]  }
0x2c: {  	s7 =	sld [smem:$0x3FB6]  }
0x2d: {  	s3 =	simm.s32 $0x108;
	s8 =	sld [smem:$0x3FB7]  }
0x2e: {  	s3 =	simm.s32 @!p0 $0x1082;
	s9 =	sld [smem:$0x3FB8]  }
0x2f: {  	lr =	sadd.s32 s0, s3;
	s0 =	sld [smem:$0x3FAF]  }
0x30: {  	s3 =	sld [smem:$0x3FB2]  }
0x31: {  	[smem:$0x3FBB] =	sst s10  }
0x32: {  	s10 =	sld [smem:$0x3FB9];
	_ =	sdelay $0x3  }
0x33: {  	p0 =	seq.s32 s10, $0x1;
	s10 =	sld [smem:$0x3FBB];
	_ =	sdelay $0x3  }
0x34: {  	[smem:$0x3FBB] =	sst s10  }
0x35: {  	s10 =	sld [smem:$0x3FBA];
	_ =	sdelay $0x3  }
0x36: {  	p1 =	seq.s32 s10, $0x1;
	s10 =	sld [smem:$0x3FBB];
	_ =	sdelay $0x3  }
0x37: {  	[smem:$0x3FBB] =	sst s10  }
0x38: {  	s10 =	sld [smem:$0x3FBC]  }
0x39: {  	_ = 	snop;
	(pc) =	sbr.ind lr, $3  }
0x3a: {  	_ = 	snop  }
0x3b: {  	_ = 	snop  }
0x3c: {  	p2 =	seq.s32 s10, $0x1;
	s10 =	sld [smem:$0x3FBB]  }
0x3d: {  	_ =	shalt  }
0x3e: {  	_ =	shalt  }
0x3f: {  	_ =	shalt  }
0x40: {  	_ =	shalt  }
0x41: {  	_ =	shalt  }
0x42: {  	_ =	shalt  }
0x43: {  	_ =	shalt  }
0x44: {  	_ =	shalt  }
0x45: {  	_ =	shalt  }
0x46: {  	_ =	shalt  }
0x47: {  	_ =	shalt  }
0x48: {  	_ =	shalt  }
0x49: {  	_ =	shalt  }
0x4a: {  	_ =	shalt  }
0x4b: {  	_ =	shalt  }
0x4c: {  	_ =	shalt  }
0x4d: {  	_ =	shalt  }
0x4e: {  	_ =	shalt  }
0x4f: {  	_ =	shalt  }
0x50: {  	_ =	shalt  }
0x51: {  	_ =	shalt  }
0x52: {  	_ =	shalt  }
0x53: {  	_ =	shalt  }
0x54: {  	_ =	shalt  }
0x55: {  	_ =	shalt  }
0x56: {  	_ =	shalt  }
0x57: {  	_ =	shalt  }
0x58: {  	_ =	shalt  }
0x59: {  	_ =	shalt  }
0x5a: {  	_ =	shalt  }
0x5b: {  	_ =	shalt  }
0x5c: {  	_ =	shalt  }
0x5d: {  	_ =	shalt  }
0x5e: {  	_ =	shalt  }
0x5f: {  	_ =	shalt  }
0x60: {  	_ =	shalt  }
0x61: {  	_ =	shalt  }
0x62: {  	_ =	shalt  }
0x63: {  	_ =	shalt  }
0x64: {  	_ =	shalt  }
0x65: {  	_ =	shalt  }
0x66: {  	_ =	shalt  }
0x67: {  	_ =	shalt  }
0x68: {  	_ =	shalt  }
0x69: {  	_ =	shalt  }
0x6a: {  	_ =	shalt  }
0x6b: {  	_ =	shalt  }
0x6c: {  	_ =	shalt  }
0x6d: {  	_ =	shalt  }
0x6e: {  	_ =	shalt  }
0x6f: {  	_ =	shalt  }
0x70: {  	_ =	shalt  }
0x71: {  	_ =	shalt  }
0x72: {  	_ =	shalt  }
0x73: {  	_ =	shalt  }
0x74: {  	_ =	shalt  }
0x75: {  	_ =	shalt  }
0x76: {  	_ =	shalt  }
0x77: {  	_ =	shalt  }
0x78: {  	_ =	shalt  }
0x79: {  	_ =	shalt  }
0x7a: {  	_ =	shalt  }
0x7b: {  	_ =	shalt  }
0x7c: {  	_ =	shalt  }
0x7d: {  	_ =	shalt  }
0x7e: {  	_ =	shalt  }
0x7f: {  	_ =	shalt  }
0x80: {  	_ =	shalt  }
0x81: {  	_ =	shalt  }
0x82: {  	_ =	shalt  }
0x83: {  	_ =	shalt  }
0x84: {  	_ =	shalt  }
0x85: {  	_ =	shalt  }
0x86: {  	_ =	shalt  }
0x87: {  	_ =	shalt  }
.Lfunc_end0:
.L_simem_size_0:
called_computation_lowered:
.L_overlay_start_0:
0x88: {  	s2 =	sld [smem:$0x3FD9]  }
0x89: {  	s3 =	sld [smem:$0x3FFE];
	_ =	sdelay $0x1  }
0x8a: {  	s1 =	srdreg.scid  }
0x8b: {  	s0 =	sand.u32 $0x1, s1  }
0x8c: {  	s18 =	sshll.u32 s0, $0xA;
	s2 =	sadd.s32 s3, s2  }
0x8d: {  	s2 =	sadd.s32 s2, s18  }
0x8e: {  	[smem:$0x3FC7] =	sst s2  }
0x8f: {  	_ = 	snop  }
0x90: {  	s2 =	sld [smem:$0x3FC9]  }
0x91: {  	s19 =	sld [smem:$0x3FD0];
	(tm) =	ssettm $0x1  }
0x92: {  	s4 =	sld [smem:$0x3FFB];
	_ =	sdelay $0x3  }
0x93: {  	_ =	strace s4  }
0x94: {  	s4 =	sld [smem:$0x3FFC];
	_ =	sdelay $0x3  }
0x95: {  	_ =	strace s4  }
0x96: {  	s4 =	sld [smem:$0x3FFD];
	_ =	sdelay $0x3  }
0x97: {  	_ =	strace s4  }
0x98: {  	_ =	strace $0x8FFFFFFF  }
0x99: {  	s20 =	sld [smem:$0x3FDB];
	_ =	sdelay $0x1  }
0x9a: {  	s5 =	simm.s32 $_scs_section_size  }
0x9b: {  	s6 =	simm.s32 $_size__tile_overlayer_lowered;
	s7 =	simm.s32 $_tile_overlayer_lowered  }
0x9c: {  	s23 =	simm.s32 $0x1BFF;
	s22 =	sshll.u32 s7, $0x1;
	s4 =	sadd.s32 s5, s20  }
0x9d: {  	s8 =	simm.s32 $0x0;
	s21 =	sshll.u32 s6, $0x1;
	s6 =	sadd.s32 s22, s4  }
0x9e: {  	[timem:s8], [sflag:s23] =	dma.local [hbm:s6], s21  }
0x9f: {  	_ =	swait.ge [sflag:s23], s21  }
0xa0: {  	s5 =	ssub.s32 $0x0, s21;
	[sflag:s23] =	ssyncset.done $0x0  }
0xa1: {  	[sflag:s23] =	ssyncadd.s32 s5;
	_ =	sdelay $0x1  }
0xa2: {  	s24 =	simm.s32 $0x1B8B  }
0xa3: {  	_ =	swait.ge [sflag:s24], $0x1  }
0xa4: {  	[sflag:s24] =	ssyncset.done $0x0  }
0xa5: {  	s25 =	simm.s32 $0x1B8E;
	[sflag:s24] =	ssyncadd.s32 $0xFFFFFFFF  }
0xa6: {  	s26 =	simm.s32 $execute0_lowered;
	[smem:$0x3FD2] =	sst s25  }
0xa7: {  	s5 =	sshll.u32 s26, $0x1;
	_ =	strace $0x80000046;
	[dreg:$0x1] =	wrdreg $0xFFFFFFFF  }
0xa8: {  	s28 =	simm.s32 $_size_execute0_lowered;
	s4 =	sadd.s32 s4, s5;
	[dreg:$0x0] =	wrdreg $0x0  }
0xa9: {  	s5 =	sshll.u32 s28, $0x1;
	[dreg:$0x2] =	wrdreg s4  }
0xaa: {  	[dreg:$0x3] =	wrdreg s5  }
0xab: {  	[dreg:$0x4] =	wrdreg $0xC0  }
0xac: {  	_ =	task [dreg:s8], $0x5FFFF  }
0xad: {  	[dreg:$0x1] =	wrdreg $0xFFFFFFFF  }
0xae: {  	[dreg:$0x0] =	wrdreg $0x60  }
0xaf: {  	[dreg:$0x2] =	wrdreg s2  }
0xb0: {  	[dreg:$0x3] =	wrdreg s19  }
0xb1: {  	[dreg:$0x4] =	wrdreg $0x9  }
0xb2: {  	_ =	task.clear_ibuf [dreg:s8], $0x5FFFF;
	_ =	strace $0x90000046  }
0xb3: {  	s29 =	simm.s32 $0x9;
	_ =	strace $0x80000048  }
0xb4: {  	_ =	swait.ge [sflag:s29], $0x1  }
0xb5: {  	[sflag:s29] =	ssyncadd.s32 $0xFFFFFFFF  }
0xb6: {  	_ =	strace $0x90000048  }
0xb7: {  	_ =	sfence  }
0xb8: {  	s30 =	sld [smem:$0x0];
	_ =	sdelay $0x2  }
0xb9: {  	s31 =	sshll.u32 s1, $0xD;
	s1 =	sshrl.u32 s1, $0x2  }
0xba: {  	s3 =	sand.u32 $0x4000, s31;
	s1 =	sadd.s32 s1, s30  }
0xbb: {  	s0 =	sor.u32 s3, s0;
	s1 =	sshll.u32 s1, $0x11  }
0xbc: {  	s0 =	sor.u32 s1, s0  }
0xbd: {  	s0 =	sadd.s32 $0x8F2B, s0  }
0xbe: {  	[sflag:s0] =	ssyncadd.remote.s32 $0x1  }
0xbf: {  	_ =	sfence.sel $0xFFFF  }
0xc0: {  	[dreg:$0x0] =	wrdreg $0xFFFFFFFF;
	(pc) =	sbr.abs _section_cstart, $3  }
0xc1: {  	[dreg:$0x1] =	wrdreg $0xFFFFFFFF  }
0xc2: {  	_ =	task.clear_ibuf [dreg:s8], $0x2FFFF;
	_ =	strace $0x9FFFFFFF  }
0xc3: {  	(tm) =	ssettm $0x7FFFFFFF  }
tec
execute0_lowered:
.L_overlay_start_1:
0x0: {  	(tag) =	ssettag $0x1  }
0x1: {  	s0 =	srdreg.scid  }
0x2: {  	s1 =	rddreg [dreg:$0x0];
	s4 =	stileid.u32;
	s0 =	sand.u32 $0x1, s0  }
0x3: {  	s4 =	sshll.u32 s4, $0xA;
	s2 =	ssub.s32 $0x2, s0;
	s0 =	sshll.u32 s0, $0x9  }
0x4: {  	s14 =	simm.s32 $0x0;
	s17 =	rddreg [dreg:$0x1];
	s0 =	sor.u32 s0, s4  }
0x5: {  	[smem:$0x7FF] =	sst s14;
	s20 =	sadd.s32 s1, s0;
	s21 =	sor.u32 $0x4000, s0  }
0x6: {  	s4 =	sor.u32 $0x8000, s0;
	s23 =	sor.u32 $0xC000, s0;
	s24 =	sor.u32 $0x10000, s0  }
0x7: {  	s7 =	sor.u32 $0x14000, s0;
	s26 =	sor.u32 $0x100, s0;
	s28 =	sor.u32 $0x4100, s0  }
0x8: {  	s10 =	sor.u32 $0x8100, s0;
	s30 =	sor.u32 $0xC100, s0;
	s16 =	sor.u32 $0x10100, s0  }
0x9: {  	s13 =	sor.u32 $0x14100, s0;
	s0 =	sadd.s32 s17, s0;
	[dreg:$0x3] =	wrdreg s20  }
0xa: {  	s5 =	sadd.s32 s1, s21;
	[dreg:$0xf] =	wrdreg s0  }
0xb: {  	s22 =	sadd.s32 s1, s4;
	[dreg:$0x4] =	wrdreg s5  }
0xc: {  	s6 =	sadd.s32 s1, s23;
	[dreg:$0x5] =	wrdreg s22  }
0xd: {  	s8 =	sadd.s32 s1, s24;
	[dreg:$0x6] =	wrdreg s6  }
0xe: {  	s25 =	sadd.s32 s1, s7;
	[dreg:$0x7] =	wrdreg s8  }
0xf: {  	s9 =	sadd.s32 s1, s26;
	[dreg:$0x8] =	wrdreg s25  }
0x10: {  	s11 =	sadd.s32 s1, s28;
	[dreg:$0x9] =	wrdreg s9  }
0x11: {  	s29 =	sadd.s32 s1, s10;
	[dreg:$0xa] =	wrdreg s11  }
0x12: {  	v0 =	vimm.s32 $0x1380;
	vm0 =	vcmask $0x300;
	s12 =	sadd.s32 s1, s30;
	[dreg:$0xb] =	wrdreg s29  }
0x13: {  	vm14 =	vcmask $0x704;
	v0 =	vsel vm0, $0x0, v0;
	s15 =	sadd.s32 s1, s16;
	[dreg:$0xc] =	wrdreg s12  }
0x14: {  	vm15 =	vcmask $0xB08;
	v0 =	vsel vm14, $0x80, v0;
	s1 =	sadd.s32 s1, s13;
	[dreg:$0xd] =	wrdreg s15  }
0x15: {  	vm4 =	vcmask $0xF0C;
	v0 =	vsel vm15, $0x100, v0;
	s18 =	sadd.s32 s17, s21;
	[dreg:$0xe] =	wrdreg s1  }
0x16: {  	vm5 =	vcmask $0x1310;
	v0 =	vsel vm4, $0x180, v0;
	s19 =	sadd.s32 s17, s4;
	[dreg:$0x10] =	wrdreg s18  }
0x17: {  	vm6 =	vcmask $0x1714;
	v0 =	vsel vm5, $0x200, v0;
	s20 =	sadd.s32 s17, s23;
	[dreg:$0x11] =	wrdreg s19  }
0x18: {  	vm7 =	vcmask $0x1B18;
	s21 =	sadd.s32 s17, s24;
	[dreg:$0x12] =	wrdreg s20;
	v0 =	vsel vm6, $0x280, v0  }
0x19: {  	vm8 =	vcmask $0x1F1C;
	s23 =	sadd.s32 s17, s26;
	[dreg:$0x13] =	wrdreg s21;
	v0 =	vsel vm7, $0x300, v0  }
0x1a: {  	vm9 =	vcmask $0x2320;
	s24 =	sadd.s32 s17, s28;
	[dreg:$0x15] =	wrdreg s23;
	v0 =	vsel vm8, $0x380, v0  }
0x1b: {  	vm10 =	vcmask $0x2724;
	s26 =	sadd.s32 s17, s30;
	[dreg:$0x16] =	wrdreg s24;
	v0 =	vsel vm9, $0x1000, v0  }
0x1c: {  	vm11 =	vcmask $0x2B28;
	s28 =	sadd.s32 s17, s16;
	[dreg:$0x18] =	wrdreg s26;
	v0 =	vsel vm10, $0x1080, v0  }
0x1d: {  	vm12 =	vcmask $0x2F2C;
	s22 =	sadd.s32 s17, s7;
	[dreg:$0x19] =	wrdreg s28;
	v1 =	vsel vm11, $0x1100, v0  }
0x1e: {  	vm13 =	vcmask $0x3330;
	s3 =	sshrl.u32 s2, $0x1;
	s25 =	sadd.s32 s17, s10;
	[dreg:$0x14] =	wrdreg s22;
	v2 =	vsel vm12, $0x1180, v1  }
0x1f: {  	v19 =	vimm.s32 $0x0;
	vm14 =	vcmask $0x3734;
	s2 =	ssub.s32 s2, s3;
	s29 =	sadd.s32 s17, s13;
	[dreg:$0x17] =	wrdreg s25;
	v3 =	vsel vm13, $0x1200, v2  }
0x20: {  	v6 =	vlaneseq.u32;
	s31 =	simm.s32 $0x6000;
	vm15 =	vcmask $0x3B38;
	s30 =	smax.u32 s2, $0x1;
	[dreg:$0x1a] =	wrdreg s29;
	v3 =	vsel vm14, $0x1280, v3  }
0x21: {  	v13 =	vimm.s32 $0x5;
	v47 =	vimm.s32 $0x4;
	s2 =	simm.s32 $0x0;
	_ =	strace $0x80000047;
	[dreg:$0x1b] =	wrdreg s30;
	v3 =	vsel vm15, $0x1300, v3  }
.LBB2_1:
0x22: {  	[dreg:$0x1c] =	wrdreg s2  }
0x23: {  	s0 =	rddreg [dreg:$0x3]  }
0x24: {  	[tilespmem:s14], [sflag:$0x1] =	stream.linear.gather [hbm4b:s0+s14], $0x800, $0x38;
	[tilespmem:$0xC000] =	vst v63  }
0x25: {  	s7 =	rddreg [dreg:$0x4];
	s1 =	simm.s32 $0x1000  }
0x26: {  	[tilespmem:s1], [sflag:$0x1] =	stream.linear.gather [hbm4b:s7+s14], $0x800, $0x38;
	[tilespmem:$0xC000] =	vst v63  }
0x27: {  	s8 =	rddreg [dreg:$0x5];
	s9 =	simm.s32 $0x2000  }
0x28: {  	[tilespmem:s9], [sflag:$0x1] =	stream.linear.gather [hbm4b:s8+s14], $0x800, $0x38;
	[tilespmem:$0xC000] =	vst v63  }
0x29: {  	s10 =	rddreg [dreg:$0x6];
	s11 =	simm.s32 $0x3000  }
0x2a: {  	[tilespmem:s11], [sflag:$0x1] =	stream.linear.gather [hbm4b:s10+s14], $0x800, $0x38;
	[tilespmem:$0xC000] =	vst v63  }
0x2b: {  	s12 =	rddreg [dreg:$0x7];
	s13 =	simm.s32 $0x4000  }
0x2c: {  	[tilespmem:s13], [sflag:$0x1] =	stream.linear.gather [hbm4b:s12+s14], $0x800, $0x38;
	[tilespmem:$0xC000] =	vst v63  }
0x2d: {  	s15 =	rddreg [dreg:$0x8];
	s16 =	simm.s32 $0x5000  }
0x2e: {  	[tilespmem:s16], [sflag:$0x1] =	stream.linear.gather [hbm4b:s15+s14], $0x800, $0x38;
	[tilespmem:$0xC000] =	vst v63  }
0x2f: {  	s17 =	rddreg [dreg:$0x9];
	s18 =	simm.s32 $0x800  }
0x30: {  	[tilespmem:s18], [sflag:$0x2] =	stream.linear.gather [hbm4b:s17+s14], $0x800, $0x38;
	[tilespmem:$0xC000] =	vst v63  }
0x31: {  	s19 =	rddreg [dreg:$0xa];
	s20 =	simm.s32 $0x1800  }
0x32: {  	[tilespmem:s20], [sflag:$0x2] =	stream.linear.gather [hbm4b:s19+s14], $0x800, $0x38;
	[tilespmem:$0xC000] =	vst v63  }
0x33: {  	s21 =	rddreg [dreg:$0xb];
	s22 =	simm.s32 $0x2800  }
0x34: {  	[tilespmem:s22], [sflag:$0x2] =	stream.linear.gather [hbm4b:s21+s14], $0x800, $0x38;
	[tilespmem:$0xC000] =	vst v63  }
0x35: {  	s23 =	rddreg [dreg:$0xc];
	s24 =	simm.s32 $0x3800  }
0x36: {  	[tilespmem:s24], [sflag:$0x2] =	stream.linear.gather [hbm4b:s23+s14], $0x800, $0x38;
	[tilespmem:$0xC000] =	vst v63  }
0x37: {  	s25 =	rddreg [dreg:$0xd];
	s26 =	simm.s32 $0x4800  }
0x38: {  	[tilespmem:s26], [sflag:$0x2] =	stream.linear.gather [hbm4b:s25+s14], $0x800, $0x38;
	[tilespmem:$0xC000] =	vst v63  }
0x39: {  	s28 =	rddreg [dreg:$0xe];
	s29 =	simm.s32 $0x5800;
	s30 =	simm.s32 $0x1  }
0x3a: {  	[tilespmem:s29], [sflag:$0x2] =	stream.linear.gather [hbm4b:s28+s14], $0x800, $0x38;
	[tilespmem:$0xC000] =	vst v63  }
0x3b: {  	_ =	swait.ge [sflag:s30], $0x800  }
0x3c: {  	[sflag:s30] =	ssyncset.done $0x0  }
0x3d: {  	[sflag:s30] =	ssyncadd.s32 $0xFFFFF800  }
0x3e: {  	_ =	swait.ge [sflag:s30], $0x800  }
0x3f: {  	[sflag:s30] =	ssyncset.done $0x0  }
0x40: {  	[sflag:s30] =	ssyncadd.s32 $0xFFFFF800  }
0x41: {  	_ =	swait.ge [sflag:s30], $0x800  }
0x42: {  	[sflag:s30] =	ssyncset.done $0x0  }
0x43: {  	[sflag:s30] =	ssyncadd.s32 $0xFFFFF800  }
0x44: {  	_ =	swait.ge [sflag:s30], $0x800  }
0x45: {  	[sflag:s30] =	ssyncset.done $0x0  }
0x46: {  	[sflag:s30] =	ssyncadd.s32 $0xFFFFF800  }
0x47: {  	_ =	swait.ge [sflag:s30], $0x800  }
0x48: {  	[sflag:s30] =	ssyncset.done $0x0  }
0x49: {  	[sflag:s30] =	ssyncadd.s32 $0xFFFFF800  }
0x4a: {  	_ =	swait.ge [sflag:s30], $0x800  }
0x4b: {  	s2 =	simm.s32 $0x0;
	s4 =	simm.s32 $0x0;
	[sflag:s30] =	ssyncset.done $0x0  }
0x4c: {  	s5 =	simm.s32 $0x0;
	s25 =	simm.s32 $0x0;
	[sflag:s30] =	ssyncadd.s32 $0xFFFFF800  }
.LBB2_2:
0x4d: {  	s6 =	sand.u32 $0x400, s4  }
0x4e: {  	s9 =	sand.u32 $0x60, s5;
	s0 =	sor.u32 $0x2000, s6  }
0x4f: {  	s1 =	sor.u32 $0x4000, s6;
	[smem:$0x7ED] =	sst s0;
	s0 =	sor.u32 s9, s0  }
0x50: {  	s22 =	sor.u32 $0x2080, s6;
	s21 =	sor.u32 s9, s1;
	v57 =	vld [tilespmem:s0+$0x0]  }
0x51: {  	s24 =	sor.u32 $0x4080, s6;
	s23 =	sor.u32 s9, s22;
	v56 =	vld [tilespmem:s21+$0x0]  }
0x52: {  	s28 =	sor.u32 $0x2100, s6;
	s26 =	sor.u32 s9, s24;
	v54 =	vld [tilespmem:s23+$0x0]  }
0x53: {  	s30 =	sor.u32 $0x4100, s6;
	s29 =	sor.u32 s9, s28;
	v52 =	vld [tilespmem:s26+$0x0]  }
0x54: {  	s3 =	sor.u32 $0x2180, s6;
	[smem:$0x7EE] =	sst s1;
	s1 =	sor.u32 s9, s30;
	v50 =	vld [tilespmem:s29+$0x0]  }
0x55: {  	s8 =	sor.u32 $0x4180, s6;
	s7 =	sor.u32 s9, s3;
	v48 =	vld [tilespmem:s1+$0x0]  }
0x56: {  	s11 =	sor.u32 $0x2200, s6;
	s10 =	sor.u32 s9, s8;
	v45 =	vld [tilespmem:s7+$0x0]  }
0x57: {  	s15 =	sor.u32 $0x2280, s6;
	s12 =	sor.u32 s9, s11;
	v46 =	vld [tilespmem:s10+$0x0]  }
0x58: {  	s17 =	sor.u32 $0x4280, s6;
	s16 =	sor.u32 s9, s15;
	v42 =	vld [tilespmem:s12+$0x0]  }
0x59: {  	s18 =	sor.u32 s9, s17;
	v38 =	vld [tilespmem:s16+$0x0]  }
0x5a: {  	[smem:$0x7F0] =	sst s24;
	s24 =	sor.u32 $0x380, s2;
	v35 =	vld [tilespmem:s18+$0x0]  }
0x5b: {  	[smem:$0x7F7] =	sst s15;
	s15 =	sor.u32 s9, s6;
	v29 =	vld [tilespmem:s24+$0x0]  }
0x5c: {  	v60 =	vld [tilespmem:s15+$0x0]  }
0x5d: {  	v61 =	vld [tilespmem:s15+$0x80]  }
0x5e: {  	v62 =	vld [tilespmem:s15+$0x100]  }
0x5f: {  	v59 =	vld [tilespmem:s15+$0x200]  }
0x60: {  	[smem:$0x7F3] =	sst s3;
	s3 =	sor.u32 $0x4200, s6;
	v63 =	vld [tilespmem:s15+$0x180]  }
0x61: {  	s13 =	sand.u32 $0x3, s25;
	s20 =	sor.u32 $0x2300, s6;
	s14 =	sor.u32 s9, s3;
	v58 =	vld [tilespmem:s15+$0x280]  }
0x62: {  	[smem:$0x7EF] =	sst s22;
	s22 =	sor.u32 $0x4300, s6;
	s21 =	sor.u32 s9, s20;
	v43 =	vld [tilespmem:s14+$0x0]  }
0x63: {  	[smem:$0x7F8] =	sst s17;
	s17 =	sor.u32 $0x1200, s6;
	s23 =	sor.u32 s9, s22;
	v31 =	vld [tilespmem:s21+$0x0]  }
0x64: {  	[smem:$0x7F1] =	sst s28;
	s26 =	sor.u32 $0x2380, s6;
	s18 =	sor.u32 s9, s17;
	v30 =	vld [tilespmem:s23+$0x0]  }
0x65: {  	[smem:$0x7F2] =	sst s30;
	s29 =	sor.u32 $0x4380, s6;
	s28 =	sor.u32 s9, s26;
	v17 =	vld [tilespmem:s18+$0x0]  }
0x66: {  	[smem:$0x7FB] =	sst s22;
	s22 =	sor.u32 $0x5000, s6;
	s30 =	sor.u32 s9, s29;
	v28 =	vld [tilespmem:s28+$0x0]  }
0x67: {  	[smem:$0x7FA] =	sst s20;
	s20 =	sor.u32 $0x3100, s6;
	s7 =	sor.u32 s9, s22;
	v27 =	vld [tilespmem:s30+$0x0]  }
0x68: {  	s1 =	sshll.u32 s13, $0x5;
	s16 =	sor.u32 $0x1280, s6;
	s13 =	sor.u32 s9, s20;
	v24 =	vld [tilespmem:s7+$0x0]  }
0x69: {  	[smem:$0x7F4] =	sst s8;
	s1 =	sadd.s32 s1, s4;
	s24 =	sor.u32 s9, s16;
	v14 =	vld [tilespmem:s13+$0x0]  }
0x6a: {  	[smem:$0x7FC] =	sst s26;
	s26 =	sor.u32 $0x1000, s6;
	s19 =	sor.u32 $0x300, s1;
	v15 =	vld [tilespmem:s24+$0x0]  }
0x6b: {  	s21 =	sor.u32 $0x1080, s6;
	[smem:$0x7F9] =	sst s1;
	s1 =	sor.u32 s9, s26;
	v33 =	vld [tilespmem:s19+$0x0]  }
0x6c: {  	[smem:$0x7FD] =	sst s29;
	s29 =	sor.u32 $0x5080, s6;
	s8 =	sor.u32 s9, s21;
	v26 =	vld [tilespmem:s1+$0x0]  }
0x6d: {  	[smem:$0x7F5] =	sst s11;
	s23 =	sor.u32 $0x1100, s6;
	s11 =	sor.u32 s9, s29;
	v23 =	vld [tilespmem:s8+$0x0]  }
0x6e: {  	s28 =	sor.u32 $0x3000, s6;
	s12 =	sor.u32 s9, s23;
	v22 =	vld [tilespmem:s11+$0x0]  }
0x6f: {  	[smem:$0x7F6] =	sst s3;
	s30 =	sor.u32 $0x3080, s6;
	s3 =	sor.u32 s9, s28;
	v20 =	vld [tilespmem:s12+$0x0]  }
0x70: {  	v12 =	vimm.s32 $0x3;
	v0 =	vimm.s32 $0x2;
	s18 =	sor.u32 $0x5100, s6;
	s10 =	sor.u32 s9, s30;
	v25 =	vld [tilespmem:s3+$0x0]  }
0x71: {  	v16 =	vor.u32 s15, v6;
	s13 =	sor.u32 $0x3200, s6;
	s1 =	sor.u32 s9, s18;
	v21 =	vld [tilespmem:s10+$0x0];
	vm14 =	vgt.f32 v60, $0.0e+00;
	vm12 =	vgt.f32 v61, $0.0e+00  }
0x72: {  	s19 =	sor.u32 $0x1180, s6;
	s8 =	sor.u32 s9, s13;
	v36 =	vld [tilespmem:s1+$0x0];
	vm9 =	vgt.f32 v59, $0.0e+00;
	vm11 =	vgt.f32 v62, $0.0e+00;
	vm10 =	vgt.f32 v63, $0.0e+00  }
0x73: {  	s15 =	sor.u32 $0x3180, s6;
	s14 =	sor.u32 s9, s19;
	v34 =	vld [tilespmem:s8+$0x0];
	vm8 =	vgt.f32 v58, $0.0e+00;
	vm6 =	vgt.f32 v29, $0.0e+00;
	vm13 =	vmneg vm9  }
0x74: {  	s12 =	sor.u32 $0x5200, s6;
	s3 =	sor.u32 s9, s15;
	v18 =	vld [tilespmem:s14+$0x0];
	vm1 =	vgt.f32 v17, $0.0e+00;
	v51 =	vsel vm14, $0x1, v19;
	v53 =	vsel vm12, $0x1, v19  }
0x75: {  	s11 =	sor.u32 $0x3280, s6;
	s10 =	sor.u32 s9, s12;
	v32 =	vld [tilespmem:s3+$0x0];
	v44 =	vsel vm14, $0x0, v13;
	v55 =	vsel vm11, $0x1, v19;
	v1 =	vsel vm10, $0x1, v19  }
0x76: {  	s24 =	sor.u32 s9, s11;
	s14 =	sor.u32 $0x5180, s6;
	v39 =	vld [tilespmem:s10+$0x0];
	v2 =	vsel vm9, $0x1, v19;
	v5 =	vsel vm12, $0x0, v47;
	v13 =	vimm.s32 $0x6  }
0x77: {  	s10 =	sor.u32 $0x5280, s6;
	v40 =	vld [tilespmem:s24+$0x0];
	s7 =	sor.u32 s9, s14;
	v6 =	vsel vm6, $0x1, v19;
	v60 =	vnsel vm14, $0x0, v60;
	vm0 =	vgt.f32 v15, $0.0e+00  }
0x78: {  	s8 =	sor.u32 $0x1300, s6;
	s1 =	sor.u32 s9, s10;
	v37 =	vld [tilespmem:s7+$0x0];
	v49 =	vperm.xlane v3, v44;
	v5 =	vor.u32 v51, v5;
	v8 =	vadd.s32 v51, v53  }
0x79: {  	s3 =	sor.u32 s9, s8;
	v41 =	vld [tilespmem:s1+$0x0];
	vm7 =	vgt.f32 v33, $0.0e+00;
	vm5 =	vgt.f32 v26, $0.0e+00;
	vm4 =	vgt.f32 v23, $0.0e+00  }
0x7a: {  	s0 =	sor.u32 $0x1380, s2;
	s7 =	sor.u32 $0x3300, s6;
	v44 =	vld [tilespmem:s3+$0x0];
	v10 =	vadd.s32 v55, v8;
	v55 =	vsel vm11, $0x0, v12;
	v7 =	vadd.s32 v16, v49  }
0x7b: {  	s1 =	sor.u32 $0x5300, s6;
	v51 =	vld [tilespmem:s0+$0x0];
	s24 =	sor.u32 s9, s7;
	v5 =	vperm.xlane v3, v5;
	v8 =	vadd.s32 v8, v55;
	v9 =	vadd.s32 $0x2000, v7  }
0x7c: {  	vm3 =	vgt.f32 v20, $0.0e+00;
	s3 =	sor.u32 s9, s1;
	v47 =	vld [tilespmem:s24+$0x0];
	v11 =	vadd.s32 $0x4000, v7;
	v8 =	vperm.xlane v3, v8  }
0x7d: {  	v4 =	vsel vm7, $0x1, v19;
	v49 =	vld [tilespmem:s3+$0x0];
	s3 =	sor.u32 $0x3380, s2;
	v1 =	vadd.s32 v1, v10;
	v5 =	vadd.s32 v16, v5  }
0x7e: {  	s24 =	sor.u32 $0x5380, s2;
	vm2 =	vgt.f32 v18, $0.0e+00;
	v53 =	vld [tilespmem:s3+$0x0];
	v12 =	vadd.s32 $0x2000, v5;
	v8 =	vadd.s32 v16, v8  }
0x7f: {  	v55 =	vld [tilespmem:s24+$0x0];
	[tilespmem:v7+s31+$0x0] =	vst.idx.msk $0xffff, v60;
	v7 =	vnsel vm14, $0x0, v57;
	v57 =	vadd.s32 $0x4000, v5;
	v60 =	vsel vm10, $0x0, v0  }
0x80: {  	v0 =	vimm.s32 $0x8;
	[tilespmem:v9+s31+$0x0] =	vst.idx.msk $0xffff, v7;
	v7 =	vnsel vm14, $0x0, v56;
	v60 =	vadd.s32 v10, v60  }
0x81: {  	v56 =	vsel vm3, $0x1, v19;
	[tilespmem:v11+s31+$0x0] =	vst.idx.msk $0xffff, v7;
	v7 =	vnsel vm12, $0x0, v61;
	v61 =	vadd.s32 $0x2000, v8  }
0x82: {  	v9 =	vperm.xlane v3, v60;
	v60 =	vsel vm7, $0x6, v0;
	v0 =	vimm.s32 $0x7  }
0x83: {  	[tilespmem:v5+s31+$0x0] =	vst.idx.msk $0xffff, v7;
	v5 =	vnsel vm12, $0x0, v54;
	v7 =	vadd.s32 $0x4000, v8;
	v54 =	vsel vm13, $0x1, v19  }
0x84: {  	[tilespmem:v12+s31+$0x0] =	vst.idx.msk $0xffff, v5;
	v5 =	vnsel vm12, $0x0, v52;
	v9 =	vadd.s32 v16, v9;
	v11 =	vadd.s32 v54, v1  }
0x85: {  	v52 =	vsel vm4, $0x1, v19;
	v1 =	vadd.s32 v2, v1;
	[tilespmem:v57+s31+$0x0] =	vst.idx.msk $0xffff, v5;
	v5 =	vnsel vm11, $0x0, v62  }
0x86: {  	v12 =	vadd.s32 $0x2000, v9;
	v11 =	vperm.xlane v3, v11;
	v1 =	vperm.xlane v3, v1  }
0x87: {  	v62 =	vsel vm7, $0x7, v13;
	[tilespmem:v8+s31+$0x0] =	vst.idx.msk $0xffff, v5;
	v5 =	vnsel vm11, $0x0, v50;
	v8 =	vadd.s32 $0x4000, v9  }
0x88: {  	v2 =	vnsel vm11, $0x0, v48;
	v6 =	vadd.s32 v6, v62;
	[tilespmem:v61+s31+$0x0] =	vst.idx.msk $0xffff, v5;
	v5 =	vadd.s32 v16, v11  }
0x89: {  	v6 =	vperm.xlane v3, v6;
	[tilespmem:v7+s31+$0x0] =	vst.idx.msk $0xffff, v2;
	v2 =	vnsel vm10, $0x0, v63;
	v7 =	vadd.s32 $0x2000, v5  }
0x8a: {  	v1 =	vadd.s32 v16, v1;
	v57 =	vadd.s32 $0x4000, v5;
	[tilespmem:v9+s31+$0x0] =	vst.idx.msk $0xffff, v2;
	v2 =	vnsel vm10, $0x0, v45  }
0x8b: {  	v11 =	vperm.xlane v3, v60;
	v6 =	vadd.s32 v16, v6;
	[tilespmem:v12+s31+$0x0] =	vst.idx.msk $0xffff, v2;
	v2 =	vnsel vm10, $0x0, v46  }
0x8c: {  	v12 =	vsel vm6, $0x6, v0;
	[tilespmem:v8+s31+$0x0] =	vst.idx.msk $0xffff, v2;
	v2 =	vnsel vm9, $0x0, v59;
	v8 =	vadd.s32 $0x2000, v1  }
0x8d: {  	v0 =	vimm.s32 $0xB;
	[tilespmem:v5+s31+$0x0] =	vst.idx.msk $0xffff, v2;
	v2 =	vnsel vm9, $0x0, v42;
	v5 =	vadd.s32 $0x4000, v1  }
0x8e: {  	v4 =	vadd.s32 v4, v12;
	[tilespmem:v7+s31+$0x0] =	vst.idx.msk $0xffff, v2;
	v2 =	vnsel vm9, $0x0, v43;
	v7 =	vadd.s32 v16, v11  }
0x8f: {  	v4 =	vperm.xlane v3, v4;
	[tilespmem:v57+s31+$0x0] =	vst.idx.msk $0xffff, v2;
	v2 =	vnsel vm8, $0x0, v58;
	v61 =	vadd.s32 $0x2000, v7  }
0x90: {  	v63 =	vsel vm4, $0x9, v0;
	[tilespmem:v1+s31+$0x0] =	vst.idx.msk $0xffff, v2;
	v1 =	vnsel vm8, $0x0, v38;
	v2 =	vadd.s32 $0x4000, v7  }
0x91: {  	v0 =	vimm.s32 $0xA;
	v4 =	vadd.s32 v16, v4;
	[tilespmem:v8+s31+$0x0] =	vst.idx.msk $0xffff, v1;
	v1 =	vnsel vm8, $0x0, v35  }
0x92: {  	v9 =	vperm.xlane v3, v63;
	[tilespmem:v5+s31+$0x0] =	vst.idx.msk $0xffff, v1;
	v1 =	vnsel vm7, $0x0, v33;
	v5 =	vadd.s32 $0x2000, v4  }
0x93: {  	v38 =	vsel vm0, $0x1, v19;
	[tilespmem:v7+s31+$0x0] =	vst.idx.msk $0xffff, v1;
	v1 =	vnsel vm7, $0x0, v31;
	v7 =	vadd.s32 $0x4000, v4  }
0x94: {  	v8 =	vsel vm1, $0x1, v19;
	[tilespmem:v61+s31+$0x0] =	vst.idx.msk $0xffff, v1;
	v1 =	vnsel vm7, $0x0, v30;
	v30 =	vsel vm3, $0x9, v0  }
0x95: {  	v0 =	vimm.s32 $0x9;
	[tilespmem:v2+s31+$0x0] =	vst.idx.msk $0xffff, v1;
	v1 =	vnsel vm6, $0x0, v29;
	v2 =	vadd.s32 $0x2000, v6  }
0x96: {  	v31 =	vadd.s32 v52, v30;
	[tilespmem:v4+s31+$0x0] =	vst.idx.msk $0xffff, v1;
	v1 =	vnsel vm6, $0x0, v28;
	v4 =	vadd.s32 $0x4000, v6  }
0x97: {  	v33 =	vsel vm4, $0xA, v0;
	[tilespmem:v5+s31+$0x0] =	vst.idx.msk $0xffff, v1;
	v1 =	vnsel vm6, $0x0, v27;
	v5 =	vadd.s32 v16, v9  }
0x98: {  	v9 =	vperm.xlane v3, v31;
	[tilespmem:v7+s31+$0x0] =	vst.idx.msk $0xffff, v1;
	v1 =	vnsel vm5, $0x0, v26;
	v7 =	vadd.s32 $0x2000, v5  }
0x99: {  	v0 =	vimm.s32 $0xE;
	[tilespmem:v6+s31+$0x0] =	vst.idx.msk $0xffff, v1;
	v1 =	vnsel vm5, $0x0, v25;
	v6 =	vadd.s32 $0x4000, v5  }
0x9a: {  	v35 =	vadd.s32 v56, v33;
	[tilespmem:v2+s31+$0x0] =	vst.idx.msk $0xffff, v1;
	v1 =	vnsel vm5, $0x0, v24;
	v2 =	vadd.s32 v16, v9  }
0x9b: {  	v9 =	vperm.xlane v3, v35;
	[tilespmem:v4+s31+$0x0] =	vst.idx.msk $0xffff, v1;
	v1 =	vnsel vm4, $0x0, v23;
	v4 =	vadd.s32 $0x2000, v2  }
0x9c: {  	v42 =	vsel vm1, $0xC, v0;
	[tilespmem:v5+s31+$0x0] =	vst.idx.msk $0xffff, v1;
	v1 =	vnsel vm4, $0x0, v21;
	v5 =	vadd.s32 $0x4000, v2  }
0x9d: {  	v0 =	vimm.s32 $0xD;
	[tilespmem:v7+s31+$0x0] =	vst.idx.msk $0xffff, v1;
	v1 =	vnsel vm4, $0x0, v22;
	v7 =	vadd.s32 v16, v9  }
0x9e: {  	v9 =	vperm.xlane v3, v42;
	[tilespmem:v6+s31+$0x0] =	vst.idx.msk $0xffff, v1;
	v1 =	vnsel vm3, $0x0, v20;
	v6 =	vadd.s32 $0x2000, v7  }
0x9f: {  	v43 =	vsel vm0, $0xC, v0;
	[tilespmem:v2+s31+$0x0] =	vst.idx.msk $0xffff, v1;
	v1 =	vnsel vm3, $0x0, v14;
	v2 =	vadd.s32 $0x4000, v7  }
0xa0: {  	v45 =	vadd.s32 v8, v43;
	[tilespmem:v4+s31+$0x0] =	vst.idx.msk $0xffff, v1;
	v1 =	vnsel vm3, $0x0, v36;
	v4 =	vadd.s32 v16, v9  }
0xa1: {  	v9 =	vperm.xlane v3, v45;
	[tilespmem:v5+s31+$0x0] =	vst.idx.msk $0xffff, v1;
	v1 =	vnsel vm2, $0x0, v18;
	v5 =	vadd.s32 $0x2000, v4  }
0xa2: {  	v8 =	vadd.s32 v8, v38;
	[tilespmem:v7+s31+$0x0] =	vst.idx.msk $0xffff, v1;
	v1 =	vnsel vm2, $0x0, v32;
	v7 =	vadd.s32 $0x4000, v4  }
0xa3: {  	v8 =	vor.u32 $0xC, v8;
	[tilespmem:v6+s31+$0x0] =	vst.idx.msk $0xffff, v1;
	v1 =	vnsel vm2, $0x0, v37;
	v6 =	vadd.s32 v16, v9  }
0xa4: {  	v8 =	vperm.xlane v3, v8;
	[tilespmem:v2+s31+$0x0] =	vst.idx.msk $0xffff, v1;
	v1 =	vnsel vm1, $0x0, v17;
	v2 =	vadd.s32 $0x2000, v6  }
0xa5: {  	[tilespmem:v4+s31+$0x0] =	vst.idx.msk $0xffff, v1;
	v1 =	vnsel vm1, $0x0, v34;
	v4 =	vadd.s32 $0x4000, v6  }
0xa6: {  	[tilespmem:v5+s31+$0x0] =	vst.idx.msk $0xffff, v1;
	v1 =	vnsel vm1, $0x0, v39;
	v5 =	vadd.s32 v16, v8  }
0xa7: {  	[tilespmem:v7+s31+$0x0] =	vst.idx.msk $0xffff, v1;
	v1 =	vnsel vm0, $0x0, v15;
	v7 =	vadd.s32 $0x2000, v5  }
0xa8: {  	[tilespmem:v6+s31+$0x0] =	vst.idx.msk $0xffff, v1;
	v1 =	vnsel vm0, $0x0, v40;
	v6 =	vadd.s32 $0x4000, v5  }
0xa9: {  	vm14 =	vgt.f32 v44, $0.0e+00;
	[tilespmem:v2+s31+$0x0] =	vst.idx.msk $0xffff, v1;
	v1 =	vnsel vm0, $0x0, v41  }
0xaa: {  	[tilespmem:v4+s31+$0x0] =	vst.idx.msk $0xffff, v1;
	v1 =	vnsel vm14, $0x0, v44  }
0xab: {  	[tilespmem:v5+s31+$0x0] =	vst.idx.msk $0xffff, v1;
	v1 =	vnsel vm14, $0x0, v47  }
0xac: {  	[tilespmem:v7+s31+$0x0] =	vst.idx.msk $0xffff, v1;
	v1 =	vnsel vm14, $0x0, v49  }
0xad: {  	[tilespmem:v6+s31+$0x0] =	vst.idx.msk $0xffff, v1  }
0xae: {  	[tilespmem:s0+$0x6000] =	vst v51  }
0xaf: {  	[tilespmem:s3+$0x6000] =	vst v53  }
0xb0: {  	[tilespmem:s24+$0x6000] =	vst v55;
	s24 =	sld [smem:$0x7ED];
	_ =	sdelay $0x1  }
0xb1: {  	s0 =	sor.u32 $0x10, s9;
	s9 =	sld [smem:$0x7EE]  }
0xb2: {  	s3 =	sor.u32 s0, s24;
	s24 =	sld [smem:$0x7EF];
	_ =	sdelay $0x1  }
0xb3: {  	v57 =	vld [tilespmem:s3+$0x0];
	s3 =	sor.u32 s0, s9;
	s9 =	sld [smem:$0x7F0]  }
0xb4: {  	v56 =	vld [tilespmem:s3+$0x0];
	s3 =	sor.u32 s0, s24;
	s24 =	sld [smem:$0x7F1];
	_ =	sdelay $0x1  }
0xb5: {  	v55 =	vld [tilespmem:s3+$0x0];
	s3 =	sor.u32 s0, s9;
	s9 =	sld [smem:$0x7F2]  }
0xb6: {  	v54 =	vld [tilespmem:s3+$0x0];
	s3 =	sor.u32 s0, s24;
	s24 =	sld [smem:$0x7F3];
	_ =	sdelay $0x1  }
0xb7: {  	v53 =	vld [tilespmem:s3+$0x0];
	s3 =	sor.u32 s0, s9;
	s9 =	sld [smem:$0x7F4]  }
0xb8: {  	v52 =	vld [tilespmem:s3+$0x0];
	s3 =	sor.u32 s0, s24;
	s24 =	sld [smem:$0x7F5];
	_ =	sdelay $0x1  }
0xb9: {  	v50 =	vld [tilespmem:s3+$0x0];
	s3 =	sor.u32 s0, s9;
	s9 =	sld [smem:$0x7F6]  }
0xba: {  	v51 =	vld [tilespmem:s3+$0x0];
	s3 =	sor.u32 s0, s24;
	s24 =	sld [smem:$0x7F7];
	_ =	sdelay $0x1  }
0xbb: {  	v49 =	vld [tilespmem:s3+$0x0];
	s3 =	sor.u32 s0, s9  }
0xbc: {  	v48 =	vld [tilespmem:s3+$0x0];
	s3 =	sor.u32 s0, s24;
	s24 =	sld [smem:$0x7F9];
	_ =	sdelay $0x2  }
0xbd: {  	s21 =	sor.u32 s0, s21;
	v47 =	vld [tilespmem:s3+$0x0];
	s3 =	sadd.s32 $0x10, s24  }
0xbe: {  	v24 =	vld [tilespmem:s21+$0x0];
	s9 =	sld [smem:$0x7F8];
	s24 =	sor.u32 $0x300, s3  }
0xbf: {  	s6 =	sor.u32 s0, s6;
	v44 =	vld [tilespmem:s24+$0x0];
	s24 =	sld [smem:$0x7FA]  }
0xc0: {  	v1 =	vld [tilespmem:s6+$0x0]  }
0xc1: {  	v2 =	vld [tilespmem:s6+$0x80];
	s9 =	sor.u32 s0, s9  }
0xc2: {  	v45 =	vld [tilespmem:s9+$0x0];
	s9 =	sor.u32 s0, s24;
	s24 =	sld [smem:$0x7FB]  }
0xc3: {  	v4 =	vld [tilespmem:s6+$0x100]  }
0xc4: {  	v5 =	vld [tilespmem:s6+$0x200]  }
0xc5: {  	v40 =	vld [tilespmem:s9+$0x0];
	s9 =	sor.u32 s0, s24;
	s24 =	sor.u32 $0x380, s3  }
0xc6: {  	v41 =	vld [tilespmem:s24+$0x0];
	s24 =	sld [smem:$0x7FC]  }
0xc7: {  	v6 =	vld [tilespmem:s6+$0x180]  }
0xc8: {  	v7 =	vld [tilespmem:s6+$0x280]  }
0xc9: {  	s16 =	sor.u32 s0, s16;
	v42 =	vld [tilespmem:s9+$0x0];
	s9 =	sor.u32 s0, s24;
	s24 =	sld [smem:$0x7FD]  }
0xca: {  	v15 =	vld [tilespmem:s16+$0x0];
	s21 =	sor.u32 s0, s12  }
0xcb: {  	v26 =	vld [tilespmem:s21+$0x0]  }
0xcc: {  	v37 =	vld [tilespmem:s9+$0x0];
	s9 =	sor.u32 s0, s24  }
0xcd: {  	s24 =	sor.u32 s0, s26;
	v35 =	vld [tilespmem:s9+$0x0]  }
0xce: {  	s26 =	sor.u32 s0, s28;
	v36 =	vld [tilespmem:s24+$0x0]  }
0xcf: {  	s28 =	sor.u32 s0, s22;
	v31 =	vld [tilespmem:s26+$0x0]  }
0xd0: {  	s22 =	sor.u32 s0, s30;
	v28 =	vld [tilespmem:s28+$0x0]  }
0xd1: {  	s30 =	sor.u32 s0, s17;
	v22 =	vld [tilespmem:s22+$0x0]  }
0xd2: {  	v13 =	vimm.s32 $0x5;
	v8 =	vlaneseq.u32;
	s17 =	sor.u32 s0, s18;
	v17 =	vld [tilespmem:s30+$0x0]  }
0xd3: {  	v14 =	vimm.s32 $0x4;
	v16 =	vor.u32 s6, v8;
	vm14 =	vgt.f32 v1, $0.0e+00;
	s18 =	sor.u32 s0, s15;
	v32 =	vld [tilespmem:s17+$0x0]  }
0xd4: {  	vm12 =	vgt.f32 v2, $0.0e+00;
	vm9 =	vgt.f32 v5, $0.0e+00;
	vm11 =	vgt.f32 v4, $0.0e+00;
	s24 =	sor.u32 s0, s29;
	v25 =	vld [tilespmem:s18+$0x0]  }
0xd5: {  	vm10 =	vgt.f32 v6, $0.0e+00;
	vm8 =	vgt.f32 v7, $0.0e+00;
	vm4 =	vgt.f32 v24, $0.0e+00;
	s26 =	sor.u32 s0, s23;
	v21 =	vld [tilespmem:s24+$0x0]  }
0xd6: {  	vm0 =	vgt.f32 v15, $0.0e+00;
	vm13 =	vmneg vm9;
	v8 =	vsel vm14, $0x1, v19;
	s28 =	sor.u32 s0, s20;
	v20 =	vld [tilespmem:s26+$0x0]  }
0xd7: {  	v46 =	vsel vm12, $0x1, v19;
	v59 =	vsel vm14, $0x0, v13;
	v60 =	vsel vm11, $0x1, v19;
	s29 =	sor.u32 s0, s19;
	v0 =	vld [tilespmem:s28+$0x0]  }
0xd8: {  	v12 =	vsel vm10, $0x1, v19;
	v58 =	vsel vm9, $0x1, v19;
	v61 =	vsel vm12, $0x0, v14;
	s19 =	sor.u32 s0, s14;
	v18 =	vld [tilespmem:s29+$0x0]  }
0xd9: {  	v14 =	vimm.s32 $0x3;
	v1 =	vnsel vm14, $0x0, v1;
	v2 =	vnsel vm12, $0x0, v2;
	s20 =	sor.u32 s0, s13;
	v30 =	vld [tilespmem:s19+$0x0]  }
0xda: {  	v6 =	vnsel vm10, $0x0, v6;
	v7 =	vnsel vm8, $0x0, v7;
	v10 =	vperm.xlane v3, v59;
	s22 =	sor.u32 s0, s11;
	v23 =	vld [tilespmem:s20+$0x0]  }
0xdb: {  	v9 =	vadd.s32 v8, v46;
	v8 =	vor.u32 v8, v61;
	v62 =	vsel vm11, $0x0, v14;
	s23 =	sor.u32 s0, s10;
	v27 =	vld [tilespmem:s22+$0x0]  }
0xdc: {  	v14 =	vimm.s32 $0x2;
	v11 =	vadd.s32 v60, v9;
	v8 =	vperm.xlane v3, v8;
	s30 =	sor.u32 $0x5380, s3;
	v29 =	vld [tilespmem:s23+$0x0]  }
0xdd: {  	v9 =	vadd.s32 v9, v62;
	v63 =	vsel vm10, $0x0, v14;
	v10 =	vadd.s32 v16, v10;
	s24 =	sor.u32 s0, s8;
	v46 =	vld [tilespmem:s30+$0x0]  }
0xde: {  	v14 =	vimm.s32 $0x8;
	v12 =	vadd.s32 v12, v11;
	v60 =	vadd.s32 $0x2000, v10;
	s26 =	sor.u32 s0, s7;
	v33 =	vld [tilespmem:s24+$0x0]  }
0xdf: {  	v9 =	vperm.xlane v3, v9;
	v61 =	vadd.s32 $0x4000, v10;
	v8 =	vadd.s32 v16, v8;
	s0 =	sor.u32 s0, s1;
	v34 =	vld [tilespmem:s26+$0x0]  }
0xe0: {  	v63 =	vadd.s32 v11, v63;
	v56 =	vnsel vm14, $0x0, v56;
	v62 =	vadd.s32 $0x2000, v8;
	s28 =	sor.u32 $0x1380, s3;
	v38 =	vld [tilespmem:s0+$0x0]  }
0xe1: {  	v11 =	vadd.s32 $0x4000, v8;
	v9 =	vadd.s32 v16, v9;
	v52 =	vnsel vm11, $0x0, v52;
	s29 =	sor.u32 $0x3380, s3;
	v39 =	vld [tilespmem:s28+$0x0]  }
0xe2: {  	vm7 =	vgt.f32 v44, $0.0e+00;
	vm6 =	vgt.f32 v41, $0.0e+00;
	v43 =	vld [tilespmem:s29+$0x0];
	[tilespmem:v10+s31+$0x0] =	vst.idx.msk $0xffff, v1;
	v1 =	vnsel vm14, $0x0, v57  }
0xe3: {  	v59 =	vsel vm7, $0x1, v19;
	v10 =	vperm.xlane v3, v63;
	[tilespmem:v60+s31+$0x0] =	vst.idx.msk $0xffff, v1;
	v1 =	vsel vm6, $0x1, v19  }
0xe4: {  	v60 =	vnsel vm11, $0x0, v53;
	[tilespmem:v61+s31+$0x0] =	vst.idx.msk $0xffff, v56;
	v56 =	vadd.s32 $0x2000, v9;
	v61 =	vsel vm13, $0x1, v19  }
0xe5: {  	v10 =	vadd.s32 v16, v10;
	[tilespmem:v8+s31+$0x0] =	vst.idx.msk $0xffff, v2;
	v2 =	vnsel vm12, $0x0, v55;
	v8 =	vadd.s32 $0x4000, v9  }
0xe6: {  	vm5 =	vgt.f32 v36, $0.0e+00;
	v63 =	vadd.s32 v61, v12;
	[tilespmem:v62+s31+$0x0] =	vst.idx.msk $0xffff, v2;
	v2 =	vnsel vm12, $0x0, v54  }
0xe7: {  	v57 =	vperm.xlane v3, v63;
	[tilespmem:v11+s31+$0x0] =	vst.idx.msk $0xffff, v2;
	v2 =	vnsel vm11, $0x0, v4;
	v4 =	vadd.s32 $0x2000, v10  }
0xe8: {  	vm15 =	vgt.f32 v17, $0.0e+00;
	v61 =	vsel vm4, $0x1, v19;
	vm3 =	vgt.f32 v20, $0.0e+00;
	[tilespmem:v9+s31+$0x0] =	vst.idx.msk $0xffff, v2  }
0xe9: {  	v2 =	vadd.s32 v58, v12;
	v12 =	vadd.s32 $0x4000, v10;
	v11 =	vadd.s32 v16, v57;
	[tilespmem:v56+s31+$0x0] =	vst.idx.msk $0xffff, v60  }
0xea: {  	v62 =	vnsel vm10, $0x0, v51;
	v2 =	vperm.xlane v3, v2;
	v63 =	vadd.s32 $0x4000, v11;
	[tilespmem:v8+s31+$0x0] =	vst.idx.msk $0xffff, v52  }
0xeb: {  	v56 =	vnsel vm5, $0x0, v36;
	v8 =	vadd.s32 $0x2000, v11;
	[tilespmem:v10+s31+$0x0] =	vst.idx.msk $0xffff, v6;
	v6 =	vnsel vm10, $0x0, v50  }
0xec: {  	v2 =	vadd.s32 v16, v2;
	[tilespmem:v4+s31+$0x0] =	vst.idx.msk $0xffff, v6;
	v4 =	vnsel vm9, $0x0, v5;
	v5 =	vsel vm7, $0x6, v14  }
0xed: {  	v14 =	vimm.s32 $0x7;
	v6 =	vadd.s32 $0x2000, v2;
	v52 =	vadd.s32 $0x4000, v2  }
0xee: {  	[tilespmem:v12+s31+$0x0] =	vst.idx.msk $0xffff, v62;
	v12 =	vimm.s32 $0x6;
	v5 =	vperm.xlane v3, v5;
	v51 =	vsel vm6, $0x6, v14  }
0xef: {  	v14 =	vimm.s32 $0xA;
	[tilespmem:v11+s31+$0x0] =	vst.idx.msk $0xffff, v4;
	v4 =	vnsel vm9, $0x0, v49;
	v10 =	vadd.s32 v59, v51  }
0xf0: {  	v53 =	vsel vm7, $0x7, v12;
	[tilespmem:v8+s31+$0x0] =	vst.idx.msk $0xffff, v4;
	v4 =	vnsel vm9, $0x0, v48;
	v5 =	vadd.s32 v16, v5  }
0xf1: {  	v12 =	vimm.s32 $0xB;
	v8 =	vperm.xlane v3, v10;
	[tilespmem:v63+s31+$0x0] =	vst.idx.msk $0xffff, v4;
	v4 =	vadd.s32 $0x2000, v5  }
0xf2: {  	v1 =	vadd.s32 v1, v53;
	[tilespmem:v2+s31+$0x0] =	vst.idx.msk $0xffff, v7;
	v2 =	vnsel vm8, $0x0, v47;
	v7 =	vadd.s32 $0x4000, v5  }
0xf3: {  	v1 =	vperm.xlane v3, v1;
	v8 =	vadd.s32 v16, v8;
	[tilespmem:v6+s31+$0x0] =	vst.idx.msk $0xffff, v2;
	v6 =	vnsel vm8, $0x0, v45  }
0xf4: {  	v2 =	vsel vm3, $0x1, v19;
	v54 =	vadd.s32 $0x2000, v8;
	[tilespmem:v52+s31+$0x0] =	vst.idx.msk $0xffff, v6;
	v6 =	vnsel vm7, $0x0, v44  }
0xf5: {  	v55 =	vadd.s32 $0x4000, v8;
	v1 =	vadd.s32 v16, v1;
	[tilespmem:v5+s31+$0x0] =	vst.idx.msk $0xffff, v6;
	v5 =	vnsel vm7, $0x0, v40  }
0xf6: {  	v6 =	vnsel vm7, $0x0, v42;
	[tilespmem:v4+s31+$0x0] =	vst.idx.msk $0xffff, v5;
	v4 =	vnsel vm6, $0x0, v41;
	v5 =	vsel vm4, $0x9, v12  }
0xf7: {  	v12 =	vimm.s32 $0x9;
	[tilespmem:v7+s31+$0x0] =	vst.idx.msk $0xffff, v6;
	v6 =	vadd.s32 $0x2000, v1;
	v5 =	vperm.xlane v3, v5  }
0xf8: {  	v7 =	vsel vm3, $0x9, v14;
	[tilespmem:v8+s31+$0x0] =	vst.idx.msk $0xffff, v4;
	v4 =	vnsel vm6, $0x0, v37;
	v8 =	vadd.s32 $0x4000, v1  }
0xf9: {  	v7 =	vadd.s32 v61, v7;
	[tilespmem:v54+s31+$0x0] =	vst.idx.msk $0xffff, v4;
	v4 =	vnsel vm6, $0x0, v35;
	v5 =	vadd.s32 v16, v5  }
0xfa: {  	v57 =	vsel vm4, $0xA, v12;
	v7 =	vperm.xlane v3, v7;
	[tilespmem:v55+s31+$0x0] =	vst.idx.msk $0xffff, v4;
	v4 =	vadd.s32 $0x2000, v5  }
0xfb: {  	v2 =	vadd.s32 v2, v57;
	v59 =	vadd.s32 $0x4000, v5;
	[tilespmem:v1+s31+$0x0] =	vst.idx.msk $0xffff, v56;
	v1 =	vnsel vm5, $0x0, v31  }
0xfc: {  	v2 =	vperm.xlane v3, v2;
	v7 =	vadd.s32 v16, v7;
	[tilespmem:v6+s31+$0x0] =	vst.idx.msk $0xffff, v1;
	v6 =	vnsel vm5, $0x0, v28  }
0xfd: {  	vm2 =	vgt.f32 v18, $0.0e+00;
	v58 =	vimm.s32 $0xE;
	[tilespmem:v8+s31+$0x0] =	vst.idx.msk $0xffff, v6;
	v6 =	vnsel vm4, $0x0, v24  }
0xfe: {  	v2 =	vadd.s32 v16, v2;
	v8 =	vadd.s32 $0x2000, v7;
	[tilespmem:v5+s31+$0x0] =	vst.idx.msk $0xffff, v6;
	v6 =	vnsel vm4, $0x0, v22  }
0xff: {  	v1 =	vsel vm15, $0x1, v19;
	v60 =	vadd.s32 $0x4000, v7;
	[tilespmem:v4+s31+$0x0] =	vst.idx.msk $0xffff, v6;
	v4 =	vnsel vm4, $0x0, v21  }
0x100: {  	v61 =	vadd.s32 $0x2000, v2;
	v6 =	vsel vm15, $0xC, v58;
	[tilespmem:v59+s31+$0x0] =	vst.idx.msk $0xffff, v4;
	v4 =	vnsel vm3, $0x0, v20  }
0x101: {  	v6 =	vperm.xlane v3, v6;
	[tilespmem:v7+s31+$0x0] =	vst.idx.msk $0xffff, v4;
	v4 =	vnsel vm3, $0x0, v0;
	v0 =	vimm.s32 $0xD  }
0x102: {  	v5 =	vsel vm0, $0x1, v19;
	v7 =	vadd.s32 $0x4000, v2;
	v62 =	vsel vm0, $0xC, v0  }
0x103: {  	[tilespmem:v8+s31+$0x0] =	vst.idx.msk $0xffff, v4;
	v4 =	vnsel vm3, $0x0, v32;
	v6 =	vadd.s32 v16, v6;
	v8 =	vadd.s32 v1, v62  }
0x104: {  	[tilespmem:v60+s31+$0x0] =	vst.idx.msk $0xffff, v4;
	v4 =	vnsel vm2, $0x0, v18;
	v63 =	vadd.s32 $0x2000, v6;
	v8 =	vperm.xlane v3, v8  }
0x105: {  	v1 =	vadd.s32 v1, v5;
	[tilespmem:v2+s31+$0x0] =	vst.idx.msk $0xffff, v4;
	v2 =	vnsel vm2, $0x0, v25;
	v4 =	vadd.s32 $0x4000, v6  }
0x106: {  	v1 =	vor.u32 $0xC, v1;
	[tilespmem:v61+s31+$0x0] =	vst.idx.msk $0xffff, v2;
	v2 =	vnsel vm2, $0x0, v30;
	v5 =	vadd.s32 v16, v8  }
0x107: {  	v1 =	vperm.xlane v3, v1;
	[tilespmem:v7+s31+$0x0] =	vst.idx.msk $0xffff, v2;
	v2 =	vnsel vm15, $0x0, v17;
	v7 =	vadd.s32 $0x2000, v5  }
0x108: {  	[tilespmem:v6+s31+$0x0] =	vst.idx.msk $0xffff, v2;
	v2 =	vnsel vm15, $0x0, v23;
	v6 =	vadd.s32 $0x4000, v5  }
0x109: {  	v1 =	vadd.s32 v16, v1;
	[tilespmem:v63+s31+$0x0] =	vst.idx.msk $0xffff, v2;
	v2 =	vnsel vm15, $0x0, v26  }
0x10a: {  	[tilespmem:v4+s31+$0x0] =	vst.idx.msk $0xffff, v2;
	v2 =	vnsel vm0, $0x0, v15;
	v4 =	vadd.s32 $0x2000, v1  }
0x10b: {  	[tilespmem:v5+s31+$0x0] =	vst.idx.msk $0xffff, v2;
	v2 =	vnsel vm0, $0x0, v27;
	v5 =	vadd.s32 $0x4000, v1  }
0x10c: {  	vm15 =	vgt.f32 v33, $0.0e+00;
	[tilespmem:v7+s31+$0x0] =	vst.idx.msk $0xffff, v2;
	v2 =	vnsel vm0, $0x0, v29  }
0x10d: {  	[tilespmem:v6+s31+$0x0] =	vst.idx.msk $0xffff, v2;
	v2 =	vnsel vm15, $0x0, v33  }
0x10e: {  	p0 =	sne.s32 s5, $0xE0;
	[tilespmem:v1+s31+$0x0] =	vst.idx.msk $0xffff, v2;
	v1 =	vnsel vm15, $0x0, v34  }
.Ltmp0:
0x10f: {  	[tilespmem:v4+s31+$0x0] =	vst.idx.msk $0xffff, v1;
	v1 =	vnsel vm15, $0x0, v38;
	(pc) =	sbr.rel @p0 .LBB2_2-.Ltmp0, $4  }
0x110: {  	[tilespmem:v5+s31+$0x0] =	vst.idx.msk $0xffff, v1  }
0x111: {  	[tilespmem:s28+$0x6000] =	vst v39  }
0x112: {  	s25 =	sadd.s32 $0x1, s25;
	[tilespmem:s29+$0x6000] =	vst v43  }
0x113: {  	s5 =	sadd.s32 $0x20, s5;
	s4 =	sadd.s32 $0x100, s4;
	s2 =	sadd.s32 $0x120, s2;
	v47 =	vimm.s32 $0x4;
	v6 =	vlaneseq.u32;
	[tilespmem:s30+$0x6000] =	vst v46  }
0x114: {  	s25 =	simm.s32 $0x0;
	s0 =	rddreg [dreg:$0xf]  }
0x115: {  	[hbm4b:s0+s25] =	stream.linear.scatter [tilespmem:s31], [sflag:$0x3], $0x800, $0x38;
	[tilespmem:$0xC000] =	vst v63  }
0x116: {  	s19 =	rddreg [dreg:$0x10];
	s1 =	simm.s32 $0x7000  }
0x117: {  	[hbm4b:s19+s25] =	stream.linear.scatter [tilespmem:s1], [sflag:$0x3], $0x800, $0x38;
	[tilespmem:$0xC000] =	vst v63  }
0x118: {  	s20 =	rddreg [dreg:$0x11];
	s21 =	simm.s32 $0x8000  }
0x119: {  	[hbm4b:s20+s25] =	stream.linear.scatter [tilespmem:s21], [sflag:$0x3], $0x800, $0x38;
	[tilespmem:$0xC000] =	vst v63  }
0x11a: {  	s22 =	rddreg [dreg:$0x12];
	s23 =	simm.s32 $0x9000  }
0x11b: {  	[hbm4b:s22+s25] =	stream.linear.scatter [tilespmem:s23], [sflag:$0x3], $0x800, $0x38;
	[tilespmem:$0xC000] =	vst v63  }
0x11c: {  	s24 =	rddreg [dreg:$0x13];
	s26 =	simm.s32 $0xA000  }
0x11d: {  	[hbm4b:s24+s25] =	stream.linear.scatter [tilespmem:s26], [sflag:$0x3], $0x800, $0x38;
	[tilespmem:$0xC000] =	vst v63  }
0x11e: {  	s28 =	rddreg [dreg:$0x14];
	s29 =	simm.s32 $0xB000;
	s30 =	simm.s32 $0x2  }
0x11f: {  	[hbm4b:s28+s25] =	stream.linear.scatter [tilespmem:s29], [sflag:$0x3], $0x800, $0x38;
	[tilespmem:$0xC000] =	vst v63  }
0x120: {  	_ =	swait.ge [sflag:s30], $0x800  }
0x121: {  	[sflag:s30] =	ssyncset.done $0x0  }
0x122: {  	[sflag:s30] =	ssyncadd.s32 $0xFFFFF800  }
0x123: {  	_ =	swait.ge [sflag:s30], $0x800  }
0x124: {  	[sflag:s30] =	ssyncset.done $0x0  }
0x125: {  	[sflag:s30] =	ssyncadd.s32 $0xFFFFF800  }
0x126: {  	_ =	swait.ge [sflag:s30], $0x800  }
0x127: {  	[sflag:s30] =	ssyncset.done $0x0  }
0x128: {  	[sflag:s30] =	ssyncadd.s32 $0xFFFFF800  }
0x129: {  	_ =	swait.ge [sflag:s30], $0x800  }
0x12a: {  	[sflag:s30] =	ssyncset.done $0x0  }
0x12b: {  	[sflag:s30] =	ssyncadd.s32 $0xFFFFF800  }
0x12c: {  	_ =	swait.ge [sflag:s30], $0x800  }
0x12d: {  	[sflag:s30] =	ssyncset.done $0x0  }
0x12e: {  	[sflag:s30] =	ssyncadd.s32 $0xFFFFF800  }
0x12f: {  	_ =	swait.ge [sflag:s30], $0x800  }
0x130: {  	s3 =	simm.s32 $0x100;
	[sflag:s30] =	ssyncset.done $0x0  }
0x131: {  	s4 =	simm.s32 $0x800;
	s5 =	simm.s32 $0x0;
	[sflag:s30] =	ssyncadd.s32 $0xFFFFF800  }
.LBB2_4:
0x132: {  	s6 =	sand.u32 $0xC00, s4  }
0x133: {  	s9 =	sand.u32 $0x60, s3;
	s0 =	sor.u32 $0x2000, s6  }
0x134: {  	s1 =	sor.u32 $0x4000, s6;
	[dreg:$0x1d] =	wrdreg s0;
	s0 =	sor.u32 s9, s0  }
0x135: {  	s20 =	sor.u32 $0x2080, s6;
	s19 =	sor.u32 s9, s1;
	v57 =	vld [tilespmem:s0+$0x0]  }
0x136: {  	s22 =	sor.u32 $0x4080, s6;
	s21 =	sor.u32 s9, s20;
	v56 =	vld [tilespmem:s19+$0x0]  }
0x137: {  	s24 =	sor.u32 $0x2100, s6;
	s23 =	sor.u32 s9, s22;
	v53 =	vld [tilespmem:s21+$0x0]  }
0x138: {  	s28 =	sor.u32 $0x4100, s6;
	s26 =	sor.u32 s9, s24;
	v52 =	vld [tilespmem:s23+$0x0]  }
0x139: {  	s30 =	sor.u32 $0x2180, s6;
	s29 =	sor.u32 s9, s28;
	v49 =	vld [tilespmem:s26+$0x0]  }
0x13a: {  	s2 =	sor.u32 $0x4180, s6;
	[dreg:$0x1e] =	wrdreg s1;
	s1 =	sor.u32 s9, s30;
	v48 =	vld [tilespmem:s29+$0x0]  }
0x13b: {  	s11 =	sor.u32 $0x4200, s6;
	s7 =	sor.u32 s9, s2;
	v44 =	vld [tilespmem:s1+$0x0]  }
0x13c: {  	s15 =	sor.u32 $0x4280, s6;
	s12 =	sor.u32 s9, s11;
	v46 =	vld [tilespmem:s7+$0x0]  }
0x13d: {  	s16 =	sor.u32 s9, s15;
	v43 =	vld [tilespmem:s12+$0x0]  }
0x13e: {  	[smem:$0x7E7] =	sst s15;
	s15 =	sor.u32 s9, s6;
	v34 =	vld [tilespmem:s16+$0x0]  }
0x13f: {  	v1 =	vld [tilespmem:s15+$0x0]  }
0x140: {  	v2 =	vld [tilespmem:s15+$0x80]  }
0x141: {  	v4 =	vld [tilespmem:s15+$0x100]  }
0x142: {  	[dreg:$0x1f] =	wrdreg s20;
	v59 =	vld [tilespmem:s15+$0x200]  }
0x143: {  	s8 =	sand.u32 $0x3, s25;
	[smem:$0x7E3] =	sst s2;
	s2 =	sor.u32 $0x2200, s6;
	v5 =	vld [tilespmem:s15+$0x180]  }
0x144: {  	[smem:$0x7E0] =	sst s24;
	s24 =	sor.u32 s3, s4;
	s10 =	sor.u32 s9, s2;
	v58 =	vld [tilespmem:s15+$0x280]  }
0x145: {  	[smem:$0x7DF] =	sst s22;
	s7 =	sor.u32 $0x2280, s6;
	s23 =	sor.u32 $0x380, s24;
	v42 =	vld [tilespmem:s10+$0x0]  }
0x146: {  	[smem:$0x7E1] =	sst s28;
	s19 =	sor.u32 $0x2300, s6;
	s14 =	sor.u32 s9, s7;
	v29 =	vld [tilespmem:s23+$0x0]  }
0x147: {  	[smem:$0x7E2] =	sst s30;
	s21 =	sor.u32 $0x4300, s6;
	s20 =	sor.u32 s9, s19;
	v36 =	vld [tilespmem:s14+$0x0]  }
0x148: {  	s1 =	sshll.u32 s8, $0x5;
	s26 =	sor.u32 $0x2380, s6;
	s22 =	sor.u32 s9, s21;
	v30 =	vld [tilespmem:s20+$0x0]  }
0x149: {  	s29 =	sor.u32 $0x4380, s6;
	s13 =	sadd.s32 s1, s5;
	s28 =	sor.u32 s9, s26;
	v31 =	vld [tilespmem:s22+$0x0]  }
0x14a: {  	[smem:$0x7EB] =	sst s26;
	s30 =	sor.u32 s9, s29;
	s26 =	sor.u32 $0x1000, s6;
	v28 =	vld [tilespmem:s28+$0x0]  }
0x14b: {  	[smem:$0x7EA] =	sst s21;
	s21 =	sor.u32 $0x1080, s6;
	v27 =	vld [tilespmem:s30+$0x0];
	s1 =	sor.u32 s9, s26  }
0x14c: {  	[smem:$0x7EC] =	sst s29;
	s29 =	sor.u32 $0x5080, s6;
	s8 =	sor.u32 s9, s21;
	v26 =	vld [tilespmem:s1+$0x0]  }
0x14d: {  	[smem:$0x7E5] =	sst s11;
	s23 =	sor.u32 $0x1100, s6;
	s11 =	sor.u32 s9, s29;
	v23 =	vld [tilespmem:s8+$0x0]  }
0x14e: {  	[smem:$0x7E9] =	sst s19;
	s19 =	sor.u32 $0x1180, s6;
	s12 =	sor.u32 s9, s23;
	v22 =	vld [tilespmem:s11+$0x0]  }
0x14f: {  	s17 =	sadd.s32 $0x800, s13;
	s14 =	sor.u32 s9, s19;
	v20 =	vld [tilespmem:s12+$0x0]  }
0x150: {  	s28 =	sor.u32 $0x3000, s6;
	s18 =	sor.u32 $0x300, s17;
	v18 =	vld [tilespmem:s14+$0x0]  }
0x151: {  	[smem:$0x7E4] =	sst s2;
	s22 =	sor.u32 $0x5000, s6;
	s2 =	sor.u32 s9, s28;
	v32 =	vld [tilespmem:s18+$0x0]  }
0x152: {  	[smem:$0x7E6] =	sst s7;
	s30 =	sor.u32 $0x3080, s6;
	s7 =	sor.u32 s9, s22;
	v25 =	vld [tilespmem:s2+$0x0]  }
0x153: {  	v16 =	vor.u32 s15, v6;
	s15 =	sor.u32 $0x3180, s6;
	s10 =	sor.u32 s9, s30;
	v24 =	vld [tilespmem:s7+$0x0]  }
0x154: {  	s17 =	sor.u32 $0x1200, s6;
	s8 =	sor.u32 s9, s15;
	v0 =	vld [tilespmem:s10+$0x0]  }
0x155: {  	s16 =	sor.u32 $0x1280, s6;
	s18 =	sor.u32 s9, s17;
	v33 =	vld [tilespmem:s8+$0x0]  }
0x156: {  	v8 =	vimm.s32 $0x5;
	v14 =	vimm.s32 $0x8;
	s14 =	sor.u32 $0x5180, s6;
	s2 =	sor.u32 s9, s16;
	v17 =	vld [tilespmem:s18+$0x0]  }
0x157: {  	v13 =	vimm.s32 $0x7;
	v21 =	vimm.s32 $0x6;
	v54 =	vimm.s32 $0x3;
	s12 =	sor.u32 $0x5200, s6;
	s10 =	sor.u32 s9, s14;
	v15 =	vld [tilespmem:s2+$0x0]  }
0x158: {  	s1 =	sor.u32 s9, s12;
	s8 =	sor.u32 $0x1300, s6;
	vm14 =	vgt.f32 v1, $0.0e+00;
	vm12 =	vgt.f32 v2, $0.0e+00;
	vm9 =	vgt.f32 v59, $0.0e+00;
	v38 =	vld [tilespmem:s10+$0x0]  }
0x159: {  	s18 =	sor.u32 $0x5100, s6;
	vm11 =	vgt.f32 v4, $0.0e+00;
	vm10 =	vgt.f32 v5, $0.0e+00;
	vm8 =	vgt.f32 v58, $0.0e+00;
	v39 =	vld [tilespmem:s1+$0x0];
	s1 =	sor.u32 s9, s8  }
0x15a: {  	s20 =	sor.u32 $0x3100, s6;
	s7 =	sor.u32 s9, s18;
	vm13 =	vmneg vm9;
	vm6 =	vgt.f32 v29, $0.0e+00;
	v6 =	vsel vm14, $0x1, v19;
	v45 =	vld [tilespmem:s1+$0x0]  }
0x15b: {  	[smem:$0x7E8] =	sst s13;
	s13 =	sor.u32 s9, s20;
	s10 =	sor.u32 $0x5280, s6;
	v7 =	vsel vm12, $0x1, v19;
	v8 =	vsel vm14, $0x0, v8;
	v9 =	vsel vm11, $0x1, v19;
	v37 =	vld [tilespmem:s7+$0x0]  }
0x15c: {  	v10 =	vsel vm10, $0x1, v19;
	v11 =	vsel vm9, $0x1, v19;
	v50 =	vsel vm12, $0x0, v47;
	s7 =	sor.u32 s9, s10;
	[tilespmem:$0x1FFE0] =	vst v0;
	v0 =	vld [tilespmem:s13+$0x0];
	s13 =	sor.u32 $0x3200, s6  }
0x15d: {  	v62 =	vsel vm11, $0x0, v54;
	v1 =	vnsel vm14, $0x0, v1;
	v8 =	vperm.xlane v3, v8;
	v41 =	vld [tilespmem:s7+$0x0];
	s11 =	sor.u32 s9, s13  }
0x15e: {  	s0 =	sor.u32 $0x1380, s24;
	v60 =	vsel vm6, $0x1, v19;
	v51 =	vor.u32 v6, v50;
	v6 =	vadd.s32 v6, v7;
	v35 =	vld [tilespmem:s11+$0x0];
	s11 =	sor.u32 $0x3280, s6  }
0x15f: {  	vm5 =	vgt.f32 v26, $0.0e+00;
	s7 =	sor.u32 $0x3300, s6;
	v55 =	vperm.xlane v3, v51;
	v51 =	vld [tilespmem:s0+$0x0];
	v8 =	vadd.s32 v16, v8;
	s2 =	sor.u32 s9, s11  }
0x160: {  	s1 =	sor.u32 $0x5300, s6;
	vm4 =	vgt.f32 v23, $0.0e+00;
	vm3 =	vgt.f32 v20, $0.0e+00;
	v7 =	vadd.s32 $0x2000, v8;
	v40 =	vld [tilespmem:s2+$0x0];
	s2 =	sor.u32 s9, s7  }
0x161: {  	v9 =	vadd.s32 v9, v6;
	v6 =	vadd.s32 v6, v62;
	v61 =	vadd.s32 $0x4000, v8;
	v47 =	vld [tilespmem:s2+$0x0];
	s2 =	sor.u32 s9, s1  }
0x162: {  	vm7 =	vgt.f32 v32, $0.0e+00;
	v10 =	vadd.s32 v10, v9;
	v63 =	vadd.s32 v16, v55;
	v50 =	vld [tilespmem:s2+$0x0];
	s2 =	sor.u32 $0x3380, s24  }
0x163: {  	v6 =	vperm.xlane v3, v6;
	v62 =	vadd.s32 $0x2000, v63;
	[tilespmem:$0x1FFF0] =	vst v0;
	v0 =	vimm.s32 $0x2;
	s24 =	sor.u32 $0x5380, s24;
	v54 =	vld [tilespmem:s2+$0x0]  }
0x164: {  	v55 =	vld [tilespmem:s24+$0x0];
	[tilespmem:v8+s31+$0x0] =	vst.idx.msk $0xffff, v1;
	v1 =	vnsel vm14, $0x0, v57;
	v8 =	vadd.s32 $0x4000, v63;
	v57 =	vsel vm10, $0x0, v0  }
0x165: {  	v6 =	vadd.s32 v16, v6;
	[tilespmem:v7+s31+$0x0] =	vst.idx.msk $0xffff, v1;
	v1 =	vnsel vm14, $0x0, v56;
	v7 =	vadd.s32 v9, v57  }
0x166: {  	[tilespmem:v61+s31+$0x0] =	vst.idx.msk $0xffff, v1;
	v1 =	vnsel vm12, $0x0, v2;
	v2 =	vadd.s32 $0x2000, v6;
	v7 =	vperm.xlane v3, v7  }
0x167: {  	v56 =	vsel vm13, $0x1, v19;
	[tilespmem:v63+s31+$0x0] =	vst.idx.msk $0xffff, v1;
	v1 =	vnsel vm12, $0x0, v53;
	v63 =	vadd.s32 $0x4000, v6  }
0x168: {  	v57 =	vadd.s32 v56, v10;
	[tilespmem:v62+s31+$0x0] =	vst.idx.msk $0xffff, v1;
	v1 =	vnsel vm12, $0x0, v52;
	v7 =	vadd.s32 v16, v7  }
0x169: {  	[tilespmem:v8+s31+$0x0] =	vst.idx.msk $0xffff, v1;
	v1 =	vnsel vm11, $0x0, v4;
	v4 =	vadd.s32 $0x2000, v7;
	v8 =	vperm.xlane v3, v57  }
0x16a: {  	v12 =	vsel vm7, $0x1, v19;
	[tilespmem:v6+s31+$0x0] =	vst.idx.msk $0xffff, v1;
	v1 =	vnsel vm11, $0x0, v49;
	v6 =	vadd.s32 $0x4000, v7  }
0x16b: {  	v10 =	vadd.s32 v11, v10;
	[tilespmem:v2+s31+$0x0] =	vst.idx.msk $0xffff, v1;
	v1 =	vnsel vm11, $0x0, v48;
	v2 =	vadd.s32 v16, v8  }
0x16c: {  	v8 =	vperm.xlane v3, v10;
	[tilespmem:v63+s31+$0x0] =	vst.idx.msk $0xffff, v1;
	v1 =	vnsel vm10, $0x0, v5;
	v5 =	vadd.s32 $0x2000, v2  }
0x16d: {  	v21 =	vsel vm7, $0x7, v21;
	[tilespmem:v7+s31+$0x0] =	vst.idx.msk $0xffff, v1;
	v1 =	vnsel vm10, $0x0, v44;
	v7 =	vadd.s32 $0x4000, v2  }
0x16e: {  	[tilespmem:v4+s31+$0x0] =	vst.idx.msk $0xffff, v1;
	v1 =	vnsel vm10, $0x0, v46;
	v4 =	vadd.s32 v16, v8;
	v8 =	vsel vm7, $0x6, v14  }
0x16f: {  	[tilespmem:v6+s31+$0x0] =	vst.idx.msk $0xffff, v1;
	v1 =	vnsel vm9, $0x0, v59;
	v6 =	vadd.s32 $0x2000, v4;
	v8 =	vperm.xlane v3, v8  }
0x170: {  	v63 =	vsel vm6, $0x6, v13;
	[tilespmem:v2+s31+$0x0] =	vst.idx.msk $0xffff, v1;
	v1 =	vnsel vm9, $0x0, v42;
	v2 =	vadd.s32 $0x4000, v4  }
0x171: {  	[tilespmem:v5+s31+$0x0] =	vst.idx.msk $0xffff, v1;
	v1 =	vnsel vm9, $0x0, v43;
	v5 =	vadd.s32 v16, v8;
	v8 =	vadd.s32 v12, v63  }
0x172: {  	[tilespmem:v7+s31+$0x0] =	vst.idx.msk $0xffff, v1;
	v1 =	vnsel vm8, $0x0, v58;
	v7 =	vadd.s32 $0x2000, v5;
	v8 =	vperm.xlane v3, v8  }
0x173: {  	v0 =	vimm.s32 $0xB;
	[tilespmem:v4+s31+$0x0] =	vst.idx.msk $0xffff, v1;
	v1 =	vnsel vm8, $0x0, v36;
	v4 =	vadd.s32 $0x4000, v5  }
0x174: {  	[tilespmem:v6+s31+$0x0] =	vst.idx.msk $0xffff, v1;
	v1 =	vnsel vm8, $0x0, v34;
	v6 =	vadd.s32 v16, v8;
	v8 =	vadd.s32 v60, v21  }
0x175: {  	v61 =	vsel vm4, $0x1, v19;
	[tilespmem:v2+s31+$0x0] =	vst.idx.msk $0xffff, v1;
	v1 =	vnsel vm7, $0x0, v32;
	v8 =	vperm.xlane v3, v8  }
0x176: {  	v2 =	vadd.s32 $0x2000, v6;
	[tilespmem:v5+s31+$0x0] =	vst.idx.msk $0xffff, v1;
	v1 =	vnsel vm7, $0x0, v30;
	v5 =	vadd.s32 $0x4000, v6  }
0x177: {  	[tilespmem:v7+s31+$0x0] =	vst.idx.msk $0xffff, v1;
	v1 =	vnsel vm7, $0x0, v31;
	v7 =	vadd.s32 v16, v8;
	v8 =	vsel vm4, $0x9, v0  }
0x178: {  	v0 =	vimm.s32 $0xA;
	[tilespmem:v4+s31+$0x0] =	vst.idx.msk $0xffff, v1;
	v1 =	vnsel vm6, $0x0, v29;
	v4 =	vadd.s32 $0x2000, v7  }
0x179: {  	v8 =	vperm.xlane v3, v8;
	v36 =	vsel vm3, $0x9, v0;
	v0 =	vimm.s32 $0x9  }
0x17a: {  	[tilespmem:v6+s31+$0x0] =	vst.idx.msk $0xffff, v1;
	v1 =	vnsel vm6, $0x0, v28;
	v6 =	vadd.s32 $0x4000, v7;
	v42 =	vsel vm4, $0xA, v0  }
0x17b: {  	v0 =	vld [tilespmem:$0x1FFE0];
	[tilespmem:v2+s31+$0x0] =	vst.idx.msk $0xffff, v1;
	v1 =	vnsel vm6, $0x0, v27;
	v2 =	vadd.s32 v16, v8;
	v8 =	vadd.s32 v61, v36  }
0x17c: {  	[tilespmem:v5+s31+$0x0] =	vst.idx.msk $0xffff, v1;
	v1 =	vnsel vm5, $0x0, v26;
	v5 =	vadd.s32 $0x2000, v2;
	v8 =	vperm.xlane v3, v8  }
0x17d: {  	v62 =	vsel vm3, $0x1, v19;
	[tilespmem:v7+s31+$0x0] =	vst.idx.msk $0xffff, v1;
	v1 =	vnsel vm5, $0x0, v25  }
0x17e: {  	[tilespmem:v4+s31+$0x0] =	vst.idx.msk $0xffff, v1;
	v1 =	vnsel vm5, $0x0, v24;
	v4 =	vadd.s32 v16, v8;
	v8 =	vadd.s32 v62, v42  }
0x17f: {  	vm1 =	vgt.f32 v17, $0.0e+00;
	[tilespmem:v6+s31+$0x0] =	vst.idx.msk $0xffff, v1;
	v1 =	vnsel vm4, $0x0, v23;
	v8 =	vperm.xlane v3, v8  }
0x180: {  	v7 =	vadd.s32 $0x4000, v2;
	[tilespmem:v2+s31+$0x0] =	vst.idx.msk $0xffff, v1;
	v1 =	vnsel vm4, $0x0, v0;
	v0 =	vimm.s32 $0xE  }
0x181: {  	[tilespmem:v5+s31+$0x0] =	vst.idx.msk $0xffff, v1;
	v5 =	vadd.s32 v16, v8;
	v8 =	vsel vm1, $0xC, v0;
	v0 =	vld [tilespmem:$0x1FFF0];
	_ =	sdelay $0x1  }
0x182: {  	vm2 =	vgt.f32 v18, $0.0e+00;
	v6 =	vadd.s32 $0x2000, v4  }
0x183: {  	vm0 =	vgt.f32 v15, $0.0e+00;
	v2 =	vadd.s32 $0x4000, v4;
	v1 =	vnsel vm4, $0x0, v22  }
0x184: {  	v43 =	vsel vm0, $0x1, v19;
	[tilespmem:v7+s31+$0x0] =	vst.idx.msk $0xffff, v1;
	v1 =	vnsel vm3, $0x0, v20;
	v7 =	vadd.s32 $0x2000, v5  }
0x185: {  	v8 =	vperm.xlane v3, v8;
	[tilespmem:v4+s31+$0x0] =	vst.idx.msk $0xffff, v1;
	v1 =	vnsel vm3, $0x0, v0;
	v0 =	vimm.s32 $0xD  }
0x186: {  	v34 =	vsel vm1, $0x1, v19;
	v4 =	vadd.s32 $0x4000, v5;
	v44 =	vsel vm0, $0xC, v0  }
0x187: {  	[tilespmem:v6+s31+$0x0] =	vst.idx.msk $0xffff, v1;
	v1 =	vnsel vm3, $0x0, v37;
	v6 =	vadd.s32 v16, v8;
	v8 =	vadd.s32 v34, v44  }
0x188: {  	[tilespmem:v2+s31+$0x0] =	vst.idx.msk $0xffff, v1;
	v1 =	vnsel vm2, $0x0, v18;
	v2 =	vadd.s32 $0x2000, v6;
	v8 =	vperm.xlane v3, v8  }
0x189: {  	v9 =	vadd.s32 v34, v43;
	[tilespmem:v5+s31+$0x0] =	vst.idx.msk $0xffff, v1;
	v1 =	vnsel vm2, $0x0, v33;
	v5 =	vadd.s32 $0x4000, v6  }
0x18a: {  	[tilespmem:v7+s31+$0x0] =	vst.idx.msk $0xffff, v1;
	v1 =	vnsel vm2, $0x0, v38;
	v7 =	vadd.s32 v16, v8;
	v8 =	vor.u32 $0xC, v9  }
0x18b: {  	[tilespmem:v4+s31+$0x0] =	vst.idx.msk $0xffff, v1;
	v1 =	vnsel vm1, $0x0, v17;
	v4 =	vadd.s32 $0x2000, v7;
	v8 =	vperm.xlane v3, v8  }
0x18c: {  	[tilespmem:v6+s31+$0x0] =	vst.idx.msk $0xffff, v1;
	v1 =	vnsel vm1, $0x0, v35;
	v6 =	vadd.s32 $0x4000, v7  }
0x18d: {  	[tilespmem:v2+s31+$0x0] =	vst.idx.msk $0xffff, v1;
	v1 =	vnsel vm1, $0x0, v39;
	v2 =	vadd.s32 v16, v8  }
0x18e: {  	[tilespmem:v5+s31+$0x0] =	vst.idx.msk $0xffff, v1;
	v1 =	vnsel vm0, $0x0, v15;
	v5 =	vadd.s32 $0x2000, v2  }
0x18f: {  	[tilespmem:v7+s31+$0x0] =	vst.idx.msk $0xffff, v1;
	v1 =	vnsel vm0, $0x0, v40;
	v7 =	vadd.s32 $0x4000, v2  }
0x190: {  	vm14 =	vgt.f32 v45, $0.0e+00;
	[tilespmem:v4+s31+$0x0] =	vst.idx.msk $0xffff, v1;
	v1 =	vnsel vm0, $0x0, v41  }
0x191: {  	[tilespmem:v6+s31+$0x0] =	vst.idx.msk $0xffff, v1;
	v1 =	vnsel vm14, $0x0, v45  }
0x192: {  	[tilespmem:v2+s31+$0x0] =	vst.idx.msk $0xffff, v1;
	v1 =	vnsel vm14, $0x0, v47  }
0x193: {  	[tilespmem:v5+s31+$0x0] =	vst.idx.msk $0xffff, v1;
	v1 =	vnsel vm14, $0x0, v50  }
0x194: {  	[tilespmem:v7+s31+$0x0] =	vst.idx.msk $0xffff, v1  }
0x195: {  	[tilespmem:s0+$0x6000] =	vst v51  }
0x196: {  	s0 =	sor.u32 $0x10, s9;
	s9 =	rddreg [dreg:$0x1e];
	[tilespmem:s2+$0x6000] =	vst v54  }
0x197: {  	[tilespmem:s24+$0x6000] =	vst v55;
	s24 =	rddreg [dreg:$0x1d]  }
0x198: {  	s2 =	sor.u32 s0, s24;
	s24 =	rddreg [dreg:$0x1f]  }
0x199: {  	v57 =	vld [tilespmem:s2+$0x0];
	s2 =	sor.u32 s0, s9;
	s9 =	sld [smem:$0x7DF]  }
0x19a: {  	v56 =	vld [tilespmem:s2+$0x0];
	s2 =	sor.u32 s0, s24;
	s24 =	sld [smem:$0x7E0];
	_ =	sdelay $0x1  }
0x19b: {  	v55 =	vld [tilespmem:s2+$0x0];
	s2 =	sor.u32 s0, s9;
	s9 =	sld [smem:$0x7E1]  }
0x19c: {  	v54 =	vld [tilespmem:s2+$0x0];
	s2 =	sor.u32 s0, s24;
	s24 =	sld [smem:$0x7E2];
	_ =	sdelay $0x1  }
0x19d: {  	v53 =	vld [tilespmem:s2+$0x0];
	s2 =	sor.u32 s0, s9;
	s9 =	sld [smem:$0x7E3]  }
0x19e: {  	v52 =	vld [tilespmem:s2+$0x0];
	s2 =	sor.u32 s0, s24;
	s24 =	sld [smem:$0x7E4];
	_ =	sdelay $0x1  }
0x19f: {  	v50 =	vld [tilespmem:s2+$0x0];
	s2 =	sor.u32 s0, s9;
	s9 =	sld [smem:$0x7E5]  }
0x1a0: {  	v51 =	vld [tilespmem:s2+$0x0];
	s2 =	sor.u32 s0, s24;
	s24 =	sld [smem:$0x7E6];
	_ =	sdelay $0x1  }
0x1a1: {  	v49 =	vld [tilespmem:s2+$0x0];
	s2 =	sor.u32 s0, s9  }
0x1a2: {  	v48 =	vld [tilespmem:s2+$0x0];
	s2 =	sor.u32 s0, s24;
	s24 =	sld [smem:$0x7E8];
	_ =	sdelay $0x2  }
0x1a3: {  	s21 =	sor.u32 s0, s21;
	v47 =	vld [tilespmem:s2+$0x0];
	s2 =	sadd.s32 $0x810, s24  }
0x1a4: {  	v24 =	vld [tilespmem:s21+$0x0];
	s9 =	sld [smem:$0x7E7];
	s24 =	sor.u32 $0x300, s2  }
0x1a5: {  	s6 =	sor.u32 s0, s6;
	v44 =	vld [tilespmem:s24+$0x0];
	s24 =	sld [smem:$0x7E9]  }
0x1a6: {  	v1 =	vld [tilespmem:s6+$0x0]  }
0x1a7: {  	v2 =	vld [tilespmem:s6+$0x80];
	s9 =	sor.u32 s0, s9  }
0x1a8: {  	v45 =	vld [tilespmem:s9+$0x0];
	s9 =	sor.u32 s0, s24;
	s24 =	sld [smem:$0x7EA]  }
0x1a9: {  	v4 =	vld [tilespmem:s6+$0x100]  }
0x1aa: {  	v5 =	vld [tilespmem:s6+$0x200]  }
0x1ab: {  	v40 =	vld [tilespmem:s9+$0x0];
	s9 =	sor.u32 s0, s24;
	s24 =	sor.u32 $0x380, s2  }
0x1ac: {  	v41 =	vld [tilespmem:s24+$0x0];
	s24 =	sld [smem:$0x7EB]  }
0x1ad: {  	v6 =	vld [tilespmem:s6+$0x180]  }
0x1ae: {  	v7 =	vld [tilespmem:s6+$0x280]  }
0x1af: {  	s16 =	sor.u32 s0, s16;
	v42 =	vld [tilespmem:s9+$0x0];
	s9 =	sor.u32 s0, s24;
	s24 =	sld [smem:$0x7EC]  }
0x1b0: {  	v15 =	vld [tilespmem:s16+$0x0];
	s21 =	sor.u32 s0, s12  }
0x1b1: {  	v26 =	vld [tilespmem:s21+$0x0]  }
0x1b2: {  	v37 =	vld [tilespmem:s9+$0x0];
	s9 =	sor.u32 s0, s24  }
0x1b3: {  	s24 =	sor.u32 s0, s26;
	v35 =	vld [tilespmem:s9+$0x0]  }
0x1b4: {  	s26 =	sor.u32 s0, s28;
	v36 =	vld [tilespmem:s24+$0x0]  }
0x1b5: {  	s28 =	sor.u32 s0, s22;
	v31 =	vld [tilespmem:s26+$0x0]  }
0x1b6: {  	s22 =	sor.u32 s0, s30;
	v28 =	vld [tilespmem:s28+$0x0]  }
0x1b7: {  	s30 =	sor.u32 s0, s17;
	v22 =	vld [tilespmem:s22+$0x0]  }
0x1b8: {  	v13 =	vimm.s32 $0x5;
	v8 =	vlaneseq.u32;
	s17 =	sor.u32 s0, s18;
	v17 =	vld [tilespmem:s30+$0x0]  }
0x1b9: {  	v14 =	vimm.s32 $0x4;
	v16 =	vor.u32 s6, v8;
	vm14 =	vgt.f32 v1, $0.0e+00;
	s18 =	sor.u32 s0, s15;
	v32 =	vld [tilespmem:s17+$0x0]  }
0x1ba: {  	vm12 =	vgt.f32 v2, $0.0e+00;
	vm9 =	vgt.f32 v5, $0.0e+00;
	vm11 =	vgt.f32 v4, $0.0e+00;
	s24 =	sor.u32 s0, s29;
	v25 =	vld [tilespmem:s18+$0x0]  }
0x1bb: {  	vm10 =	vgt.f32 v6, $0.0e+00;
	vm8 =	vgt.f32 v7, $0.0e+00;
	vm4 =	vgt.f32 v24, $0.0e+00;
	s26 =	sor.u32 s0, s23;
	v21 =	vld [tilespmem:s24+$0x0]  }
0x1bc: {  	vm0 =	vgt.f32 v15, $0.0e+00;
	vm13 =	vmneg vm9;
	v8 =	vsel vm14, $0x1, v19;
	s28 =	sor.u32 s0, s20;
	v20 =	vld [tilespmem:s26+$0x0]  }
0x1bd: {  	v46 =	vsel vm12, $0x1, v19;
	v59 =	vsel vm14, $0x0, v13;
	v60 =	vsel vm11, $0x1, v19;
	s29 =	sor.u32 s0, s19;
	v0 =	vld [tilespmem:s28+$0x0]  }
0x1be: {  	v12 =	vsel vm10, $0x1, v19;
	v58 =	vsel vm9, $0x1, v19;
	v61 =	vsel vm12, $0x0, v14;
	s19 =	sor.u32 s0, s14;
	v18 =	vld [tilespmem:s29+$0x0]  }
0x1bf: {  	v14 =	vimm.s32 $0x3;
	v1 =	vnsel vm14, $0x0, v1;
	v2 =	vnsel vm12, $0x0, v2;
	s20 =	sor.u32 s0, s13;
	v30 =	vld [tilespmem:s19+$0x0]  }
0x1c0: {  	v6 =	vnsel vm10, $0x0, v6;
	v7 =	vnsel vm8, $0x0, v7;
	v10 =	vperm.xlane v3, v59;
	s22 =	sor.u32 s0, s11;
	v23 =	vld [tilespmem:s20+$0x0]  }
0x1c1: {  	v9 =	vadd.s32 v8, v46;
	v8 =	vor.u32 v8, v61;
	v62 =	vsel vm11, $0x0, v14;
	s23 =	sor.u32 s0, s10;
	v27 =	vld [tilespmem:s22+$0x0]  }
0x1c2: {  	v14 =	vimm.s32 $0x2;
	v56 =	vnsel vm14, $0x0, v56;
	v11 =	vadd.s32 v60, v9;
	s30 =	sor.u32 $0x5380, s2;
	v29 =	vld [tilespmem:s23+$0x0]  }
0x1c3: {  	v8 =	vperm.xlane v3, v8;
	v9 =	vadd.s32 v9, v62;
	v10 =	vadd.s32 v16, v10;
	s24 =	sor.u32 s0, s8;
	v46 =	vld [tilespmem:s30+$0x0]  }
0x1c4: {  	v63 =	vsel vm10, $0x0, v14;
	v14 =	vimm.s32 $0x8;
	v60 =	vadd.s32 $0x2000, v10;
	s26 =	sor.u32 s0, s7;
	v33 =	vld [tilespmem:s24+$0x0]  }
0x1c5: {  	v9 =	vperm.xlane v3, v9;
	v61 =	vadd.s32 $0x4000, v10;
	v8 =	vadd.s32 v16, v8;
	s0 =	sor.u32 s0, s1;
	v34 =	vld [tilespmem:s26+$0x0]  }
0x1c6: {  	v12 =	vadd.s32 v12, v11;
	v63 =	vadd.s32 v11, v63;
	v62 =	vadd.s32 $0x2000, v8;
	s28 =	sor.u32 $0x1380, s2;
	v38 =	vld [tilespmem:s0+$0x0]  }
0x1c7: {  	v11 =	vadd.s32 $0x4000, v8;
	v9 =	vadd.s32 v16, v9;
	v52 =	vnsel vm11, $0x0, v52;
	s29 =	sor.u32 $0x3380, s2;
	v39 =	vld [tilespmem:s28+$0x0]  }
0x1c8: {  	vm7 =	vgt.f32 v44, $0.0e+00;
	vm6 =	vgt.f32 v41, $0.0e+00;
	v43 =	vld [tilespmem:s29+$0x0];
	[tilespmem:v10+s31+$0x0] =	vst.idx.msk $0xffff, v1;
	v1 =	vnsel vm14, $0x0, v57  }
0x1c9: {  	v59 =	vsel vm7, $0x1, v19;
	v10 =	vperm.xlane v3, v63;
	[tilespmem:v60+s31+$0x0] =	vst.idx.msk $0xffff, v1;
	v1 =	vsel vm6, $0x1, v19  }
0x1ca: {  	v60 =	vnsel vm11, $0x0, v53;
	[tilespmem:v61+s31+$0x0] =	vst.idx.msk $0xffff, v56;
	v56 =	vadd.s32 $0x2000, v9;
	v61 =	vsel vm13, $0x1, v19  }
0x1cb: {  	v10 =	vadd.s32 v16, v10;
	[tilespmem:v8+s31+$0x0] =	vst.idx.msk $0xffff, v2;
	v2 =	vnsel vm12, $0x0, v55;
	v8 =	vadd.s32 $0x4000, v9  }
0x1cc: {  	vm5 =	vgt.f32 v36, $0.0e+00;
	v63 =	vadd.s32 v61, v12;
	[tilespmem:v62+s31+$0x0] =	vst.idx.msk $0xffff, v2;
	v2 =	vnsel vm12, $0x0, v54  }
0x1cd: {  	v57 =	vperm.xlane v3, v63;
	[tilespmem:v11+s31+$0x0] =	vst.idx.msk $0xffff, v2;
	v2 =	vnsel vm11, $0x0, v4;
	v4 =	vadd.s32 $0x2000, v10  }
0x1ce: {  	vm15 =	vgt.f32 v17, $0.0e+00;
	v61 =	vsel vm4, $0x1, v19;
	vm3 =	vgt.f32 v20, $0.0e+00;
	[tilespmem:v9+s31+$0x0] =	vst.idx.msk $0xffff, v2  }
0x1cf: {  	v2 =	vadd.s32 v58, v12;
	v12 =	vadd.s32 $0x4000, v10;
	v11 =	vadd.s32 v16, v57;
	[tilespmem:v56+s31+$0x0] =	vst.idx.msk $0xffff, v60  }
0x1d0: {  	v62 =	vnsel vm10, $0x0, v51;
	v2 =	vperm.xlane v3, v2;
	v63 =	vadd.s32 $0x4000, v11;
	[tilespmem:v8+s31+$0x0] =	vst.idx.msk $0xffff, v52  }
0x1d1: {  	v56 =	vnsel vm5, $0x0, v36;
	v8 =	vadd.s32 $0x2000, v11;
	[tilespmem:v10+s31+$0x0] =	vst.idx.msk $0xffff, v6;
	v6 =	vnsel vm10, $0x0, v50  }
0x1d2: {  	v2 =	vadd.s32 v16, v2;
	[tilespmem:v4+s31+$0x0] =	vst.idx.msk $0xffff, v6;
	v4 =	vnsel vm9, $0x0, v5;
	v5 =	vsel vm7, $0x6, v14  }
0x1d3: {  	v14 =	vimm.s32 $0x7;
	v6 =	vadd.s32 $0x2000, v2;
	v52 =	vadd.s32 $0x4000, v2  }
0x1d4: {  	[tilespmem:v12+s31+$0x0] =	vst.idx.msk $0xffff, v62;
	v12 =	vimm.s32 $0x6;
	v5 =	vperm.xlane v3, v5;
	v51 =	vsel vm6, $0x6, v14  }
0x1d5: {  	v14 =	vimm.s32 $0xA;
	[tilespmem:v11+s31+$0x0] =	vst.idx.msk $0xffff, v4;
	v4 =	vnsel vm9, $0x0, v49;
	v10 =	vadd.s32 v59, v51  }
0x1d6: {  	v53 =	vsel vm7, $0x7, v12;
	[tilespmem:v8+s31+$0x0] =	vst.idx.msk $0xffff, v4;
	v4 =	vnsel vm9, $0x0, v48;
	v5 =	vadd.s32 v16, v5  }
0x1d7: {  	v12 =	vimm.s32 $0xB;
	v8 =	vperm.xlane v3, v10;
	[tilespmem:v63+s31+$0x0] =	vst.idx.msk $0xffff, v4;
	v4 =	vadd.s32 $0x2000, v5  }
0x1d8: {  	v1 =	vadd.s32 v1, v53;
	[tilespmem:v2+s31+$0x0] =	vst.idx.msk $0xffff, v7;
	v2 =	vnsel vm8, $0x0, v47;
	v7 =	vadd.s32 $0x4000, v5  }
0x1d9: {  	v1 =	vperm.xlane v3, v1;
	v8 =	vadd.s32 v16, v8;
	[tilespmem:v6+s31+$0x0] =	vst.idx.msk $0xffff, v2;
	v6 =	vnsel vm8, $0x0, v45  }
0x1da: {  	v2 =	vsel vm3, $0x1, v19;
	v54 =	vadd.s32 $0x2000, v8;
	[tilespmem:v52+s31+$0x0] =	vst.idx.msk $0xffff, v6;
	v6 =	vnsel vm7, $0x0, v44  }
0x1db: {  	v55 =	vadd.s32 $0x4000, v8;
	v1 =	vadd.s32 v16, v1;
	[tilespmem:v5+s31+$0x0] =	vst.idx.msk $0xffff, v6;
	v5 =	vnsel vm7, $0x0, v40  }
0x1dc: {  	v6 =	vnsel vm7, $0x0, v42;
	[tilespmem:v4+s31+$0x0] =	vst.idx.msk $0xffff, v5;
	v4 =	vnsel vm6, $0x0, v41;
	v5 =	vsel vm4, $0x9, v12  }
0x1dd: {  	v12 =	vimm.s32 $0x9;
	[tilespmem:v7+s31+$0x0] =	vst.idx.msk $0xffff, v6;
	v6 =	vadd.s32 $0x2000, v1;
	v5 =	vperm.xlane v3, v5  }
0x1de: {  	v7 =	vsel vm3, $0x9, v14;
	[tilespmem:v8+s31+$0x0] =	vst.idx.msk $0xffff, v4;
	v4 =	vnsel vm6, $0x0, v37;
	v8 =	vadd.s32 $0x4000, v1  }
0x1df: {  	v7 =	vadd.s32 v61, v7;
	[tilespmem:v54+s31+$0x0] =	vst.idx.msk $0xffff, v4;
	v4 =	vnsel vm6, $0x0, v35;
	v5 =	vadd.s32 v16, v5  }
0x1e0: {  	v57 =	vsel vm4, $0xA, v12;
	v7 =	vperm.xlane v3, v7;
	[tilespmem:v55+s31+$0x0] =	vst.idx.msk $0xffff, v4;
	v4 =	vadd.s32 $0x2000, v5  }
0x1e1: {  	v2 =	vadd.s32 v2, v57;
	v59 =	vadd.s32 $0x4000, v5;
	[tilespmem:v1+s31+$0x0] =	vst.idx.msk $0xffff, v56;
	v1 =	vnsel vm5, $0x0, v31  }
0x1e2: {  	v2 =	vperm.xlane v3, v2;
	v7 =	vadd.s32 v16, v7;
	[tilespmem:v6+s31+$0x0] =	vst.idx.msk $0xffff, v1;
	v6 =	vnsel vm5, $0x0, v28  }
0x1e3: {  	vm2 =	vgt.f32 v18, $0.0e+00;
	v58 =	vimm.s32 $0xE;
	[tilespmem:v8+s31+$0x0] =	vst.idx.msk $0xffff, v6;
	v6 =	vnsel vm4, $0x0, v24  }
0x1e4: {  	v2 =	vadd.s32 v16, v2;
	v8 =	vadd.s32 $0x2000, v7;
	[tilespmem:v5+s31+$0x0] =	vst.idx.msk $0xffff, v6;
	v6 =	vnsel vm4, $0x0, v22  }
0x1e5: {  	v1 =	vsel vm15, $0x1, v19;
	v60 =	vadd.s32 $0x4000, v7;
	[tilespmem:v4+s31+$0x0] =	vst.idx.msk $0xffff, v6;
	v4 =	vnsel vm4, $0x0, v21  }
0x1e6: {  	v61 =	vadd.s32 $0x2000, v2;
	v6 =	vsel vm15, $0xC, v58;
	[tilespmem:v59+s31+$0x0] =	vst.idx.msk $0xffff, v4;
	v4 =	vnsel vm3, $0x0, v20  }
0x1e7: {  	v6 =	vperm.xlane v3, v6;
	[tilespmem:v7+s31+$0x0] =	vst.idx.msk $0xffff, v4;
	v4 =	vnsel vm3, $0x0, v0;
	v0 =	vimm.s32 $0xD  }
0x1e8: {  	v5 =	vsel vm0, $0x1, v19;
	v7 =	vadd.s32 $0x4000, v2;
	v62 =	vsel vm0, $0xC, v0  }
0x1e9: {  	[tilespmem:v8+s31+$0x0] =	vst.idx.msk $0xffff, v4;
	v4 =	vnsel vm3, $0x0, v32;
	v6 =	vadd.s32 v16, v6;
	v8 =	vadd.s32 v1, v62  }
0x1ea: {  	[tilespmem:v60+s31+$0x0] =	vst.idx.msk $0xffff, v4;
	v4 =	vnsel vm2, $0x0, v18;
	v63 =	vadd.s32 $0x2000, v6;
	v8 =	vperm.xlane v3, v8  }
0x1eb: {  	v1 =	vadd.s32 v1, v5;
	[tilespmem:v2+s31+$0x0] =	vst.idx.msk $0xffff, v4;
	v2 =	vnsel vm2, $0x0, v25;
	v4 =	vadd.s32 $0x4000, v6  }
0x1ec: {  	v1 =	vor.u32 $0xC, v1;
	[tilespmem:v61+s31+$0x0] =	vst.idx.msk $0xffff, v2;
	v2 =	vnsel vm2, $0x0, v30;
	v5 =	vadd.s32 v16, v8  }
0x1ed: {  	v1 =	vperm.xlane v3, v1;
	[tilespmem:v7+s31+$0x0] =	vst.idx.msk $0xffff, v2;
	v2 =	vnsel vm15, $0x0, v17;
	v7 =	vadd.s32 $0x2000, v5  }
0x1ee: {  	[tilespmem:v6+s31+$0x0] =	vst.idx.msk $0xffff, v2;
	v2 =	vnsel vm15, $0x0, v23;
	v6 =	vadd.s32 $0x4000, v5  }
0x1ef: {  	v1 =	vadd.s32 v16, v1;
	[tilespmem:v63+s31+$0x0] =	vst.idx.msk $0xffff, v2;
	v2 =	vnsel vm15, $0x0, v26  }
0x1f0: {  	[tilespmem:v4+s31+$0x0] =	vst.idx.msk $0xffff, v2;
	v2 =	vnsel vm0, $0x0, v15;
	v4 =	vadd.s32 $0x2000, v1  }
0x1f1: {  	[tilespmem:v5+s31+$0x0] =	vst.idx.msk $0xffff, v2;
	v2 =	vnsel vm0, $0x0, v27;
	v5 =	vadd.s32 $0x4000, v1  }
0x1f2: {  	vm15 =	vgt.f32 v33, $0.0e+00;
	[tilespmem:v7+s31+$0x0] =	vst.idx.msk $0xffff, v2;
	v2 =	vnsel vm0, $0x0, v29  }
0x1f3: {  	[tilespmem:v6+s31+$0x0] =	vst.idx.msk $0xffff, v2;
	v2 =	vnsel vm15, $0x0, v33  }
0x1f4: {  	p0 =	sne.s32 s3, $0x1E0;
	[tilespmem:v1+s31+$0x0] =	vst.idx.msk $0xffff, v2;
	v1 =	vnsel vm15, $0x0, v34  }
.Ltmp1:
0x1f5: {  	[tilespmem:v4+s31+$0x0] =	vst.idx.msk $0xffff, v1;
	v1 =	vnsel vm15, $0x0, v38;
	(pc) =	sbr.rel @p0 .LBB2_4-.Ltmp1, $4  }
0x1f6: {  	[tilespmem:v5+s31+$0x0] =	vst.idx.msk $0xffff, v1  }
0x1f7: {  	[tilespmem:s28+$0x6000] =	vst v39  }
0x1f8: {  	s25 =	sadd.s32 $0x1, s25;
	[tilespmem:s29+$0x6000] =	vst v43  }
0x1f9: {  	s4 =	sadd.s32 $0x100, s4;
	s3 =	sadd.s32 $0x20, s3;
	s5 =	sadd.s32 $0x100, s5;
	v47 =	vimm.s32 $0x4;
	v6 =	vlaneseq.u32;
	[tilespmem:s30+$0x6000] =	vst v46  }
0x1fa: {  	s14 =	simm.s32 $0x0;
	s0 =	rddreg [dreg:$0x15];
	s1 =	simm.s32 $0x6800  }
0x1fb: {  	[hbm4b:s0+s14] =	stream.linear.scatter [tilespmem:s1], [sflag:$0x3], $0x800, $0x38;
	[tilespmem:$0xC000] =	vst v63  }
0x1fc: {  	s18 =	rddreg [dreg:$0x16];
	s19 =	simm.s32 $0x7800  }
0x1fd: {  	[hbm4b:s18+s14] =	stream.linear.scatter [tilespmem:s19], [sflag:$0x3], $0x800, $0x38;
	[tilespmem:$0xC000] =	vst v63  }
0x1fe: {  	s20 =	rddreg [dreg:$0x17];
	s21 =	simm.s32 $0x8800  }
0x1ff: {  	[hbm4b:s20+s14] =	stream.linear.scatter [tilespmem:s21], [sflag:$0x3], $0x800, $0x38;
	[tilespmem:$0xC000] =	vst v63  }
0x200: {  	s22 =	rddreg [dreg:$0x18];
	s23 =	simm.s32 $0x9800  }
0x201: {  	[hbm4b:s22+s14] =	stream.linear.scatter [tilespmem:s23], [sflag:$0x3], $0x800, $0x38;
	[tilespmem:$0xC000] =	vst v63  }
0x202: {  	s24 =	rddreg [dreg:$0x19];
	s25 =	simm.s32 $0xA800  }
0x203: {  	[hbm4b:s24+s14] =	stream.linear.scatter [tilespmem:s25], [sflag:$0x3], $0x800, $0x38;
	[tilespmem:$0xC000] =	vst v63  }
0x204: {  	s26 =	rddreg [dreg:$0x1a];
	s28 =	simm.s32 $0xB800;
	s29 =	simm.s32 $0x3  }
0x205: {  	[hbm4b:s26+s14] =	stream.linear.scatter [tilespmem:s28], [sflag:$0x3], $0x800, $0x38;
	[tilespmem:$0xC000] =	vst v63  }
0x206: {  	_ =	swait.ge [sflag:s29], $0x800  }
0x207: {  	[sflag:s29] =	ssyncset.done $0x0  }
0x208: {  	[sflag:s29] =	ssyncadd.s32 $0xFFFFF800  }
0x209: {  	_ =	swait.ge [sflag:s29], $0x800  }
0x20a: {  	[sflag:s29] =	ssyncset.done $0x0  }
0x20b: {  	[sflag:s29] =	ssyncadd.s32 $0xFFFFF800  }
0x20c: {  	_ =	swait.ge [sflag:s29], $0x800  }
0x20d: {  	[sflag:s29] =	ssyncset.done $0x0  }
0x20e: {  	[sflag:s29] =	ssyncadd.s32 $0xFFFFF800  }
0x20f: {  	_ =	swait.ge [sflag:s29], $0x800  }
0x210: {  	[sflag:s29] =	ssyncset.done $0x0  }
0x211: {  	[sflag:s29] =	ssyncadd.s32 $0xFFFFF800  }
0x212: {  	_ =	swait.ge [sflag:s29], $0x800  }
0x213: {  	[sflag:s29] =	ssyncset.done $0x0  }
0x214: {  	[sflag:s29] =	ssyncadd.s32 $0xFFFFF800  }
0x215: {  	_ =	swait.ge [sflag:s29], $0x800  }
0x216: {  	[sflag:s29] =	ssyncset.done $0x0  }
0x217: {  	[sflag:s29] =	ssyncadd.s32 $0xFFFFF800  }
0x218: {  	_ =	swait.ge [sflag:s29], $0x800  }
0x219: {  	[sflag:s29] =	ssyncset.done $0x0  }
0x21a: {  	[sflag:s29] =	ssyncadd.s32 $0xFFFFF800  }
0x21b: {  	_ =	swait.ge [sflag:s29], $0x800  }
0x21c: {  	[sflag:s29] =	ssyncset.done $0x0  }
0x21d: {  	[sflag:s29] =	ssyncadd.s32 $0xFFFFF800  }
0x21e: {  	_ =	swait.ge [sflag:s29], $0x800  }
0x21f: {  	[sflag:s29] =	ssyncset.done $0x0  }
0x220: {  	[sflag:s29] =	ssyncadd.s32 $0xFFFFF800  }
0x221: {  	_ =	swait.ge [sflag:s29], $0x800  }
0x222: {  	[sflag:s29] =	ssyncset.done $0x0  }
0x223: {  	[sflag:s29] =	ssyncadd.s32 $0xFFFFF800  }
0x224: {  	_ =	swait.ge [sflag:s29], $0x800  }
0x225: {  	[sflag:s29] =	ssyncset.done $0x0  }
0x226: {  	[sflag:s29] =	ssyncadd.s32 $0xFFFFF800  }
0x227: {  	_ =	swait.ge [sflag:s29], $0x800  }
0x228: {  	s2 =	rddreg [dreg:$0x1c]  }
0x229: {  	s30 =	rddreg [dreg:$0x1b];
	s2 =	sadd.s32 $0x1, s2  }
0x22a: {  	p0 =	sne.s32 s2, s30  }
.Ltmp2:
0x22b: {  	_ = 	snop;
	(pc) =	sbr.rel @p0 .LBB2_1-.Ltmp2, $3  }
0x22c: {  	_ =	sdelay $0x1  }
0x22d: {  	[sflag:s29] =	ssyncset.done $0x0  }
0x22e: {  	[sflag:s29] =	ssyncadd.s32 $0xFFFFF800  }
0x22f: {  	_ =	sfence.sel $0x180000  }
0x230: {  	[bflag:$0x0] =	sbarrier.arrive $0xFFFF  }
0x231: {  	_ =	strace $0x90000047  }
0x232: {  	s0 =	stileid.u32;
	[bflag:$0x2] =	sbarrier.arrive $0xFFFF  }
0x233: {  	p0 =	sne.s32 s0, $0x0;
	s0 =	rddreg [dreg:$0x2]  }
0x234: {  	s0 =	sadd.s32 @!p0 $0x100000, s0  }
0x235: {  	[sflag:s0] =	ssyncadd.tile.s32 @!p0 $0x1;
	_ =	shalt  }
.Lfunc_end2:
_tile_overlayer_lowered:
.L_overlay_start_2:
0x236: {  	(tag) =	ssettag $0x2  }
0x237: {  	s0 =	rddreg [dreg:$0x0];
	s2 =	stileid.u32  }
0x238: {  	s1 =	rddreg [dreg:$0x1];
	p0 =	sne.s32 s2, $0x0  }
0x239: {  	s3 =	rddreg [dreg:$0x2];
	[bflag:$0x3] =	sbarrier.arrive $0xFFFF;
	s2 =	simm.s32 @!p0 $0x1C04  }
0x23a: {  	[timem:s3], [sflag:s2] =	dma.local @!p0 [hbm:s0], s1  }
0x23b: {  	s0 =	simm.s32 @!p0 $0x4  }
0x23c: {  	_ =	swait.ge @!p0 [sflag:s0], s1  }
0x23d: {  	s1 =	ssub.s32 @!p0 $0x0, s1;
	[sflag:s0] =	ssyncset.done @!p0 $0x0  }
0x23e: {  	[sflag:s0] =	ssyncadd.s32 @!p0 s1  }
0x23f: {  	[bflag:$0x3] =	sbarrier.arrive $0xFFFF  }
0x240: {  	_ =	shalt  }

</sc_bundles>
